<compile_context>
chip_gen: v7x
topology: tpu7x:2x2x1
jax: 0.10.2.dev20260603
libtpu: 0.0.44.dev20260713+nightly
codegen_flags: <defaults>
</compile_context>

<pallas_src>
import functools

import jax
import jax.numpy as jnp
from jax import lax
from jax.experimental import pallas as pl
from jax.experimental.pallas import tpu as pltpu
from jax.experimental.pallas import tpu_sc as plsc

N = 10000
E = 320000
D = 128
H = 8
C = 16
DE = 16

NC = 2
NS = 16
NW = NC * NS
EPW = E // NW
KC = 128
NCH = EPW // KC
TAIL = EPW - NCH * KC
ACCN = 10240
NR = ACCN // NS
NB = 64
NH = NR // NB

_mesh = lambda: plsc.VectorSubcoreMesh(
    core_axis_name="c", subcore_axis_name="s", num_cores=NC, num_subcores=NS)
_SC_PARAMS = pltpu.CompilerParams(use_tc_tiling_on_sc=False)



def _sc_gather2(xl, xr, src, dst):

    @functools.partial(
        pl.kernel,
        out_type=(jax.ShapeDtypeStruct((E, D), jnp.float32),
                  jax.ShapeDtypeStruct((E, D), jnp.float32)),
        mesh=_mesh(),
        compiler_params=_SC_PARAMS,
        scratch_types=[
            pltpu.VMEM((EPW,), jnp.int32),
            pltpu.VMEM((EPW,), jnp.int32),
            pltpu.VMEM((KC, D), jnp.float32),
            pltpu.VMEM((KC, D), jnp.float32),
            pltpu.VMEM((KC, D), jnp.float32),
            pltpu.VMEM((KC, D), jnp.float32),
            pltpu.VMEM((KC, D), jnp.float32),
            pltpu.VMEM((KC, D), jnp.float32),
            pltpu.VMEM((TAIL, D), jnp.float32),
            pltpu.VMEM((TAIL, D), jnp.float32),
            pltpu.SemaphoreType.DMA,
            pltpu.SemaphoreType.DMA,
            pltpu.SemaphoreType.DMA,
            pltpu.SemaphoreType.DMA,
            pltpu.SemaphoreType.DMA,
            pltpu.SemaphoreType.DMA,
        ],
    )
    def k(xl_hbm, xr_hbm, src_hbm, dst_hbm, gxl_hbm, gxr_hbm,
          sfull, dfull, rl0, rl1, rl2, rr0, rr1, rr2, rlt, rrt,
          g0, g1, g2, w0, w1, w2):
        wid = lax.axis_index("s") * NC + lax.axis_index("c")
        base = wid * EPW
        slots = ((rl0, rr0, g0, w0), (rl1, rr1, g1, w1), (rl2, rr2, g2, w2))

        pltpu.sync_copy(src_hbm.at[pl.ds(base, EPW)], sfull)
        pltpu.sync_copy(dst_hbm.at[pl.ds(base, EPW)], dfull)

        def gather_start(c, rl, rr, gsem):
            o = c * KC
            pltpu.async_copy(xl_hbm.at[sfull.at[pl.ds(o, KC)]], rl, gsem)
            pltpu.async_copy(xr_hbm.at[dfull.at[pl.ds(o, KC)]], rr, gsem)

        def gather_wait(c, rl, rr, gsem):
            o = c * KC
            pltpu.make_async_copy(
                xl_hbm.at[sfull.at[pl.ds(o, KC)]], rl, gsem).wait()
            pltpu.make_async_copy(
                xr_hbm.at[dfull.at[pl.ds(o, KC)]], rr, gsem).wait()

        def wb_start(c, rl, rr, wsem):
            off = base + c * KC
            pltpu.async_copy(rl, gxl_hbm.at[pl.ds(off, KC)], wsem)
            pltpu.async_copy(rr, gxr_hbm.at[pl.ds(off, KC)], wsem)

        def wb_wait(c, rl, rr, wsem):
            off = base + c * KC
            pltpu.make_async_copy(rl, gxl_hbm.at[pl.ds(off, KC)], wsem).wait()
            pltpu.make_async_copy(rr, gxr_hbm.at[pl.ds(off, KC)], wsem).wait()

        for s in range(3):
            gather_start(s, slots[s][0], slots[s][1], slots[s][2])

        def addrows(rl, rr, nrows):
            @plsc.parallel_loop(0, nrows, unroll=4)
            def _(r):
                for cc in range(D // 16):
                    sl = pl.ds(cc * 16, 16)
                    rr[r, sl] = rl[r, sl] + rr[r, sl]

        def body(g, carry):
            for s in range(3):
                rl, rr, gsem, wsem = slots[s]
                c = 3 * g + s
                gather_wait(c, rl, rr, gsem)
                addrows(rl, rr, KC)
                wb_start(c, rl, rr, wsem)
                sp = (s + 2) % 3
                rlp, rrp, gsemp, wsemp = slots[sp]
                cr = c + 2

                @pl.when(jnp.logical_and(c >= 1, cr < NCH))
                def _():
                    wb_wait(c - 1, rlp, rrp, wsemp)
                    gather_start(cr, rlp, rrp, gsemp)

            return carry

        lax.fori_loop(0, NCH // 3, body, 0)
        for s in range(3):
            rl, rr, _, wsem = slots[s]
            wb_wait(NCH - 3 + s, rl, rr, wsem)

        toff = NCH * KC
        pltpu.async_copy(xl_hbm.at[sfull.at[pl.ds(toff, TAIL)]], rlt, g0)
        pltpu.async_copy(xr_hbm.at[dfull.at[pl.ds(toff, TAIL)]], rrt, g1)
        pltpu.make_async_copy(
            xl_hbm.at[sfull.at[pl.ds(toff, TAIL)]], rlt, g0).wait()
        pltpu.make_async_copy(
            xr_hbm.at[dfull.at[pl.ds(toff, TAIL)]], rrt, g1).wait()
        addrows(rlt, rrt, TAIL)
        pltpu.sync_copy(rlt, gxl_hbm.at[pl.ds(base + toff, TAIL)])
        pltpu.sync_copy(rrt, gxr_hbm.at[pl.ds(base + toff, TAIL)])

    return k(xl, xr, src, dst)


def _sc_scatter_add(vals, idx, gmax16=None):
    Dp = vals.shape[1]
    has_exp = gmax16 is not None

    scratch = [
        pltpu.VMEM((KC,), jnp.int32),
        pltpu.VMEM((KC,), jnp.int32),
        pltpu.VMEM((KC, Dp), jnp.float32),
        pltpu.VMEM((KC, Dp), jnp.float32),
        pltpu.VMEM((TAIL,), jnp.int32),
        pltpu.VMEM((TAIL, Dp), jnp.float32),
        pltpu.VMEM((NB, Dp), jnp.float32),
        pltpu.VMEM_SHARED((ACCN, Dp), jnp.float32),
        pltpu.SemaphoreType.DMA,
        pltpu.SemaphoreType.DMA,
        pltpu.SemaphoreType.DMA,
        pltpu.SemaphoreType.DMA,
    ]
    if has_exp:
        scratch.append(pltpu.VMEM((1, 16), jnp.float32))

    @functools.partial(
        pl.kernel,
        out_type=jax.ShapeDtypeStruct((NC * ACCN, Dp), jnp.float32),
        mesh=_mesh(),
        compiler_params=_SC_PARAMS,
        scratch_types=scratch,
    )
    def k(*refs):
        if has_exp:
            (vals_hbm, idx_hbm, gmax_hbm, out_hbm,
             idx0, idx1, rows0, rows1, idxt, rowst, zb_v, acc_sh,
             l0, l1, w0, w1, gm_v) = refs
        else:
            (vals_hbm, idx_hbm, out_hbm,
             idx0, idx1, rows0, rows1, idxt, rowst, zb_v, acc_sh,
             l0, l1, w0, w1) = refs
        cid = lax.axis_index("c")
        sid = lax.axis_index("s")
        wid = sid * NC + cid

        def zrow(i, carry):
            for cc in range(Dp // 16):
                zb_v[i, pl.ds(cc * 16, 16)] = jnp.zeros((16,), jnp.float32)
            return carry

        lax.fori_loop(0, NB, zrow, 0)
        for hop in range(NH):
            pltpu.sync_copy(zb_v, acc_sh.at[pl.ds(sid * NR + hop * NB, NB)])
        if has_exp:
            pltpu.sync_copy(gmax_hbm, gm_v)
        plsc.subcore_barrier()

        base = wid * EPW
        slots = ((idx0, rows0, l0, w0), (idx1, rows1, l1, w1))

        def load_start(c, idxv, rowsv, lsem):
            off = base + c * KC
            pltpu.async_copy(idx_hbm.at[pl.ds(off, KC)], idxv, lsem)
            pltpu.async_copy(vals_hbm.at[pl.ds(off, KC)], rowsv, lsem)

        for s in range(2):
            load_start(s, slots[s][0], slots[s][1], slots[s][2])

        def do_exp(rowsv, nrows):
            gm = gm_v[0, :]

            @plsc.parallel_loop(0, nrows, unroll=4)
            def _(r):
                rowsv[r, :] = jnp.exp(rowsv[r, :] - gm)

        def body(g, carry):
            for s in range(2):
                idxv, rowsv, lsem, wsem = slots[s]
                c = 2 * g + s
                off = base + c * KC
                pltpu.make_async_copy(
                    idx_hbm.at[pl.ds(off, KC)], idxv, lsem).wait()
                pltpu.make_async_copy(
                    vals_hbm.at[pl.ds(off, KC)], rowsv, lsem).wait()
                if has_exp:
                    do_exp(rowsv, KC)
                pltpu.async_copy(rowsv, acc_sh.at[idxv], wsem, add=True)
                cn = c + 2

                @pl.when(cn < NCH)
                def _():
                    pltpu.make_async_copy(rowsv, acc_sh.at[idxv], wsem).wait()
                    load_start(cn, idxv, rowsv, lsem)

            return carry

        lax.fori_loop(0, NCH // 2, body, 0)
        for s in range(2):
            idxv, rowsv, _, wsem = slots[s]
            pltpu.make_async_copy(rowsv, acc_sh.at[idxv], wsem).wait()

        toff = base + NCH * KC
        pltpu.sync_copy(idx_hbm.at[pl.ds(toff, TAIL)], idxt)
        pltpu.sync_copy(vals_hbm.at[pl.ds(toff, TAIL)], rowst)
        if has_exp:
            do_exp(rowst, TAIL)
        pltpu.sync_copy(rowst, acc_sh.at[idxt], add=True)
        plsc.subcore_barrier()

        for hop in range(NH):
            r0 = sid * NR + hop * NB
            pltpu.sync_copy(acc_sh.at[pl.ds(r0, NB)], zb_v)
            pltpu.sync_copy(zb_v, out_hbm.at[pl.ds(cid * ACCN + r0, NB)])

    if has_exp:
        return k(vals, idx, gmax16)
    return k(vals, idx)



def _node_proj(x, Wl, bl2, Wr, br2):
    NBLK = 2000

    def body(x_ref, wl_ref, bl_ref, wr_ref, br_ref, xl_ref, xr_ref):
        xb = x_ref[...]
        xl_ref[...] = jnp.dot(xb, wl_ref[...],
                              preferred_element_type=jnp.float32) + bl_ref[...]
        xr_ref[...] = jnp.dot(xb, wr_ref[...],
                              preferred_element_type=jnp.float32) + br_ref[...]

    return pl.pallas_call(
        body,
        grid=(N // NBLK,),
        in_specs=[
            pl.BlockSpec((NBLK, D), lambda i: (i, 0)),
            pl.BlockSpec((D, D), lambda i: (0, 0)),
            pl.BlockSpec((1, D), lambda i: (0, 0)),
            pl.BlockSpec((D, D), lambda i: (0, 0)),
            pl.BlockSpec((1, D), lambda i: (0, 0)),
        ],
        out_specs=[
            pl.BlockSpec((NBLK, D), lambda i: (i, 0)),
            pl.BlockSpec((NBLK, D), lambda i: (i, 0)),
        ],
        out_shape=[
            jax.ShapeDtypeStruct((N, D), jnp.float32),
            jax.ShapeDtypeStruct((N, D), jnp.float32),
        ],
    )(x, Wl, bl2, Wr, br2)


def _alpha(msum, edge_attr, We, att128, sel16):
    EB = 2000

    def body(ms_ref, ea_ref, we_ref, att_ref, sel_ref,
             alpha_ref, gmax_ref):
        eab = jnp.dot(ea_ref[...], we_ref[...],
                      preferred_element_type=jnp.float32)
        m = ms_ref[...] + eab
        m = jnp.where(m >= 0.0, m, 0.2 * m)
        t = m * att_ref[...]
        ab = jnp.dot(t, sel_ref[...], preferred_element_type=jnp.float32)
        alpha_ref[...] = ab
        bm = jnp.max(ab, axis=0, keepdims=True)

        @pl.when(pl.program_id(0) == 0)
        def _():
            gmax_ref[...] = bm

        @pl.when(pl.program_id(0) != 0)
        def _():
            gmax_ref[...] = jnp.maximum(gmax_ref[...], bm)

    return pl.pallas_call(
        body,
        grid=(E // EB,),
        in_specs=[
            pl.BlockSpec((EB, D), lambda i: (i, 0)),
            pl.BlockSpec((EB, DE), lambda i: (i, 0)),
            pl.BlockSpec((DE, D), lambda i: (0, 0)),
            pl.BlockSpec((1, D), lambda i: (0, 0)),
            pl.BlockSpec((D, 2 * H), lambda i: (0, 0)),
        ],
        out_specs=[
            pl.BlockSpec((EB, 2 * H), lambda i: (i, 0)),
            pl.BlockSpec((1, 2 * H), lambda i: (0, 0)),
        ],
        out_shape=[
            jax.ShapeDtypeStruct((E, 2 * H), jnp.float32),
            jax.ShapeDtypeStruct((1, 2 * H), jnp.float32),
        ],
    )(msum, edge_attr, We, att128, sel16)


def _wmsg(gxl, alpha16, gmax16, selT):
    EB = 2000

    def body(gxl_ref, al_ref, gm_ref, selT_ref, o_ref):
        a8 = jnp.exp(al_ref[:, :H] - gm_ref[:, :H])
        a128 = jnp.dot(a8, selT_ref[...], preferred_element_type=jnp.float32)
        o_ref[...] = gxl_ref[...] * a128

    return pl.pallas_call(
        body,
        grid=(E // EB,),
        in_specs=[
            pl.BlockSpec((EB, D), lambda i: (i, 0)),
            pl.BlockSpec((EB, 2 * H), lambda i: (i, 0)),
            pl.BlockSpec((1, 2 * H), lambda i: (0, 0)),
            pl.BlockSpec((H, D), lambda i: (0, 0)),
        ],
        out_specs=pl.BlockSpec((EB, D), lambda i: (i, 0)),
        out_shape=jax.ShapeDtypeStruct((E, D), jnp.float32),
    )(gxl, alpha16, gmax16, selT)


def _post(c2, d2, x, importance, bias2, Wg0, wgi, bg2, Wp, bp2, selT):
    NBLK = 2000

    def body(c0_ref, c1_ref, d0_ref, d1_ref, x_ref, imp_ref, bias_ref,
             wg0_ref, wgi_ref, bg_ref, wp_ref, bp_ref, selT_ref,
             out_ref, prop_ref):
        dn8 = d0_ref[:, :H] + d1_ref[:, :H]
        rec = 1.0 / (dn8 + 1e-16)
        rec128 = jnp.dot(rec, selT_ref[...], preferred_element_type=jnp.float32)
        conv = (c0_ref[...] + c1_ref[...]) * rec128 + bias_ref[...]
        logit = (jnp.dot(conv, wg0_ref[...],
                         preferred_element_type=jnp.float32)
                 + imp_ref[...] * wgi_ref[...] + bg_ref[...])
        gate = 1.0 / (1.0 + jnp.exp(-logit))
        out = gate * conv + (1.0 - gate) * x_ref[...]
        out_ref[...] = out
        prop_ref[...] = jnp.dot(out, wp_ref[...],
                                preferred_element_type=jnp.float32) + bp_ref[...]

    return pl.pallas_call(
        body,
        grid=(N // NBLK,),
        in_specs=[
            pl.BlockSpec((NBLK, D), lambda i: (i, 0)),
            pl.BlockSpec((NBLK, D), lambda i: (i, 0)),
            pl.BlockSpec((NBLK, 2 * H), lambda i: (i, 0)),
            pl.BlockSpec((NBLK, 2 * H), lambda i: (i, 0)),
            pl.BlockSpec((NBLK, D), lambda i: (i, 0)),
            pl.BlockSpec((NBLK, 1), lambda i: (i, 0)),
            pl.BlockSpec((1, D), lambda i: (0, 0)),
            pl.BlockSpec((D, D), lambda i: (0, 0)),
            pl.BlockSpec((1, D), lambda i: (0, 0)),
            pl.BlockSpec((1, D), lambda i: (0, 0)),
            pl.BlockSpec((D, 1), lambda i: (0, 0)),
            pl.BlockSpec((1, 1), lambda i: (0, 0)),
            pl.BlockSpec((H, D), lambda i: (0, 0)),
        ],
        out_specs=[
            pl.BlockSpec((NBLK, D), lambda i: (i, 0)),
            pl.BlockSpec((NBLK, 1), lambda i: (i, 0)),
        ],
        out_shape=[
            jax.ShapeDtypeStruct((N, D), jnp.float32),
            jax.ShapeDtypeStruct((N, 1), jnp.float32),
        ],
    )(c2[:N], c2[ACCN:ACCN + N], d2[:N], d2[ACCN:ACCN + N],
      x, importance, bias2, Wg0, wgi, bg2, Wp, bp2, selT)



def kernel(x, edge_index, edge_attr, importance, Wl, bl, Wr, br, We, att,
           bias, Wg, bg, Wp, bp):
    src = edge_index[0]
    dst = edge_index[1]
    att128 = att.reshape(1, H * C)
    sel = jnp.repeat(jnp.eye(H, dtype=jnp.float32), C, axis=0)
    sel16 = jnp.concatenate(
        [sel, jnp.zeros((H * C, H), jnp.float32)], axis=1)

    xl, xr = _node_proj(x, Wl, bl.reshape(1, D), Wr, br.reshape(1, D))
    gxl, msum = _sc_gather2(xl, xr, src, dst)
    alpha16, gmax16 = _alpha(msum, edge_attr, We, att128, sel16)
    wm = _wmsg(gxl, alpha16, gmax16, sel.T)
    conv2 = _sc_scatter_add(wm, dst)
    den2 = _sc_scatter_add(alpha16, dst, gmax16)
    out, prop = _post(conv2, den2, x, importance, bias.reshape(1, D),
                      Wg[:D], Wg[D].reshape(1, D), bg.reshape(1, D),
                      Wp, bp.reshape(1, 1), sel.T)
    return (out, prop)

# --- scband reference (transcript-rebuilt; emitter-appended) ---
"""Pipeline reference for scband-importance-propagation-layer-71459665871598 (READ-ONLY COPY).

The authoritative reference and input builder live on the scoring server;
editing this copy changes nothing except your own understanding.
"""

import jax, jax.numpy as jnp
import numpy as np

N = 10000
E = 320000
D_IN = 128
D_OUT = 128
H = 8
C = 16  # D_OUT // H
D_EDGE = 16


def setup_inputs(seed: int = 0) -> dict:
    key = jax.random.key(seed)
    ks = jax.random.split(key, 12)
    x = jax.random.normal(ks[0], (N, D_IN), dtype=jnp.float32)
    edge_index = jax.random.randint(ks[1], (2, E), 0, N, dtype=jnp.int32)
    edge_attr = jax.random.normal(ks[2], (E, D_EDGE), dtype=jnp.float32)
    importance = jax.random.normal(ks[3], (N, 1), dtype=jnp.float32)
    # GATv2Conv parameters (lin_l, lin_r with bias; lin_edge no bias; att; out bias)
    Wl = jax.random.normal(ks[4], (D_IN, H * C), dtype=jnp.float32) / np.sqrt(D_IN)
    bl = jnp.zeros((H * C,), dtype=jnp.float32)
    Wr = jax.random.normal(ks[5], (D_IN, H * C), dtype=jnp.float32) / np.sqrt(D_IN)
    br = jnp.zeros((H * C,), dtype=jnp.float32)
    We = jax.random.normal(ks[6], (D_EDGE, H * C), dtype=jnp.float32) / np.sqrt(D_EDGE)
    att = jax.random.normal(ks[7], (H, C), dtype=jnp.float32) * 0.1
    bias = jnp.zeros((H * C,), dtype=jnp.float32)
    # importance gate / propagation linear layers
    Wg = jax.random.normal(ks[8], (D_OUT + 1, D_OUT), dtype=jnp.float32) / np.sqrt(D_OUT + 1)
    bg = jnp.zeros((D_OUT,), dtype=jnp.float32)
    Wp = jax.random.normal(ks[9], (D_OUT, 1), dtype=jnp.float32) / np.sqrt(D_OUT)
    bp = jnp.zeros((1,), dtype=jnp.float32)
    return {"x": x, "edge_index": edge_index, "edge_attr": edge_attr,
            "importance": importance, "Wl": Wl, "bl": bl, "Wr": Wr, "br": br,
            "We": We, "att": att, "bias": bias, "Wg": Wg, "bg": bg, "Wp": Wp, "bp": bp}


def reference(x, edge_index, edge_attr, importance, Wl, bl, Wr, br, We, att, bias, Wg, bg, Wp, bp):
    src = edge_index[0]
    dst = edge_index[1]
    # GATv2Conv (add_self_loops=False, concat=True)
    xl = (x @ Wl + bl).reshape(N, H, C)
    xr = (x @ Wr + br).reshape(N, H, C)
    ea = (edge_attr @ We).reshape(E, H, C)
    m = xl[src] + xr[dst] + ea                     # [E, H, C]
    m = jax.nn.leaky_relu(m, 0.2)
    alpha = jnp.sum(m * att[None, :, :], axis=-1)  # [E, H]
    amax = jax.ops.segment_max(alpha, dst, num_segments=N)
    amax = jnp.where(jnp.isfinite(amax), amax, 0.0)
    ex = jnp.exp(alpha - amax[dst])
    denom = jax.ops.segment_sum(ex, dst, num_segments=N)
    a = ex / (denom[dst] + 1e-16)                  # softmax over edges by dst
    msg = xl[src] * a[:, :, None]                  # [E, H, C]
    conv = jax.ops.segment_sum(msg, dst, num_segments=N).reshape(N, H * C) + bias
    # importance gating
    gate_in = jnp.concatenate([conv, importance], axis=-1)
    gate = jax.nn.sigmoid(gate_in @ Wg + bg)
    out = gate * conv + (1.0 - gate) * x
    propagated_importance = out @ Wp + bp
    return (out, propagated_importance)

if __name__ == "__main__":
    import jax
    _d = setup_inputs()
    print(jax.jit(kernel)(*tuple(_d.values())))

</pallas_src>

<mosaic_0001>
#map = affine_map<(d0, d1) -> (0, 0)>
#map1 = affine_map<(d0, d1) -> (0)>
module attributes {stable_mosaic.version = 14 : i64} {
  func.func @k(%arg0: i32, %arg1: i32, %arg2: memref<320000x16xf32, #tpu.memory_space<hbm>>, %arg3: memref<320000xi32, #tpu.memory_space<hbm>>, %arg4: memref<1x16xf32, #tpu.memory_space<hbm>>, %arg5: memref<20480x16xf32, #tpu.memory_space<hbm>>, %arg6: memref<128xi32, #tpu.memory_space<vmem>>, %arg7: memref<128xi32, #tpu.memory_space<vmem>>, %arg8: memref<128x16xf32, #tpu.memory_space<vmem>>, %arg9: memref<128x16xf32, #tpu.memory_space<vmem>>, %arg10: memref<16xi32, #tpu.memory_space<vmem>>, %arg11: memref<16x16xf32, #tpu.memory_space<vmem>>, %arg12: memref<64x16xf32, #tpu.memory_space<vmem>>, %arg13: memref<10240x16xf32, #tpu.memory_space<vmem_shared>>, %arg14: memref<!tpu.dma_semaphore, #tpu.memory_space<semaphore_mem>>, %arg15: memref<!tpu.dma_semaphore, #tpu.memory_space<semaphore_mem>>, %arg16: memref<!tpu.dma_semaphore, #tpu.memory_space<semaphore_mem>>, %arg17: memref<!tpu.dma_semaphore, #tpu.memory_space<semaphore_mem>>, %arg18: memref<1x16xf32, #tpu.memory_space<vmem>>) attributes {dimension_semantics = [#tpu.dimension_semantics<core_parallel>, #tpu.dimension_semantics<subcore_parallel>], iteration_bounds = array<i64: 2, 16>, scalar_prefetch = 0 : i64, scratch_operands = 13 : i64, tpu.core_type = #tpu.core_type<sc_vector_subcore>, window_params = [{transform_indices = #map}, {transform_indices = #map1}, {transform_indices = #map}, {transform_indices = #map}]} {
    %mul3A = arith.constant 2 : i32
    %mul3A_0 = arith.muli %arg1, %mul3A : i32
    %add3A = arith.addi %mul3A_0, %arg0 : i32
    %scan3A = arith.constant 0 : i32
    %scan3A_1 = arith.constant 0 : i32
    %scan3A_2 = arith.constant 64 : i32
    %scan3A_3 = arith.addi %scan3A_1, %scan3A_2 : i32
    %scan3A_4 = arith.constant 1 : i32
    scf.for %scan3A_153 = %scan3A_1 to %scan3A_3 step %scan3A_4  : i32 {
      %broadcast_in_dim3A = arith.constant 0.000000e+00 : f32
      %broadcast_in_dim3A_154 = vector.broadcast %broadcast_in_dim3A : f32 to vector<16xf32>
      %swap3A = arith.index_cast %scan3A_153 : i32 to index
      %swap3A_155 = arith.constant 0 : index
      %swap3A_156 = tpu.vector_load %arg12[%swap3A, %swap3A_155] {strides = array<i32>} : memref<64x16xf32, #tpu.memory_space<vmem>>, vector<1x16xf32>,
      %swap3A_157 = vector.shape_cast %swap3A_156 : vector<1x16xf32> to vector<16xf32>
      %swap3A_158 = vector.shape_cast %broadcast_in_dim3A_154 : vector<16xf32> to vector<1x16xf32>
      tpu.vector_store %arg12[%swap3A, %swap3A_155], %swap3A_158 {strides = array<i32>} : memref<64x16xf32, #tpu.memory_space<vmem>>, vector<1x16xf32>,
    }
    %scan3A_5 = arith.constant 64 : i32
    %mul3A_6 = arith.constant 640 : i32
    %mul3A_7 = arith.muli %arg1, %mul3A_6 : i32
    %add3A_8 = arith.constant 0 : i32
    %add3A_9 = arith.addi %mul3A_7, %add3A_8 : i32
    "tpu.region"() ({
      %run_scoped3A = tpu.sem_alloc : memref<!tpu.dma_semaphore, #tpu.memory_space<semaphore_mem>>
      %dma_start3A_153 = arith.constant 0 : i32
      %dma_start3A_154 = tpu.memref_slice %arg13[%add3A_9, %dma_start3A_153] : memref<10240x16xf32, #tpu.memory_space<vmem_shared>> -> memref<64x16xf32, #tpu.memory_space<vmem_shared>>
      %dma_start3A_155 = arith.constant 0 : i32
      %dma_start3A_156 = tpu.memref_slice %arg13[%add3A_9, %dma_start3A_155] : memref<10240x16xf32, #tpu.memory_space<vmem_shared>> -> memref<64x16xf32, #tpu.memory_space<vmem_shared>>
      tpu.enqueue_dma source(%arg12 : memref<64x16xf32, #tpu.memory_space<vmem>>) target(%dma_start3A_156 : memref<64x16xf32, #tpu.memory_space<vmem_shared>>) target_semaphore(%run_scoped3A : memref<!tpu.dma_semaphore, #tpu.memory_space<semaphore_mem>>)
      %dma_wait3A_157 = arith.constant 0 : i32
      %dma_wait3A_158 = tpu.memref_slice %arg13[%add3A_9, %dma_wait3A_157] : memref<10240x16xf32, #tpu.memory_space<vmem_shared>> -> memref<64x16xf32, #tpu.memory_space<vmem_shared>>
      %dma_wait3A_159 = arith.constant 0 : i32
      %dma_wait3A_160 = tpu.memref_slice %arg13[%add3A_9, %dma_wait3A_159] : memref<10240x16xf32, #tpu.memory_space<vmem_shared>> -> memref<64x16xf32, #tpu.memory_space<vmem_shared>>
      tpu.wait_dma2 semaphore(%run_scoped3A : memref<!tpu.dma_semaphore, #tpu.memory_space<semaphore_mem>>) src(%arg12 : memref<64x16xf32, #tpu.memory_space<vmem>>) dst(%dma_wait3A_160 : memref<64x16xf32, #tpu.memory_space<vmem_shared>>)
      tpu.yield
    }) : () -> ()
    %mul3A_10 = arith.constant 640 : i32
    %mul3A_11 = arith.muli %arg1, %mul3A_10 : i32
    %add3A_12 = arith.constant 64 : i32
    %add3A_13 = arith.addi %mul3A_11, %add3A_12 : i32
    "tpu.region"() ({
      %run_scoped3A = tpu.sem_alloc : memref<!tpu.dma_semaphore, #tpu.memory_space<semaphore_mem>>
      %dma_start3A_153 = arith.constant 0 : i32
      %dma_start3A_154 = tpu.memref_slice %arg13[%add3A_13, %dma_start3A_153] : memref<10240x16xf32, #tpu.memory_space<vmem_shared>> -> memref<64x16xf32, #tpu.memory_space<vmem_shared>>
      %dma_start3A_155 = arith.constant 0 : i32
      %dma_start3A_156 = tpu.memref_slice %arg13[%add3A_13, %dma_start3A_155] : memref<10240x16xf32, #tpu.memory_space<vmem_shared>> -> memref<64x16xf32, #tpu.memory_space<vmem_shared>>
      tpu.enqueue_dma source(%arg12 : memref<64x16xf32, #tpu.memory_space<vmem>>) target(%dma_start3A_156 : memref<64x16xf32, #tpu.memory_space<vmem_shared>>) target_semaphore(%run_scoped3A : memref<!tpu.dma_semaphore, #tpu.memory_space<semaphore_mem>>)
      %dma_wait3A_157 = arith.constant 0 : i32
      %dma_wait3A_158 = tpu.memref_slice %arg13[%add3A_13, %dma_wait3A_157] : memref<10240x16xf32, #tpu.memory_space<vmem_shared>> -> memref<64x16xf32, #tpu.memory_space<vmem_shared>>
      %dma_wait3A_159 = arith.constant 0 : i32
      %dma_wait3A_160 = tpu.memref_slice %arg13[%add3A_13, %dma_wait3A_159] : memref<10240x16xf32, #tpu.memory_space<vmem_shared>> -> memref<64x16xf32, #tpu.memory_space<vmem_shared>>
      tpu.wait_dma2 semaphore(%run_scoped3A : memref<!tpu.dma_semaphore, #tpu.memory_space<semaphore_mem>>) src(%arg12 : memref<64x16xf32, #tpu.memory_space<vmem>>) dst(%dma_wait3A_160 : memref<64x16xf32, #tpu.memory_space<vmem_shared>>)
      tpu.yield
    }) : () -> ()
    %mul3A_14 = arith.constant 640 : i32
    %mul3A_15 = arith.muli %arg1, %mul3A_14 : i32
    %add3A_16 = arith.constant 128 : i32
    %add3A_17 = arith.addi %mul3A_15, %add3A_16 : i32
    "tpu.region"() ({
      %run_scoped3A = tpu.sem_alloc : memref<!tpu.dma_semaphore, #tpu.memory_space<semaphore_mem>>
      %dma_start3A_153 = arith.constant 0 : i32
      %dma_start3A_154 = tpu.memref_slice %arg13[%add3A_17, %dma_start3A_153] : memref<10240x16xf32, #tpu.memory_space<vmem_shared>> -> memref<64x16xf32, #tpu.memory_space<vmem_shared>>
      %dma_start3A_155 = arith.constant 0 : i32
      %dma_start3A_156 = tpu.memref_slice %arg13[%add3A_17, %dma_start3A_155] : memref<10240x16xf32, #tpu.memory_space<vmem_shared>> -> memref<64x16xf32, #tpu.memory_space<vmem_shared>>
      tpu.enqueue_dma source(%arg12 : memref<64x16xf32, #tpu.memory_space<vmem>>) target(%dma_start3A_156 : memref<64x16xf32, #tpu.memory_space<vmem_shared>>) target_semaphore(%run_scoped3A : memref<!tpu.dma_semaphore, #tpu.memory_space<semaphore_mem>>)
      %dma_wait3A_157 = arith.constant 0 : i32
      %dma_wait3A_158 = tpu.memref_slice %arg13[%add3A_17, %dma_wait3A_157] : memref<10240x16xf32, #tpu.memory_space<vmem_shared>> -> memref<64x16xf32, #tpu.memory_space<vmem_shared>>
      %dma_wait3A_159 = arith.constant 0 : i32
      %dma_wait3A_160 = tpu.memref_slice %arg13[%add3A_17, %dma_wait3A_159] : memref<10240x16xf32, #tpu.memory_space<vmem_shared>> -> memref<64x16xf32, #tpu.memory_space<vmem_shared>>
      tpu.wait_dma2 semaphore(%run_scoped3A : memref<!tpu.dma_semaphore, #tpu.memory_space<semaphore_mem>>) src(%arg12 : memref<64x16xf32, #tpu.memory_space<vmem>>) dst(%dma_wait3A_160 : memref<64x16xf32, #tpu.memory_space<vmem_shared>>)
      tpu.yield
    }) : () -> ()
    %mul3A_18 = arith.constant 640 : i32
    %mul3A_19 = arith.muli %arg1, %mul3A_18 : i32
    %add3A_20 = arith.constant 192 : i32
    %add3A_21 = arith.addi %mul3A_19, %add3A_20 : i32
    "tpu.region"() ({
      %run_scoped3A = tpu.sem_alloc : memref<!tpu.dma_semaphore, #tpu.memory_space<semaphore_mem>>
      %dma_start3A_153 = arith.constant 0 : i32
      %dma_start3A_154 = tpu.memref_slice %arg13[%add3A_21, %dma_start3A_153] : memref<10240x16xf32, #tpu.memory_space<vmem_shared>> -> memref<64x16xf32, #tpu.memory_space<vmem_shared>>
      %dma_start3A_155 = arith.constant 0 : i32
      %dma_start3A_156 = tpu.memref_slice %arg13[%add3A_21, %dma_start3A_155] : memref<10240x16xf32, #tpu.memory_space<vmem_shared>> -> memref<64x16xf32, #tpu.memory_space<vmem_shared>>
      tpu.enqueue_dma source(%arg12 : memref<64x16xf32, #tpu.memory_space<vmem>>) target(%dma_start3A_156 : memref<64x16xf32, #tpu.memory_space<vmem_shared>>) target_semaphore(%run_scoped3A : memref<!tpu.dma_semaphore, #tpu.memory_space<semaphore_mem>>)
      %dma_wait3A_157 = arith.constant 0 : i32
      %dma_wait3A_158 = tpu.memref_slice %arg13[%add3A_21, %dma_wait3A_157] : memref<10240x16xf32, #tpu.memory_space<vmem_shared>> -> memref<64x16xf32, #tpu.memory_space<vmem_shared>>
      %dma_wait3A_159 = arith.constant 0 : i32
      %dma_wait3A_160 = tpu.memref_slice %arg13[%add3A_21, %dma_wait3A_159] : memref<10240x16xf32, #tpu.memory_space<vmem_shared>> -> memref<64x16xf32, #tpu.memory_space<vmem_shared>>
      tpu.wait_dma2 semaphore(%run_scoped3A : memref<!tpu.dma_semaphore, #tpu.memory_space<semaphore_mem>>) src(%arg12 : memref<64x16xf32, #tpu.memory_space<vmem>>) dst(%dma_wait3A_160 : memref<64x16xf32, #tpu.memory_space<vmem_shared>>)
      tpu.yield
    }) : () -> ()
    %mul3A_22 = arith.constant 640 : i32
    %mul3A_23 = arith.muli %arg1, %mul3A_22 : i32
    %add3A_24 = arith.constant 256 : i32
    %add3A_25 = arith.addi %mul3A_23, %add3A_24 : i32
    "tpu.region"() ({
      %run_scoped3A = tpu.sem_alloc : memref<!tpu.dma_semaphore, #tpu.memory_space<semaphore_mem>>
      %dma_start3A_153 = arith.constant 0 : i32
      %dma_start3A_154 = tpu.memref_slice %arg13[%add3A_25, %dma_start3A_153] : memref<10240x16xf32, #tpu.memory_space<vmem_shared>> -> memref<64x16xf32, #tpu.memory_space<vmem_shared>>
      %dma_start3A_155 = arith.constant 0 : i32
      %dma_start3A_156 = tpu.memref_slice %arg13[%add3A_25, %dma_start3A_155] : memref<10240x16xf32, #tpu.memory_space<vmem_shared>> -> memref<64x16xf32, #tpu.memory_space<vmem_shared>>
      tpu.enqueue_dma source(%arg12 : memref<64x16xf32, #tpu.memory_space<vmem>>) target(%dma_start3A_156 : memref<64x16xf32, #tpu.memory_space<vmem_shared>>) target_semaphore(%run_scoped3A : memref<!tpu.dma_semaphore, #tpu.memory_space<semaphore_mem>>)
      %dma_wait3A_157 = arith.constant 0 : i32
      %dma_wait3A_158 = tpu.memref_slice %arg13[%add3A_25, %dma_wait3A_157] : memref<10240x16xf32, #tpu.memory_space<vmem_shared>> -> memref<64x16xf32, #tpu.memory_space<vmem_shared>>
      %dma_wait3A_159 = arith.constant 0 : i32
      %dma_wait3A_160 = tpu.memref_slice %arg13[%add3A_25, %dma_wait3A_159] : memref<10240x16xf32, #tpu.memory_space<vmem_shared>> -> memref<64x16xf32, #tpu.memory_space<vmem_shared>>
      tpu.wait_dma2 semaphore(%run_scoped3A : memref<!tpu.dma_semaphore, #tpu.memory_space<semaphore_mem>>) src(%arg12 : memref<64x16xf32, #tpu.memory_space<vmem>>) dst(%dma_wait3A_160 : memref<64x16xf32, #tpu.memory_space<vmem_shared>>)
      tpu.yield
    }) : () -> ()
    %mul3A_26 = arith.constant 640 : i32
    %mul3A_27 = arith.muli %arg1, %mul3A_26 : i32
    %add3A_28 = arith.constant 320 : i32
    %add3A_29 = arith.addi %mul3A_27, %add3A_28 : i32
    "tpu.region"() ({
      %run_scoped3A = tpu.sem_alloc : memref<!tpu.dma_semaphore, #tpu.memory_space<semaphore_mem>>
      %dma_start3A_153 = arith.constant 0 : i32
      %dma_start3A_154 = tpu.memref_slice %arg13[%add3A_29, %dma_start3A_153] : memref<10240x16xf32, #tpu.memory_space<vmem_shared>> -> memref<64x16xf32, #tpu.memory_space<vmem_shared>>
      %dma_start3A_155 = arith.constant 0 : i32
      %dma_start3A_156 = tpu.memref_slice %arg13[%add3A_29, %dma_start3A_155] : memref<10240x16xf32, #tpu.memory_space<vmem_shared>> -> memref<64x16xf32, #tpu.memory_space<vmem_shared>>
      tpu.enqueue_dma source(%arg12 : memref<64x16xf32, #tpu.memory_space<vmem>>) target(%dma_start3A_156 : memref<64x16xf32, #tpu.memory_space<vmem_shared>>) target_semaphore(%run_scoped3A : memref<!tpu.dma_semaphore, #tpu.memory_space<semaphore_mem>>)
      %dma_wait3A_157 = arith.constant 0 : i32
      %dma_wait3A_158 = tpu.memref_slice %arg13[%add3A_29, %dma_wait3A_157] : memref<10240x16xf32, #tpu.memory_space<vmem_shared>> -> memref<64x16xf32, #tpu.memory_space<vmem_shared>>
      %dma_wait3A_159 = arith.constant 0 : i32
      %dma_wait3A_160 = tpu.memref_slice %arg13[%add3A_29, %dma_wait3A_159] : memref<10240x16xf32, #tpu.memory_space<vmem_shared>> -> memref<64x16xf32, #tpu.memory_space<vmem_shared>>
      tpu.wait_dma2 semaphore(%run_scoped3A : memref<!tpu.dma_semaphore, #tpu.memory_space<semaphore_mem>>) src(%arg12 : memref<64x16xf32, #tpu.memory_space<vmem>>) dst(%dma_wait3A_160 : memref<64x16xf32, #tpu.memory_space<vmem_shared>>)
      tpu.yield
    }) : () -> ()
    %mul3A_30 = arith.constant 640 : i32
    %mul3A_31 = arith.muli %arg1, %mul3A_30 : i32
    %add3A_32 = arith.constant 384 : i32
    %add3A_33 = arith.addi %mul3A_31, %add3A_32 : i32
    "tpu.region"() ({
      %run_scoped3A = tpu.sem_alloc : memref<!tpu.dma_semaphore, #tpu.memory_space<semaphore_mem>>
      %dma_start3A_153 = arith.constant 0 : i32
      %dma_start3A_154 = tpu.memref_slice %arg13[%add3A_33, %dma_start3A_153] : memref<10240x16xf32, #tpu.memory_space<vmem_shared>> -> memref<64x16xf32, #tpu.memory_space<vmem_shared>>
      %dma_start3A_155 = arith.constant 0 : i32
      %dma_start3A_156 = tpu.memref_slice %arg13[%add3A_33, %dma_start3A_155] : memref<10240x16xf32, #tpu.memory_space<vmem_shared>> -> memref<64x16xf32, #tpu.memory_space<vmem_shared>>
      tpu.enqueue_dma source(%arg12 : memref<64x16xf32, #tpu.memory_space<vmem>>) target(%dma_start3A_156 : memref<64x16xf32, #tpu.memory_space<vmem_shared>>) target_semaphore(%run_scoped3A : memref<!tpu.dma_semaphore, #tpu.memory_space<semaphore_mem>>)
      %dma_wait3A_157 = arith.constant 0 : i32
      %dma_wait3A_158 = tpu.memref_slice %arg13[%add3A_33, %dma_wait3A_157] : memref<10240x16xf32, #tpu.memory_space<vmem_shared>> -> memref<64x16xf32, #tpu.memory_space<vmem_shared>>
      %dma_wait3A_159 = arith.constant 0 : i32
      %dma_wait3A_160 = tpu.memref_slice %arg13[%add3A_33, %dma_wait3A_159] : memref<10240x16xf32, #tpu.memory_space<vmem_shared>> -> memref<64x16xf32, #tpu.memory_space<vmem_shared>>
      tpu.wait_dma2 semaphore(%run_scoped3A : memref<!tpu.dma_semaphore, #tpu.memory_space<semaphore_mem>>) src(%arg12 : memref<64x16xf32, #tpu.memory_space<vmem>>) dst(%dma_wait3A_160 : memref<64x16xf32, #tpu.memory_space<vmem_shared>>)
      tpu.yield
    }) : () -> ()
    %mul3A_34 = arith.constant 640 : i32
    %mul3A_35 = arith.muli %arg1, %mul3A_34 : i32
    %add3A_36 = arith.constant 448 : i32
    %add3A_37 = arith.addi %mul3A_35, %add3A_36 : i32
    "tpu.region"() ({
      %run_scoped3A = tpu.sem_alloc : memref<!tpu.dma_semaphore, #tpu.memory_space<semaphore_mem>>
      %dma_start3A_153 = arith.constant 0 : i32
      %dma_start3A_154 = tpu.memref_slice %arg13[%add3A_37, %dma_start3A_153] : memref<10240x16xf32, #tpu.memory_space<vmem_shared>> -> memref<64x16xf32, #tpu.memory_space<vmem_shared>>
      %dma_start3A_155 = arith.constant 0 : i32
      %dma_start3A_156 = tpu.memref_slice %arg13[%add3A_37, %dma_start3A_155] : memref<10240x16xf32, #tpu.memory_space<vmem_shared>> -> memref<64x16xf32, #tpu.memory_space<vmem_shared>>
      tpu.enqueue_dma source(%arg12 : memref<64x16xf32, #tpu.memory_space<vmem>>) target(%dma_start3A_156 : memref<64x16xf32, #tpu.memory_space<vmem_shared>>) target_semaphore(%run_scoped3A : memref<!tpu.dma_semaphore, #tpu.memory_space<semaphore_mem>>)
      %dma_wait3A_157 = arith.constant 0 : i32
      %dma_wait3A_158 = tpu.memref_slice %arg13[%add3A_37, %dma_wait3A_157] : memref<10240x16xf32, #tpu.memory_space<vmem_shared>> -> memref<64x16xf32, #tpu.memory_space<vmem_shared>>
      %dma_wait3A_159 = arith.constant 0 : i32
      %dma_wait3A_160 = tpu.memref_slice %arg13[%add3A_37, %dma_wait3A_159] : memref<10240x16xf32, #tpu.memory_space<vmem_shared>> -> memref<64x16xf32, #tpu.memory_space<vmem_shared>>
      tpu.wait_dma2 semaphore(%run_scoped3A : memref<!tpu.dma_semaphore, #tpu.memory_space<semaphore_mem>>) src(%arg12 : memref<64x16xf32, #tpu.memory_space<vmem>>) dst(%dma_wait3A_160 : memref<64x16xf32, #tpu.memory_space<vmem_shared>>)
      tpu.yield
    }) : () -> ()
    %mul3A_38 = arith.constant 640 : i32
    %mul3A_39 = arith.muli %arg1, %mul3A_38 : i32
    %add3A_40 = arith.constant 512 : i32
    %add3A_41 = arith.addi %mul3A_39, %add3A_40 : i32
    "tpu.region"() ({
      %run_scoped3A = tpu.sem_alloc : memref<!tpu.dma_semaphore, #tpu.memory_space<semaphore_mem>>
      %dma_start3A_153 = arith.constant 0 : i32
      %dma_start3A_154 = tpu.memref_slice %arg13[%add3A_41, %dma_start3A_153] : memref<10240x16xf32, #tpu.memory_space<vmem_shared>> -> memref<64x16xf32, #tpu.memory_space<vmem_shared>>
      %dma_start3A_155 = arith.constant 0 : i32
      %dma_start3A_156 = tpu.memref_slice %arg13[%add3A_41, %dma_start3A_155] : memref<10240x16xf32, #tpu.memory_space<vmem_shared>> -> memref<64x16xf32, #tpu.memory_space<vmem_shared>>
      tpu.enqueue_dma source(%arg12 : memref<64x16xf32, #tpu.memory_space<vmem>>) target(%dma_start3A_156 : memref<64x16xf32, #tpu.memory_space<vmem_shared>>) target_semaphore(%run_scoped3A : memref<!tpu.dma_semaphore, #tpu.memory_space<semaphore_mem>>)
      %dma_wait3A_157 = arith.constant 0 : i32
      %dma_wait3A_158 = tpu.memref_slice %arg13[%add3A_41, %dma_wait3A_157] : memref<10240x16xf32, #tpu.memory_space<vmem_shared>> -> memref<64x16xf32, #tpu.memory_space<vmem_shared>>
      %dma_wait3A_159 = arith.constant 0 : i32
      %dma_wait3A_160 = tpu.memref_slice %arg13[%add3A_41, %dma_wait3A_159] : memref<10240x16xf32, #tpu.memory_space<vmem_shared>> -> memref<64x16xf32, #tpu.memory_space<vmem_shared>>
      tpu.wait_dma2 semaphore(%run_scoped3A : memref<!tpu.dma_semaphore, #tpu.memory_space<semaphore_mem>>) src(%arg12 : memref<64x16xf32, #tpu.memory_space<vmem>>) dst(%dma_wait3A_160 : memref<64x16xf32, #tpu.memory_space<vmem_shared>>)
      tpu.yield
    }) : () -> ()
    %mul3A_42 = arith.constant 640 : i32
    %mul3A_43 = arith.muli %arg1, %mul3A_42 : i32
    %add3A_44 = arith.constant 576 : i32
    %add3A_45 = arith.addi %mul3A_43, %add3A_44 : i32
    "tpu.region"() ({
      %run_scoped3A = tpu.sem_alloc : memref<!tpu.dma_semaphore, #tpu.memory_space<semaphore_mem>>
      %dma_start3A_153 = arith.constant 0 : i32
      %dma_start3A_154 = tpu.memref_slice %arg13[%add3A_45, %dma_start3A_153] : memref<10240x16xf32, #tpu.memory_space<vmem_shared>> -> memref<64x16xf32, #tpu.memory_space<vmem_shared>>
      %dma_start3A_155 = arith.constant 0 : i32
      %dma_start3A_156 = tpu.memref_slice %arg13[%add3A_45, %dma_start3A_155] : memref<10240x16xf32, #tpu.memory_space<vmem_shared>> -> memref<64x16xf32, #tpu.memory_space<vmem_shared>>
      tpu.enqueue_dma source(%arg12 : memref<64x16xf32, #tpu.memory_space<vmem>>) target(%dma_start3A_156 : memref<64x16xf32, #tpu.memory_space<vmem_shared>>) target_semaphore(%run_scoped3A : memref<!tpu.dma_semaphore, #tpu.memory_space<semaphore_mem>>)
      %dma_wait3A_157 = arith.constant 0 : i32
      %dma_wait3A_158 = tpu.memref_slice %arg13[%add3A_45, %dma_wait3A_157] : memref<10240x16xf32, #tpu.memory_space<vmem_shared>> -> memref<64x16xf32, #tpu.memory_space<vmem_shared>>
      %dma_wait3A_159 = arith.constant 0 : i32
      %dma_wait3A_160 = tpu.memref_slice %arg13[%add3A_45, %dma_wait3A_159] : memref<10240x16xf32, #tpu.memory_space<vmem_shared>> -> memref<64x16xf32, #tpu.memory_space<vmem_shared>>
      tpu.wait_dma2 semaphore(%run_scoped3A : memref<!tpu.dma_semaphore, #tpu.memory_space<semaphore_mem>>) src(%arg12 : memref<64x16xf32, #tpu.memory_space<vmem>>) dst(%dma_wait3A_160 : memref<64x16xf32, #tpu.memory_space<vmem_shared>>)
      tpu.yield
    }) : () -> ()
    "tpu.region"() ({
      %run_scoped3A = tpu.sem_alloc : memref<!tpu.dma_semaphore, #tpu.memory_space<semaphore_mem>>
      tpu.enqueue_dma source(%arg4 : memref<1x16xf32, #tpu.memory_space<hbm>>) target(%arg18 : memref<1x16xf32, #tpu.memory_space<vmem>>) target_semaphore(%run_scoped3A : memref<!tpu.dma_semaphore, #tpu.memory_space<semaphore_mem>>)
      tpu.wait_dma2 semaphore(%run_scoped3A : memref<!tpu.dma_semaphore, #tpu.memory_space<semaphore_mem>>) src(%arg4 : memref<1x16xf32, #tpu.memory_space<hbm>>) dst(%arg18 : memref<1x16xf32, #tpu.memory_space<vmem>>)
      tpu.yield
    }) : () -> ()
    %barrier3A = arith.constant 0 : index
    tpu.barrier barrier_id(%barrier3A)
    %mul3A_46 = arith.constant 10000 : i32
    %mul3A_47 = arith.muli %add3A, %mul3A_46 : i32
    %add3A_48 = arith.constant 0 : i32
    %add3A_49 = arith.addi %mul3A_47, %add3A_48 : i32
    %dma_start3A = tpu.memref_slice %arg3[%add3A_49] : memref<320000xi32, #tpu.memory_space<hbm>> -> memref<128xi32, #tpu.memory_space<hbm>>
    %dma_start3A_50 = tpu.memref_slice %arg3[%add3A_49] : memref<320000xi32, #tpu.memory_space<hbm>> -> memref<128xi32, #tpu.memory_space<hbm>>
    tpu.enqueue_dma source(%dma_start3A_50 : memref<128xi32, #tpu.memory_space<hbm>>) target(%arg6 : memref<128xi32, #tpu.memory_space<vmem>>) target_semaphore(%arg14 : memref<!tpu.dma_semaphore, #tpu.memory_space<semaphore_mem>>)
    %dma_start3A_51 = arith.constant 0 : i32
    %dma_start3A_52 = tpu.memref_slice %arg2[%add3A_49, %dma_start3A_51] : memref<320000x16xf32, #tpu.memory_space<hbm>> -> memref<128x16xf32, #tpu.memory_space<hbm>>
    %dma_start3A_53 = arith.constant 0 : i32
    %dma_start3A_54 = tpu.memref_slice %arg2[%add3A_49, %dma_start3A_53] : memref<320000x16xf32, #tpu.memory_space<hbm>> -> memref<128x16xf32, #tpu.memory_space<hbm>>
    tpu.enqueue_dma source(%dma_start3A_54 : memref<128x16xf32, #tpu.memory_space<hbm>>) target(%arg8 : memref<128x16xf32, #tpu.memory_space<vmem>>) target_semaphore(%arg14 : memref<!tpu.dma_semaphore, #tpu.memory_space<semaphore_mem>>)
    %add3A_55 = arith.constant 128 : i32
    %add3A_56 = arith.addi %mul3A_47, %add3A_55 : i32
    %dma_start3A_57 = tpu.memref_slice %arg3[%add3A_56] : memref<320000xi32, #tpu.memory_space<hbm>> -> memref<128xi32, #tpu.memory_space<hbm>>
    %dma_start3A_58 = tpu.memref_slice %arg3[%add3A_56] : memref<320000xi32, #tpu.memory_space<hbm>> -> memref<128xi32, #tpu.memory_space<hbm>>
    tpu.enqueue_dma source(%dma_start3A_58 : memref<128xi32, #tpu.memory_space<hbm>>) target(%arg7 : memref<128xi32, #tpu.memory_space<vmem>>) target_semaphore(%arg15 : memref<!tpu.dma_semaphore, #tpu.memory_space<semaphore_mem>>)
    %dma_start3A_59 = arith.constant 0 : i32
    %dma_start3A_60 = tpu.memref_slice %arg2[%add3A_56, %dma_start3A_59] : memref<320000x16xf32, #tpu.memory_space<hbm>> -> memref<128x16xf32, #tpu.memory_space<hbm>>
    %dma_start3A_61 = arith.constant 0 : i32
    %dma_start3A_62 = tpu.memref_slice %arg2[%add3A_56, %dma_start3A_61] : memref<320000x16xf32, #tpu.memory_space<hbm>> -> memref<128x16xf32, #tpu.memory_space<hbm>>
    tpu.enqueue_dma source(%dma_start3A_62 : memref<128x16xf32, #tpu.memory_space<hbm>>) target(%arg9 : memref<128x16xf32, #tpu.memory_space<vmem>>) target_semaphore(%arg15 : memref<!tpu.dma_semaphore, #tpu.memory_space<semaphore_mem>>)
    %scan3A_63 = arith.constant 0 : i32
    %scan3A_64 = arith.constant 0 : i32
    %scan3A_65 = arith.constant 39 : i32
    %scan3A_66 = arith.addi %scan3A_64, %scan3A_65 : i32
    %scan3A_67 = arith.constant 1 : i32
    scf.for %scan3A_153 = %scan3A_64 to %scan3A_66 step %scan3A_67  : i32 {
      %mul3A_154 = arith.constant 2 : i32
      %mul3A_155 = arith.muli %mul3A_154, %scan3A_153 : i32
      %add3A_156 = arith.constant 0 : i32
      %add3A_157 = arith.addi %mul3A_155, %add3A_156 : i32
      %mul3A_158 = arith.constant 128 : i32
      %mul3A_159 = arith.muli %add3A_157, %mul3A_158 : i32
      %add3A_160 = arith.addi %mul3A_47, %mul3A_159 : i32
      %dma_wait3A_161 = tpu.memref_slice %arg3[%add3A_160] : memref<320000xi32, #tpu.memory_space<hbm>> -> memref<128xi32, #tpu.memory_space<hbm>>
      %dma_wait3A_162 = tpu.memref_slice %arg3[%add3A_160] : memref<320000xi32, #tpu.memory_space<hbm>> -> memref<128xi32, #tpu.memory_space<hbm>>
      tpu.wait_dma2 semaphore(%arg14 : memref<!tpu.dma_semaphore, #tpu.memory_space<semaphore_mem>>) src(%dma_wait3A_162 : memref<128xi32, #tpu.memory_space<hbm>>) dst(%arg6 : memref<128xi32, #tpu.memory_space<vmem>>)
      %dma_wait3A_163 = arith.constant 0 : i32
      %dma_wait3A_164 = tpu.memref_slice %arg2[%add3A_160, %dma_wait3A_163] : memref<320000x16xf32, #tpu.memory_space<hbm>> -> memref<128x16xf32, #tpu.memory_space<hbm>>
      %dma_wait3A_165 = arith.constant 0 : i32
      %dma_wait3A_166 = tpu.memref_slice %arg2[%add3A_160, %dma_wait3A_165] : memref<320000x16xf32, #tpu.memory_space<hbm>> -> memref<128x16xf32, #tpu.memory_space<hbm>>
      tpu.wait_dma2 semaphore(%arg14 : memref<!tpu.dma_semaphore, #tpu.memory_space<semaphore_mem>>) src(%dma_wait3A_166 : memref<128x16xf32, #tpu.memory_space<hbm>>) dst(%arg8 : memref<128x16xf32, #tpu.memory_space<vmem>>)
      %get3A_167 = arith.constant 0 : i32
      %get3A_168 = arith.index_cast %get3A_167 : i32 to index
      %get3A_169 = arith.constant 0 : index
      %get3A_170 = tpu.vector_load %arg18[%get3A_168, %get3A_169] {strides = array<i32>} : memref<1x16xf32, #tpu.memory_space<vmem>>, vector<1x16xf32>,
      %get3A_171 = vector.shape_cast %get3A_170 : vector<1x16xf32> to vector<16xf32>
      %parallel_loop3A_172 = arith.constant 0 : i32
      %parallel_loop3A_173 = arith.constant 128 : i32
      %parallel_loop3A_174 = arith.constant 1 : i32
      scf.for %parallel_loop3A_213 = %parallel_loop3A_172 to %parallel_loop3A_173 step %parallel_loop3A_174  : i32 {
        %parallel_loop3A_214 = arith.index_cast %parallel_loop3A_213 : i32 to index
        %parallel_loop3A_215 = arith.constant 0 : index
        %parallel_loop3A_216 = tpu.vector_load %arg8[%parallel_loop3A_214, %parallel_loop3A_215] {strides = array<i32>} : memref<128x16xf32, #tpu.memory_space<vmem>>, vector<1x16xf32>,
        %parallel_loop3A_217 = vector.shape_cast %parallel_loop3A_216 : vector<1x16xf32> to vector<16xf32>
        %parallel_loop3A_218 = arith.subf %parallel_loop3A_217, %get3A_171 : vector<16xf32>
        %parallel_loop3A_219 = math.exp %parallel_loop3A_218 : vector<16xf32>
        %parallel_loop3A_220 = arith.index_cast %parallel_loop3A_213 : i32 to index
        %parallel_loop3A_221 = arith.constant 0 : index
        %parallel_loop3A_222 = tpu.vector_load %arg8[%parallel_loop3A_220, %parallel_loop3A_221] {strides = array<i32>} : memref<128x16xf32, #tpu.memory_space<vmem>>, vector<1x16xf32>,
        %parallel_loop3A_223 = vector.shape_cast %parallel_loop3A_222 : vector<1x16xf32> to vector<16xf32>
        %parallel_loop3A_224 = vector.shape_cast %parallel_loop3A_219 : vector<16xf32> to vector<1x16xf32>
        tpu.vector_store %arg8[%parallel_loop3A_220, %parallel_loop3A_221], %parallel_loop3A_224 {strides = array<i32>} : memref<128x16xf32, #tpu.memory_space<vmem>>, vector<1x16xf32>,
      } {sc.loop_unroll_factor = 4 : i64, sc.parallel_access}
      %dma_start3A_175 = arith.constant 0 : i32
      %dma_start3A_176 = arith.constant 0 : i32
      %dma_start3A_177 = tpu.memref_slice %arg13[%dma_start3A_175, %dma_start3A_176] : memref<10240x16xf32, #tpu.memory_space<vmem_shared>> -> memref<10240x16xf32, #tpu.memory_space<vmem_shared>>
      tpu.enqueue_indirect_dma source(%arg8 : memref<128x16xf32, #tpu.memory_space<vmem>>) target(%dma_start3A_177 : memref<10240x16xf32, #tpu.memory_space<vmem_shared>>) offsets(%arg6 : memref<128xi32, #tpu.memory_space<vmem>>) semaphore(%arg16 : memref<!tpu.dma_semaphore, #tpu.memory_space<semaphore_mem>>) {add = true}
      %add3A_178 = arith.constant 2 : i32
      %add3A_179 = arith.addi %add3A_157, %add3A_178 : i32
      %lt3A = arith.constant 78 : i32
      %lt3A_180 = arith.cmpi slt, %add3A_179, %lt3A : i32
      %convert_element_type3A = arith.extui %lt3A_180 : i1 to i32
      %cond3A = arith.constant 0 : i32
      %cond3A_181 = arith.cmpi ne, %convert_element_type3A, %cond3A : i32
      scf.if %cond3A_181 {
        %dma_wait3A_213 = arith.constant 0 : i32
        %dma_wait3A_214 = arith.constant 0 : i32
        %dma_wait3A_215 = tpu.memref_slice %arg13[%dma_wait3A_213, %dma_wait3A_214] : memref<10240x16xf32, #tpu.memory_space<vmem_shared>> -> memref<10240x16xf32, #tpu.memory_space<vmem_shared>>
        tpu.wait_indirect_dma semaphore(%arg16 : memref<!tpu.dma_semaphore, #tpu.memory_space<semaphore_mem>>) src(%arg8 : memref<128x16xf32, #tpu.memory_space<vmem>>) dst(%dma_wait3A_215 : memref<10240x16xf32, #tpu.memory_space<vmem_shared>>)
        %mul3A_216 = arith.constant 128 : i32
        %mul3A_217 = arith.muli %add3A_179, %mul3A_216 : i32
        %add3A_218 = arith.addi %mul3A_47, %mul3A_217 : i32
        %dma_start3A_219 = tpu.memref_slice %arg3[%add3A_218] : memref<320000xi32, #tpu.memory_space<hbm>> -> memref<128xi32, #tpu.memory_space<hbm>>
        %dma_start3A_220 = tpu.memref_slice %arg3[%add3A_218] : memref<320000xi32, #tpu.memory_space<hbm>> -> memref<128xi32, #tpu.memory_space<hbm>>
        tpu.enqueue_dma source(%dma_start3A_220 : memref<128xi32, #tpu.memory_space<hbm>>) target(%arg6 : memref<128xi32, #tpu.memory_space<vmem>>) target_semaphore(%arg14 : memref<!tpu.dma_semaphore, #tpu.memory_space<semaphore_mem>>)
        %dma_start3A_221 = arith.constant 0 : i32
        %dma_start3A_222 = tpu.memref_slice %arg2[%add3A_218, %dma_start3A_221] : memref<320000x16xf32, #tpu.memory_space<hbm>> -> memref<128x16xf32, #tpu.memory_space<hbm>>
        %dma_start3A_223 = arith.constant 0 : i32
        %dma_start3A_224 = tpu.memref_slice %arg2[%add3A_218, %dma_start3A_223] : memref<320000x16xf32, #tpu.memory_space<hbm>> -> memref<128x16xf32, #tpu.memory_space<hbm>>
        tpu.enqueue_dma source(%dma_start3A_224 : memref<128x16xf32, #tpu.memory_space<hbm>>) target(%arg8 : memref<128x16xf32, #tpu.memory_space<vmem>>) target_semaphore(%arg14 : memref<!tpu.dma_semaphore, #tpu.memory_space<semaphore_mem>>)
      } else {
      }
      %mul3A_182 = arith.constant 2 : i32
      %mul3A_183 = arith.muli %mul3A_182, %scan3A_153 : i32
      %add3A_184 = arith.constant 1 : i32
      %add3A_185 = arith.addi %mul3A_183, %add3A_184 : i32
      %mul3A_186 = arith.constant 128 : i32
      %mul3A_187 = arith.muli %add3A_185, %mul3A_186 : i32
      %add3A_188 = arith.addi %mul3A_47, %mul3A_187 : i32
      %dma_wait3A_189 = tpu.memref_slice %arg3[%add3A_188] : memref<320000xi32, #tpu.memory_space<hbm>> -> memref<128xi32, #tpu.memory_space<hbm>>
      %dma_wait3A_190 = tpu.memref_slice %arg3[%add3A_188] : memref<320000xi32, #tpu.memory_space<hbm>> -> memref<128xi32, #tpu.memory_space<hbm>>
      tpu.wait_dma2 semaphore(%arg15 : memref<!tpu.dma_semaphore, #tpu.memory_space<semaphore_mem>>) src(%dma_wait3A_190 : memref<128xi32, #tpu.memory_space<hbm>>) dst(%arg7 : memref<128xi32, #tpu.memory_space<vmem>>)
      %dma_wait3A_191 = arith.constant 0 : i32
      %dma_wait3A_192 = tpu.memref_slice %arg2[%add3A_188, %dma_wait3A_191] : memref<320000x16xf32, #tpu.memory_space<hbm>> -> memref<128x16xf32, #tpu.memory_space<hbm>>
      %dma_wait3A_193 = arith.constant 0 : i32
      %dma_wait3A_194 = tpu.memref_slice %arg2[%add3A_188, %dma_wait3A_193] : memref<320000x16xf32, #tpu.memory_space<hbm>> -> memref<128x16xf32, #tpu.memory_space<hbm>>
      tpu.wait_dma2 semaphore(%arg15 : memref<!tpu.dma_semaphore, #tpu.memory_space<semaphore_mem>>) src(%dma_wait3A_194 : memref<128x16xf32, #tpu.memory_space<hbm>>) dst(%arg9 : memref<128x16xf32, #tpu.memory_space<vmem>>)
      %get3A_195 = arith.constant 0 : i32
      %get3A_196 = arith.index_cast %get3A_195 : i32 to index
      %get3A_197 = arith.constant 0 : index
      %get3A_198 = tpu.vector_load %arg18[%get3A_196, %get3A_197] {strides = array<i32>} : memref<1x16xf32, #tpu.memory_space<vmem>>, vector<1x16xf32>,
      %get3A_199 = vector.shape_cast %get3A_198 : vector<1x16xf32> to vector<16xf32>
      %parallel_loop3A_200 = arith.constant 0 : i32
      %parallel_loop3A_201 = arith.constant 128 : i32
      %parallel_loop3A_202 = arith.constant 1 : i32
      scf.for %parallel_loop3A_213 = %parallel_loop3A_200 to %parallel_loop3A_201 step %parallel_loop3A_202  : i32 {
        %parallel_loop3A_214 = arith.index_cast %parallel_loop3A_213 : i32 to index
        %parallel_loop3A_215 = arith.constant 0 : index
        %parallel_loop3A_216 = tpu.vector_load %arg9[%parallel_loop3A_214, %parallel_loop3A_215] {strides = array<i32>} : memref<128x16xf32, #tpu.memory_space<vmem>>, vector<1x16xf32>,
        %parallel_loop3A_217 = vector.shape_cast %parallel_loop3A_216 : vector<1x16xf32> to vector<16xf32>
        %parallel_loop3A_218 = arith.subf %parallel_loop3A_217, %get3A_199 : vector<16xf32>
        %parallel_loop3A_219 = math.exp %parallel_loop3A_218 : vector<16xf32>
        %parallel_loop3A_220 = arith.index_cast %parallel_loop3A_213 : i32 to index
        %parallel_loop3A_221 = arith.constant 0 : index
        %parallel_loop3A_222 = tpu.vector_load %arg9[%parallel_loop3A_220, %parallel_loop3A_221] {strides = array<i32>} : memref<128x16xf32, #tpu.memory_space<vmem>>, vector<1x16xf32>,
        %parallel_loop3A_223 = vector.shape_cast %parallel_loop3A_222 : vector<1x16xf32> to vector<16xf32>
        %parallel_loop3A_224 = vector.shape_cast %parallel_loop3A_219 : vector<16xf32> to vector<1x16xf32>
        tpu.vector_store %arg9[%parallel_loop3A_220, %parallel_loop3A_221], %parallel_loop3A_224 {strides = array<i32>} : memref<128x16xf32, #tpu.memory_space<vmem>>, vector<1x16xf32>,
      } {sc.loop_unroll_factor = 4 : i64, sc.parallel_access}
      %dma_start3A_203 = arith.constant 0 : i32
      %dma_start3A_204 = arith.constant 0 : i32
      %dma_start3A_205 = tpu.memref_slice %arg13[%dma_start3A_203, %dma_start3A_204] : memref<10240x16xf32, #tpu.memory_space<vmem_shared>> -> memref<10240x16xf32, #tpu.memory_space<vmem_shared>>
      tpu.enqueue_indirect_dma source(%arg9 : memref<128x16xf32, #tpu.memory_space<vmem>>) target(%dma_start3A_205 : memref<10240x16xf32, #tpu.memory_space<vmem_shared>>) offsets(%arg7 : memref<128xi32, #tpu.memory_space<vmem>>) semaphore(%arg17 : memref<!tpu.dma_semaphore, #tpu.memory_space<semaphore_mem>>) {add = true}
      %add3A_206 = arith.constant 2 : i32
      %add3A_207 = arith.addi %add3A_185, %add3A_206 : i32
      %lt3A_208 = arith.constant 78 : i32
      %lt3A_209 = arith.cmpi slt, %add3A_207, %lt3A_208 : i32
      %convert_element_type3A_210 = arith.extui %lt3A_209 : i1 to i32
      %cond3A_211 = arith.constant 0 : i32
      %cond3A_212 = arith.cmpi ne, %convert_element_type3A_210, %cond3A_211 : i32
      scf.if %cond3A_212 {
        %dma_wait3A_213 = arith.constant 0 : i32
        %dma_wait3A_214 = arith.constant 0 : i32
        %dma_wait3A_215 = tpu.memref_slice %arg13[%dma_wait3A_213, %dma_wait3A_214] : memref<10240x16xf32, #tpu.memory_space<vmem_shared>> -> memref<10240x16xf32, #tpu.memory_space<vmem_shared>>
        tpu.wait_indirect_dma semaphore(%arg17 : memref<!tpu.dma_semaphore, #tpu.memory_space<semaphore_mem>>) src(%arg9 : memref<128x16xf32, #tpu.memory_space<vmem>>) dst(%dma_wait3A_215 : memref<10240x16xf32, #tpu.memory_space<vmem_shared>>)
        %mul3A_216 = arith.constant 128 : i32
        %mul3A_217 = arith.muli %add3A_207, %mul3A_216 : i32
        %add3A_218 = arith.addi %mul3A_47, %mul3A_217 : i32
        %dma_start3A_219 = tpu.memref_slice %arg3[%add3A_218] : memref<320000xi32, #tpu.memory_space<hbm>> -> memref<128xi32, #tpu.memory_space<hbm>>
        %dma_start3A_220 = tpu.memref_slice %arg3[%add3A_218] : memref<320000xi32, #tpu.memory_space<hbm>> -> memref<128xi32, #tpu.memory_space<hbm>>
        tpu.enqueue_dma source(%dma_start3A_220 : memref<128xi32, #tpu.memory_space<hbm>>) target(%arg7 : memref<128xi32, #tpu.memory_space<vmem>>) target_semaphore(%arg15 : memref<!tpu.dma_semaphore, #tpu.memory_space<semaphore_mem>>)
        %dma_start3A_221 = arith.constant 0 : i32
        %dma_start3A_222 = tpu.memref_slice %arg2[%add3A_218, %dma_start3A_221] : memref<320000x16xf32, #tpu.memory_space<hbm>> -> memref<128x16xf32, #tpu.memory_space<hbm>>
        %dma_start3A_223 = arith.constant 0 : i32
        %dma_start3A_224 = tpu.memref_slice %arg2[%add3A_218, %dma_start3A_223] : memref<320000x16xf32, #tpu.memory_space<hbm>> -> memref<128x16xf32, #tpu.memory_space<hbm>>
        tpu.enqueue_dma source(%dma_start3A_224 : memref<128x16xf32, #tpu.memory_space<hbm>>) target(%arg9 : memref<128x16xf32, #tpu.memory_space<vmem>>) target_semaphore(%arg15 : memref<!tpu.dma_semaphore, #tpu.memory_space<semaphore_mem>>)
      } else {
      }
    }
    %scan3A_68 = arith.constant 39 : i32
    %dma_wait3A = arith.constant 0 : i32
    %dma_wait3A_69 = arith.constant 0 : i32
    %dma_wait3A_70 = tpu.memref_slice %arg13[%dma_wait3A, %dma_wait3A_69] : memref<10240x16xf32, #tpu.memory_space<vmem_shared>> -> memref<10240x16xf32, #tpu.memory_space<vmem_shared>>
    tpu.wait_indirect_dma semaphore(%arg16 : memref<!tpu.dma_semaphore, #tpu.memory_space<semaphore_mem>>) src(%arg8 : memref<128x16xf32, #tpu.memory_space<vmem>>) dst(%dma_wait3A_70 : memref<10240x16xf32, #tpu.memory_space<vmem_shared>>)
    %dma_wait3A_71 = arith.constant 0 : i32
    %dma_wait3A_72 = arith.constant 0 : i32
    %dma_wait3A_73 = tpu.memref_slice %arg13[%dma_wait3A_71, %dma_wait3A_72] : memref<10240x16xf32, #tpu.memory_space<vmem_shared>> -> memref<10240x16xf32, #tpu.memory_space<vmem_shared>>
    tpu.wait_indirect_dma semaphore(%arg17 : memref<!tpu.dma_semaphore, #tpu.memory_space<semaphore_mem>>) src(%arg9 : memref<128x16xf32, #tpu.memory_space<vmem>>) dst(%dma_wait3A_73 : memref<10240x16xf32, #tpu.memory_space<vmem_shared>>)
    %add3A_74 = arith.constant 9984 : i32
    %add3A_75 = arith.addi %mul3A_47, %add3A_74 : i32
    "tpu.region"() ({
      %run_scoped3A = tpu.sem_alloc : memref<!tpu.dma_semaphore, #tpu.memory_space<semaphore_mem>>
      %dma_start3A_153 = tpu.memref_slice %arg3[%add3A_75] : memref<320000xi32, #tpu.memory_space<hbm>> -> memref<16xi32, #tpu.memory_space<hbm>>
      %dma_start3A_154 = tpu.memref_slice %arg3[%add3A_75] : memref<320000xi32, #tpu.memory_space<hbm>> -> memref<16xi32, #tpu.memory_space<hbm>>
      tpu.enqueue_dma source(%dma_start3A_154 : memref<16xi32, #tpu.memory_space<hbm>>) target(%arg10 : memref<16xi32, #tpu.memory_space<vmem>>) target_semaphore(%run_scoped3A : memref<!tpu.dma_semaphore, #tpu.memory_space<semaphore_mem>>)
      %dma_wait3A_155 = tpu.memref_slice %arg3[%add3A_75] : memref<320000xi32, #tpu.memory_space<hbm>> -> memref<16xi32, #tpu.memory_space<hbm>>
      %dma_wait3A_156 = tpu.memref_slice %arg3[%add3A_75] : memref<320000xi32, #tpu.memory_space<hbm>> -> memref<16xi32, #tpu.memory_space<hbm>>
      tpu.wait_dma2 semaphore(%run_scoped3A : memref<!tpu.dma_semaphore, #tpu.memory_space<semaphore_mem>>) src(%dma_wait3A_156 : memref<16xi32, #tpu.memory_space<hbm>>) dst(%arg10 : memref<16xi32, #tpu.memory_space<vmem>>)
      tpu.yield
    }) : () -> ()
    "tpu.region"() ({
      %run_scoped3A = tpu.sem_alloc : memref<!tpu.dma_semaphore, #tpu.memory_space<semaphore_mem>>
      %dma_start3A_153 = arith.constant 0 : i32
      %dma_start3A_154 = tpu.memref_slice %arg2[%add3A_75, %dma_start3A_153] : memref<320000x16xf32, #tpu.memory_space<hbm>> -> memref<16x16xf32, #tpu.memory_space<hbm>>
      %dma_start3A_155 = arith.constant 0 : i32
      %dma_start3A_156 = tpu.memref_slice %arg2[%add3A_75, %dma_start3A_155] : memref<320000x16xf32, #tpu.memory_space<hbm>> -> memref<16x16xf32, #tpu.memory_space<hbm>>
      tpu.enqueue_dma source(%dma_start3A_156 : memref<16x16xf32, #tpu.memory_space<hbm>>) target(%arg11 : memref<16x16xf32, #tpu.memory_space<vmem>>) target_semaphore(%run_scoped3A : memref<!tpu.dma_semaphore, #tpu.memory_space<semaphore_mem>>)
      %dma_wait3A_157 = arith.constant 0 : i32
      %dma_wait3A_158 = tpu.memref_slice %arg2[%add3A_75, %dma_wait3A_157] : memref<320000x16xf32, #tpu.memory_space<hbm>> -> memref<16x16xf32, #tpu.memory_space<hbm>>
      %dma_wait3A_159 = arith.constant 0 : i32
      %dma_wait3A_160 = tpu.memref_slice %arg2[%add3A_75, %dma_wait3A_159] : memref<320000x16xf32, #tpu.memory_space<hbm>> -> memref<16x16xf32, #tpu.memory_space<hbm>>
      tpu.wait_dma2 semaphore(%run_scoped3A : memref<!tpu.dma_semaphore, #tpu.memory_space<semaphore_mem>>) src(%dma_wait3A_160 : memref<16x16xf32, #tpu.memory_space<hbm>>) dst(%arg11 : memref<16x16xf32, #tpu.memory_space<vmem>>)
      tpu.yield
    }) : () -> ()
    %get3A = arith.constant 0 : i32
    %get3A_76 = arith.index_cast %get3A : i32 to index
    %get3A_77 = arith.constant 0 : index
    %get3A_78 = tpu.vector_load %arg18[%get3A_76, %get3A_77] {strides = array<i32>} : memref<1x16xf32, #tpu.memory_space<vmem>>, vector<1x16xf32>,
    %get3A_79 = vector.shape_cast %get3A_78 : vector<1x16xf32> to vector<16xf32>
    %parallel_loop3A = arith.constant 0 : i32
    %parallel_loop3A_80 = arith.constant 16 : i32
    %parallel_loop3A_81 = arith.constant 1 : i32
    scf.for %parallel_loop3A_153 = %parallel_loop3A to %parallel_loop3A_80 step %parallel_loop3A_81  : i32 {
      %parallel_loop3A_154 = arith.index_cast %parallel_loop3A_153 : i32 to index
      %parallel_loop3A_155 = arith.constant 0 : index
      %parallel_loop3A_156 = tpu.vector_load %arg11[%parallel_loop3A_154, %parallel_loop3A_155] {strides = array<i32>} : memref<16x16xf32, #tpu.memory_space<vmem>>, vector<1x16xf32>,
      %parallel_loop3A_157 = vector.shape_cast %parallel_loop3A_156 : vector<1x16xf32> to vector<16xf32>
      %parallel_loop3A_158 = arith.subf %parallel_loop3A_157, %get3A_79 : vector<16xf32>
      %parallel_loop3A_159 = math.exp %parallel_loop3A_158 : vector<16xf32>
      %parallel_loop3A_160 = arith.index_cast %parallel_loop3A_153 : i32 to index
      %parallel_loop3A_161 = arith.constant 0 : index
      %parallel_loop3A_162 = tpu.vector_load %arg11[%parallel_loop3A_160, %parallel_loop3A_161] {strides = array<i32>} : memref<16x16xf32, #tpu.memory_space<vmem>>, vector<1x16xf32>,
      %parallel_loop3A_163 = vector.shape_cast %parallel_loop3A_162 : vector<1x16xf32> to vector<16xf32>
      %parallel_loop3A_164 = vector.shape_cast %parallel_loop3A_159 : vector<16xf32> to vector<1x16xf32>
      tpu.vector_store %arg11[%parallel_loop3A_160, %parallel_loop3A_161], %parallel_loop3A_164 {strides = array<i32>} : memref<16x16xf32, #tpu.memory_space<vmem>>, vector<1x16xf32>,
    } {sc.loop_unroll_factor = 4 : i64, sc.parallel_access}
    "tpu.region"() ({
      %run_scoped3A = tpu.sem_alloc : memref<!tpu.dma_semaphore, #tpu.memory_space<semaphore_mem>>
      %dma_start3A_153 = arith.constant 0 : i32
      %dma_start3A_154 = arith.constant 0 : i32
      %dma_start3A_155 = tpu.memref_slice %arg13[%dma_start3A_153, %dma_start3A_154] : memref<10240x16xf32, #tpu.memory_space<vmem_shared>> -> memref<10240x16xf32, #tpu.memory_space<vmem_shared>>
      tpu.enqueue_indirect_dma source(%arg11 : memref<16x16xf32, #tpu.memory_space<vmem>>) target(%dma_start3A_155 : memref<10240x16xf32, #tpu.memory_space<vmem_shared>>) offsets(%arg10 : memref<16xi32, #tpu.memory_space<vmem>>) semaphore(%run_scoped3A : memref<!tpu.dma_semaphore, #tpu.memory_space<semaphore_mem>>) {add = true}
      %dma_wait3A_156 = arith.constant 0 : i32
      %dma_wait3A_157 = arith.constant 0 : i32
      %dma_wait3A_158 = tpu.memref_slice %arg13[%dma_wait3A_156, %dma_wait3A_157] : memref<10240x16xf32, #tpu.memory_space<vmem_shared>> -> memref<10240x16xf32, #tpu.memory_space<vmem_shared>>
      tpu.wait_indirect_dma semaphore(%run_scoped3A : memref<!tpu.dma_semaphore, #tpu.memory_space<semaphore_mem>>) src(%arg11 : memref<16x16xf32, #tpu.memory_space<vmem>>) dst(%dma_wait3A_158 : memref<10240x16xf32, #tpu.memory_space<vmem_shared>>)
      tpu.yield
    }) : () -> ()
    %barrier3A_82 = arith.constant 0 : index
    tpu.barrier barrier_id(%barrier3A_82)
    %mul3A_83 = arith.constant 640 : i32
    %mul3A_84 = arith.muli %arg1, %mul3A_83 : i32
    %add3A_85 = arith.constant 0 : i32
    %add3A_86 = arith.addi %mul3A_84, %add3A_85 : i32
    "tpu.region"() ({
      %run_scoped3A = tpu.sem_alloc : memref<!tpu.dma_semaphore, #tpu.memory_space<semaphore_mem>>
      %dma_start3A_153 = arith.constant 0 : i32
      %dma_start3A_154 = tpu.memref_slice %arg13[%add3A_86, %dma_start3A_153] : memref<10240x16xf32, #tpu.memory_space<vmem_shared>> -> memref<64x16xf32, #tpu.memory_space<vmem_shared>>
      %dma_start3A_155 = arith.constant 0 : i32
      %dma_start3A_156 = tpu.memref_slice %arg13[%add3A_86, %dma_start3A_155] : memref<10240x16xf32, #tpu.memory_space<vmem_shared>> -> memref<64x16xf32, #tpu.memory_space<vmem_shared>>
      tpu.enqueue_dma source(%dma_start3A_156 : memref<64x16xf32, #tpu.memory_space<vmem_shared>>) target(%arg12 : memref<64x16xf32, #tpu.memory_space<vmem>>) target_semaphore(%run_scoped3A : memref<!tpu.dma_semaphore, #tpu.memory_space<semaphore_mem>>)
      %dma_wait3A_157 = arith.constant 0 : i32
      %dma_wait3A_158 = tpu.memref_slice %arg13[%add3A_86, %dma_wait3A_157] : memref<10240x16xf32, #tpu.memory_space<vmem_shared>> -> memref<64x16xf32, #tpu.memory_space<vmem_shared>>
      %dma_wait3A_159 = arith.constant 0 : i32
      %dma_wait3A_160 = tpu.memref_slice %arg13[%add3A_86, %dma_wait3A_159] : memref<10240x16xf32, #tpu.memory_space<vmem_shared>> -> memref<64x16xf32, #tpu.memory_space<vmem_shared>>
      tpu.wait_dma2 semaphore(%run_scoped3A : memref<!tpu.dma_semaphore, #tpu.memory_space<semaphore_mem>>) src(%dma_wait3A_160 : memref<64x16xf32, #tpu.memory_space<vmem_shared>>) dst(%arg12 : memref<64x16xf32, #tpu.memory_space<vmem>>)
      tpu.yield
    }) : () -> ()
    %mul3A_87 = arith.constant 10240 : i32
    %mul3A_88 = arith.muli %arg0, %mul3A_87 : i32
    %add3A_89 = arith.addi %mul3A_88, %add3A_86 : i32
    "tpu.region"() ({
      %run_scoped3A = tpu.sem_alloc : memref<!tpu.dma_semaphore, #tpu.memory_space<semaphore_mem>>
      %dma_start3A_153 = arith.constant 0 : i32
      %dma_start3A_154 = tpu.memref_slice %arg5[%add3A_89, %dma_start3A_153] : memref<20480x16xf32, #tpu.memory_space<hbm>> -> memref<64x16xf32, #tpu.memory_space<hbm>>
      %dma_start3A_155 = arith.constant 0 : i32
      %dma_start3A_156 = tpu.memref_slice %arg5[%add3A_89, %dma_start3A_155] : memref<20480x16xf32, #tpu.memory_space<hbm>> -> memref<64x16xf32, #tpu.memory_space<hbm>>
      tpu.enqueue_dma source(%arg12 : memref<64x16xf32, #tpu.memory_space<vmem>>) target(%dma_start3A_156 : memref<64x16xf32, #tpu.memory_space<hbm>>) target_semaphore(%run_scoped3A : memref<!tpu.dma_semaphore, #tpu.memory_space<semaphore_mem>>)
      %dma_wait3A_157 = arith.constant 0 : i32
      %dma_wait3A_158 = tpu.memref_slice %arg5[%add3A_89, %dma_wait3A_157] : memref<20480x16xf32, #tpu.memory_space<hbm>> -> memref<64x16xf32, #tpu.memory_space<hbm>>
      %dma_wait3A_159 = arith.constant 0 : i32
      %dma_wait3A_160 = tpu.memref_slice %arg5[%add3A_89, %dma_wait3A_159] : memref<20480x16xf32, #tpu.memory_space<hbm>> -> memref<64x16xf32, #tpu.memory_space<hbm>>
      tpu.wait_dma2 semaphore(%run_scoped3A : memref<!tpu.dma_semaphore, #tpu.memory_space<semaphore_mem>>) src(%arg12 : memref<64x16xf32, #tpu.memory_space<vmem>>) dst(%dma_wait3A_160 : memref<64x16xf32, #tpu.memory_space<hbm>>)
      tpu.yield
    }) : () -> ()
    %mul3A_90 = arith.constant 640 : i32
    %mul3A_91 = arith.muli %arg1, %mul3A_90 : i32
    %add3A_92 = arith.constant 64 : i32
    %add3A_93 = arith.addi %mul3A_91, %add3A_92 : i32
    "tpu.region"() ({
      %run_scoped3A = tpu.sem_alloc : memref<!tpu.dma_semaphore, #tpu.memory_space<semaphore_mem>>
      %dma_start3A_153 = arith.constant 0 : i32
      %dma_start3A_154 = tpu.memref_slice %arg13[%add3A_93, %dma_start3A_153] : memref<10240x16xf32, #tpu.memory_space<vmem_shared>> -> memref<64x16xf32, #tpu.memory_space<vmem_shared>>
      %dma_start3A_155 = arith.constant 0 : i32
      %dma_start3A_156 = tpu.memref_slice %arg13[%add3A_93, %dma_start3A_155] : memref<10240x16xf32, #tpu.memory_space<vmem_shared>> -> memref<64x16xf32, #tpu.memory_space<vmem_shared>>
      tpu.enqueue_dma source(%dma_start3A_156 : memref<64x16xf32, #tpu.memory_space<vmem_shared>>) target(%arg12 : memref<64x16xf32, #tpu.memory_space<vmem>>) target_semaphore(%run_scoped3A : memref<!tpu.dma_semaphore, #tpu.memory_space<semaphore_mem>>)
      %dma_wait3A_157 = arith.constant 0 : i32
      %dma_wait3A_158 = tpu.memref_slice %arg13[%add3A_93, %dma_wait3A_157] : memref<10240x16xf32, #tpu.memory_space<vmem_shared>> -> memref<64x16xf32, #tpu.memory_space<vmem_shared>>
      %dma_wait3A_159 = arith.constant 0 : i32
      %dma_wait3A_160 = tpu.memref_slice %arg13[%add3A_93, %dma_wait3A_159] : memref<10240x16xf32, #tpu.memory_space<vmem_shared>> -> memref<64x16xf32, #tpu.memory_space<vmem_shared>>
      tpu.wait_dma2 semaphore(%run_scoped3A : memref<!tpu.dma_semaphore, #tpu.memory_space<semaphore_mem>>) src(%dma_wait3A_160 : memref<64x16xf32, #tpu.memory_space<vmem_shared>>) dst(%arg12 : memref<64x16xf32, #tpu.memory_space<vmem>>)
      tpu.yield
    }) : () -> ()
    %mul3A_94 = arith.constant 10240 : i32
    %mul3A_95 = arith.muli %arg0, %mul3A_94 : i32
    %add3A_96 = arith.addi %mul3A_95, %add3A_93 : i32
    "tpu.region"() ({
      %run_scoped3A = tpu.sem_alloc : memref<!tpu.dma_semaphore, #tpu.memory_space<semaphore_mem>>
      %dma_start3A_153 = arith.constant 0 : i32
      %dma_start3A_154 = tpu.memref_slice %arg5[%add3A_96, %dma_start3A_153] : memref<20480x16xf32, #tpu.memory_space<hbm>> -> memref<64x16xf32, #tpu.memory_space<hbm>>
      %dma_start3A_155 = arith.constant 0 : i32
      %dma_start3A_156 = tpu.memref_slice %arg5[%add3A_96, %dma_start3A_155] : memref<20480x16xf32, #tpu.memory_space<hbm>> -> memref<64x16xf32, #tpu.memory_space<hbm>>
      tpu.enqueue_dma source(%arg12 : memref<64x16xf32, #tpu.memory_space<vmem>>) target(%dma_start3A_156 : memref<64x16xf32, #tpu.memory_space<hbm>>) target_semaphore(%run_scoped3A : memref<!tpu.dma_semaphore, #tpu.memory_space<semaphore_mem>>)
      %dma_wait3A_157 = arith.constant 0 : i32
      %dma_wait3A_158 = tpu.memref_slice %arg5[%add3A_96, %dma_wait3A_157] : memref<20480x16xf32, #tpu.memory_space<hbm>> -> memref<64x16xf32, #tpu.memory_space<hbm>>
      %dma_wait3A_159 = arith.constant 0 : i32
      %dma_wait3A_160 = tpu.memref_slice %arg5[%add3A_96, %dma_wait3A_159] : memref<20480x16xf32, #tpu.memory_space<hbm>> -> memref<64x16xf32, #tpu.memory_space<hbm>>
      tpu.wait_dma2 semaphore(%run_scoped3A : memref<!tpu.dma_semaphore, #tpu.memory_space<semaphore_mem>>) src(%arg12 : memref<64x16xf32, #tpu.memory_space<vmem>>) dst(%dma_wait3A_160 : memref<64x16xf32, #tpu.memory_space<hbm>>)
      tpu.yield
    }) : () -> ()
    %mul3A_97 = arith.constant 640 : i32
    %mul3A_98 = arith.muli %arg1, %mul3A_97 : i32
    %add3A_99 = arith.constant 128 : i32
    %add3A_100 = arith.addi %mul3A_98, %add3A_99 : i32
    "tpu.region"() ({
      %run_scoped3A = tpu.sem_alloc : memref<!tpu.dma_semaphore, #tpu.memory_space<semaphore_mem>>
      %dma_start3A_153 = arith.constant 0 : i32
      %dma_start3A_154 = tpu.memref_slice %arg13[%add3A_100, %dma_start3A_153] : memref<10240x16xf32, #tpu.memory_space<vmem_shared>> -> memref<64x16xf32, #tpu.memory_space<vmem_shared>>
      %dma_start3A_155 = arith.constant 0 : i32
      %dma_start3A_156 = tpu.memref_slice %arg13[%add3A_100, %dma_start3A_155] : memref<10240x16xf32, #tpu.memory_space<vmem_shared>> -> memref<64x16xf32, #tpu.memory_space<vmem_shared>>
      tpu.enqueue_dma source(%dma_start3A_156 : memref<64x16xf32, #tpu.memory_space<vmem_shared>>) target(%arg12 : memref<64x16xf32, #tpu.memory_space<vmem>>) target_semaphore(%run_scoped3A : memref<!tpu.dma_semaphore, #tpu.memory_space<semaphore_mem>>)
      %dma_wait3A_157 = arith.constant 0 : i32
      %dma_wait3A_158 = tpu.memref_slice %arg13[%add3A_100, %dma_wait3A_157] : memref<10240x16xf32, #tpu.memory_space<vmem_shared>> -> memref<64x16xf32, #tpu.memory_space<vmem_shared>>
      %dma_wait3A_159 = arith.constant 0 : i32
      %dma_wait3A_160 = tpu.memref_slice %arg13[%add3A_100, %dma_wait3A_159] : memref<10240x16xf32, #tpu.memory_space<vmem_shared>> -> memref<64x16xf32, #tpu.memory_space<vmem_shared>>
      tpu.wait_dma2 semaphore(%run_scoped3A : memref<!tpu.dma_semaphore, #tpu.memory_space<semaphore_mem>>) src(%dma_wait3A_160 : memref<64x16xf32, #tpu.memory_space<vmem_shared>>) dst(%arg12 : memref<64x16xf32, #tpu.memory_space<vmem>>)
      tpu.yield
    }) : () -> ()
    %mul3A_101 = arith.constant 10240 : i32
    %mul3A_102 = arith.muli %arg0, %mul3A_101 : i32
    %add3A_103 = arith.addi %mul3A_102, %add3A_100 : i32
    "tpu.region"() ({
      %run_scoped3A = tpu.sem_alloc : memref<!tpu.dma_semaphore, #tpu.memory_space<semaphore_mem>>
      %dma_start3A_153 = arith.constant 0 : i32
      %dma_start3A_154 = tpu.memref_slice %arg5[%add3A_103, %dma_start3A_153] : memref<20480x16xf32, #tpu.memory_space<hbm>> -> memref<64x16xf32, #tpu.memory_space<hbm>>
      %dma_start3A_155 = arith.constant 0 : i32
      %dma_start3A_156 = tpu.memref_slice %arg5[%add3A_103, %dma_start3A_155] : memref<20480x16xf32, #tpu.memory_space<hbm>> -> memref<64x16xf32, #tpu.memory_space<hbm>>
      tpu.enqueue_dma source(%arg12 : memref<64x16xf32, #tpu.memory_space<vmem>>) target(%dma_start3A_156 : memref<64x16xf32, #tpu.memory_space<hbm>>) target_semaphore(%run_scoped3A : memref<!tpu.dma_semaphore, #tpu.memory_space<semaphore_mem>>)
      %dma_wait3A_157 = arith.constant 0 : i32
      %dma_wait3A_158 = tpu.memref_slice %arg5[%add3A_103, %dma_wait3A_157] : memref<20480x16xf32, #tpu.memory_space<hbm>> -> memref<64x16xf32, #tpu.memory_space<hbm>>
      %dma_wait3A_159 = arith.constant 0 : i32
      %dma_wait3A_160 = tpu.memref_slice %arg5[%add3A_103, %dma_wait3A_159] : memref<20480x16xf32, #tpu.memory_space<hbm>> -> memref<64x16xf32, #tpu.memory_space<hbm>>
      tpu.wait_dma2 semaphore(%run_scoped3A : memref<!tpu.dma_semaphore, #tpu.memory_space<semaphore_mem>>) src(%arg12 : memref<64x16xf32, #tpu.memory_space<vmem>>) dst(%dma_wait3A_160 : memref<64x16xf32, #tpu.memory_space<hbm>>)
      tpu.yield
    }) : () -> ()
    %mul3A_104 = arith.constant 640 : i32
    %mul3A_105 = arith.muli %arg1, %mul3A_104 : i32
    %add3A_106 = arith.constant 192 : i32
    %add3A_107 = arith.addi %mul3A_105, %add3A_106 : i32
    "tpu.region"() ({
      %run_scoped3A = tpu.sem_alloc : memref<!tpu.dma_semaphore, #tpu.memory_space<semaphore_mem>>
      %dma_start3A_153 = arith.constant 0 : i32
      %dma_start3A_154 = tpu.memref_slice %arg13[%add3A_107, %dma_start3A_153] : memref<10240x16xf32, #tpu.memory_space<vmem_shared>> -> memref<64x16xf32, #tpu.memory_space<vmem_shared>>
      %dma_start3A_155 = arith.constant 0 : i32
      %dma_start3A_156 = tpu.memref_slice %arg13[%add3A_107, %dma_start3A_155] : memref<10240x16xf32, #tpu.memory_space<vmem_shared>> -> memref<64x16xf32, #tpu.memory_space<vmem_shared>>
      tpu.enqueue_dma source(%dma_start3A_156 : memref<64x16xf32, #tpu.memory_space<vmem_shared>>) target(%arg12 : memref<64x16xf32, #tpu.memory_space<vmem>>) target_semaphore(%run_scoped3A : memref<!tpu.dma_semaphore, #tpu.memory_space<semaphore_mem>>)
      %dma_wait3A_157 = arith.constant 0 : i32
      %dma_wait3A_158 = tpu.memref_slice %arg13[%add3A_107, %dma_wait3A_157] : memref<10240x16xf32, #tpu.memory_space<vmem_shared>> -> memref<64x16xf32, #tpu.memory_space<vmem_shared>>
      %dma_wait3A_159 = arith.constant 0 : i32
      %dma_wait3A_160 = tpu.memref_slice %arg13[%add3A_107, %dma_wait3A_159] : memref<10240x16xf32, #tpu.memory_space<vmem_shared>> -> memref<64x16xf32, #tpu.memory_space<vmem_shared>>
      tpu.wait_dma2 semaphore(%run_scoped3A : memref<!tpu.dma_semaphore, #tpu.memory_space<semaphore_mem>>) src(%dma_wait3A_160 : memref<64x16xf32, #tpu.memory_space<vmem_shared>>) dst(%arg12 : memref<64x16xf32, #tpu.memory_space<vmem>>)
      tpu.yield
    }) : () -> ()
    %mul3A_108 = arith.constant 10240 : i32
    %mul3A_109 = arith.muli %arg0, %mul3A_108 : i32
    %add3A_110 = arith.addi %mul3A_109, %add3A_107 : i32
    "tpu.region"() ({
      %run_scoped3A = tpu.sem_alloc : memref<!tpu.dma_semaphore, #tpu.memory_space<semaphore_mem>>
      %dma_start3A_153 = arith.constant 0 : i32
      %dma_start3A_154 = tpu.memref_slice %arg5[%add3A_110, %dma_start3A_153] : memref<20480x16xf32, #tpu.memory_space<hbm>> -> memref<64x16xf32, #tpu.memory_space<hbm>>
      %dma_start3A_155 = arith.constant 0 : i32
      %dma_start3A_156 = tpu.memref_slice %arg5[%add3A_110, %dma_start3A_155] : memref<20480x16xf32, #tpu.memory_space<hbm>> -> memref<64x16xf32, #tpu.memory_space<hbm>>
      tpu.enqueue_dma source(%arg12 : memref<64x16xf32, #tpu.memory_space<vmem>>) target(%dma_start3A_156 : memref<64x16xf32, #tpu.memory_space<hbm>>) target_semaphore(%run_scoped3A : memref<!tpu.dma_semaphore, #tpu.memory_space<semaphore_mem>>)
      %dma_wait3A_157 = arith.constant 0 : i32
      %dma_wait3A_158 = tpu.memref_slice %arg5[%add3A_110, %dma_wait3A_157] : memref<20480x16xf32, #tpu.memory_space<hbm>> -> memref<64x16xf32, #tpu.memory_space<hbm>>
      %dma_wait3A_159 = arith.constant 0 : i32
      %dma_wait3A_160 = tpu.memref_slice %arg5[%add3A_110, %dma_wait3A_159] : memref<20480x16xf32, #tpu.memory_space<hbm>> -> memref<64x16xf32, #tpu.memory_space<hbm>>
      tpu.wait_dma2 semaphore(%run_scoped3A : memref<!tpu.dma_semaphore, #tpu.memory_space<semaphore_mem>>) src(%arg12 : memref<64x16xf32, #tpu.memory_space<vmem>>) dst(%dma_wait3A_160 : memref<64x16xf32, #tpu.memory_space<hbm>>)
      tpu.yield
    }) : () -> ()
    %mul3A_111 = arith.constant 640 : i32
    %mul3A_112 = arith.muli %arg1, %mul3A_111 : i32
    %add3A_113 = arith.constant 256 : i32
    %add3A_114 = arith.addi %mul3A_112, %add3A_113 : i32
    "tpu.region"() ({
      %run_scoped3A = tpu.sem_alloc : memref<!tpu.dma_semaphore, #tpu.memory_space<semaphore_mem>>
      %dma_start3A_153 = arith.constant 0 : i32
      %dma_start3A_154 = tpu.memref_slice %arg13[%add3A_114, %dma_start3A_153] : memref<10240x16xf32, #tpu.memory_space<vmem_shared>> -> memref<64x16xf32, #tpu.memory_space<vmem_shared>>
      %dma_start3A_155 = arith.constant 0 : i32
      %dma_start3A_156 = tpu.memref_slice %arg13[%add3A_114, %dma_start3A_155] : memref<10240x16xf32, #tpu.memory_space<vmem_shared>> -> memref<64x16xf32, #tpu.memory_space<vmem_shared>>
      tpu.enqueue_dma source(%dma_start3A_156 : memref<64x16xf32, #tpu.memory_space<vmem_shared>>) target(%arg12 : memref<64x16xf32, #tpu.memory_space<vmem>>) target_semaphore(%run_scoped3A : memref<!tpu.dma_semaphore, #tpu.memory_space<semaphore_mem>>)
      %dma_wait3A_157 = arith.constant 0 : i32
      %dma_wait3A_158 = tpu.memref_slice %arg13[%add3A_114, %dma_wait3A_157] : memref<10240x16xf32, #tpu.memory_space<vmem_shared>> -> memref<64x16xf32, #tpu.memory_space<vmem_shared>>
      %dma_wait3A_159 = arith.constant 0 : i32
      %dma_wait3A_160 = tpu.memref_slice %arg13[%add3A_114, %dma_wait3A_159] : memref<10240x16xf32, #tpu.memory_space<vmem_shared>> -> memref<64x16xf32, #tpu.memory_space<vmem_shared>>
      tpu.wait_dma2 semaphore(%run_scoped3A : memref<!tpu.dma_semaphore, #tpu.memory_space<semaphore_mem>>) src(%dma_wait3A_160 : memref<64x16xf32, #tpu.memory_space<vmem_shared>>) dst(%arg12 : memref<64x16xf32, #tpu.memory_space<vmem>>)
      tpu.yield
    }) : () -> ()
    %mul3A_115 = arith.constant 10240 : i32
    %mul3A_116 = arith.muli %arg0, %mul3A_115 : i32
    %add3A_117 = arith.addi %mul3A_116, %add3A_114 : i32
    "tpu.region"() ({
      %run_scoped3A = tpu.sem_alloc : memref<!tpu.dma_semaphore, #tpu.memory_space<semaphore_mem>>
      %dma_start3A_153 = arith.constant 0 : i32
      %dma_start3A_154 = tpu.memref_slice %arg5[%add3A_117, %dma_start3A_153] : memref<20480x16xf32, #tpu.memory_space<hbm>> -> memref<64x16xf32, #tpu.memory_space<hbm>>
      %dma_start3A_155 = arith.constant 0 : i32
      %dma_start3A_156 = tpu.memref_slice %arg5[%add3A_117, %dma_start3A_155] : memref<20480x16xf32, #tpu.memory_space<hbm>> -> memref<64x16xf32, #tpu.memory_space<hbm>>
      tpu.enqueue_dma source(%arg12 : memref<64x16xf32, #tpu.memory_space<vmem>>) target(%dma_start3A_156 : memref<64x16xf32, #tpu.memory_space<hbm>>) target_semaphore(%run_scoped3A : memref<!tpu.dma_semaphore, #tpu.memory_space<semaphore_mem>>)
      %dma_wait3A_157 = arith.constant 0 : i32
      %dma_wait3A_158 = tpu.memref_slice %arg5[%add3A_117, %dma_wait3A_157] : memref<20480x16xf32, #tpu.memory_space<hbm>> -> memref<64x16xf32, #tpu.memory_space<hbm>>
      %dma_wait3A_159 = arith.constant 0 : i32
      %dma_wait3A_160 = tpu.memref_slice %arg5[%add3A_117, %dma_wait3A_159] : memref<20480x16xf32, #tpu.memory_space<hbm>> -> memref<64x16xf32, #tpu.memory_space<hbm>>
      tpu.wait_dma2 semaphore(%run_scoped3A : memref<!tpu.dma_semaphore, #tpu.memory_space<semaphore_mem>>) src(%arg12 : memref<64x16xf32, #tpu.memory_space<vmem>>) dst(%dma_wait3A_160 : memref<64x16xf32, #tpu.memory_space<hbm>>)
      tpu.yield
    }) : () -> ()
    %mul3A_118 = arith.constant 640 : i32
    %mul3A_119 = arith.muli %arg1, %mul3A_118 : i32
    %add3A_120 = arith.constant 320 : i32
    %add3A_121 = arith.addi %mul3A_119, %add3A_120 : i32
    "tpu.region"() ({
      %run_scoped3A = tpu.sem_alloc : memref<!tpu.dma_semaphore, #tpu.memory_space<semaphore_mem>>
      %dma_start3A_153 = arith.constant 0 : i32
      %dma_start3A_154 = tpu.memref_slice %arg13[%add3A_121, %dma_start3A_153] : memref<10240x16xf32, #tpu.memory_space<vmem_shared>> -> memref<64x16xf32, #tpu.memory_space<vmem_shared>>
      %dma_start3A_155 = arith.constant 0 : i32
      %dma_start3A_156 = tpu.memref_slice %arg13[%add3A_121, %dma_start3A_155] : memref<10240x16xf32, #tpu.memory_space<vmem_shared>> -> memref<64x16xf32, #tpu.memory_space<vmem_shared>>
      tpu.enqueue_dma source(%dma_start3A_156 : memref<64x16xf32, #tpu.memory_space<vmem_shared>>) target(%arg12 : memref<64x16xf32, #tpu.memory_space<vmem>>) target_semaphore(%run_scoped3A : memref<!tpu.dma_semaphore, #tpu.memory_space<semaphore_mem>>)
      %dma_wait3A_157 = arith.constant 0 : i32
      %dma_wait3A_158 = tpu.memref_slice %arg13[%add3A_121, %dma_wait3A_157] : memref<10240x16xf32, #tpu.memory_space<vmem_shared>> -> memref<64x16xf32, #tpu.memory_space<vmem_shared>>
      %dma_wait3A_159 = arith.constant 0 : i32
      %dma_wait3A_160 = tpu.memref_slice %arg13[%add3A_121, %dma_wait3A_159] : memref<10240x16xf32, #tpu.memory_space<vmem_shared>> -> memref<64x16xf32, #tpu.memory_space<vmem_shared>>
      tpu.wait_dma2 semaphore(%run_scoped3A : memref<!tpu.dma_semaphore, #tpu.memory_space<semaphore_mem>>) src(%dma_wait3A_160 : memref<64x16xf32, #tpu.memory_space<vmem_shared>>) dst(%arg12 : memref<64x16xf32, #tpu.memory_space<vmem>>)
      tpu.yield
    }) : () -> ()
    %mul3A_122 = arith.constant 10240 : i32
    %mul3A_123 = arith.muli %arg0, %mul3A_122 : i32
    %add3A_124 = arith.addi %mul3A_123, %add3A_121 : i32
    "tpu.region"() ({
      %run_scoped3A = tpu.sem_alloc : memref<!tpu.dma_semaphore, #tpu.memory_space<semaphore_mem>>
      %dma_start3A_153 = arith.constant 0 : i32
      %dma_start3A_154 = tpu.memref_slice %arg5[%add3A_124, %dma_start3A_153] : memref<20480x16xf32, #tpu.memory_space<hbm>> -> memref<64x16xf32, #tpu.memory_space<hbm>>
      %dma_start3A_155 = arith.constant 0 : i32
      %dma_start3A_156 = tpu.memref_slice %arg5[%add3A_124, %dma_start3A_155] : memref<20480x16xf32, #tpu.memory_space<hbm>> -> memref<64x16xf32, #tpu.memory_space<hbm>>
      tpu.enqueue_dma source(%arg12 : memref<64x16xf32, #tpu.memory_space<vmem>>) target(%dma_start3A_156 : memref<64x16xf32, #tpu.memory_space<hbm>>) target_semaphore(%run_scoped3A : memref<!tpu.dma_semaphore, #tpu.memory_space<semaphore_mem>>)
      %dma_wait3A_157 = arith.constant 0 : i32
      %dma_wait3A_158 = tpu.memref_slice %arg5[%add3A_124, %dma_wait3A_157] : memref<20480x16xf32, #tpu.memory_space<hbm>> -> memref<64x16xf32, #tpu.memory_space<hbm>>
      %dma_wait3A_159 = arith.constant 0 : i32
      %dma_wait3A_160 = tpu.memref_slice %arg5[%add3A_124, %dma_wait3A_159] : memref<20480x16xf32, #tpu.memory_space<hbm>> -> memref<64x16xf32, #tpu.memory_space<hbm>>
      tpu.wait_dma2 semaphore(%run_scoped3A : memref<!tpu.dma_semaphore, #tpu.memory_space<semaphore_mem>>) src(%arg12 : memref<64x16xf32, #tpu.memory_space<vmem>>) dst(%dma_wait3A_160 : memref<64x16xf32, #tpu.memory_space<hbm>>)
      tpu.yield
    }) : () -> ()
    %mul3A_125 = arith.constant 640 : i32
    %mul3A_126 = arith.muli %arg1, %mul3A_125 : i32
    %add3A_127 = arith.constant 384 : i32
    %add3A_128 = arith.addi %mul3A_126, %add3A_127 : i32
    "tpu.region"() ({
      %run_scoped3A = tpu.sem_alloc : memref<!tpu.dma_semaphore, #tpu.memory_space<semaphore_mem>>
      %dma_start3A_153 = arith.constant 0 : i32
      %dma_start3A_154 = tpu.memref_slice %arg13[%add3A_128, %dma_start3A_153] : memref<10240x16xf32, #tpu.memory_space<vmem_shared>> -> memref<64x16xf32, #tpu.memory_space<vmem_shared>>
      %dma_start3A_155 = arith.constant 0 : i32
      %dma_start3A_156 = tpu.memref_slice %arg13[%add3A_128, %dma_start3A_155] : memref<10240x16xf32, #tpu.memory_space<vmem_shared>> -> memref<64x16xf32, #tpu.memory_space<vmem_shared>>
      tpu.enqueue_dma source(%dma_start3A_156 : memref<64x16xf32, #tpu.memory_space<vmem_shared>>) target(%arg12 : memref<64x16xf32, #tpu.memory_space<vmem>>) target_semaphore(%run_scoped3A : memref<!tpu.dma_semaphore, #tpu.memory_space<semaphore_mem>>)
      %dma_wait3A_157 = arith.constant 0 : i32
      %dma_wait3A_158 = tpu.memref_slice %arg13[%add3A_128, %dma_wait3A_157] : memref<10240x16xf32, #tpu.memory_space<vmem_shared>> -> memref<64x16xf32, #tpu.memory_space<vmem_shared>>
      %dma_wait3A_159 = arith.constant 0 : i32
      %dma_wait3A_160 = tpu.memref_slice %arg13[%add3A_128, %dma_wait3A_159] : memref<10240x16xf32, #tpu.memory_space<vmem_shared>> -> memref<64x16xf32, #tpu.memory_space<vmem_shared>>
      tpu.wait_dma2 semaphore(%run_scoped3A : memref<!tpu.dma_semaphore, #tpu.memory_space<semaphore_mem>>) src(%dma_wait3A_160 : memref<64x16xf32, #tpu.memory_space<vmem_shared>>) dst(%arg12 : memref<64x16xf32, #tpu.memory_space<vmem>>)
      tpu.yield
    }) : () -> ()
    %mul3A_129 = arith.constant 10240 : i32
    %mul3A_130 = arith.muli %arg0, %mul3A_129 : i32
    %add3A_131 = arith.addi %mul3A_130, %add3A_128 : i32
    "tpu.region"() ({
      %run_scoped3A = tpu.sem_alloc : memref<!tpu.dma_semaphore, #tpu.memory_space<semaphore_mem>>
      %dma_start3A_153 = arith.constant 0 : i32
      %dma_start3A_154 = tpu.memref_slice %arg5[%add3A_131, %dma_start3A_153] : memref<20480x16xf32, #tpu.memory_space<hbm>> -> memref<64x16xf32, #tpu.memory_space<hbm>>
      %dma_start3A_155 = arith.constant 0 : i32
      %dma_start3A_156 = tpu.memref_slice %arg5[%add3A_131, %dma_start3A_155] : memref<20480x16xf32, #tpu.memory_space<hbm>> -> memref<64x16xf32, #tpu.memory_space<hbm>>
      tpu.enqueue_dma source(%arg12 : memref<64x16xf32, #tpu.memory_space<vmem>>) target(%dma_start3A_156 : memref<64x16xf32, #tpu.memory_space<hbm>>) target_semaphore(%run_scoped3A : memref<!tpu.dma_semaphore, #tpu.memory_space<semaphore_mem>>)
      %dma_wait3A_157 = arith.constant 0 : i32
      %dma_wait3A_158 = tpu.memref_slice %arg5[%add3A_131, %dma_wait3A_157] : memref<20480x16xf32, #tpu.memory_space<hbm>> -> memref<64x16xf32, #tpu.memory_space<hbm>>
      %dma_wait3A_159 = arith.constant 0 : i32
      %dma_wait3A_160 = tpu.memref_slice %arg5[%add3A_131, %dma_wait3A_159] : memref<20480x16xf32, #tpu.memory_space<hbm>> -> memref<64x16xf32, #tpu.memory_space<hbm>>
      tpu.wait_dma2 semaphore(%run_scoped3A : memref<!tpu.dma_semaphore, #tpu.memory_space<semaphore_mem>>) src(%arg12 : memref<64x16xf32, #tpu.memory_space<vmem>>) dst(%dma_wait3A_160 : memref<64x16xf32, #tpu.memory_space<hbm>>)
      tpu.yield
    }) : () -> ()
    %mul3A_132 = arith.constant 640 : i32
    %mul3A_133 = arith.muli %arg1, %mul3A_132 : i32
    %add3A_134 = arith.constant 448 : i32
    %add3A_135 = arith.addi %mul3A_133, %add3A_134 : i32
    "tpu.region"() ({
      %run_scoped3A = tpu.sem_alloc : memref<!tpu.dma_semaphore, #tpu.memory_space<semaphore_mem>>
      %dma_start3A_153 = arith.constant 0 : i32
      %dma_start3A_154 = tpu.memref_slice %arg13[%add3A_135, %dma_start3A_153] : memref<10240x16xf32, #tpu.memory_space<vmem_shared>> -> memref<64x16xf32, #tpu.memory_space<vmem_shared>>
      %dma_start3A_155 = arith.constant 0 : i32
      %dma_start3A_156 = tpu.memref_slice %arg13[%add3A_135, %dma_start3A_155] : memref<10240x16xf32, #tpu.memory_space<vmem_shared>> -> memref<64x16xf32, #tpu.memory_space<vmem_shared>>
      tpu.enqueue_dma source(%dma_start3A_156 : memref<64x16xf32, #tpu.memory_space<vmem_shared>>) target(%arg12 : memref<64x16xf32, #tpu.memory_space<vmem>>) target_semaphore(%run_scoped3A : memref<!tpu.dma_semaphore, #tpu.memory_space<semaphore_mem>>)
      %dma_wait3A_157 = arith.constant 0 : i32
      %dma_wait3A_158 = tpu.memref_slice %arg13[%add3A_135, %dma_wait3A_157] : memref<10240x16xf32, #tpu.memory_space<vmem_shared>> -> memref<64x16xf32, #tpu.memory_space<vmem_shared>>
      %dma_wait3A_159 = arith.constant 0 : i32
      %dma_wait3A_160 = tpu.memref_slice %arg13[%add3A_135, %dma_wait3A_159] : memref<10240x16xf32, #tpu.memory_space<vmem_shared>> -> memref<64x16xf32, #tpu.memory_space<vmem_shared>>
      tpu.wait_dma2 semaphore(%run_scoped3A : memref<!tpu.dma_semaphore, #tpu.memory_space<semaphore_mem>>) src(%dma_wait3A_160 : memref<64x16xf32, #tpu.memory_space<vmem_shared>>) dst(%arg12 : memref<64x16xf32, #tpu.memory_space<vmem>>)
      tpu.yield
    }) : () -> ()
    %mul3A_136 = arith.constant 10240 : i32
    %mul3A_137 = arith.muli %arg0, %mul3A_136 : i32
    %add3A_138 = arith.addi %mul3A_137, %add3A_135 : i32
    "tpu.region"() ({
      %run_scoped3A = tpu.sem_alloc : memref<!tpu.dma_semaphore, #tpu.memory_space<semaphore_mem>>
      %dma_start3A_153 = arith.constant 0 : i32
      %dma_start3A_154 = tpu.memref_slice %arg5[%add3A_138, %dma_start3A_153] : memref<20480x16xf32, #tpu.memory_space<hbm>> -> memref<64x16xf32, #tpu.memory_space<hbm>>
      %dma_start3A_155 = arith.constant 0 : i32
      %dma_start3A_156 = tpu.memref_slice %arg5[%add3A_138, %dma_start3A_155] : memref<20480x16xf32, #tpu.memory_space<hbm>> -> memref<64x16xf32, #tpu.memory_space<hbm>>
      tpu.enqueue_dma source(%arg12 : memref<64x16xf32, #tpu.memory_space<vmem>>) target(%dma_start3A_156 : memref<64x16xf32, #tpu.memory_space<hbm>>) target_semaphore(%run_scoped3A : memref<!tpu.dma_semaphore, #tpu.memory_space<semaphore_mem>>)
      %dma_wait3A_157 = arith.constant 0 : i32
      %dma_wait3A_158 = tpu.memref_slice %arg5[%add3A_138, %dma_wait3A_157] : memref<20480x16xf32, #tpu.memory_space<hbm>> -> memref<64x16xf32, #tpu.memory_space<hbm>>
      %dma_wait3A_159 = arith.constant 0 : i32
      %dma_wait3A_160 = tpu.memref_slice %arg5[%add3A_138, %dma_wait3A_159] : memref<20480x16xf32, #tpu.memory_space<hbm>> -> memref<64x16xf32, #tpu.memory_space<hbm>>
      tpu.wait_dma2 semaphore(%run_scoped3A : memref<!tpu.dma_semaphore, #tpu.memory_space<semaphore_mem>>) src(%arg12 : memref<64x16xf32, #tpu.memory_space<vmem>>) dst(%dma_wait3A_160 : memref<64x16xf32, #tpu.memory_space<hbm>>)
      tpu.yield
    }) : () -> ()
    %mul3A_139 = arith.constant 640 : i32
    %mul3A_140 = arith.muli %arg1, %mul3A_139 : i32
    %add3A_141 = arith.constant 512 : i32
    %add3A_142 = arith.addi %mul3A_140, %add3A_141 : i32
    "tpu.region"() ({
      %run_scoped3A = tpu.sem_alloc : memref<!tpu.dma_semaphore, #tpu.memory_space<semaphore_mem>>
      %dma_start3A_153 = arith.constant 0 : i32
      %dma_start3A_154 = tpu.memref_slice %arg13[%add3A_142, %dma_start3A_153] : memref<10240x16xf32, #tpu.memory_space<vmem_shared>> -> memref<64x16xf32, #tpu.memory_space<vmem_shared>>
      %dma_start3A_155 = arith.constant 0 : i32
      %dma_start3A_156 = tpu.memref_slice %arg13[%add3A_142, %dma_start3A_155] : memref<10240x16xf32, #tpu.memory_space<vmem_shared>> -> memref<64x16xf32, #tpu.memory_space<vmem_shared>>
      tpu.enqueue_dma source(%dma_start3A_156 : memref<64x16xf32, #tpu.memory_space<vmem_shared>>) target(%arg12 : memref<64x16xf32, #tpu.memory_space<vmem>>) target_semaphore(%run_scoped3A : memref<!tpu.dma_semaphore, #tpu.memory_space<semaphore_mem>>)
      %dma_wait3A_157 = arith.constant 0 : i32
      %dma_wait3A_158 = tpu.memref_slice %arg13[%add3A_142, %dma_wait3A_157] : memref<10240x16xf32, #tpu.memory_space<vmem_shared>> -> memref<64x16xf32, #tpu.memory_space<vmem_shared>>
      %dma_wait3A_159 = arith.constant 0 : i32
      %dma_wait3A_160 = tpu.memref_slice %arg13[%add3A_142, %dma_wait3A_159] : memref<10240x16xf32, #tpu.memory_space<vmem_shared>> -> memref<64x16xf32, #tpu.memory_space<vmem_shared>>
      tpu.wait_dma2 semaphore(%run_scoped3A : memref<!tpu.dma_semaphore, #tpu.memory_space<semaphore_mem>>) src(%dma_wait3A_160 : memref<64x16xf32, #tpu.memory_space<vmem_shared>>) dst(%arg12 : memref<64x16xf32, #tpu.memory_space<vmem>>)
      tpu.yield
    }) : () -> ()
    %mul3A_143 = arith.constant 10240 : i32
    %mul3A_144 = arith.muli %arg0, %mul3A_143 : i32
    %add3A_145 = arith.addi %mul3A_144, %add3A_142 : i32
    "tpu.region"() ({
      %run_scoped3A = tpu.sem_alloc : memref<!tpu.dma_semaphore, #tpu.memory_space<semaphore_mem>>
      %dma_start3A_153 = arith.constant 0 : i32
      %dma_start3A_154 = tpu.memref_slice %arg5[%add3A_145, %dma_start3A_153] : memref<20480x16xf32, #tpu.memory_space<hbm>> -> memref<64x16xf32, #tpu.memory_space<hbm>>
      %dma_start3A_155 = arith.constant 0 : i32
      %dma_start3A_156 = tpu.memref_slice %arg5[%add3A_145, %dma_start3A_155] : memref<20480x16xf32, #tpu.memory_space<hbm>> -> memref<64x16xf32, #tpu.memory_space<hbm>>
      tpu.enqueue_dma source(%arg12 : memref<64x16xf32, #tpu.memory_space<vmem>>) target(%dma_start3A_156 : memref<64x16xf32, #tpu.memory_space<hbm>>) target_semaphore(%run_scoped3A : memref<!tpu.dma_semaphore, #tpu.memory_space<semaphore_mem>>)
      %dma_wait3A_157 = arith.constant 0 : i32
      %dma_wait3A_158 = tpu.memref_slice %arg5[%add3A_145, %dma_wait3A_157] : memref<20480x16xf32, #tpu.memory_space<hbm>> -> memref<64x16xf32, #tpu.memory_space<hbm>>
      %dma_wait3A_159 = arith.constant 0 : i32
      %dma_wait3A_160 = tpu.memref_slice %arg5[%add3A_145, %dma_wait3A_159] : memref<20480x16xf32, #tpu.memory_space<hbm>> -> memref<64x16xf32, #tpu.memory_space<hbm>>
      tpu.wait_dma2 semaphore(%run_scoped3A : memref<!tpu.dma_semaphore, #tpu.memory_space<semaphore_mem>>) src(%arg12 : memref<64x16xf32, #tpu.memory_space<vmem>>) dst(%dma_wait3A_160 : memref<64x16xf32, #tpu.memory_space<hbm>>)
      tpu.yield
    }) : () -> ()
    %mul3A_146 = arith.constant 640 : i32
    %mul3A_147 = arith.muli %arg1, %mul3A_146 : i32
    %add3A_148 = arith.constant 576 : i32
    %add3A_149 = arith.addi %mul3A_147, %add3A_148 : i32
    "tpu.region"() ({
      %run_scoped3A = tpu.sem_alloc : memref<!tpu.dma_semaphore, #tpu.memory_space<semaphore_mem>>
      %dma_start3A_153 = arith.constant 0 : i32
      %dma_start3A_154 = tpu.memref_slice %arg13[%add3A_149, %dma_start3A_153] : memref<10240x16xf32, #tpu.memory_space<vmem_shared>> -> memref<64x16xf32, #tpu.memory_space<vmem_shared>>
      %dma_start3A_155 = arith.constant 0 : i32
      %dma_start3A_156 = tpu.memref_slice %arg13[%add3A_149, %dma_start3A_155] : memref<10240x16xf32, #tpu.memory_space<vmem_shared>> -> memref<64x16xf32, #tpu.memory_space<vmem_shared>>
      tpu.enqueue_dma source(%dma_start3A_156 : memref<64x16xf32, #tpu.memory_space<vmem_shared>>) target(%arg12 : memref<64x16xf32, #tpu.memory_space<vmem>>) target_semaphore(%run_scoped3A : memref<!tpu.dma_semaphore, #tpu.memory_space<semaphore_mem>>)
      %dma_wait3A_157 = arith.constant 0 : i32
      %dma_wait3A_158 = tpu.memref_slice %arg13[%add3A_149, %dma_wait3A_157] : memref<10240x16xf32, #tpu.memory_space<vmem_shared>> -> memref<64x16xf32, #tpu.memory_space<vmem_shared>>
      %dma_wait3A_159 = arith.constant 0 : i32
      %dma_wait3A_160 = tpu.memref_slice %arg13[%add3A_149, %dma_wait3A_159] : memref<10240x16xf32, #tpu.memory_space<vmem_shared>> -> memref<64x16xf32, #tpu.memory_space<vmem_shared>>
      tpu.wait_dma2 semaphore(%run_scoped3A : memref<!tpu.dma_semaphore, #tpu.memory_space<semaphore_mem>>) src(%dma_wait3A_160 : memref<64x16xf32, #tpu.memory_space<vmem_shared>>) dst(%arg12 : memref<64x16xf32, #tpu.memory_space<vmem>>)
      tpu.yield
    }) : () -> ()
    %mul3A_150 = arith.constant 10240 : i32
    %mul3A_151 = arith.muli %arg0, %mul3A_150 : i32
    %add3A_152 = arith.addi %mul3A_151, %add3A_149 : i32
    "tpu.region"() ({
      %run_scoped3A = tpu.sem_alloc : memref<!tpu.dma_semaphore, #tpu.memory_space<semaphore_mem>>
      %dma_start3A_153 = arith.constant 0 : i32
      %dma_start3A_154 = tpu.memref_slice %arg5[%add3A_152, %dma_start3A_153] : memref<20480x16xf32, #tpu.memory_space<hbm>> -> memref<64x16xf32, #tpu.memory_space<hbm>>
      %dma_start3A_155 = arith.constant 0 : i32
      %dma_start3A_156 = tpu.memref_slice %arg5[%add3A_152, %dma_start3A_155] : memref<20480x16xf32, #tpu.memory_space<hbm>> -> memref<64x16xf32, #tpu.memory_space<hbm>>
      tpu.enqueue_dma source(%arg12 : memref<64x16xf32, #tpu.memory_space<vmem>>) target(%dma_start3A_156 : memref<64x16xf32, #tpu.memory_space<hbm>>) target_semaphore(%run_scoped3A : memref<!tpu.dma_semaphore, #tpu.memory_space<semaphore_mem>>)
      %dma_wait3A_157 = arith.constant 0 : i32
      %dma_wait3A_158 = tpu.memref_slice %arg5[%add3A_152, %dma_wait3A_157] : memref<20480x16xf32, #tpu.memory_space<hbm>> -> memref<64x16xf32, #tpu.memory_space<hbm>>
      %dma_wait3A_159 = arith.constant 0 : i32
      %dma_wait3A_160 = tpu.memref_slice %arg5[%add3A_152, %dma_wait3A_159] : memref<20480x16xf32, #tpu.memory_space<hbm>> -> memref<64x16xf32, #tpu.memory_space<hbm>>
      tpu.wait_dma2 semaphore(%run_scoped3A : memref<!tpu.dma_semaphore, #tpu.memory_space<semaphore_mem>>) src(%arg12 : memref<64x16xf32, #tpu.memory_space<vmem>>) dst(%dma_wait3A_160 : memref<64x16xf32, #tpu.memory_space<hbm>>)
      tpu.yield
    }) : () -> ()
    return
  }
}

#map = affine_map<(d0, d1) -> (0, 0)>
#map1 = affine_map<(d0, d1) -> (0)>
module attributes {stable_mosaic.version = 14 : i64} {
  func.func @k(%arg0: i32, %arg1: i32, %arg2: memref<10000x128xf32, #tpu.memory_space<hbm>>, %arg3: memref<10000x128xf32, #tpu.memory_space<hbm>>, %arg4: memref<320000xi32, #tpu.memory_space<hbm>>, %arg5: memref<320000xi32, #tpu.memory_space<hbm>>, %arg6: memref<320000x128xf32, #tpu.memory_space<hbm>>, %arg7: memref<320000x128xf32, #tpu.memory_space<hbm>>, %arg8: memref<10000xi32, #tpu.memory_space<vmem>>, %arg9: memref<10000xi32, #tpu.memory_space<vmem>>, %arg10: memref<128x128xf32, #tpu.memory_space<vmem>>, %arg11: memref<128x128xf32, #tpu.memory_space<vmem>>, %arg12: memref<128x128xf32, #tpu.memory_space<vmem>>, %arg13: memref<128x128xf32, #tpu.memory_space<vmem>>, %arg14: memref<128x128xf32, #tpu.memory_space<vmem>>, %arg15: memref<128x128xf32, #tpu.memory_space<vmem>>, %arg16: memref<16x128xf32, #tpu.memory_space<vmem>>, %arg17: memref<16x128xf32, #tpu.memory_space<vmem>>, %arg18: memref<!tpu.dma_semaphore, #tpu.memory_space<semaphore_mem>>, %arg19: memref<!tpu.dma_semaphore, #tpu.memory_space<semaphore_mem>>, %arg20: memref<!tpu.dma_semaphore, #tpu.memory_space<semaphore_mem>>, %arg21: memref<!tpu.dma_semaphore, #tpu.memory_space<semaphore_mem>>, %arg22: memref<!tpu.dma_semaphore, #tpu.memory_space<semaphore_mem>>, %arg23: memref<!tpu.dma_semaphore, #tpu.memory_space<semaphore_mem>>) attributes {dimension_semantics = [#tpu.dimension_semantics<core_parallel>, #tpu.dimension_semantics<subcore_parallel>], iteration_bounds = array<i64: 2, 16>, scalar_prefetch = 0 : i64, scratch_operands = 16 : i64, tpu.core_type = #tpu.core_type<sc_vector_subcore>, window_params = [{transform_indices = #map}, {transform_indices = #map}, {transform_indices = #map1}, {transform_indices = #map1}, {transform_indices = #map}, {transform_indices = #map}]} {
    %mul3A = arith.constant 2 : i32
    %mul3A_0 = arith.muli %arg1, %mul3A : i32
    %add3A = arith.addi %mul3A_0, %arg0 : i32
    %mul3A_1 = arith.constant 10000 : i32
    %mul3A_2 = arith.muli %add3A, %mul3A_1 : i32
    "tpu.region"() ({
      %run_scoped3A = tpu.sem_alloc : memref<!tpu.dma_semaphore, #tpu.memory_space<semaphore_mem>>
      %dma_start3A_92 = tpu.memref_slice %arg4[%mul3A_2] : memref<320000xi32, #tpu.memory_space<hbm>> -> memref<10000xi32, #tpu.memory_space<hbm>>
      %dma_start3A_93 = tpu.memref_slice %arg4[%mul3A_2] : memref<320000xi32, #tpu.memory_space<hbm>> -> memref<10000xi32, #tpu.memory_space<hbm>>
      tpu.enqueue_dma source(%dma_start3A_93 : memref<10000xi32, #tpu.memory_space<hbm>>) target(%arg8 : memref<10000xi32, #tpu.memory_space<vmem>>) target_semaphore(%run_scoped3A : memref<!tpu.dma_semaphore, #tpu.memory_space<semaphore_mem>>)
      %dma_wait3A_94 = tpu.memref_slice %arg4[%mul3A_2] : memref<320000xi32, #tpu.memory_space<hbm>> -> memref<10000xi32, #tpu.memory_space<hbm>>
      %dma_wait3A_95 = tpu.memref_slice %arg4[%mul3A_2] : memref<320000xi32, #tpu.memory_space<hbm>> -> memref<10000xi32, #tpu.memory_space<hbm>>
      tpu.wait_dma2 semaphore(%run_scoped3A : memref<!tpu.dma_semaphore, #tpu.memory_space<semaphore_mem>>) src(%dma_wait3A_95 : memref<10000xi32, #tpu.memory_space<hbm>>) dst(%arg8 : memref<10000xi32, #tpu.memory_space<vmem>>)
      tpu.yield
    }) : () -> ()
    "tpu.region"() ({
      %run_scoped3A = tpu.sem_alloc : memref<!tpu.dma_semaphore, #tpu.memory_space<semaphore_mem>>
      %dma_start3A_92 = tpu.memref_slice %arg5[%mul3A_2] : memref<320000xi32, #tpu.memory_space<hbm>> -> memref<10000xi32, #tpu.memory_space<hbm>>
      %dma_start3A_93 = tpu.memref_slice %arg5[%mul3A_2] : memref<320000xi32, #tpu.memory_space<hbm>> -> memref<10000xi32, #tpu.memory_space<hbm>>
      tpu.enqueue_dma source(%dma_start3A_93 : memref<10000xi32, #tpu.memory_space<hbm>>) target(%arg9 : memref<10000xi32, #tpu.memory_space<vmem>>) target_semaphore(%run_scoped3A : memref<!tpu.dma_semaphore, #tpu.memory_space<semaphore_mem>>)
      %dma_wait3A_94 = tpu.memref_slice %arg5[%mul3A_2] : memref<320000xi32, #tpu.memory_space<hbm>> -> memref<10000xi32, #tpu.memory_space<hbm>>
      %dma_wait3A_95 = tpu.memref_slice %arg5[%mul3A_2] : memref<320000xi32, #tpu.memory_space<hbm>> -> memref<10000xi32, #tpu.memory_space<hbm>>
      tpu.wait_dma2 semaphore(%run_scoped3A : memref<!tpu.dma_semaphore, #tpu.memory_space<semaphore_mem>>) src(%dma_wait3A_95 : memref<10000xi32, #tpu.memory_space<hbm>>) dst(%arg9 : memref<10000xi32, #tpu.memory_space<vmem>>)
      tpu.yield
    }) : () -> ()
    %dma_start3A = arith.constant 0 : i32
    %dma_start3A_3 = tpu.memref_slice %arg8[%dma_start3A] : memref<10000xi32, #tpu.memory_space<vmem>> -> memref<128xi32, #tpu.memory_space<vmem>>
    %dma_start3A_4 = arith.constant 0 : i32
    %dma_start3A_5 = arith.constant 0 : i32
    %dma_start3A_6 = tpu.memref_slice %arg2[%dma_start3A_4, %dma_start3A_5] : memref<10000x128xf32, #tpu.memory_space<hbm>> -> memref<10000x128xf32, #tpu.memory_space<hbm>>
    tpu.enqueue_indirect_dma source(%dma_start3A_6 : memref<10000x128xf32, #tpu.memory_space<hbm>>) target(%arg10 : memref<128x128xf32, #tpu.memory_space<vmem>>) offsets(%dma_start3A_3 : memref<128xi32, #tpu.memory_space<vmem>>) semaphore(%arg18 : memref<!tpu.dma_semaphore, #tpu.memory_space<semaphore_mem>>)
    %dma_start3A_7 = arith.constant 0 : i32
    %dma_start3A_8 = tpu.memref_slice %arg9[%dma_start3A_7] : memref<10000xi32, #tpu.memory_space<vmem>> -> memref<128xi32, #tpu.memory_space<vmem>>
    %dma_start3A_9 = arith.constant 0 : i32
    %dma_start3A_10 = arith.constant 0 : i32
    %dma_start3A_11 = tpu.memref_slice %arg3[%dma_start3A_9, %dma_start3A_10] : memref<10000x128xf32, #tpu.memory_space<hbm>> -> memref<10000x128xf32, #tpu.memory_space<hbm>>
    tpu.enqueue_indirect_dma source(%dma_start3A_11 : memref<10000x128xf32, #tpu.memory_space<hbm>>) target(%arg13 : memref<128x128xf32, #tpu.memory_space<vmem>>) offsets(%dma_start3A_8 : memref<128xi32, #tpu.memory_space<vmem>>) semaphore(%arg18 : memref<!tpu.dma_semaphore, #tpu.memory_space<semaphore_mem>>)
    %dma_start3A_12 = arith.constant 128 : i32
    %dma_start3A_13 = tpu.memref_slice %arg8[%dma_start3A_12] : memref<10000xi32, #tpu.memory_space<vmem>> -> memref<128xi32, #tpu.memory_space<vmem>>
    %dma_start3A_14 = arith.constant 0 : i32
    %dma_start3A_15 = arith.constant 0 : i32
    %dma_start3A_16 = tpu.memref_slice %arg2[%dma_start3A_14, %dma_start3A_15] : memref<10000x128xf32, #tpu.memory_space<hbm>> -> memref<10000x128xf32, #tpu.memory_space<hbm>>
    tpu.enqueue_indirect_dma source(%dma_start3A_16 : memref<10000x128xf32, #tpu.memory_space<hbm>>) target(%arg11 : memref<128x128xf32, #tpu.memory_space<vmem>>) offsets(%dma_start3A_13 : memref<128xi32, #tpu.memory_space<vmem>>) semaphore(%arg19 : memref<!tpu.dma_semaphore, #tpu.memory_space<semaphore_mem>>)
    %dma_start3A_17 = arith.constant 128 : i32
    %dma_start3A_18 = tpu.memref_slice %arg9[%dma_start3A_17] : memref<10000xi32, #tpu.memory_space<vmem>> -> memref<128xi32, #tpu.memory_space<vmem>>
    %dma_start3A_19 = arith.constant 0 : i32
    %dma_start3A_20 = arith.constant 0 : i32
    %dma_start3A_21 = tpu.memref_slice %arg3[%dma_start3A_19, %dma_start3A_20] : memref<10000x128xf32, #tpu.memory_space<hbm>> -> memref<10000x128xf32, #tpu.memory_space<hbm>>
    tpu.enqueue_indirect_dma source(%dma_start3A_21 : memref<10000x128xf32, #tpu.memory_space<hbm>>) target(%arg14 : memref<128x128xf32, #tpu.memory_space<vmem>>) offsets(%dma_start3A_18 : memref<128xi32, #tpu.memory_space<vmem>>) semaphore(%arg19 : memref<!tpu.dma_semaphore, #tpu.memory_space<semaphore_mem>>)
    %dma_start3A_22 = arith.constant 256 : i32
    %dma_start3A_23 = tpu.memref_slice %arg8[%dma_start3A_22] : memref<10000xi32, #tpu.memory_space<vmem>> -> memref<128xi32, #tpu.memory_space<vmem>>
    %dma_start3A_24 = arith.constant 0 : i32
    %dma_start3A_25 = arith.constant 0 : i32
    %dma_start3A_26 = tpu.memref_slice %arg2[%dma_start3A_24, %dma_start3A_25] : memref<10000x128xf32, #tpu.memory_space<hbm>> -> memref<10000x128xf32, #tpu.memory_space<hbm>>
    tpu.enqueue_indirect_dma source(%dma_start3A_26 : memref<10000x128xf32, #tpu.memory_space<hbm>>) target(%arg12 : memref<128x128xf32, #tpu.memory_space<vmem>>) offsets(%dma_start3A_23 : memref<128xi32, #tpu.memory_space<vmem>>) semaphore(%arg20 : memref<!tpu.dma_semaphore, #tpu.memory_space<semaphore_mem>>)
    %dma_start3A_27 = arith.constant 256 : i32
    %dma_start3A_28 = tpu.memref_slice %arg9[%dma_start3A_27] : memref<10000xi32, #tpu.memory_space<vmem>> -> memref<128xi32, #tpu.memory_space<vmem>>
    %dma_start3A_29 = arith.constant 0 : i32
    %dma_start3A_30 = arith.constant 0 : i32
    %dma_start3A_31 = tpu.memref_slice %arg3[%dma_start3A_29, %dma_start3A_30] : memref<10000x128xf32, #tpu.memory_space<hbm>> -> memref<10000x128xf32, #tpu.memory_space<hbm>>
    tpu.enqueue_indirect_dma source(%dma_start3A_31 : memref<10000x128xf32, #tpu.memory_space<hbm>>) target(%arg15 : memref<128x128xf32, #tpu.memory_space<vmem>>) offsets(%dma_start3A_28 : memref<128xi32, #tpu.memory_space<vmem>>) semaphore(%arg20 : memref<!tpu.dma_semaphore, #tpu.memory_space<semaphore_mem>>)
    %scan3A = arith.constant 0 : i32
    %scan3A_32 = arith.constant 0 : i32
    %scan3A_33 = arith.constant 26 : i32
    %scan3A_34 = arith.addi %scan3A_32, %scan3A_33 : i32
    %scan3A_35 = arith.constant 1 : i32
    scf.for %scan3A_92 = %scan3A_32 to %scan3A_34 step %scan3A_35  : i32 {
      %mul3A_93 = arith.constant 3 : i32
      %mul3A_94 = arith.muli %mul3A_93, %scan3A_92 : i32
      %add3A_95 = arith.constant 0 : i32
      %add3A_96 = arith.addi %mul3A_94, %add3A_95 : i32
      %mul3A_97 = arith.constant 128 : i32
      %mul3A_98 = arith.muli %add3A_96, %mul3A_97 : i32
      %dma_wait3A_99 = tpu.memref_slice %arg8[%mul3A_98] : memref<10000xi32, #tpu.memory_space<vmem>> -> memref<128xi32, #tpu.memory_space<vmem>>
      %dma_wait3A_100 = arith.constant 0 : i32
      %dma_wait3A_101 = arith.constant 0 : i32
      %dma_wait3A_102 = tpu.memref_slice %arg2[%dma_wait3A_100, %dma_wait3A_101] : memref<10000x128xf32, #tpu.memory_space<hbm>> -> memref<10000x128xf32, #tpu.memory_space<hbm>>
      tpu.wait_indirect_dma semaphore(%arg18 : memref<!tpu.dma_semaphore, #tpu.memory_space<semaphore_mem>>) src(%dma_wait3A_102 : memref<10000x128xf32, #tpu.memory_space<hbm>>) dst(%arg10 : memref<128x128xf32, #tpu.memory_space<vmem>>)
      %dma_wait3A_103 = tpu.memref_slice %arg9[%mul3A_98] : memref<10000xi32, #tpu.memory_space<vmem>> -> memref<128xi32, #tpu.memory_space<vmem>>
      %dma_wait3A_104 = arith.constant 0 : i32
      %dma_wait3A_105 = arith.constant 0 : i32
      %dma_wait3A_106 = tpu.memref_slice %arg3[%dma_wait3A_104, %dma_wait3A_105] : memref<10000x128xf32, #tpu.memory_space<hbm>> -> memref<10000x128xf32, #tpu.memory_space<hbm>>
      tpu.wait_indirect_dma semaphore(%arg18 : memref<!tpu.dma_semaphore, #tpu.memory_space<semaphore_mem>>) src(%dma_wait3A_106 : memref<10000x128xf32, #tpu.memory_space<hbm>>) dst(%arg13 : memref<128x128xf32, #tpu.memory_space<vmem>>)
      %parallel_loop3A_107 = arith.constant 0 : i32
      %parallel_loop3A_108 = arith.constant 128 : i32
      %parallel_loop3A_109 = arith.constant 1 : i32
      scf.for %parallel_loop3A_202 = %parallel_loop3A_107 to %parallel_loop3A_108 step %parallel_loop3A_109  : i32 {
        %parallel_loop3A_203 = arith.index_cast %parallel_loop3A_202 : i32 to index
        %parallel_loop3A_204 = arith.constant 0 : index
        %parallel_loop3A_205 = tpu.vector_load %arg10[%parallel_loop3A_203, %parallel_loop3A_204] {strides = array<i32>} : memref<128x128xf32, #tpu.memory_space<vmem>>, vector<1x16xf32>,
        %parallel_loop3A_206 = vector.shape_cast %parallel_loop3A_205 : vector<1x16xf32> to vector<16xf32>
        %parallel_loop3A_207 = arith.index_cast %parallel_loop3A_202 : i32 to index
        %parallel_loop3A_208 = arith.constant 0 : index
        %parallel_loop3A_209 = tpu.vector_load %arg13[%parallel_loop3A_207, %parallel_loop3A_208] {strides = array<i32>} : memref<128x128xf32, #tpu.memory_space<vmem>>, vector<1x16xf32>,
        %parallel_loop3A_210 = vector.shape_cast %parallel_loop3A_209 : vector<1x16xf32> to vector<16xf32>
        %parallel_loop3A_211 = arith.addf %parallel_loop3A_206, %parallel_loop3A_210 : vector<16xf32>
        %parallel_loop3A_212 = arith.index_cast %parallel_loop3A_202 : i32 to index
        %parallel_loop3A_213 = arith.constant 0 : index
        %parallel_loop3A_214 = tpu.vector_load %arg13[%parallel_loop3A_212, %parallel_loop3A_213] {strides = array<i32>} : memref<128x128xf32, #tpu.memory_space<vmem>>, vector<1x16xf32>,
        %parallel_loop3A_215 = vector.shape_cast %parallel_loop3A_214 : vector<1x16xf32> to vector<16xf32>
        %parallel_loop3A_216 = vector.shape_cast %parallel_loop3A_211 : vector<16xf32> to vector<1x16xf32>
        tpu.vector_store %arg13[%parallel_loop3A_212, %parallel_loop3A_213], %parallel_loop3A_216 {strides = array<i32>} : memref<128x128xf32, #tpu.memory_space<vmem>>, vector<1x16xf32>,
        %parallel_loop3A_217 = arith.index_cast %parallel_loop3A_202 : i32 to index
        %parallel_loop3A_218 = arith.constant 16 : index
        %parallel_loop3A_219 = tpu.vector_load %arg10[%parallel_loop3A_217, %parallel_loop3A_218] {strides = array<i32>} : memref<128x128xf32, #tpu.memory_space<vmem>>, vector<1x16xf32>,
        %parallel_loop3A_220 = vector.shape_cast %parallel_loop3A_219 : vector<1x16xf32> to vector<16xf32>
        %parallel_loop3A_221 = arith.index_cast %parallel_loop3A_202 : i32 to index
        %parallel_loop3A_222 = arith.constant 16 : index
        %parallel_loop3A_223 = tpu.vector_load %arg13[%parallel_loop3A_221, %parallel_loop3A_222] {strides = array<i32>} : memref<128x128xf32, #tpu.memory_space<vmem>>, vector<1x16xf32>,
        %parallel_loop3A_224 = vector.shape_cast %parallel_loop3A_223 : vector<1x16xf32> to vector<16xf32>
        %parallel_loop3A_225 = arith.addf %parallel_loop3A_220, %parallel_loop3A_224 : vector<16xf32>
        %parallel_loop3A_226 = arith.index_cast %parallel_loop3A_202 : i32 to index
        %parallel_loop3A_227 = arith.constant 16 : index
        %parallel_loop3A_228 = tpu.vector_load %arg13[%parallel_loop3A_226, %parallel_loop3A_227] {strides = array<i32>} : memref<128x128xf32, #tpu.memory_space<vmem>>, vector<1x16xf32>,
        %parallel_loop3A_229 = vector.shape_cast %parallel_loop3A_228 : vector<1x16xf32> to vector<16xf32>
        %parallel_loop3A_230 = vector.shape_cast %parallel_loop3A_225 : vector<16xf32> to vector<1x16xf32>
        tpu.vector_store %arg13[%parallel_loop3A_226, %parallel_loop3A_227], %parallel_loop3A_230 {strides = array<i32>} : memref<128x128xf32, #tpu.memory_space<vmem>>, vector<1x16xf32>,
        %parallel_loop3A_231 = arith.index_cast %parallel_loop3A_202 : i32 to index
        %parallel_loop3A_232 = arith.constant 32 : index
        %parallel_loop3A_233 = tpu.vector_load %arg10[%parallel_loop3A_231, %parallel_loop3A_232] {strides = array<i32>} : memref<128x128xf32, #tpu.memory_space<vmem>>, vector<1x16xf32>,
        %parallel_loop3A_234 = vector.shape_cast %parallel_loop3A_233 : vector<1x16xf32> to vector<16xf32>
        %parallel_loop3A_235 = arith.index_cast %parallel_loop3A_202 : i32 to index
        %parallel_loop3A_236 = arith.constant 32 : index
        %parallel_loop3A_237 = tpu.vector_load %arg13[%parallel_loop3A_235, %parallel_loop3A_236] {strides = array<i32>} : memref<128x128xf32, #tpu.memory_space<vmem>>, vector<1x16xf32>,
        %parallel_loop3A_238 = vector.shape_cast %parallel_loop3A_237 : vector<1x16xf32> to vector<16xf32>
        %parallel_loop3A_239 = arith.addf %parallel_loop3A_234, %parallel_loop3A_238 : vector<16xf32>
        %parallel_loop3A_240 = arith.index_cast %parallel_loop3A_202 : i32 to index
        %parallel_loop3A_241 = arith.constant 32 : index
        %parallel_loop3A_242 = tpu.vector_load %arg13[%parallel_loop3A_240, %parallel_loop3A_241] {strides = array<i32>} : memref<128x128xf32, #tpu.memory_space<vmem>>, vector<1x16xf32>,
        %parallel_loop3A_243 = vector.shape_cast %parallel_loop3A_242 : vector<1x16xf32> to vector<16xf32>
        %parallel_loop3A_244 = vector.shape_cast %parallel_loop3A_239 : vector<16xf32> to vector<1x16xf32>
        tpu.vector_store %arg13[%parallel_loop3A_240, %parallel_loop3A_241], %parallel_loop3A_244 {strides = array<i32>} : memref<128x128xf32, #tpu.memory_space<vmem>>, vector<1x16xf32>,
        %parallel_loop3A_245 = arith.index_cast %parallel_loop3A_202 : i32 to index
        %parallel_loop3A_246 = arith.constant 48 : index
        %parallel_loop3A_247 = tpu.vector_load %arg10[%parallel_loop3A_245, %parallel_loop3A_246] {strides = array<i32>} : memref<128x128xf32, #tpu.memory_space<vmem>>, vector<1x16xf32>,
        %parallel_loop3A_248 = vector.shape_cast %parallel_loop3A_247 : vector<1x16xf32> to vector<16xf32>
        %parallel_loop3A_249 = arith.index_cast %parallel_loop3A_202 : i32 to index
        %parallel_loop3A_250 = arith.constant 48 : index
        %parallel_loop3A_251 = tpu.vector_load %arg13[%parallel_loop3A_249, %parallel_loop3A_250] {strides = array<i32>} : memref<128x128xf32, #tpu.memory_space<vmem>>, vector<1x16xf32>,
        %parallel_loop3A_252 = vector.shape_cast %parallel_loop3A_251 : vector<1x16xf32> to vector<16xf32>
        %parallel_loop3A_253 = arith.addf %parallel_loop3A_248, %parallel_loop3A_252 : vector<16xf32>
        %parallel_loop3A_254 = arith.index_cast %parallel_loop3A_202 : i32 to index
        %parallel_loop3A_255 = arith.constant 48 : index
        %parallel_loop3A_256 = tpu.vector_load %arg13[%parallel_loop3A_254, %parallel_loop3A_255] {strides = array<i32>} : memref<128x128xf32, #tpu.memory_space<vmem>>, vector<1x16xf32>,
        %parallel_loop3A_257 = vector.shape_cast %parallel_loop3A_256 : vector<1x16xf32> to vector<16xf32>
        %parallel_loop3A_258 = vector.shape_cast %parallel_loop3A_253 : vector<16xf32> to vector<1x16xf32>
        tpu.vector_store %arg13[%parallel_loop3A_254, %parallel_loop3A_255], %parallel_loop3A_258 {strides = array<i32>} : memref<128x128xf32, #tpu.memory_space<vmem>>, vector<1x16xf32>,
        %parallel_loop3A_259 = arith.index_cast %parallel_loop3A_202 : i32 to index
        %parallel_loop3A_260 = arith.constant 64 : index
        %parallel_loop3A_261 = tpu.vector_load %arg10[%parallel_loop3A_259, %parallel_loop3A_260] {strides = array<i32>} : memref<128x128xf32, #tpu.memory_space<vmem>>, vector<1x16xf32>,
        %parallel_loop3A_262 = vector.shape_cast %parallel_loop3A_261 : vector<1x16xf32> to vector<16xf32>
        %parallel_loop3A_263 = arith.index_cast %parallel_loop3A_202 : i32 to index
        %parallel_loop3A_264 = arith.constant 64 : index
        %parallel_loop3A_265 = tpu.vector_load %arg13[%parallel_loop3A_263, %parallel_loop3A_264] {strides = array<i32>} : memref<128x128xf32, #tpu.memory_space<vmem>>, vector<1x16xf32>,
        %parallel_loop3A_266 = vector.shape_cast %parallel_loop3A_265 : vector<1x16xf32> to vector<16xf32>
        %parallel_loop3A_267 = arith.addf %parallel_loop3A_262, %parallel_loop3A_266 : vector<16xf32>
        %parallel_loop3A_268 = arith.index_cast %parallel_loop3A_202 : i32 to index
        %parallel_loop3A_269 = arith.constant 64 : index
        %parallel_loop3A_270 = tpu.vector_load %arg13[%parallel_loop3A_268, %parallel_loop3A_269] {strides = array<i32>} : memref<128x128xf32, #tpu.memory_space<vmem>>, vector<1x16xf32>,
        %parallel_loop3A_271 = vector.shape_cast %parallel_loop3A_270 : vector<1x16xf32> to vector<16xf32>
        %parallel_loop3A_272 = vector.shape_cast %parallel_loop3A_267 : vector<16xf32> to vector<1x16xf32>
        tpu.vector_store %arg13[%parallel_loop3A_268, %parallel_loop3A_269], %parallel_loop3A_272 {strides = array<i32>} : memref<128x128xf32, #tpu.memory_space<vmem>>, vector<1x16xf32>,
        %parallel_loop3A_273 = arith.index_cast %parallel_loop3A_202 : i32 to index
        %parallel_loop3A_274 = arith.constant 80 : index
        %parallel_loop3A_275 = tpu.vector_load %arg10[%parallel_loop3A_273, %parallel_loop3A_274] {strides = array<i32>} : memref<128x128xf32, #tpu.memory_space<vmem>>, vector<1x16xf32>,
        %parallel_loop3A_276 = vector.shape_cast %parallel_loop3A_275 : vector<1x16xf32> to vector<16xf32>
        %parallel_loop3A_277 = arith.index_cast %parallel_loop3A_202 : i32 to index
        %parallel_loop3A_278 = arith.constant 80 : index
        %parallel_loop3A_279 = tpu.vector_load %arg13[%parallel_loop3A_277, %parallel_loop3A_278] {strides = array<i32>} : memref<128x128xf32, #tpu.memory_space<vmem>>, vector<1x16xf32>,
        %parallel_loop3A_280 = vector.shape_cast %parallel_loop3A_279 : vector<1x16xf32> to vector<16xf32>
        %parallel_loop3A_281 = arith.addf %parallel_loop3A_276, %parallel_loop3A_280 : vector<16xf32>
        %parallel_loop3A_282 = arith.index_cast %parallel_loop3A_202 : i32 to index
        %parallel_loop3A_283 = arith.constant 80 : index
        %parallel_loop3A_284 = tpu.vector_load %arg13[%parallel_loop3A_282, %parallel_loop3A_283] {strides = array<i32>} : memref<128x128xf32, #tpu.memory_space<vmem>>, vector<1x16xf32>,
        %parallel_loop3A_285 = vector.shape_cast %parallel_loop3A_284 : vector<1x16xf32> to vector<16xf32>
        %parallel_loop3A_286 = vector.shape_cast %parallel_loop3A_281 : vector<16xf32> to vector<1x16xf32>
        tpu.vector_store %arg13[%parallel_loop3A_282, %parallel_loop3A_283], %parallel_loop3A_286 {strides = array<i32>} : memref<128x128xf32, #tpu.memory_space<vmem>>, vector<1x16xf32>,
        %parallel_loop3A_287 = arith.index_cast %parallel_loop3A_202 : i32 to index
        %parallel_loop3A_288 = arith.constant 96 : index
        %parallel_loop3A_289 = tpu.vector_load %arg10[%parallel_loop3A_287, %parallel_loop3A_288] {strides = array<i32>} : memref<128x128xf32, #tpu.memory_space<vmem>>, vector<1x16xf32>,
        %parallel_loop3A_290 = vector.shape_cast %parallel_loop3A_289 : vector<1x16xf32> to vector<16xf32>
        %parallel_loop3A_291 = arith.index_cast %parallel_loop3A_202 : i32 to index
        %parallel_loop3A_292 = arith.constant 96 : index
        %parallel_loop3A_293 = tpu.vector_load %arg13[%parallel_loop3A_291, %parallel_loop3A_292] {strides = array<i32>} : memref<128x128xf32, #tpu.memory_space<vmem>>, vector<1x16xf32>,
        %parallel_loop3A_294 = vector.shape_cast %parallel_loop3A_293 : vector<1x16xf32> to vector<16xf32>
        %parallel_loop3A_295 = arith.addf %parallel_loop3A_290, %parallel_loop3A_294 : vector<16xf32>
        %parallel_loop3A_296 = arith.index_cast %parallel_loop3A_202 : i32 to index
        %parallel_loop3A_297 = arith.constant 96 : index
        %parallel_loop3A_298 = tpu.vector_load %arg13[%parallel_loop3A_296, %parallel_loop3A_297] {strides = array<i32>} : memref<128x128xf32, #tpu.memory_space<vmem>>, vector<1x16xf32>,
        %parallel_loop3A_299 = vector.shape_cast %parallel_loop3A_298 : vector<1x16xf32> to vector<16xf32>
        %parallel_loop3A_300 = vector.shape_cast %parallel_loop3A_295 : vector<16xf32> to vector<1x16xf32>
        tpu.vector_store %arg13[%parallel_loop3A_296, %parallel_loop3A_297], %parallel_loop3A_300 {strides = array<i32>} : memref<128x128xf32, #tpu.memory_space<vmem>>, vector<1x16xf32>,
        %parallel_loop3A_301 = arith.index_cast %parallel_loop3A_202 : i32 to index
        %parallel_loop3A_302 = arith.constant 112 : index
        %parallel_loop3A_303 = tpu.vector_load %arg10[%parallel_loop3A_301, %parallel_loop3A_302] {strides = array<i32>} : memref<128x128xf32, #tpu.memory_space<vmem>>, vector<1x16xf32>,
        %parallel_loop3A_304 = vector.shape_cast %parallel_loop3A_303 : vector<1x16xf32> to vector<16xf32>
        %parallel_loop3A_305 = arith.index_cast %parallel_loop3A_202 : i32 to index
        %parallel_loop3A_306 = arith.constant 112 : index
        %parallel_loop3A_307 = tpu.vector_load %arg13[%parallel_loop3A_305, %parallel_loop3A_306] {strides = array<i32>} : memref<128x128xf32, #tpu.memory_space<vmem>>, vector<1x16xf32>,
        %parallel_loop3A_308 = vector.shape_cast %parallel_loop3A_307 : vector<1x16xf32> to vector<16xf32>
        %parallel_loop3A_309 = arith.addf %parallel_loop3A_304, %parallel_loop3A_308 : vector<16xf32>
        %parallel_loop3A_310 = arith.index_cast %parallel_loop3A_202 : i32 to index
        %parallel_loop3A_311 = arith.constant 112 : index
        %parallel_loop3A_312 = tpu.vector_load %arg13[%parallel_loop3A_310, %parallel_loop3A_311] {strides = array<i32>} : memref<128x128xf32, #tpu.memory_space<vmem>>, vector<1x16xf32>,
        %parallel_loop3A_313 = vector.shape_cast %parallel_loop3A_312 : vector<1x16xf32> to vector<16xf32>
        %parallel_loop3A_314 = vector.shape_cast %parallel_loop3A_309 : vector<16xf32> to vector<1x16xf32>
        tpu.vector_store %arg13[%parallel_loop3A_310, %parallel_loop3A_311], %parallel_loop3A_314 {strides = array<i32>} : memref<128x128xf32, #tpu.memory_space<vmem>>, vector<1x16xf32>,
      } {sc.loop_unroll_factor = 4 : i64, sc.parallel_access}
      %mul3A_110 = arith.constant 128 : i32
      %mul3A_111 = arith.muli %add3A_96, %mul3A_110 : i32
      %add3A_112 = arith.addi %mul3A_2, %mul3A_111 : i32
      %dma_start3A_113 = arith.constant 0 : i32
      %dma_start3A_114 = tpu.memref_slice %arg6[%add3A_112, %dma_start3A_113] : memref<320000x128xf32, #tpu.memory_space<hbm>> -> memref<128x128xf32, #tpu.memory_space<hbm>>
      %dma_start3A_115 = arith.constant 0 : i32
      %dma_start3A_116 = tpu.memref_slice %arg6[%add3A_112, %dma_start3A_115] : memref<320000x128xf32, #tpu.memory_space<hbm>> -> memref<128x128xf32, #tpu.memory_space<hbm>>
      tpu.enqueue_dma source(%arg10 : memref<128x128xf32, #tpu.memory_space<vmem>>) target(%dma_start3A_116 : memref<128x128xf32, #tpu.memory_space<hbm>>) target_semaphore(%arg21 : memref<!tpu.dma_semaphore, #tpu.memory_space<semaphore_mem>>)
      %dma_start3A_117 = arith.constant 0 : i32
      %dma_start3A_118 = tpu.memref_slice %arg7[%add3A_112, %dma_start3A_117] : memref<320000x128xf32, #tpu.memory_space<hbm>> -> memref<128x128xf32, #tpu.memory_space<hbm>>
      %dma_start3A_119 = arith.constant 0 : i32
      %dma_start3A_120 = tpu.memref_slice %arg7[%add3A_112, %dma_start3A_119] : memref<320000x128xf32, #tpu.memory_space<hbm>> -> memref<128x128xf32, #tpu.memory_space<hbm>>
      tpu.enqueue_dma source(%arg13 : memref<128x128xf32, #tpu.memory_space<vmem>>) target(%dma_start3A_120 : memref<128x128xf32, #tpu.memory_space<hbm>>) target_semaphore(%arg21 : memref<!tpu.dma_semaphore, #tpu.memory_space<semaphore_mem>>)
      %add3A_121 = arith.constant 2 : i32
      %add3A_122 = arith.addi %add3A_96, %add3A_121 : i32
      %ge3A = arith.constant 1 : i32
      %ge3A_123 = arith.cmpi sge, %add3A_96, %ge3A : i32
      %lt3A = arith.constant 78 : i32
      %lt3A_124 = arith.cmpi slt, %add3A_122, %lt3A : i32
      %and3A = arith.andi %ge3A_123, %lt3A_124 : i1
      %convert_element_type3A = arith.extui %and3A : i1 to i32
      %cond3A = arith.constant 0 : i32
      %cond3A_125 = arith.cmpi ne, %convert_element_type3A, %cond3A : i32
      scf.if %cond3A_125 {
        %sub3A = arith.constant 1 : i32
        %sub3A_202 = arith.subi %add3A_96, %sub3A : i32
        %mul3A_203 = arith.constant 128 : i32
        %mul3A_204 = arith.muli %sub3A_202, %mul3A_203 : i32
        %add3A_205 = arith.addi %mul3A_2, %mul3A_204 : i32
        %dma_wait3A_206 = arith.constant 0 : i32
        %dma_wait3A_207 = tpu.memref_slice %arg6[%add3A_205, %dma_wait3A_206] : memref<320000x128xf32, #tpu.memory_space<hbm>> -> memref<128x128xf32, #tpu.memory_space<hbm>>
        %dma_wait3A_208 = arith.constant 0 : i32
        %dma_wait3A_209 = tpu.memref_slice %arg6[%add3A_205, %dma_wait3A_208] : memref<320000x128xf32, #tpu.memory_space<hbm>> -> memref<128x128xf32, #tpu.memory_space<hbm>>
        tpu.wait_dma2 semaphore(%arg23 : memref<!tpu.dma_semaphore, #tpu.memory_space<semaphore_mem>>) src(%arg12 : memref<128x128xf32, #tpu.memory_space<vmem>>) dst(%dma_wait3A_209 : memref<128x128xf32, #tpu.memory_space<hbm>>)
        %dma_wait3A_210 = arith.constant 0 : i32
        %dma_wait3A_211 = tpu.memref_slice %arg7[%add3A_205, %dma_wait3A_210] : memref<320000x128xf32, #tpu.memory_space<hbm>> -> memref<128x128xf32, #tpu.memory_space<hbm>>
        %dma_wait3A_212 = arith.constant 0 : i32
        %dma_wait3A_213 = tpu.memref_slice %arg7[%add3A_205, %dma_wait3A_212] : memref<320000x128xf32, #tpu.memory_space<hbm>> -> memref<128x128xf32, #tpu.memory_space<hbm>>
        tpu.wait_dma2 semaphore(%arg23 : memref<!tpu.dma_semaphore, #tpu.memory_space<semaphore_mem>>) src(%arg15 : memref<128x128xf32, #tpu.memory_space<vmem>>) dst(%dma_wait3A_213 : memref<128x128xf32, #tpu.memory_space<hbm>>)
        %mul3A_214 = arith.constant 128 : i32
        %mul3A_215 = arith.muli %add3A_122, %mul3A_214 : i32
        %dma_start3A_216 = tpu.memref_slice %arg8[%mul3A_215] : memref<10000xi32, #tpu.memory_space<vmem>> -> memref<128xi32, #tpu.memory_space<vmem>>
        %dma_start3A_217 = arith.constant 0 : i32
        %dma_start3A_218 = arith.constant 0 : i32
        %dma_start3A_219 = tpu.memref_slice %arg2[%dma_start3A_217, %dma_start3A_218] : memref<10000x128xf32, #tpu.memory_space<hbm>> -> memref<10000x128xf32, #tpu.memory_space<hbm>>
        tpu.enqueue_indirect_dma source(%dma_start3A_219 : memref<10000x128xf32, #tpu.memory_space<hbm>>) target(%arg12 : memref<128x128xf32, #tpu.memory_space<vmem>>) offsets(%dma_start3A_216 : memref<128xi32, #tpu.memory_space<vmem>>) semaphore(%arg20 : memref<!tpu.dma_semaphore, #tpu.memory_space<semaphore_mem>>)
        %dma_start3A_220 = tpu.memref_slice %arg9[%mul3A_215] : memref<10000xi32, #tpu.memory_space<vmem>> -> memref<128xi32, #tpu.memory_space<vmem>>
        %dma_start3A_221 = arith.constant 0 : i32
        %dma_start3A_222 = arith.constant 0 : i32
        %dma_start3A_223 = tpu.memref_slice %arg3[%dma_start3A_221, %dma_start3A_222] : memref<10000x128xf32, #tpu.memory_space<hbm>> -> memref<10000x128xf32, #tpu.memory_space<hbm>>
        tpu.enqueue_indirect_dma source(%dma_start3A_223 : memref<10000x128xf32, #tpu.memory_space<hbm>>) target(%arg15 : memref<128x128xf32, #tpu.memory_space<vmem>>) offsets(%dma_start3A_220 : memref<128xi32, #tpu.memory_space<vmem>>) semaphore(%arg20 : memref<!tpu.dma_semaphore, #tpu.memory_space<semaphore_mem>>)
      } else {
      }
      %mul3A_126 = arith.constant 3 : i32
      %mul3A_127 = arith.muli %mul3A_126, %scan3A_92 : i32
      %add3A_128 = arith.constant 1 : i32
      %add3A_129 = arith.addi %mul3A_127, %add3A_128 : i32
      %mul3A_130 = arith.constant 128 : i32
      %mul3A_131 = arith.muli %add3A_129, %mul3A_130 : i32
      %dma_wait3A_132 = tpu.memref_slice %arg8[%mul3A_131] : memref<10000xi32, #tpu.memory_space<vmem>> -> memref<128xi32, #tpu.memory_space<vmem>>
      %dma_wait3A_133 = arith.constant 0 : i32
      %dma_wait3A_134 = arith.constant 0 : i32
      %dma_wait3A_135 = tpu.memref_slice %arg2[%dma_wait3A_133, %dma_wait3A_134] : memref<10000x128xf32, #tpu.memory_space<hbm>> -> memref<10000x128xf32, #tpu.memory_space<hbm>>
      tpu.wait_indirect_dma semaphore(%arg19 : memref<!tpu.dma_semaphore, #tpu.memory_space<semaphore_mem>>) src(%dma_wait3A_135 : memref<10000x128xf32, #tpu.memory_space<hbm>>) dst(%arg11 : memref<128x128xf32, #tpu.memory_space<vmem>>)
      %dma_wait3A_136 = tpu.memref_slice %arg9[%mul3A_131] : memref<10000xi32, #tpu.memory_space<vmem>> -> memref<128xi32, #tpu.memory_space<vmem>>
      %dma_wait3A_137 = arith.constant 0 : i32
      %dma_wait3A_138 = arith.constant 0 : i32
      %dma_wait3A_139 = tpu.memref_slice %arg3[%dma_wait3A_137, %dma_wait3A_138] : memref<10000x128xf32, #tpu.memory_space<hbm>> -> memref<10000x128xf32, #tpu.memory_space<hbm>>
      tpu.wait_indirect_dma semaphore(%arg19 : memref<!tpu.dma_semaphore, #tpu.memory_space<semaphore_mem>>) src(%dma_wait3A_139 : memref<10000x128xf32, #tpu.memory_space<hbm>>) dst(%arg14 : memref<128x128xf32, #tpu.memory_space<vmem>>)
      %parallel_loop3A_140 = arith.constant 0 : i32
      %parallel_loop3A_141 = arith.constant 128 : i32
      %parallel_loop3A_142 = arith.constant 1 : i32
      scf.for %parallel_loop3A_202 = %parallel_loop3A_140 to %parallel_loop3A_141 step %parallel_loop3A_142  : i32 {
        %parallel_loop3A_203 = arith.index_cast %parallel_loop3A_202 : i32 to index
        %parallel_loop3A_204 = arith.constant 0 : index
        %parallel_loop3A_205 = tpu.vector_load %arg11[%parallel_loop3A_203, %parallel_loop3A_204] {strides = array<i32>} : memref<128x128xf32, #tpu.memory_space<vmem>>, vector<1x16xf32>,
        %parallel_loop3A_206 = vector.shape_cast %parallel_loop3A_205 : vector<1x16xf32> to vector<16xf32>
        %parallel_loop3A_207 = arith.index_cast %parallel_loop3A_202 : i32 to index
        %parallel_loop3A_208 = arith.constant 0 : index
        %parallel_loop3A_209 = tpu.vector_load %arg14[%parallel_loop3A_207, %parallel_loop3A_208] {strides = array<i32>} : memref<128x128xf32, #tpu.memory_space<vmem>>, vector<1x16xf32>,
        %parallel_loop3A_210 = vector.shape_cast %parallel_loop3A_209 : vector<1x16xf32> to vector<16xf32>
        %parallel_loop3A_211 = arith.addf %parallel_loop3A_206, %parallel_loop3A_210 : vector<16xf32>
        %parallel_loop3A_212 = arith.index_cast %parallel_loop3A_202 : i32 to index
        %parallel_loop3A_213 = arith.constant 0 : index
        %parallel_loop3A_214 = tpu.vector_load %arg14[%parallel_loop3A_212, %parallel_loop3A_213] {strides = array<i32>} : memref<128x128xf32, #tpu.memory_space<vmem>>, vector<1x16xf32>,
        %parallel_loop3A_215 = vector.shape_cast %parallel_loop3A_214 : vector<1x16xf32> to vector<16xf32>
        %parallel_loop3A_216 = vector.shape_cast %parallel_loop3A_211 : vector<16xf32> to vector<1x16xf32>
        tpu.vector_store %arg14[%parallel_loop3A_212, %parallel_loop3A_213], %parallel_loop3A_216 {strides = array<i32>} : memref<128x128xf32, #tpu.memory_space<vmem>>, vector<1x16xf32>,
        %parallel_loop3A_217 = arith.index_cast %parallel_loop3A_202 : i32 to index
        %parallel_loop3A_218 = arith.constant 16 : index
        %parallel_loop3A_219 = tpu.vector_load %arg11[%parallel_loop3A_217, %parallel_loop3A_218] {strides = array<i32>} : memref<128x128xf32, #tpu.memory_space<vmem>>, vector<1x16xf32>,
        %parallel_loop3A_220 = vector.shape_cast %parallel_loop3A_219 : vector<1x16xf32> to vector<16xf32>
        %parallel_loop3A_221 = arith.index_cast %parallel_loop3A_202 : i32 to index
        %parallel_loop3A_222 = arith.constant 16 : index
        %parallel_loop3A_223 = tpu.vector_load %arg14[%parallel_loop3A_221, %parallel_loop3A_222] {strides = array<i32>} : memref<128x128xf32, #tpu.memory_space<vmem>>, vector<1x16xf32>,
        %parallel_loop3A_224 = vector.shape_cast %parallel_loop3A_223 : vector<1x16xf32> to vector<16xf32>
        %parallel_loop3A_225 = arith.addf %parallel_loop3A_220, %parallel_loop3A_224 : vector<16xf32>
        %parallel_loop3A_226 = arith.index_cast %parallel_loop3A_202 : i32 to index
        %parallel_loop3A_227 = arith.constant 16 : index
        %parallel_loop3A_228 = tpu.vector_load %arg14[%parallel_loop3A_226, %parallel_loop3A_227] {strides = array<i32>} : memref<128x128xf32, #tpu.memory_space<vmem>>, vector<1x16xf32>,
        %parallel_loop3A_229 = vector.shape_cast %parallel_loop3A_228 : vector<1x16xf32> to vector<16xf32>
        %parallel_loop3A_230 = vector.shape_cast %parallel_loop3A_225 : vector<16xf32> to vector<1x16xf32>
        tpu.vector_store %arg14[%parallel_loop3A_226, %parallel_loop3A_227], %parallel_loop3A_230 {strides = array<i32>} : memref<128x128xf32, #tpu.memory_space<vmem>>, vector<1x16xf32>,
        %parallel_loop3A_231 = arith.index_cast %parallel_loop3A_202 : i32 to index
        %parallel_loop3A_232 = arith.constant 32 : index
        %parallel_loop3A_233 = tpu.vector_load %arg11[%parallel_loop3A_231, %parallel_loop3A_232] {strides = array<i32>} : memref<128x128xf32, #tpu.memory_space<vmem>>, vector<1x16xf32>,
        %parallel_loop3A_234 = vector.shape_cast %parallel_loop3A_233 : vector<1x16xf32> to vector<16xf32>
        %parallel_loop3A_235 = arith.index_cast %parallel_loop3A_202 : i32 to index
        %parallel_loop3A_236 = arith.constant 32 : index
        %parallel_loop3A_237 = tpu.vector_load %arg14[%parallel_loop3A_235, %parallel_loop3A_236] {strides = array<i32>} : memref<128x128xf32, #tpu.memory_space<vmem>>, vector<1x16xf32>,
        %parallel_loop3A_238 = vector.shape_cast %parallel_loop3A_237 : vector<1x16xf32> to vector<16xf32>
        %parallel_loop3A_239 = arith.addf %parallel_loop3A_234, %parallel_loop3A_238 : vector<16xf32>
        %parallel_loop3A_240 = arith.index_cast %parallel_loop3A_202 : i32 to index
        %parallel_loop3A_241 = arith.constant 32 : index
        %parallel_loop3A_242 = tpu.vector_load %arg14[%parallel_loop3A_240, %parallel_loop3A_241] {strides = array<i32>} : memref<128x128xf32, #tpu.memory_space<vmem>>, vector<1x16xf32>,
        %parallel_loop3A_243 = vector.shape_cast %parallel_loop3A_242 : vector<1x16xf32> to vector<16xf32>
        %parallel_loop3A_244 = vector.shape_cast %parallel_loop3A_239 : vector<16xf32> to vector<1x16xf32>
        tpu.vector_store %arg14[%parallel_loop3A_240, %parallel_loop3A_241], %parallel_loop3A_244 {strides = array<i32>} : memref<128x128xf32, #tpu.memory_space<vmem>>, vector<1x16xf32>,
        %parallel_loop3A_245 = arith.index_cast %parallel_loop3A_202 : i32 to index
        %parallel_loop3A_246 = arith.constant 48 : index
        %parallel_loop3A_247 = tpu.vector_load %arg11[%parallel_loop3A_245, %parallel_loop3A_246] {strides = array<i32>} : memref<128x128xf32, #tpu.memory_space<vmem>>, vector<1x16xf32>,
        %parallel_loop3A_248 = vector.shape_cast %parallel_loop3A_247 : vector<1x16xf32> to vector<16xf32>
        %parallel_loop3A_249 = arith.index_cast %parallel_loop3A_202 : i32 to index
        %parallel_loop3A_250 = arith.constant 48 : index
        %parallel_loop3A_251 = tpu.vector_load %arg14[%parallel_loop3A_249, %parallel_loop3A_250] {strides = array<i32>} : memref<128x128xf32, #tpu.memory_space<vmem>>, vector<1x16xf32>,
        %parallel_loop3A_252 = vector.shape_cast %parallel_loop3A_251 : vector<1x16xf32> to vector<16xf32>
        %parallel_loop3A_253 = arith.addf %parallel_loop3A_248, %parallel_loop3A_252 : vector<16xf32>
        %parallel_loop3A_254 = arith.index_cast %parallel_loop3A_202 : i32 to index
        %parallel_loop3A_255 = arith.constant 48 : index
        %parallel_loop3A_256 = tpu.vector_load %arg14[%parallel_loop3A_254, %parallel_loop3A_255] {strides = array<i32>} : memref<128x128xf32, #tpu.memory_space<vmem>>, vector<1x16xf32>,
        %parallel_loop3A_257 = vector.shape_cast %parallel_loop3A_256 : vector<1x16xf32> to vector<16xf32>
        %parallel_loop3A_258 = vector.shape_cast %parallel_loop3A_253 : vector<16xf32> to vector<1x16xf32>
        tpu.vector_store %arg14[%parallel_loop3A_254, %parallel_loop3A_255], %parallel_loop3A_258 {strides = array<i32>} : memref<128x128xf32, #tpu.memory_space<vmem>>, vector<1x16xf32>,
        %parallel_loop3A_259 = arith.index_cast %parallel_loop3A_202 : i32 to index
        %parallel_loop3A_260 = arith.constant 64 : index
        %parallel_loop3A_261 = tpu.vector_load %arg11[%parallel_loop3A_259, %parallel_loop3A_260] {strides = array<i32>} : memref<128x128xf32, #tpu.memory_space<vmem>>, vector<1x16xf32>,
        %parallel_loop3A_262 = vector.shape_cast %parallel_loop3A_261 : vector<1x16xf32> to vector<16xf32>
        %parallel_loop3A_263 = arith.index_cast %parallel_loop3A_202 : i32 to index
        %parallel_loop3A_264 = arith.constant 64 : index
        %parallel_loop3A_265 = tpu.vector_load %arg14[%parallel_loop3A_263, %parallel_loop3A_264] {strides = array<i32>} : memref<128x128xf32, #tpu.memory_space<vmem>>, vector<1x16xf32>,
        %parallel_loop3A_266 = vector.shape_cast %parallel_loop3A_265 : vector<1x16xf32> to vector<16xf32>
        %parallel_loop3A_267 = arith.addf %parallel_loop3A_262, %parallel_loop3A_266 : vector<16xf32>
        %parallel_loop3A_268 = arith.index_cast %parallel_loop3A_202 : i32 to index
        %parallel_loop3A_269 = arith.constant 64 : index
        %parallel_loop3A_270 = tpu.vector_load %arg14[%parallel_loop3A_268, %parallel_loop3A_269] {strides = array<i32>} : memref<128x128xf32, #tpu.memory_space<vmem>>, vector<1x16xf32>,
        %parallel_loop3A_271 = vector.shape_cast %parallel_loop3A_270 : vector<1x16xf32> to vector<16xf32>
        %parallel_loop3A_272 = vector.shape_cast %parallel_loop3A_267 : vector<16xf32> to vector<1x16xf32>
        tpu.vector_store %arg14[%parallel_loop3A_268, %parallel_loop3A_269], %parallel_loop3A_272 {strides = array<i32>} : memref<128x128xf32, #tpu.memory_space<vmem>>, vector<1x16xf32>,
        %parallel_loop3A_273 = arith.index_cast %parallel_loop3A_202 : i32 to index
        %parallel_loop3A_274 = arith.constant 80 : index
        %parallel_loop3A_275 = tpu.vector_load %arg11[%parallel_loop3A_273, %parallel_loop3A_274] {strides = array<i32>} : memref<128x128xf32, #tpu.memory_space<vmem>>, vector<1x16xf32>,
        %parallel_loop3A_276 = vector.shape_cast %parallel_loop3A_275 : vector<1x16xf32> to vector<16xf32>
        %parallel_loop3A_277 = arith.index_cast %parallel_loop3A_202 : i32 to index
        %parallel_loop3A_278 = arith.constant 80 : index
        %parallel_loop3A_279 = tpu.vector_load %arg14[%parallel_loop3A_277, %parallel_loop3A_278] {strides = array<i32>} : memref<128x128xf32, #tpu.memory_space<vmem>>, vector<1x16xf32>,
        %parallel_loop3A_280 = vector.shape_cast %parallel_loop3A_279 : vector<1x16xf32> to vector<16xf32>
        %parallel_loop3A_281 = arith.addf %parallel_loop3A_276, %parallel_loop3A_280 : vector<16xf32>
        %parallel_loop3A_282 = arith.index_cast %parallel_loop3A_202 : i32 to index
        %parallel_loop3A_283 = arith.constant 80 : index
        %parallel_loop3A_284 = tpu.vector_load %arg14[%parallel_loop3A_282, %parallel_loop3A_283] {strides = array<i32>} : memref<128x128xf32, #tpu.memory_space<vmem>>, vector<1x16xf32>,
        %parallel_loop3A_285 = vector.shape_cast %parallel_loop3A_284 : vector<1x16xf32> to vector<16xf32>
        %parallel_loop3A_286 = vector.shape_cast %parallel_loop3A_281 : vector<16xf32> to vector<1x16xf32>
        tpu.vector_store %arg14[%parallel_loop3A_282, %parallel_loop3A_283], %parallel_loop3A_286 {strides = array<i32>} : memref<128x128xf32, #tpu.memory_space<vmem>>, vector<1x16xf32>,
        %parallel_loop3A_287 = arith.index_cast %parallel_loop3A_202 : i32 to index
        %parallel_loop3A_288 = arith.constant 96 : index
        %parallel_loop3A_289 = tpu.vector_load %arg11[%parallel_loop3A_287, %parallel_loop3A_288] {strides = array<i32>} : memref<128x128xf32, #tpu.memory_space<vmem>>, vector<1x16xf32>,
        %parallel_loop3A_290 = vector.shape_cast %parallel_loop3A_289 : vector<1x16xf32> to vector<16xf32>
        %parallel_loop3A_291 = arith.index_cast %parallel_loop3A_202 : i32 to index
        %parallel_loop3A_292 = arith.constant 96 : index
        %parallel_loop3A_293 = tpu.vector_load %arg14[%parallel_loop3A_291, %parallel_loop3A_292] {strides = array<i32>} : memref<128x128xf32, #tpu.memory_space<vmem>>, vector<1x16xf32>,
        %parallel_loop3A_294 = vector.shape_cast %parallel_loop3A_293 : vector<1x16xf32> to vector<16xf32>
        %parallel_loop3A_295 = arith.addf %parallel_loop3A_290, %parallel_loop3A_294 : vector<16xf32>
        %parallel_loop3A_296 = arith.index_cast %parallel_loop3A_202 : i32 to index
        %parallel_loop3A_297 = arith.constant 96 : index
        %parallel_loop3A_298 = tpu.vector_load %arg14[%parallel_loop3A_296, %parallel_loop3A_297] {strides = array<i32>} : memref<128x128xf32, #tpu.memory_space<vmem>>, vector<1x16xf32>,
        %parallel_loop3A_299 = vector.shape_cast %parallel_loop3A_298 : vector<1x16xf32> to vector<16xf32>
        %parallel_loop3A_300 = vector.shape_cast %parallel_loop3A_295 : vector<16xf32> to vector<1x16xf32>
        tpu.vector_store %arg14[%parallel_loop3A_296, %parallel_loop3A_297], %parallel_loop3A_300 {strides = array<i32>} : memref<128x128xf32, #tpu.memory_space<vmem>>, vector<1x16xf32>,
        %parallel_loop3A_301 = arith.index_cast %parallel_loop3A_202 : i32 to index
        %parallel_loop3A_302 = arith.constant 112 : index
        %parallel_loop3A_303 = tpu.vector_load %arg11[%parallel_loop3A_301, %parallel_loop3A_302] {strides = array<i32>} : memref<128x128xf32, #tpu.memory_space<vmem>>, vector<1x16xf32>,
        %parallel_loop3A_304 = vector.shape_cast %parallel_loop3A_303 : vector<1x16xf32> to vector<16xf32>
        %parallel_loop3A_305 = arith.index_cast %parallel_loop3A_202 : i32 to index
        %parallel_loop3A_306 = arith.constant 112 : index
        %parallel_loop3A_307 = tpu.vector_load %arg14[%parallel_loop3A_305, %parallel_loop3A_306] {strides = array<i32>} : memref<128x128xf32, #tpu.memory_space<vmem>>, vector<1x16xf32>,
        %parallel_loop3A_308 = vector.shape_cast %parallel_loop3A_307 : vector<1x16xf32> to vector<16xf32>
        %parallel_loop3A_309 = arith.addf %parallel_loop3A_304, %parallel_loop3A_308 : vector<16xf32>
        %parallel_loop3A_310 = arith.index_cast %parallel_loop3A_202 : i32 to index
        %parallel_loop3A_311 = arith.constant 112 : index
        %parallel_loop3A_312 = tpu.vector_load %arg14[%parallel_loop3A_310, %parallel_loop3A_311] {strides = array<i32>} : memref<128x128xf32, #tpu.memory_space<vmem>>, vector<1x16xf32>,
        %parallel_loop3A_313 = vector.shape_cast %parallel_loop3A_312 : vector<1x16xf32> to vector<16xf32>
        %parallel_loop3A_314 = vector.shape_cast %parallel_loop3A_309 : vector<16xf32> to vector<1x16xf32>
        tpu.vector_store %arg14[%parallel_loop3A_310, %parallel_loop3A_311], %parallel_loop3A_314 {strides = array<i32>} : memref<128x128xf32, #tpu.memory_space<vmem>>, vector<1x16xf32>,
      } {sc.loop_unroll_factor = 4 : i64, sc.parallel_access}
      %mul3A_143 = arith.constant 128 : i32
      %mul3A_144 = arith.muli %add3A_129, %mul3A_143 : i32
      %add3A_145 = arith.addi %mul3A_2, %mul3A_144 : i32
      %dma_start3A_146 = arith.constant 0 : i32
      %dma_start3A_147 = tpu.memref_slice %arg6[%add3A_145, %dma_start3A_146] : memref<320000x128xf32, #tpu.memory_space<hbm>> -> memref<128x128xf32, #tpu.memory_space<hbm>>
      %dma_start3A_148 = arith.constant 0 : i32
      %dma_start3A_149 = tpu.memref_slice %arg6[%add3A_145, %dma_start3A_148] : memref<320000x128xf32, #tpu.memory_space<hbm>> -> memref<128x128xf32, #tpu.memory_space<hbm>>
      tpu.enqueue_dma source(%arg11 : memref<128x128xf32, #tpu.memory_space<vmem>>) target(%dma_start3A_149 : memref<128x128xf32, #tpu.memory_space<hbm>>) target_semaphore(%arg22 : memref<!tpu.dma_semaphore, #tpu.memory_space<semaphore_mem>>)
      %dma_start3A_150 = arith.constant 0 : i32
      %dma_start3A_151 = tpu.memref_slice %arg7[%add3A_145, %dma_start3A_150] : memref<320000x128xf32, #tpu.memory_space<hbm>> -> memref<128x128xf32, #tpu.memory_space<hbm>>
      %dma_start3A_152 = arith.constant 0 : i32
      %dma_start3A_153 = tpu.memref_slice %arg7[%add3A_145, %dma_start3A_152] : memref<320000x128xf32, #tpu.memory_space<hbm>> -> memref<128x128xf32, #tpu.memory_space<hbm>>
      tpu.enqueue_dma source(%arg14 : memref<128x128xf32, #tpu.memory_space<vmem>>) target(%dma_start3A_153 : memref<128x128xf32, #tpu.memory_space<hbm>>) target_semaphore(%arg22 : memref<!tpu.dma_semaphore, #tpu.memory_space<semaphore_mem>>)
      %add3A_154 = arith.constant 2 : i32
      %add3A_155 = arith.addi %add3A_129, %add3A_154 : i32
      %ge3A_156 = arith.constant 1 : i32
      %ge3A_157 = arith.cmpi sge, %add3A_129, %ge3A_156 : i32
      %lt3A_158 = arith.constant 78 : i32
      %lt3A_159 = arith.cmpi slt, %add3A_155, %lt3A_158 : i32
      %and3A_160 = arith.andi %ge3A_157, %lt3A_159 : i1
      %convert_element_type3A_161 = arith.extui %and3A_160 : i1 to i32
      %cond3A_162 = arith.constant 0 : i32
      %cond3A_163 = arith.cmpi ne, %convert_element_type3A_161, %cond3A_162 : i32
      scf.if %cond3A_163 {
        %sub3A = arith.constant 1 : i32
        %sub3A_202 = arith.subi %add3A_129, %sub3A : i32
        %mul3A_203 = arith.constant 128 : i32
        %mul3A_204 = arith.muli %sub3A_202, %mul3A_203 : i32
        %add3A_205 = arith.addi %mul3A_2, %mul3A_204 : i32
        %dma_wait3A_206 = arith.constant 0 : i32
        %dma_wait3A_207 = tpu.memref_slice %arg6[%add3A_205, %dma_wait3A_206] : memref<320000x128xf32, #tpu.memory_space<hbm>> -> memref<128x128xf32, #tpu.memory_space<hbm>>
        %dma_wait3A_208 = arith.constant 0 : i32
        %dma_wait3A_209 = tpu.memref_slice %arg6[%add3A_205, %dma_wait3A_208] : memref<320000x128xf32, #tpu.memory_space<hbm>> -> memref<128x128xf32, #tpu.memory_space<hbm>>
        tpu.wait_dma2 semaphore(%arg21 : memref<!tpu.dma_semaphore, #tpu.memory_space<semaphore_mem>>) src(%arg10 : memref<128x128xf32, #tpu.memory_space<vmem>>) dst(%dma_wait3A_209 : memref<128x128xf32, #tpu.memory_space<hbm>>)
        %dma_wait3A_210 = arith.constant 0 : i32
        %dma_wait3A_211 = tpu.memref_slice %arg7[%add3A_205, %dma_wait3A_210] : memref<320000x128xf32, #tpu.memory_space<hbm>> -> memref<128x128xf32, #tpu.memory_space<hbm>>
        %dma_wait3A_212 = arith.constant 0 : i32
        %dma_wait3A_213 = tpu.memref_slice %arg7[%add3A_205, %dma_wait3A_212] : memref<320000x128xf32, #tpu.memory_space<hbm>> -> memref<128x128xf32, #tpu.memory_space<hbm>>
        tpu.wait_dma2 semaphore(%arg21 : memref<!tpu.dma_semaphore, #tpu.memory_space<semaphore_mem>>) src(%arg13 : memref<128x128xf32, #tpu.memory_space<vmem>>) dst(%dma_wait3A_213 : memref<128x128xf32, #tpu.memory_space<hbm>>)
        %mul3A_214 = arith.constant 128 : i32
        %mul3A_215 = arith.muli %add3A_155, %mul3A_214 : i32
        %dma_start3A_216 = tpu.memref_slice %arg8[%mul3A_215] : memref<10000xi32, #tpu.memory_space<vmem>> -> memref<128xi32, #tpu.memory_space<vmem>>
        %dma_start3A_217 = arith.constant 0 : i32
        %dma_start3A_218 = arith.constant 0 : i32
        %dma_start3A_219 = tpu.memref_slice %arg2[%dma_start3A_217, %dma_start3A_218] : memref<10000x128xf32, #tpu.memory_space<hbm>> -> memref<10000x128xf32, #tpu.memory_space<hbm>>
        tpu.enqueue_indirect_dma source(%dma_start3A_219 : memref<10000x128xf32, #tpu.memory_space<hbm>>) target(%arg10 : memref<128x128xf32, #tpu.memory_space<vmem>>) offsets(%dma_start3A_216 : memref<128xi32, #tpu.memory_space<vmem>>) semaphore(%arg18 : memref<!tpu.dma_semaphore, #tpu.memory_space<semaphore_mem>>)
        %dma_start3A_220 = tpu.memref_slice %arg9[%mul3A_215] : memref<10000xi32, #tpu.memory_space<vmem>> -> memref<128xi32, #tpu.memory_space<vmem>>
        %dma_start3A_221 = arith.constant 0 : i32
        %dma_start3A_222 = arith.constant 0 : i32
        %dma_start3A_223 = tpu.memref_slice %arg3[%dma_start3A_221, %dma_start3A_222] : memref<10000x128xf32, #tpu.memory_space<hbm>> -> memref<10000x128xf32, #tpu.memory_space<hbm>>
        tpu.enqueue_indirect_dma source(%dma_start3A_223 : memref<10000x128xf32, #tpu.memory_space<hbm>>) target(%arg13 : memref<128x128xf32, #tpu.memory_space<vmem>>) offsets(%dma_start3A_220 : memref<128xi32, #tpu.memory_space<vmem>>) semaphore(%arg18 : memref<!tpu.dma_semaphore, #tpu.memory_space<semaphore_mem>>)
      } else {
      }
      %mul3A_164 = arith.constant 3 : i32
      %mul3A_165 = arith.muli %mul3A_164, %scan3A_92 : i32
      %add3A_166 = arith.constant 2 : i32
      %add3A_167 = arith.addi %mul3A_165, %add3A_166 : i32
      %mul3A_168 = arith.constant 128 : i32
      %mul3A_169 = arith.muli %add3A_167, %mul3A_168 : i32
      %dma_wait3A_170 = tpu.memref_slice %arg8[%mul3A_169] : memref<10000xi32, #tpu.memory_space<vmem>> -> memref<128xi32, #tpu.memory_space<vmem>>
      %dma_wait3A_171 = arith.constant 0 : i32
      %dma_wait3A_172 = arith.constant 0 : i32
      %dma_wait3A_173 = tpu.memref_slice %arg2[%dma_wait3A_171, %dma_wait3A_172] : memref<10000x128xf32, #tpu.memory_space<hbm>> -> memref<10000x128xf32, #tpu.memory_space<hbm>>
      tpu.wait_indirect_dma semaphore(%arg20 : memref<!tpu.dma_semaphore, #tpu.memory_space<semaphore_mem>>) src(%dma_wait3A_173 : memref<10000x128xf32, #tpu.memory_space<hbm>>) dst(%arg12 : memref<128x128xf32, #tpu.memory_space<vmem>>)
      %dma_wait3A_174 = tpu.memref_slice %arg9[%mul3A_169] : memref<10000xi32, #tpu.memory_space<vmem>> -> memref<128xi32, #tpu.memory_space<vmem>>
      %dma_wait3A_175 = arith.constant 0 : i32
      %dma_wait3A_176 = arith.constant 0 : i32
      %dma_wait3A_177 = tpu.memref_slice %arg3[%dma_wait3A_175, %dma_wait3A_176] : memref<10000x128xf32, #tpu.memory_space<hbm>> -> memref<10000x128xf32, #tpu.memory_space<hbm>>
      tpu.wait_indirect_dma semaphore(%arg20 : memref<!tpu.dma_semaphore, #tpu.memory_space<semaphore_mem>>) src(%dma_wait3A_177 : memref<10000x128xf32, #tpu.memory_space<hbm>>) dst(%arg15 : memref<128x128xf32, #tpu.memory_space<vmem>>)
      %parallel_loop3A_178 = arith.constant 0 : i32
      %parallel_loop3A_179 = arith.constant 128 : i32
      %parallel_loop3A_180 = arith.constant 1 : i32
      scf.for %parallel_loop3A_202 = %parallel_loop3A_178 to %parallel_loop3A_179 step %parallel_loop3A_180  : i32 {
        %parallel_loop3A_203 = arith.index_cast %parallel_loop3A_202 : i32 to index
        %parallel_loop3A_204 = arith.constant 0 : index
        %parallel_loop3A_205 = tpu.vector_load %arg12[%parallel_loop3A_203, %parallel_loop3A_204] {strides = array<i32>} : memref<128x128xf32, #tpu.memory_space<vmem>>, vector<1x16xf32>,
        %parallel_loop3A_206 = vector.shape_cast %parallel_loop3A_205 : vector<1x16xf32> to vector<16xf32>
        %parallel_loop3A_207 = arith.index_cast %parallel_loop3A_202 : i32 to index
        %parallel_loop3A_208 = arith.constant 0 : index
        %parallel_loop3A_209 = tpu.vector_load %arg15[%parallel_loop3A_207, %parallel_loop3A_208] {strides = array<i32>} : memref<128x128xf32, #tpu.memory_space<vmem>>, vector<1x16xf32>,
        %parallel_loop3A_210 = vector.shape_cast %parallel_loop3A_209 : vector<1x16xf32> to vector<16xf32>
        %parallel_loop3A_211 = arith.addf %parallel_loop3A_206, %parallel_loop3A_210 : vector<16xf32>
        %parallel_loop3A_212 = arith.index_cast %parallel_loop3A_202 : i32 to index
        %parallel_loop3A_213 = arith.constant 0 : index
        %parallel_loop3A_214 = tpu.vector_load %arg15[%parallel_loop3A_212, %parallel_loop3A_213] {strides = array<i32>} : memref<128x128xf32, #tpu.memory_space<vmem>>, vector<1x16xf32>,
        %parallel_loop3A_215 = vector.shape_cast %parallel_loop3A_214 : vector<1x16xf32> to vector<16xf32>
        %parallel_loop3A_216 = vector.shape_cast %parallel_loop3A_211 : vector<16xf32> to vector<1x16xf32>
        tpu.vector_store %arg15[%parallel_loop3A_212, %parallel_loop3A_213], %parallel_loop3A_216 {strides = array<i32>} : memref<128x128xf32, #tpu.memory_space<vmem>>, vector<1x16xf32>,
        %parallel_loop3A_217 = arith.index_cast %parallel_loop3A_202 : i32 to index
        %parallel_loop3A_218 = arith.constant 16 : index
        %parallel_loop3A_219 = tpu.vector_load %arg12[%parallel_loop3A_217, %parallel_loop3A_218] {strides = array<i32>} : memref<128x128xf32, #tpu.memory_space<vmem>>, vector<1x16xf32>,
        %parallel_loop3A_220 = vector.shape_cast %parallel_loop3A_219 : vector<1x16xf32> to vector<16xf32>
        %parallel_loop3A_221 = arith.index_cast %parallel_loop3A_202 : i32 to index
        %parallel_loop3A_222 = arith.constant 16 : index
        %parallel_loop3A_223 = tpu.vector_load %arg15[%parallel_loop3A_221, %parallel_loop3A_222] {strides = array<i32>} : memref<128x128xf32, #tpu.memory_space<vmem>>, vector<1x16xf32>,
        %parallel_loop3A_224 = vector.shape_cast %parallel_loop3A_223 : vector<1x16xf32> to vector<16xf32>
        %parallel_loop3A_225 = arith.addf %parallel_loop3A_220, %parallel_loop3A_224 : vector<16xf32>
        %parallel_loop3A_226 = arith.index_cast %parallel_loop3A_202 : i32 to index
        %parallel_loop3A_227 = arith.constant 16 : index
        %parallel_loop3A_228 = tpu.vector_load %arg15[%parallel_loop3A_226, %parallel_loop3A_227] {strides = array<i32>} : memref<128x128xf32, #tpu.memory_space<vmem>>, vector<1x16xf32>,
        %parallel_loop3A_229 = vector.shape_cast %parallel_loop3A_228 : vector<1x16xf32> to vector<16xf32>
        %parallel_loop3A_230 = vector.shape_cast %parallel_loop3A_225 : vector<16xf32> to vector<1x16xf32>
        tpu.vector_store %arg15[%parallel_loop3A_226, %parallel_loop3A_227], %parallel_loop3A_230 {strides = array<i32>} : memref<128x128xf32, #tpu.memory_space<vmem>>, vector<1x16xf32>,
        %parallel_loop3A_231 = arith.index_cast %parallel_loop3A_202 : i32 to index
        %parallel_loop3A_232 = arith.constant 32 : index
        %parallel_loop3A_233 = tpu.vector_load %arg12[%parallel_loop3A_231, %parallel_loop3A_232] {strides = array<i32>} : memref<128x128xf32, #tpu.memory_space<vmem>>, vector<1x16xf32>,
        %parallel_loop3A_234 = vector.shape_cast %parallel_loop3A_233 : vector<1x16xf32> to vector<16xf32>
        %parallel_loop3A_235 = arith.index_cast %parallel_loop3A_202 : i32 to index
        %parallel_loop3A_236 = arith.constant 32 : index
        %parallel_loop3A_237 = tpu.vector_load %arg15[%parallel_loop3A_235, %parallel_loop3A_236] {strides = array<i32>} : memref<128x128xf32, #tpu.memory_space<vmem>>, vector<1x16xf32>,
        %parallel_loop3A_238 = vector.shape_cast %parallel_loop3A_237 : vector<1x16xf32> to vector<16xf32>
        %parallel_loop3A_239 = arith.addf %parallel_loop3A_234, %parallel_loop3A_238 : vector<16xf32>
        %parallel_loop3A_240 = arith.index_cast %parallel_loop3A_202 : i32 to index
        %parallel_loop3A_241 = arith.constant 32 : index
        %parallel_loop3A_242 = tpu.vector_load %arg15[%parallel_loop3A_240, %parallel_loop3A_241] {strides = array<i32>} : memref<128x128xf32, #tpu.memory_space<vmem>>, vector<1x16xf32>,
        %parallel_loop3A_243 = vector.shape_cast %parallel_loop3A_242 : vector<1x16xf32> to vector<16xf32>
        %parallel_loop3A_244 = vector.shape_cast %parallel_loop3A_239 : vector<16xf32> to vector<1x16xf32>
        tpu.vector_store %arg15[%parallel_loop3A_240, %parallel_loop3A_241], %parallel_loop3A_244 {strides = array<i32>} : memref<128x128xf32, #tpu.memory_space<vmem>>, vector<1x16xf32>,
        %parallel_loop3A_245 = arith.index_cast %parallel_loop3A_202 : i32 to index
        %parallel_loop3A_246 = arith.constant 48 : index
        %parallel_loop3A_247 = tpu.vector_load %arg12[%parallel_loop3A_245, %parallel_loop3A_246] {strides = array<i32>} : memref<128x128xf32, #tpu.memory_space<vmem>>, vector<1x16xf32>,
        %parallel_loop3A_248 = vector.shape_cast %parallel_loop3A_247 : vector<1x16xf32> to vector<16xf32>
        %parallel_loop3A_249 = arith.index_cast %parallel_loop3A_202 : i32 to index
        %parallel_loop3A_250 = arith.constant 48 : index
        %parallel_loop3A_251 = tpu.vector_load %arg15[%parallel_loop3A_249, %parallel_loop3A_250] {strides = array<i32>} : memref<128x128xf32, #tpu.memory_space<vmem>>, vector<1x16xf32>,
        %parallel_loop3A_252 = vector.shape_cast %parallel_loop3A_251 : vector<1x16xf32> to vector<16xf32>
        %parallel_loop3A_253 = arith.addf %parallel_loop3A_248, %parallel_loop3A_252 : vector<16xf32>
        %parallel_loop3A_254 = arith.index_cast %parallel_loop3A_202 : i32 to index
        %parallel_loop3A_255 = arith.constant 48 : index
        %parallel_loop3A_256 = tpu.vector_load %arg15[%parallel_loop3A_254, %parallel_loop3A_255] {strides = array<i32>} : memref<128x128xf32, #tpu.memory_space<vmem>>, vector<1x16xf32>,
        %parallel_loop3A_257 = vector.shape_cast %parallel_loop3A_256 : vector<1x16xf32> to vector<16xf32>
        %parallel_loop3A_258 = vector.shape_cast %parallel_loop3A_253 : vector<16xf32> to vector<1x16xf32>
        tpu.vector_store %arg15[%parallel_loop3A_254, %parallel_loop3A_255], %parallel_loop3A_258 {strides = array<i32>} : memref<128x128xf32, #tpu.memory_space<vmem>>, vector<1x16xf32>,
        %parallel_loop3A_259 = arith.index_cast %parallel_loop3A_202 : i32 to index
        %parallel_loop3A_260 = arith.constant 64 : index
        %parallel_loop3A_261 = tpu.vector_load %arg12[%parallel_loop3A_259, %parallel_loop3A_260] {strides = array<i32>} : memref<128x128xf32, #tpu.memory_space<vmem>>, vector<1x16xf32>,
        %parallel_loop3A_262 = vector.shape_cast %parallel_loop3A_261 : vector<1x16xf32> to vector<16xf32>
        %parallel_loop3A_263 = arith.index_cast %parallel_loop3A_202 : i32 to index
        %parallel_loop3A_264 = arith.constant 64 : index
        %parallel_loop3A_265 = tpu.vector_load %arg15[%parallel_loop3A_263, %parallel_loop3A_264] {strides = array<i32>} : memref<128x128xf32, #tpu.memory_space<vmem>>, vector<1x16xf32>,
        %parallel_loop3A_266 = vector.shape_cast %parallel_loop3A_265 : vector<1x16xf32> to vector<16xf32>
        %parallel_loop3A_267 = arith.addf %parallel_loop3A_262, %parallel_loop3A_266 : vector<16xf32>
        %parallel_loop3A_268 = arith.index_cast %parallel_loop3A_202 : i32 to index
        %parallel_loop3A_269 = arith.constant 64 : index
        %parallel_loop3A_270 = tpu.vector_load %arg15[%parallel_loop3A_268, %parallel_loop3A_269] {strides = array<i32>} : memref<128x128xf32, #tpu.memory_space<vmem>>, vector<1x16xf32>,
        %parallel_loop3A_271 = vector.shape_cast %parallel_loop3A_270 : vector<1x16xf32> to vector<16xf32>
        %parallel_loop3A_272 = vector.shape_cast %parallel_loop3A_267 : vector<16xf32> to vector<1x16xf32>
        tpu.vector_store %arg15[%parallel_loop3A_268, %parallel_loop3A_269], %parallel_loop3A_272 {strides = array<i32>} : memref<128x128xf32, #tpu.memory_space<vmem>>, vector<1x16xf32>,
        %parallel_loop3A_273 = arith.index_cast %parallel_loop3A_202 : i32 to index
        %parallel_loop3A_274 = arith.constant 80 : index
        %parallel_loop3A_275 = tpu.vector_load %arg12[%parallel_loop3A_273, %parallel_loop3A_274] {strides = array<i32>} : memref<128x128xf32, #tpu.memory_space<vmem>>, vector<1x16xf32>,
        %parallel_loop3A_276 = vector.shape_cast %parallel_loop3A_275 : vector<1x16xf32> to vector<16xf32>
        %parallel_loop3A_277 = arith.index_cast %parallel_loop3A_202 : i32 to index
        %parallel_loop3A_278 = arith.constant 80 : index
        %parallel_loop3A_279 = tpu.vector_load %arg15[%parallel_loop3A_277, %parallel_loop3A_278] {strides = array<i32>} : memref<128x128xf32, #tpu.memory_space<vmem>>, vector<1x16xf32>,
        %parallel_loop3A_280 = vector.shape_cast %parallel_loop3A_279 : vector<1x16xf32> to vector<16xf32>
        %parallel_loop3A_281 = arith.addf %parallel_loop3A_276, %parallel_loop3A_280 : vector<16xf32>
        %parallel_loop3A_282 = arith.index_cast %parallel_loop3A_202 : i32 to index
        %parallel_loop3A_283 = arith.constant 80 : index
        %parallel_loop3A_284 = tpu.vector_load %arg15[%parallel_loop3A_282, %parallel_loop3A_283] {strides = array<i32>} : memref<128x128xf32, #tpu.memory_space<vmem>>, vector<1x16xf32>,
        %parallel_loop3A_285 = vector.shape_cast %parallel_loop3A_284 : vector<1x16xf32> to vector<16xf32>
        %parallel_loop3A_286 = vector.shape_cast %parallel_loop3A_281 : vector<16xf32> to vector<1x16xf32>
        tpu.vector_store %arg15[%parallel_loop3A_282, %parallel_loop3A_283], %parallel_loop3A_286 {strides = array<i32>} : memref<128x128xf32, #tpu.memory_space<vmem>>, vector<1x16xf32>,
        %parallel_loop3A_287 = arith.index_cast %parallel_loop3A_202 : i32 to index
        %parallel_loop3A_288 = arith.constant 96 : index
        %parallel_loop3A_289 = tpu.vector_load %arg12[%parallel_loop3A_287, %parallel_loop3A_288] {strides = array<i32>} : memref<128x128xf32, #tpu.memory_space<vmem>>, vector<1x16xf32>,
        %parallel_loop3A_290 = vector.shape_cast %parallel_loop3A_289 : vector<1x16xf32> to vector<16xf32>
        %parallel_loop3A_291 = arith.index_cast %parallel_loop3A_202 : i32 to index
        %parallel_loop3A_292 = arith.constant 96 : index
        %parallel_loop3A_293 = tpu.vector_load %arg15[%parallel_loop3A_291, %parallel_loop3A_292] {strides = array<i32>} : memref<128x128xf32, #tpu.memory_space<vmem>>, vector<1x16xf32>,
        %parallel_loop3A_294 = vector.shape_cast %parallel_loop3A_293 : vector<1x16xf32> to vector<16xf32>
        %parallel_loop3A_295 = arith.addf %parallel_loop3A_290, %parallel_loop3A_294 : vector<16xf32>
        %parallel_loop3A_296 = arith.index_cast %parallel_loop3A_202 : i32 to index
        %parallel_loop3A_297 = arith.constant 96 : index
        %parallel_loop3A_298 = tpu.vector_load %arg15[%parallel_loop3A_296, %parallel_loop3A_297] {strides = array<i32>} : memref<128x128xf32, #tpu.memory_space<vmem>>, vector<1x16xf32>,
        %parallel_loop3A_299 = vector.shape_cast %parallel_loop3A_298 : vector<1x16xf32> to vector<16xf32>
        %parallel_loop3A_300 = vector.shape_cast %parallel_loop3A_295 : vector<16xf32> to vector<1x16xf32>
        tpu.vector_store %arg15[%parallel_loop3A_296, %parallel_loop3A_297], %parallel_loop3A_300 {strides = array<i32>} : memref<128x128xf32, #tpu.memory_space<vmem>>, vector<1x16xf32>,
        %parallel_loop3A_301 = arith.index_cast %parallel_loop3A_202 : i32 to index
        %parallel_loop3A_302 = arith.constant 112 : index
        %parallel_loop3A_303 = tpu.vector_load %arg12[%parallel_loop3A_301, %parallel_loop3A_302] {strides = array<i32>} : memref<128x128xf32, #tpu.memory_space<vmem>>, vector<1x16xf32>,
        %parallel_loop3A_304 = vector.shape_cast %parallel_loop3A_303 : vector<1x16xf32> to vector<16xf32>
        %parallel_loop3A_305 = arith.index_cast %parallel_loop3A_202 : i32 to index
        %parallel_loop3A_306 = arith.constant 112 : index
        %parallel_loop3A_307 = tpu.vector_load %arg15[%parallel_loop3A_305, %parallel_loop3A_306] {strides = array<i32>} : memref<128x128xf32, #tpu.memory_space<vmem>>, vector<1x16xf32>,
        %parallel_loop3A_308 = vector.shape_cast %parallel_loop3A_307 : vector<1x16xf32> to vector<16xf32>
        %parallel_loop3A_309 = arith.addf %parallel_loop3A_304, %parallel_loop3A_308 : vector<16xf32>
        %parallel_loop3A_310 = arith.index_cast %parallel_loop3A_202 : i32 to index
        %parallel_loop3A_311 = arith.constant 112 : index
        %parallel_loop3A_312 = tpu.vector_load %arg15[%parallel_loop3A_310, %parallel_loop3A_311] {strides = array<i32>} : memref<128x128xf32, #tpu.memory_space<vmem>>, vector<1x16xf32>,
        %parallel_loop3A_313 = vector.shape_cast %parallel_loop3A_312 : vector<1x16xf32> to vector<16xf32>
        %parallel_loop3A_314 = vector.shape_cast %parallel_loop3A_309 : vector<16xf32> to vector<1x16xf32>
        tpu.vector_store %arg15[%parallel_loop3A_310, %parallel_loop3A_311], %parallel_loop3A_314 {strides = array<i32>} : memref<128x128xf32, #tpu.memory_space<vmem>>, vector<1x16xf32>,
      } {sc.loop_unroll_factor = 4 : i64, sc.parallel_access}
      %mul3A_181 = arith.constant 128 : i32
      %mul3A_182 = arith.muli %add3A_167, %mul3A_181 : i32
      %add3A_183 = arith.addi %mul3A_2, %mul3A_182 : i32
      %dma_start3A_184 = arith.constant 0 : i32
      %dma_start3A_185 = tpu.memref_slice %arg6[%add3A_183, %dma_start3A_184] : memref<320000x128xf32, #tpu.memory_space<hbm>> -> memref<128x128xf32, #tpu.memory_space<hbm>>
      %dma_start3A_186 = arith.constant 0 : i32
      %dma_start3A_187 = tpu.memref_slice %arg6[%add3A_183, %dma_start3A_186] : memref<320000x128xf32, #tpu.memory_space<hbm>> -> memref<128x128xf32, #tpu.memory_space<hbm>>
      tpu.enqueue_dma source(%arg12 : memref<128x128xf32, #tpu.memory_space<vmem>>) target(%dma_start3A_187 : memref<128x128xf32, #tpu.memory_space<hbm>>) target_semaphore(%arg23 : memref<!tpu.dma_semaphore, #tpu.memory_space<semaphore_mem>>)
      %dma_start3A_188 = arith.constant 0 : i32
      %dma_start3A_189 = tpu.memref_slice %arg7[%add3A_183, %dma_start3A_188] : memref<320000x128xf32, #tpu.memory_space<hbm>> -> memref<128x128xf32, #tpu.memory_space<hbm>>
      %dma_start3A_190 = arith.constant 0 : i32
      %dma_start3A_191 = tpu.memref_slice %arg7[%add3A_183, %dma_start3A_190] : memref<320000x128xf32, #tpu.memory_space<hbm>> -> memref<128x128xf32, #tpu.memory_space<hbm>>
      tpu.enqueue_dma source(%arg15 : memref<128x128xf32, #tpu.memory_space<vmem>>) target(%dma_start3A_191 : memref<128x128xf32, #tpu.memory_space<hbm>>) target_semaphore(%arg23 : memref<!tpu.dma_semaphore, #tpu.memory_space<semaphore_mem>>)
      %add3A_192 = arith.constant 2 : i32
      %add3A_193 = arith.addi %add3A_167, %add3A_192 : i32
      %ge3A_194 = arith.constant 1 : i32
      %ge3A_195 = arith.cmpi sge, %add3A_167, %ge3A_194 : i32
      %lt3A_196 = arith.constant 78 : i32
      %lt3A_197 = arith.cmpi slt, %add3A_193, %lt3A_196 : i32
      %and3A_198 = arith.andi %ge3A_195, %lt3A_197 : i1
      %convert_element_type3A_199 = arith.extui %and3A_198 : i1 to i32
      %cond3A_200 = arith.constant 0 : i32
      %cond3A_201 = arith.cmpi ne, %convert_element_type3A_199, %cond3A_200 : i32
      scf.if %cond3A_201 {
        %sub3A = arith.constant 1 : i32
        %sub3A_202 = arith.subi %add3A_167, %sub3A : i32
        %mul3A_203 = arith.constant 128 : i32
        %mul3A_204 = arith.muli %sub3A_202, %mul3A_203 : i32
        %add3A_205 = arith.addi %mul3A_2, %mul3A_204 : i32
        %dma_wait3A_206 = arith.constant 0 : i32
        %dma_wait3A_207 = tpu.memref_slice %arg6[%add3A_205, %dma_wait3A_206] : memref<320000x128xf32, #tpu.memory_space<hbm>> -> memref<128x128xf32, #tpu.memory_space<hbm>>
        %dma_wait3A_208 = arith.constant 0 : i32
        %dma_wait3A_209 = tpu.memref_slice %arg6[%add3A_205, %dma_wait3A_208] : memref<320000x128xf32, #tpu.memory_space<hbm>> -> memref<128x128xf32, #tpu.memory_space<hbm>>
        tpu.wait_dma2 semaphore(%arg22 : memref<!tpu.dma_semaphore, #tpu.memory_space<semaphore_mem>>) src(%arg11 : memref<128x128xf32, #tpu.memory_space<vmem>>) dst(%dma_wait3A_209 : memref<128x128xf32, #tpu.memory_space<hbm>>)
        %dma_wait3A_210 = arith.constant 0 : i32
        %dma_wait3A_211 = tpu.memref_slice %arg7[%add3A_205, %dma_wait3A_210] : memref<320000x128xf32, #tpu.memory_space<hbm>> -> memref<128x128xf32, #tpu.memory_space<hbm>>
        %dma_wait3A_212 = arith.constant 0 : i32
        %dma_wait3A_213 = tpu.memref_slice %arg7[%add3A_205, %dma_wait3A_212] : memref<320000x128xf32, #tpu.memory_space<hbm>> -> memref<128x128xf32, #tpu.memory_space<hbm>>
        tpu.wait_dma2 semaphore(%arg22 : memref<!tpu.dma_semaphore, #tpu.memory_space<semaphore_mem>>) src(%arg14 : memref<128x128xf32, #tpu.memory_space<vmem>>) dst(%dma_wait3A_213 : memref<128x128xf32, #tpu.memory_space<hbm>>)
        %mul3A_214 = arith.constant 128 : i32
        %mul3A_215 = arith.muli %add3A_193, %mul3A_214 : i32
        %dma_start3A_216 = tpu.memref_slice %arg8[%mul3A_215] : memref<10000xi32, #tpu.memory_space<vmem>> -> memref<128xi32, #tpu.memory_space<vmem>>
        %dma_start3A_217 = arith.constant 0 : i32
        %dma_start3A_218 = arith.constant 0 : i32
        %dma_start3A_219 = tpu.memref_slice %arg2[%dma_start3A_217, %dma_start3A_218] : memref<10000x128xf32, #tpu.memory_space<hbm>> -> memref<10000x128xf32, #tpu.memory_space<hbm>>
        tpu.enqueue_indirect_dma source(%dma_start3A_219 : memref<10000x128xf32, #tpu.memory_space<hbm>>) target(%arg11 : memref<128x128xf32, #tpu.memory_space<vmem>>) offsets(%dma_start3A_216 : memref<128xi32, #tpu.memory_space<vmem>>) semaphore(%arg19 : memref<!tpu.dma_semaphore, #tpu.memory_space<semaphore_mem>>)
        %dma_start3A_220 = tpu.memref_slice %arg9[%mul3A_215] : memref<10000xi32, #tpu.memory_space<vmem>> -> memref<128xi32, #tpu.memory_space<vmem>>
        %dma_start3A_221 = arith.constant 0 : i32
        %dma_start3A_222 = arith.constant 0 : i32
        %dma_start3A_223 = tpu.memref_slice %arg3[%dma_start3A_221, %dma_start3A_222] : memref<10000x128xf32, #tpu.memory_space<hbm>> -> memref<10000x128xf32, #tpu.memory_space<hbm>>
        tpu.enqueue_indirect_dma source(%dma_start3A_223 : memref<10000x128xf32, #tpu.memory_space<hbm>>) target(%arg14 : memref<128x128xf32, #tpu.memory_space<vmem>>) offsets(%dma_start3A_220 : memref<128xi32, #tpu.memory_space<vmem>>) semaphore(%arg19 : memref<!tpu.dma_semaphore, #tpu.memory_space<semaphore_mem>>)
      } else {
      }
    }
    %scan3A_36 = arith.constant 26 : i32
    %add3A_37 = arith.constant 9600 : i32
    %add3A_38 = arith.addi %mul3A_2, %add3A_37 : i32
    %dma_wait3A = arith.constant 0 : i32
    %dma_wait3A_39 = tpu.memref_slice %arg6[%add3A_38, %dma_wait3A] : memref<320000x128xf32, #tpu.memory_space<hbm>> -> memref<128x128xf32, #tpu.memory_space<hbm>>
    %dma_wait3A_40 = arith.constant 0 : i32
    %dma_wait3A_41 = tpu.memref_slice %arg6[%add3A_38, %dma_wait3A_40] : memref<320000x128xf32, #tpu.memory_space<hbm>> -> memref<128x128xf32, #tpu.memory_space<hbm>>
    tpu.wait_dma2 semaphore(%arg21 : memref<!tpu.dma_semaphore, #tpu.memory_space<semaphore_mem>>) src(%arg10 : memref<128x128xf32, #tpu.memory_space<vmem>>) dst(%dma_wait3A_41 : memref<128x128xf32, #tpu.memory_space<hbm>>)
    %dma_wait3A_42 = arith.constant 0 : i32
    %dma_wait3A_43 = tpu.memref_slice %arg7[%add3A_38, %dma_wait3A_42] : memref<320000x128xf32, #tpu.memory_space<hbm>> -> memref<128x128xf32, #tpu.memory_space<hbm>>
    %dma_wait3A_44 = arith.constant 0 : i32
    %dma_wait3A_45 = tpu.memref_slice %arg7[%add3A_38, %dma_wait3A_44] : memref<320000x128xf32, #tpu.memory_space<hbm>> -> memref<128x128xf32, #tpu.memory_space<hbm>>
    tpu.wait_dma2 semaphore(%arg21 : memref<!tpu.dma_semaphore, #tpu.memory_space<semaphore_mem>>) src(%arg13 : memref<128x128xf32, #tpu.memory_space<vmem>>) dst(%dma_wait3A_45 : memref<128x128xf32, #tpu.memory_space<hbm>>)
    %add3A_46 = arith.constant 9728 : i32
    %add3A_47 = arith.addi %mul3A_2, %add3A_46 : i32
    %dma_wait3A_48 = arith.constant 0 : i32
    %dma_wait3A_49 = tpu.memref_slice %arg6[%add3A_47, %dma_wait3A_48] : memref<320000x128xf32, #tpu.memory_space<hbm>> -> memref<128x128xf32, #tpu.memory_space<hbm>>
    %dma_wait3A_50 = arith.constant 0 : i32
    %dma_wait3A_51 = tpu.memref_slice %arg6[%add3A_47, %dma_wait3A_50] : memref<320000x128xf32, #tpu.memory_space<hbm>> -> memref<128x128xf32, #tpu.memory_space<hbm>>
    tpu.wait_dma2 semaphore(%arg22 : memref<!tpu.dma_semaphore, #tpu.memory_space<semaphore_mem>>) src(%arg11 : memref<128x128xf32, #tpu.memory_space<vmem>>) dst(%dma_wait3A_51 : memref<128x128xf32, #tpu.memory_space<hbm>>)
    %dma_wait3A_52 = arith.constant 0 : i32
    %dma_wait3A_53 = tpu.memref_slice %arg7[%add3A_47, %dma_wait3A_52] : memref<320000x128xf32, #tpu.memory_space<hbm>> -> memref<128x128xf32, #tpu.memory_space<hbm>>
    %dma_wait3A_54 = arith.constant 0 : i32
    %dma_wait3A_55 = tpu.memref_slice %arg7[%add3A_47, %dma_wait3A_54] : memref<320000x128xf32, #tpu.memory_space<hbm>> -> memref<128x128xf32, #tpu.memory_space<hbm>>
    tpu.wait_dma2 semaphore(%arg22 : memref<!tpu.dma_semaphore, #tpu.memory_space<semaphore_mem>>) src(%arg14 : memref<128x128xf32, #tpu.memory_space<vmem>>) dst(%dma_wait3A_55 : memref<128x128xf32, #tpu.memory_space<hbm>>)
    %add3A_56 = arith.constant 9856 : i32
    %add3A_57 = arith.addi %mul3A_2, %add3A_56 : i32
    %dma_wait3A_58 = arith.constant 0 : i32
    %dma_wait3A_59 = tpu.memref_slice %arg6[%add3A_57, %dma_wait3A_58] : memref<320000x128xf32, #tpu.memory_space<hbm>> -> memref<128x128xf32, #tpu.memory_space<hbm>>
    %dma_wait3A_60 = arith.constant 0 : i32
    %dma_wait3A_61 = tpu.memref_slice %arg6[%add3A_57, %dma_wait3A_60] : memref<320000x128xf32, #tpu.memory_space<hbm>> -> memref<128x128xf32, #tpu.memory_space<hbm>>
    tpu.wait_dma2 semaphore(%arg23 : memref<!tpu.dma_semaphore, #tpu.memory_space<semaphore_mem>>) src(%arg12 : memref<128x128xf32, #tpu.memory_space<vmem>>) dst(%dma_wait3A_61 : memref<128x128xf32, #tpu.memory_space<hbm>>)
    %dma_wait3A_62 = arith.constant 0 : i32
    %dma_wait3A_63 = tpu.memref_slice %arg7[%add3A_57, %dma_wait3A_62] : memref<320000x128xf32, #tpu.memory_space<hbm>> -> memref<128x128xf32, #tpu.memory_space<hbm>>
    %dma_wait3A_64 = arith.constant 0 : i32
    %dma_wait3A_65 = tpu.memref_slice %arg7[%add3A_57, %dma_wait3A_64] : memref<320000x128xf32, #tpu.memory_space<hbm>> -> memref<128x128xf32, #tpu.memory_space<hbm>>
    tpu.wait_dma2 semaphore(%arg23 : memref<!tpu.dma_semaphore, #tpu.memory_space<semaphore_mem>>) src(%arg15 : memref<128x128xf32, #tpu.memory_space<vmem>>) dst(%dma_wait3A_65 : memref<128x128xf32, #tpu.memory_space<hbm>>)
    %dma_start3A_66 = arith.constant 9984 : i32
    %dma_start3A_67 = tpu.memref_slice %arg8[%dma_start3A_66] : memref<10000xi32, #tpu.memory_space<vmem>> -> memref<16xi32, #tpu.memory_space<vmem>>
    %dma_start3A_68 = arith.constant 0 : i32
    %dma_start3A_69 = arith.constant 0 : i32
    %dma_start3A_70 = tpu.memref_slice %arg2[%dma_start3A_68, %dma_start3A_69] : memref<10000x128xf32, #tpu.memory_space<hbm>> -> memref<10000x128xf32, #tpu.memory_space<hbm>>
    tpu.enqueue_indirect_dma source(%dma_start3A_70 : memref<10000x128xf32, #tpu.memory_space<hbm>>) target(%arg16 : memref<16x128xf32, #tpu.memory_space<vmem>>) offsets(%dma_start3A_67 : memref<16xi32, #tpu.memory_space<vmem>>) semaphore(%arg18 : memref<!tpu.dma_semaphore, #tpu.memory_space<semaphore_mem>>)
    %dma_start3A_71 = arith.constant 9984 : i32
    %dma_start3A_72 = tpu.memref_slice %arg9[%dma_start3A_71] : memref<10000xi32, #tpu.memory_space<vmem>> -> memref<16xi32, #tpu.memory_space<vmem>>
    %dma_start3A_73 = arith.constant 0 : i32
    %dma_start3A_74 = arith.constant 0 : i32
    %dma_start3A_75 = tpu.memref_slice %arg3[%dma_start3A_73, %dma_start3A_74] : memref<10000x128xf32, #tpu.memory_space<hbm>> -> memref<10000x128xf32, #tpu.memory_space<hbm>>
    tpu.enqueue_indirect_dma source(%dma_start3A_75 : memref<10000x128xf32, #tpu.memory_space<hbm>>) target(%arg17 : memref<16x128xf32, #tpu.memory_space<vmem>>) offsets(%dma_start3A_72 : memref<16xi32, #tpu.memory_space<vmem>>) semaphore(%arg19 : memref<!tpu.dma_semaphore, #tpu.memory_space<semaphore_mem>>)
    %dma_wait3A_76 = arith.constant 9984 : i32
    %dma_wait3A_77 = tpu.memref_slice %arg8[%dma_wait3A_76] : memref<10000xi32, #tpu.memory_space<vmem>> -> memref<16xi32, #tpu.memory_space<vmem>>
    %dma_wait3A_78 = arith.constant 0 : i32
    %dma_wait3A_79 = arith.constant 0 : i32
    %dma_wait3A_80 = tpu.memref_slice %arg2[%dma_wait3A_78, %dma_wait3A_79] : memref<10000x128xf32, #tpu.memory_space<hbm>> -> memref<10000x128xf32, #tpu.memory_space<hbm>>
    tpu.wait_indirect_dma semaphore(%arg18 : memref<!tpu.dma_semaphore, #tpu.memory_space<semaphore_mem>>) src(%dma_wait3A_80 : memref<10000x128xf32, #tpu.memory_space<hbm>>) dst(%arg16 : memref<16x128xf32, #tpu.memory_space<vmem>>)
    %dma_wait3A_81 = arith.constant 9984 : i32
    %dma_wait3A_82 = tpu.memref_slice %arg9[%dma_wait3A_81] : memref<10000xi32, #tpu.memory_space<vmem>> -> memref<16xi32, #tpu.memory_space<vmem>>
    %dma_wait3A_83 = arith.constant 0 : i32
    %dma_wait3A_84 = arith.constant 0 : i32
    %dma_wait3A_85 = tpu.memref_slice %arg3[%dma_wait3A_83, %dma_wait3A_84] : memref<10000x128xf32, #tpu.memory_space<hbm>> -> memref<10000x128xf32, #tpu.memory_space<hbm>>
    tpu.wait_indirect_dma semaphore(%arg19 : memref<!tpu.dma_semaphore, #tpu.memory_space<semaphore_mem>>) src(%dma_wait3A_85 : memref<10000x128xf32, #tpu.memory_space<hbm>>) dst(%arg17 : memref<16x128xf32, #tpu.memory_space<vmem>>)
    %parallel_loop3A = arith.constant 0 : i32
    %parallel_loop3A_86 = arith.constant 16 : i32
    %parallel_loop3A_87 = arith.constant 1 : i32
    scf.for %parallel_loop3A_92 = %parallel_loop3A to %parallel_loop3A_86 step %parallel_loop3A_87  : i32 {
      %parallel_loop3A_93 = arith.index_cast %parallel_loop3A_92 : i32 to index
      %parallel_loop3A_94 = arith.constant 0 : index
      %parallel_loop3A_95 = tpu.vector_load %arg16[%parallel_loop3A_93, %parallel_loop3A_94] {strides = array<i32>} : memref<16x128xf32, #tpu.memory_space<vmem>>, vector<1x16xf32>,
      %parallel_loop3A_96 = vector.shape_cast %parallel_loop3A_95 : vector<1x16xf32> to vector<16xf32>
      %parallel_loop3A_97 = arith.index_cast %parallel_loop3A_92 : i32 to index
      %parallel_loop3A_98 = arith.constant 0 : index
      %parallel_loop3A_99 = tpu.vector_load %arg17[%parallel_loop3A_97, %parallel_loop3A_98] {strides = array<i32>} : memref<16x128xf32, #tpu.memory_space<vmem>>, vector<1x16xf32>,
      %parallel_loop3A_100 = vector.shape_cast %parallel_loop3A_99 : vector<1x16xf32> to vector<16xf32>
      %parallel_loop3A_101 = arith.addf %parallel_loop3A_96, %parallel_loop3A_100 : vector<16xf32>
      %parallel_loop3A_102 = arith.index_cast %parallel_loop3A_92 : i32 to index
      %parallel_loop3A_103 = arith.constant 0 : index
      %parallel_loop3A_104 = tpu.vector_load %arg17[%parallel_loop3A_102, %parallel_loop3A_103] {strides = array<i32>} : memref<16x128xf32, #tpu.memory_space<vmem>>, vector<1x16xf32>,
      %parallel_loop3A_105 = vector.shape_cast %parallel_loop3A_104 : vector<1x16xf32> to vector<16xf32>
      %parallel_loop3A_106 = vector.shape_cast %parallel_loop3A_101 : vector<16xf32> to vector<1x16xf32>
      tpu.vector_store %arg17[%parallel_loop3A_102, %parallel_loop3A_103], %parallel_loop3A_106 {strides = array<i32>} : memref<16x128xf32, #tpu.memory_space<vmem>>, vector<1x16xf32>,
      %parallel_loop3A_107 = arith.index_cast %parallel_loop3A_92 : i32 to index
      %parallel_loop3A_108 = arith.constant 16 : index
      %parallel_loop3A_109 = tpu.vector_load %arg16[%parallel_loop3A_107, %parallel_loop3A_108] {strides = array<i32>} : memref<16x128xf32, #tpu.memory_space<vmem>>, vector<1x16xf32>,
      %parallel_loop3A_110 = vector.shape_cast %parallel_loop3A_109 : vector<1x16xf32> to vector<16xf32>
      %parallel_loop3A_111 = arith.index_cast %parallel_loop3A_92 : i32 to index
      %parallel_loop3A_112 = arith.constant 16 : index
      %parallel_loop3A_113 = tpu.vector_load %arg17[%parallel_loop3A_111, %parallel_loop3A_112] {strides = array<i32>} : memref<16x128xf32, #tpu.memory_space<vmem>>, vector<1x16xf32>,
      %parallel_loop3A_114 = vector.shape_cast %parallel_loop3A_113 : vector<1x16xf32> to vector<16xf32>
      %parallel_loop3A_115 = arith.addf %parallel_loop3A_110, %parallel_loop3A_114 : vector<16xf32>
      %parallel_loop3A_116 = arith.index_cast %parallel_loop3A_92 : i32 to index
      %parallel_loop3A_117 = arith.constant 16 : index
      %parallel_loop3A_118 = tpu.vector_load %arg17[%parallel_loop3A_116, %parallel_loop3A_117] {strides = array<i32>} : memref<16x128xf32, #tpu.memory_space<vmem>>, vector<1x16xf32>,
      %parallel_loop3A_119 = vector.shape_cast %parallel_loop3A_118 : vector<1x16xf32> to vector<16xf32>
      %parallel_loop3A_120 = vector.shape_cast %parallel_loop3A_115 : vector<16xf32> to vector<1x16xf32>
      tpu.vector_store %arg17[%parallel_loop3A_116, %parallel_loop3A_117], %parallel_loop3A_120 {strides = array<i32>} : memref<16x128xf32, #tpu.memory_space<vmem>>, vector<1x16xf32>,
      %parallel_loop3A_121 = arith.index_cast %parallel_loop3A_92 : i32 to index
      %parallel_loop3A_122 = arith.constant 32 : index
      %parallel_loop3A_123 = tpu.vector_load %arg16[%parallel_loop3A_121, %parallel_loop3A_122] {strides = array<i32>} : memref<16x128xf32, #tpu.memory_space<vmem>>, vector<1x16xf32>,
      %parallel_loop3A_124 = vector.shape_cast %parallel_loop3A_123 : vector<1x16xf32> to vector<16xf32>
      %parallel_loop3A_125 = arith.index_cast %parallel_loop3A_92 : i32 to index
      %parallel_loop3A_126 = arith.constant 32 : index
      %parallel_loop3A_127 = tpu.vector_load %arg17[%parallel_loop3A_125, %parallel_loop3A_126] {strides = array<i32>} : memref<16x128xf32, #tpu.memory_space<vmem>>, vector<1x16xf32>,
      %parallel_loop3A_128 = vector.shape_cast %parallel_loop3A_127 : vector<1x16xf32> to vector<16xf32>
      %parallel_loop3A_129 = arith.addf %parallel_loop3A_124, %parallel_loop3A_128 : vector<16xf32>
      %parallel_loop3A_130 = arith.index_cast %parallel_loop3A_92 : i32 to index
      %parallel_loop3A_131 = arith.constant 32 : index
      %parallel_loop3A_132 = tpu.vector_load %arg17[%parallel_loop3A_130, %parallel_loop3A_131] {strides = array<i32>} : memref<16x128xf32, #tpu.memory_space<vmem>>, vector<1x16xf32>,
      %parallel_loop3A_133 = vector.shape_cast %parallel_loop3A_132 : vector<1x16xf32> to vector<16xf32>
      %parallel_loop3A_134 = vector.shape_cast %parallel_loop3A_129 : vector<16xf32> to vector<1x16xf32>
      tpu.vector_store %arg17[%parallel_loop3A_130, %parallel_loop3A_131], %parallel_loop3A_134 {strides = array<i32>} : memref<16x128xf32, #tpu.memory_space<vmem>>, vector<1x16xf32>,
      %parallel_loop3A_135 = arith.index_cast %parallel_loop3A_92 : i32 to index
      %parallel_loop3A_136 = arith.constant 48 : index
      %parallel_loop3A_137 = tpu.vector_load %arg16[%parallel_loop3A_135, %parallel_loop3A_136] {strides = array<i32>} : memref<16x128xf32, #tpu.memory_space<vmem>>, vector<1x16xf32>,
      %parallel_loop3A_138 = vector.shape_cast %parallel_loop3A_137 : vector<1x16xf32> to vector<16xf32>
      %parallel_loop3A_139 = arith.index_cast %parallel_loop3A_92 : i32 to index
      %parallel_loop3A_140 = arith.constant 48 : index
      %parallel_loop3A_141 = tpu.vector_load %arg17[%parallel_loop3A_139, %parallel_loop3A_140] {strides = array<i32>} : memref<16x128xf32, #tpu.memory_space<vmem>>, vector<1x16xf32>,
      %parallel_loop3A_142 = vector.shape_cast %parallel_loop3A_141 : vector<1x16xf32> to vector<16xf32>
      %parallel_loop3A_143 = arith.addf %parallel_loop3A_138, %parallel_loop3A_142 : vector<16xf32>
      %parallel_loop3A_144 = arith.index_cast %parallel_loop3A_92 : i32 to index
      %parallel_loop3A_145 = arith.constant 48 : index
      %parallel_loop3A_146 = tpu.vector_load %arg17[%parallel_loop3A_144, %parallel_loop3A_145] {strides = array<i32>} : memref<16x128xf32, #tpu.memory_space<vmem>>, vector<1x16xf32>,
      %parallel_loop3A_147 = vector.shape_cast %parallel_loop3A_146 : vector<1x16xf32> to vector<16xf32>
      %parallel_loop3A_148 = vector.shape_cast %parallel_loop3A_143 : vector<16xf32> to vector<1x16xf32>
      tpu.vector_store %arg17[%parallel_loop3A_144, %parallel_loop3A_145], %parallel_loop3A_148 {strides = array<i32>} : memref<16x128xf32, #tpu.memory_space<vmem>>, vector<1x16xf32>,
      %parallel_loop3A_149 = arith.index_cast %parallel_loop3A_92 : i32 to index
      %parallel_loop3A_150 = arith.constant 64 : index
      %parallel_loop3A_151 = tpu.vector_load %arg16[%parallel_loop3A_149, %parallel_loop3A_150] {strides = array<i32>} : memref<16x128xf32, #tpu.memory_space<vmem>>, vector<1x16xf32>,
      %parallel_loop3A_152 = vector.shape_cast %parallel_loop3A_151 : vector<1x16xf32> to vector<16xf32>
      %parallel_loop3A_153 = arith.index_cast %parallel_loop3A_92 : i32 to index
      %parallel_loop3A_154 = arith.constant 64 : index
      %parallel_loop3A_155 = tpu.vector_load %arg17[%parallel_loop3A_153, %parallel_loop3A_154] {strides = array<i32>} : memref<16x128xf32, #tpu.memory_space<vmem>>, vector<1x16xf32>,
      %parallel_loop3A_156 = vector.shape_cast %parallel_loop3A_155 : vector<1x16xf32> to vector<16xf32>
      %parallel_loop3A_157 = arith.addf %parallel_loop3A_152, %parallel_loop3A_156 : vector<16xf32>
      %parallel_loop3A_158 = arith.index_cast %parallel_loop3A_92 : i32 to index
      %parallel_loop3A_159 = arith.constant 64 : index
      %parallel_loop3A_160 = tpu.vector_load %arg17[%parallel_loop3A_158, %parallel_loop3A_159] {strides = array<i32>} : memref<16x128xf32, #tpu.memory_space<vmem>>, vector<1x16xf32>,
      %parallel_loop3A_161 = vector.shape_cast %parallel_loop3A_160 : vector<1x16xf32> to vector<16xf32>
      %parallel_loop3A_162 = vector.shape_cast %parallel_loop3A_157 : vector<16xf32> to vector<1x16xf32>
      tpu.vector_store %arg17[%parallel_loop3A_158, %parallel_loop3A_159], %parallel_loop3A_162 {strides = array<i32>} : memref<16x128xf32, #tpu.memory_space<vmem>>, vector<1x16xf32>,
      %parallel_loop3A_163 = arith.index_cast %parallel_loop3A_92 : i32 to index
      %parallel_loop3A_164 = arith.constant 80 : index
      %parallel_loop3A_165 = tpu.vector_load %arg16[%parallel_loop3A_163, %parallel_loop3A_164] {strides = array<i32>} : memref<16x128xf32, #tpu.memory_space<vmem>>, vector<1x16xf32>,
      %parallel_loop3A_166 = vector.shape_cast %parallel_loop3A_165 : vector<1x16xf32> to vector<16xf32>
      %parallel_loop3A_167 = arith.index_cast %parallel_loop3A_92 : i32 to index
      %parallel_loop3A_168 = arith.constant 80 : index
      %parallel_loop3A_169 = tpu.vector_load %arg17[%parallel_loop3A_167, %parallel_loop3A_168] {strides = array<i32>} : memref<16x128xf32, #tpu.memory_space<vmem>>, vector<1x16xf32>,
      %parallel_loop3A_170 = vector.shape_cast %parallel_loop3A_169 : vector<1x16xf32> to vector<16xf32>
      %parallel_loop3A_171 = arith.addf %parallel_loop3A_166, %parallel_loop3A_170 : vector<16xf32>
      %parallel_loop3A_172 = arith.index_cast %parallel_loop3A_92 : i32 to index
      %parallel_loop3A_173 = arith.constant 80 : index
      %parallel_loop3A_174 = tpu.vector_load %arg17[%parallel_loop3A_172, %parallel_loop3A_173] {strides = array<i32>} : memref<16x128xf32, #tpu.memory_space<vmem>>, vector<1x16xf32>,
      %parallel_loop3A_175 = vector.shape_cast %parallel_loop3A_174 : vector<1x16xf32> to vector<16xf32>
      %parallel_loop3A_176 = vector.shape_cast %parallel_loop3A_171 : vector<16xf32> to vector<1x16xf32>
      tpu.vector_store %arg17[%parallel_loop3A_172, %parallel_loop3A_173], %parallel_loop3A_176 {strides = array<i32>} : memref<16x128xf32, #tpu.memory_space<vmem>>, vector<1x16xf32>,
      %parallel_loop3A_177 = arith.index_cast %parallel_loop3A_92 : i32 to index
      %parallel_loop3A_178 = arith.constant 96 : index
      %parallel_loop3A_179 = tpu.vector_load %arg16[%parallel_loop3A_177, %parallel_loop3A_178] {strides = array<i32>} : memref<16x128xf32, #tpu.memory_space<vmem>>, vector<1x16xf32>,
      %parallel_loop3A_180 = vector.shape_cast %parallel_loop3A_179 : vector<1x16xf32> to vector<16xf32>
      %parallel_loop3A_181 = arith.index_cast %parallel_loop3A_92 : i32 to index
      %parallel_loop3A_182 = arith.constant 96 : index
      %parallel_loop3A_183 = tpu.vector_load %arg17[%parallel_loop3A_181, %parallel_loop3A_182] {strides = array<i32>} : memref<16x128xf32, #tpu.memory_space<vmem>>, vector<1x16xf32>,
      %parallel_loop3A_184 = vector.shape_cast %parallel_loop3A_183 : vector<1x16xf32> to vector<16xf32>
      %parallel_loop3A_185 = arith.addf %parallel_loop3A_180, %parallel_loop3A_184 : vector<16xf32>
      %parallel_loop3A_186 = arith.index_cast %parallel_loop3A_92 : i32 to index
      %parallel_loop3A_187 = arith.constant 96 : index
      %parallel_loop3A_188 = tpu.vector_load %arg17[%parallel_loop3A_186, %parallel_loop3A_187] {strides = array<i32>} : memref<16x128xf32, #tpu.memory_space<vmem>>, vector<1x16xf32>,
      %parallel_loop3A_189 = vector.shape_cast %parallel_loop3A_188 : vector<1x16xf32> to vector<16xf32>
      %parallel_loop3A_190 = vector.shape_cast %parallel_loop3A_185 : vector<16xf32> to vector<1x16xf32>
      tpu.vector_store %arg17[%parallel_loop3A_186, %parallel_loop3A_187], %parallel_loop3A_190 {strides = array<i32>} : memref<16x128xf32, #tpu.memory_space<vmem>>, vector<1x16xf32>,
      %parallel_loop3A_191 = arith.index_cast %parallel_loop3A_92 : i32 to index
      %parallel_loop3A_192 = arith.constant 112 : index
      %parallel_loop3A_193 = tpu.vector_load %arg16[%parallel_loop3A_191, %parallel_loop3A_192] {strides = array<i32>} : memref<16x128xf32, #tpu.memory_space<vmem>>, vector<1x16xf32>,
      %parallel_loop3A_194 = vector.shape_cast %parallel_loop3A_193 : vector<1x16xf32> to vector<16xf32>
      %parallel_loop3A_195 = arith.index_cast %parallel_loop3A_92 : i32 to index
      %parallel_loop3A_196 = arith.constant 112 : index
      %parallel_loop3A_197 = tpu.vector_load %arg17[%parallel_loop3A_195, %parallel_loop3A_196] {strides = array<i32>} : memref<16x128xf32, #tpu.memory_space<vmem>>, vector<1x16xf32>,
      %parallel_loop3A_198 = vector.shape_cast %parallel_loop3A_197 : vector<1x16xf32> to vector<16xf32>
      %parallel_loop3A_199 = arith.addf %parallel_loop3A_194, %parallel_loop3A_198 : vector<16xf32>
      %parallel_loop3A_200 = arith.index_cast %parallel_loop3A_92 : i32 to index
      %parallel_loop3A_201 = arith.constant 112 : index
      %parallel_loop3A_202 = tpu.vector_load %arg17[%parallel_loop3A_200, %parallel_loop3A_201] {strides = array<i32>} : memref<16x128xf32, #tpu.memory_space<vmem>>, vector<1x16xf32>,
      %parallel_loop3A_203 = vector.shape_cast %parallel_loop3A_202 : vector<1x16xf32> to vector<16xf32>
      %parallel_loop3A_204 = vector.shape_cast %parallel_loop3A_199 : vector<16xf32> to vector<1x16xf32>
      tpu.vector_store %arg17[%parallel_loop3A_200, %parallel_loop3A_201], %parallel_loop3A_204 {strides = array<i32>} : memref<16x128xf32, #tpu.memory_space<vmem>>, vector<1x16xf32>,
    } {sc.loop_unroll_factor = 4 : i64, sc.parallel_access}
    %add3A_88 = arith.constant 9984 : i32
    %add3A_89 = arith.addi %mul3A_2, %add3A_88 : i32
    "tpu.region"() ({
      %run_scoped3A = tpu.sem_alloc : memref<!tpu.dma_semaphore, #tpu.memory_space<semaphore_mem>>
      %dma_start3A_92 = arith.constant 0 : i32
      %dma_start3A_93 = tpu.memref_slice %arg6[%add3A_89, %dma_start3A_92] : memref<320000x128xf32, #tpu.memory_space<hbm>> -> memref<16x128xf32, #tpu.memory_space<hbm>>
      %dma_start3A_94 = arith.constant 0 : i32
      %dma_start3A_95 = tpu.memref_slice %arg6[%add3A_89, %dma_start3A_94] : memref<320000x128xf32, #tpu.memory_space<hbm>> -> memref<16x128xf32, #tpu.memory_space<hbm>>
      tpu.enqueue_dma source(%arg16 : memref<16x128xf32, #tpu.memory_space<vmem>>) target(%dma_start3A_95 : memref<16x128xf32, #tpu.memory_space<hbm>>) target_semaphore(%run_scoped3A : memref<!tpu.dma_semaphore, #tpu.memory_space<semaphore_mem>>)
      %dma_wait3A_96 = arith.constant 0 : i32
      %dma_wait3A_97 = tpu.memref_slice %arg6[%add3A_89, %dma_wait3A_96] : memref<320000x128xf32, #tpu.memory_space<hbm>> -> memref<16x128xf32, #tpu.memory_space<hbm>>
      %dma_wait3A_98 = arith.constant 0 : i32
      %dma_wait3A_99 = tpu.memref_slice %arg6[%add3A_89, %dma_wait3A_98] : memref<320000x128xf32, #tpu.memory_space<hbm>> -> memref<16x128xf32, #tpu.memory_space<hbm>>
      tpu.wait_dma2 semaphore(%run_scoped3A : memref<!tpu.dma_semaphore, #tpu.memory_space<semaphore_mem>>) src(%arg16 : memref<16x128xf32, #tpu.memory_space<vmem>>) dst(%dma_wait3A_99 : memref<16x128xf32, #tpu.memory_space<hbm>>)
      tpu.yield
    }) : () -> ()
    %add3A_90 = arith.constant 9984 : i32
    %add3A_91 = arith.addi %mul3A_2, %add3A_90 : i32
    "tpu.region"() ({
      %run_scoped3A = tpu.sem_alloc : memref<!tpu.dma_semaphore, #tpu.memory_space<semaphore_mem>>
      %dma_start3A_92 = arith.constant 0 : i32
      %dma_start3A_93 = tpu.memref_slice %arg7[%add3A_91, %dma_start3A_92] : memref<320000x128xf32, #tpu.memory_space<hbm>> -> memref<16x128xf32, #tpu.memory_space<hbm>>
      %dma_start3A_94 = arith.constant 0 : i32
      %dma_start3A_95 = tpu.memref_slice %arg7[%add3A_91, %dma_start3A_94] : memref<320000x128xf32, #tpu.memory_space<hbm>> -> memref<16x128xf32, #tpu.memory_space<hbm>>
      tpu.enqueue_dma source(%arg17 : memref<16x128xf32, #tpu.memory_space<vmem>>) target(%dma_start3A_95 : memref<16x128xf32, #tpu.memory_space<hbm>>) target_semaphore(%run_scoped3A : memref<!tpu.dma_semaphore, #tpu.memory_space<semaphore_mem>>)
      %dma_wait3A_96 = arith.constant 0 : i32
      %dma_wait3A_97 = tpu.memref_slice %arg7[%add3A_91, %dma_wait3A_96] : memref<320000x128xf32, #tpu.memory_space<hbm>> -> memref<16x128xf32, #tpu.memory_space<hbm>>
      %dma_wait3A_98 = arith.constant 0 : i32
      %dma_wait3A_99 = tpu.memref_slice %arg7[%add3A_91, %dma_wait3A_98] : memref<320000x128xf32, #tpu.memory_space<hbm>> -> memref<16x128xf32, #tpu.memory_space<hbm>>
      tpu.wait_dma2 semaphore(%run_scoped3A : memref<!tpu.dma_semaphore, #tpu.memory_space<semaphore_mem>>) src(%arg17 : memref<16x128xf32, #tpu.memory_space<vmem>>) dst(%dma_wait3A_99 : memref<16x128xf32, #tpu.memory_space<hbm>>)
      tpu.yield
    }) : () -> ()
    return
  }
}

#map = affine_map<(d0, d1) -> (0, 0)>
#map1 = affine_map<(d0, d1) -> (0)>
module attributes {stable_mosaic.version = 14 : i64} {
  func.func @k(%arg0: i32, %arg1: i32, %arg2: memref<320000x128xf32, #tpu.memory_space<hbm>>, %arg3: memref<320000xi32, #tpu.memory_space<hbm>>, %arg4: memref<20480x128xf32, #tpu.memory_space<hbm>>, %arg5: memref<128xi32, #tpu.memory_space<vmem>>, %arg6: memref<128xi32, #tpu.memory_space<vmem>>, %arg7: memref<128x128xf32, #tpu.memory_space<vmem>>, %arg8: memref<128x128xf32, #tpu.memory_space<vmem>>, %arg9: memref<16xi32, #tpu.memory_space<vmem>>, %arg10: memref<16x128xf32, #tpu.memory_space<vmem>>, %arg11: memref<64x128xf32, #tpu.memory_space<vmem>>, %arg12: memref<10240x128xf32, #tpu.memory_space<vmem_shared>>, %arg13: memref<!tpu.dma_semaphore, #tpu.memory_space<semaphore_mem>>, %arg14: memref<!tpu.dma_semaphore, #tpu.memory_space<semaphore_mem>>, %arg15: memref<!tpu.dma_semaphore, #tpu.memory_space<semaphore_mem>>, %arg16: memref<!tpu.dma_semaphore, #tpu.memory_space<semaphore_mem>>) attributes {dimension_semantics = [#tpu.dimension_semantics<core_parallel>, #tpu.dimension_semantics<subcore_parallel>], iteration_bounds = array<i64: 2, 16>, scalar_prefetch = 0 : i64, scratch_operands = 12 : i64, tpu.core_type = #tpu.core_type<sc_vector_subcore>, window_params = [{transform_indices = #map}, {transform_indices = #map1}, {transform_indices = #map}]} {
    %mul3A = arith.constant 2 : i32
    %mul3A_0 = arith.muli %arg1, %mul3A : i32
    %add3A = arith.addi %mul3A_0, %arg0 : i32
    %scan3A = arith.constant 0 : i32
    %scan3A_1 = arith.constant 0 : i32
    %scan3A_2 = arith.constant 64 : i32
    %scan3A_3 = arith.addi %scan3A_1, %scan3A_2 : i32
    %scan3A_4 = arith.constant 1 : i32
    scf.for %scan3A_147 = %scan3A_1 to %scan3A_3 step %scan3A_4  : i32 {
      %broadcast_in_dim3A = arith.constant 0.000000e+00 : f32
      %broadcast_in_dim3A_148 = vector.broadcast %broadcast_in_dim3A : f32 to vector<16xf32>
      %swap3A = arith.index_cast %scan3A_147 : i32 to index
      %swap3A_149 = arith.constant 0 : index
      %swap3A_150 = tpu.vector_load %arg11[%swap3A, %swap3A_149] {strides = array<i32>} : memref<64x128xf32, #tpu.memory_space<vmem>>, vector<1x16xf32>,
      %swap3A_151 = vector.shape_cast %swap3A_150 : vector<1x16xf32> to vector<16xf32>
      %swap3A_152 = vector.shape_cast %broadcast_in_dim3A_148 : vector<16xf32> to vector<1x16xf32>
      tpu.vector_store %arg11[%swap3A, %swap3A_149], %swap3A_152 {strides = array<i32>} : memref<64x128xf32, #tpu.memory_space<vmem>>, vector<1x16xf32>,
      %broadcast_in_dim3A_153 = arith.constant 0.000000e+00 : f32
      %broadcast_in_dim3A_154 = vector.broadcast %broadcast_in_dim3A_153 : f32 to vector<16xf32>
      %swap3A_155 = arith.index_cast %scan3A_147 : i32 to index
      %swap3A_156 = arith.constant 16 : index
      %swap3A_157 = tpu.vector_load %arg11[%swap3A_155, %swap3A_156] {strides = array<i32>} : memref<64x128xf32, #tpu.memory_space<vmem>>, vector<1x16xf32>,
      %swap3A_158 = vector.shape_cast %swap3A_157 : vector<1x16xf32> to vector<16xf32>
      %swap3A_159 = vector.shape_cast %broadcast_in_dim3A_154 : vector<16xf32> to vector<1x16xf32>
      tpu.vector_store %arg11[%swap3A_155, %swap3A_156], %swap3A_159 {strides = array<i32>} : memref<64x128xf32, #tpu.memory_space<vmem>>, vector<1x16xf32>,
      %broadcast_in_dim3A_160 = arith.constant 0.000000e+00 : f32
      %broadcast_in_dim3A_161 = vector.broadcast %broadcast_in_dim3A_160 : f32 to vector<16xf32>
      %swap3A_162 = arith.index_cast %scan3A_147 : i32 to index
      %swap3A_163 = arith.constant 32 : index
      %swap3A_164 = tpu.vector_load %arg11[%swap3A_162, %swap3A_163] {strides = array<i32>} : memref<64x128xf32, #tpu.memory_space<vmem>>, vector<1x16xf32>,
      %swap3A_165 = vector.shape_cast %swap3A_164 : vector<1x16xf32> to vector<16xf32>
      %swap3A_166 = vector.shape_cast %broadcast_in_dim3A_161 : vector<16xf32> to vector<1x16xf32>
      tpu.vector_store %arg11[%swap3A_162, %swap3A_163], %swap3A_166 {strides = array<i32>} : memref<64x128xf32, #tpu.memory_space<vmem>>, vector<1x16xf32>,
      %broadcast_in_dim3A_167 = arith.constant 0.000000e+00 : f32
      %broadcast_in_dim3A_168 = vector.broadcast %broadcast_in_dim3A_167 : f32 to vector<16xf32>
      %swap3A_169 = arith.index_cast %scan3A_147 : i32 to index
      %swap3A_170 = arith.constant 48 : index
      %swap3A_171 = tpu.vector_load %arg11[%swap3A_169, %swap3A_170] {strides = array<i32>} : memref<64x128xf32, #tpu.memory_space<vmem>>, vector<1x16xf32>,
      %swap3A_172 = vector.shape_cast %swap3A_171 : vector<1x16xf32> to vector<16xf32>
      %swap3A_173 = vector.shape_cast %broadcast_in_dim3A_168 : vector<16xf32> to vector<1x16xf32>
      tpu.vector_store %arg11[%swap3A_169, %swap3A_170], %swap3A_173 {strides = array<i32>} : memref<64x128xf32, #tpu.memory_space<vmem>>, vector<1x16xf32>,
      %broadcast_in_dim3A_174 = arith.constant 0.000000e+00 : f32
      %broadcast_in_dim3A_175 = vector.broadcast %broadcast_in_dim3A_174 : f32 to vector<16xf32>
      %swap3A_176 = arith.index_cast %scan3A_147 : i32 to index
      %swap3A_177 = arith.constant 64 : index
      %swap3A_178 = tpu.vector_load %arg11[%swap3A_176, %swap3A_177] {strides = array<i32>} : memref<64x128xf32, #tpu.memory_space<vmem>>, vector<1x16xf32>,
      %swap3A_179 = vector.shape_cast %swap3A_178 : vector<1x16xf32> to vector<16xf32>
      %swap3A_180 = vector.shape_cast %broadcast_in_dim3A_175 : vector<16xf32> to vector<1x16xf32>
      tpu.vector_store %arg11[%swap3A_176, %swap3A_177], %swap3A_180 {strides = array<i32>} : memref<64x128xf32, #tpu.memory_space<vmem>>, vector<1x16xf32>,
      %broadcast_in_dim3A_181 = arith.constant 0.000000e+00 : f32
      %broadcast_in_dim3A_182 = vector.broadcast %broadcast_in_dim3A_181 : f32 to vector<16xf32>
      %swap3A_183 = arith.index_cast %scan3A_147 : i32 to index
      %swap3A_184 = arith.constant 80 : index
      %swap3A_185 = tpu.vector_load %arg11[%swap3A_183, %swap3A_184] {strides = array<i32>} : memref<64x128xf32, #tpu.memory_space<vmem>>, vector<1x16xf32>,
      %swap3A_186 = vector.shape_cast %swap3A_185 : vector<1x16xf32> to vector<16xf32>
      %swap3A_187 = vector.shape_cast %broadcast_in_dim3A_182 : vector<16xf32> to vector<1x16xf32>
      tpu.vector_store %arg11[%swap3A_183, %swap3A_184], %swap3A_187 {strides = array<i32>} : memref<64x128xf32, #tpu.memory_space<vmem>>, vector<1x16xf32>,
      %broadcast_in_dim3A_188 = arith.constant 0.000000e+00 : f32
      %broadcast_in_dim3A_189 = vector.broadcast %broadcast_in_dim3A_188 : f32 to vector<16xf32>
      %swap3A_190 = arith.index_cast %scan3A_147 : i32 to index
      %swap3A_191 = arith.constant 96 : index
      %swap3A_192 = tpu.vector_load %arg11[%swap3A_190, %swap3A_191] {strides = array<i32>} : memref<64x128xf32, #tpu.memory_space<vmem>>, vector<1x16xf32>,
      %swap3A_193 = vector.shape_cast %swap3A_192 : vector<1x16xf32> to vector<16xf32>
      %swap3A_194 = vector.shape_cast %broadcast_in_dim3A_189 : vector<16xf32> to vector<1x16xf32>
      tpu.vector_store %arg11[%swap3A_190, %swap3A_191], %swap3A_194 {strides = array<i32>} : memref<64x128xf32, #tpu.memory_space<vmem>>, vector<1x16xf32>,
      %broadcast_in_dim3A_195 = arith.constant 0.000000e+00 : f32
      %broadcast_in_dim3A_196 = vector.broadcast %broadcast_in_dim3A_195 : f32 to vector<16xf32>
      %swap3A_197 = arith.index_cast %scan3A_147 : i32 to index
      %swap3A_198 = arith.constant 112 : index
      %swap3A_199 = tpu.vector_load %arg11[%swap3A_197, %swap3A_198] {strides = array<i32>} : memref<64x128xf32, #tpu.memory_space<vmem>>, vector<1x16xf32>,
      %swap3A_200 = vector.shape_cast %swap3A_199 : vector<1x16xf32> to vector<16xf32>
      %swap3A_201 = vector.shape_cast %broadcast_in_dim3A_196 : vector<16xf32> to vector<1x16xf32>
      tpu.vector_store %arg11[%swap3A_197, %swap3A_198], %swap3A_201 {strides = array<i32>} : memref<64x128xf32, #tpu.memory_space<vmem>>, vector<1x16xf32>,
    }
    %scan3A_5 = arith.constant 64 : i32
    %mul3A_6 = arith.constant 640 : i32
    %mul3A_7 = arith.muli %arg1, %mul3A_6 : i32
    %add3A_8 = arith.constant 0 : i32
    %add3A_9 = arith.addi %mul3A_7, %add3A_8 : i32
    "tpu.region"() ({
      %run_scoped3A = tpu.sem_alloc : memref<!tpu.dma_semaphore, #tpu.memory_space<semaphore_mem>>
      %dma_start3A_147 = arith.constant 0 : i32
      %dma_start3A_148 = tpu.memref_slice %arg12[%add3A_9, %dma_start3A_147] : memref<10240x128xf32, #tpu.memory_space<vmem_shared>> -> memref<64x128xf32, #tpu.memory_space<vmem_shared>>
      %dma_start3A_149 = arith.constant 0 : i32
      %dma_start3A_150 = tpu.memref_slice %arg12[%add3A_9, %dma_start3A_149] : memref<10240x128xf32, #tpu.memory_space<vmem_shared>> -> memref<64x128xf32, #tpu.memory_space<vmem_shared>>
      tpu.enqueue_dma source(%arg11 : memref<64x128xf32, #tpu.memory_space<vmem>>) target(%dma_start3A_150 : memref<64x128xf32, #tpu.memory_space<vmem_shared>>) target_semaphore(%run_scoped3A : memref<!tpu.dma_semaphore, #tpu.memory_space<semaphore_mem>>)
      %dma_wait3A_151 = arith.constant 0 : i32
      %dma_wait3A_152 = tpu.memref_slice %arg12[%add3A_9, %dma_wait3A_151] : memref<10240x128xf32, #tpu.memory_space<vmem_shared>> -> memref<64x128xf32, #tpu.memory_space<vmem_shared>>
      %dma_wait3A_153 = arith.constant 0 : i32
      %dma_wait3A_154 = tpu.memref_slice %arg12[%add3A_9, %dma_wait3A_153] : memref<10240x128xf32, #tpu.memory_space<vmem_shared>> -> memref<64x128xf32, #tpu.memory_space<vmem_shared>>
      tpu.wait_dma2 semaphore(%run_scoped3A : memref<!tpu.dma_semaphore, #tpu.memory_space<semaphore_mem>>) src(%arg11 : memref<64x128xf32, #tpu.memory_space<vmem>>) dst(%dma_wait3A_154 : memref<64x128xf32, #tpu.memory_space<vmem_shared>>)
      tpu.yield
    }) : () -> ()
    %mul3A_10 = arith.constant 640 : i32
    %mul3A_11 = arith.muli %arg1, %mul3A_10 : i32
    %add3A_12 = arith.constant 64 : i32
    %add3A_13 = arith.addi %mul3A_11, %add3A_12 : i32
    "tpu.region"() ({
      %run_scoped3A = tpu.sem_alloc : memref<!tpu.dma_semaphore, #tpu.memory_space<semaphore_mem>>
      %dma_start3A_147 = arith.constant 0 : i32
      %dma_start3A_148 = tpu.memref_slice %arg12[%add3A_13, %dma_start3A_147] : memref<10240x128xf32, #tpu.memory_space<vmem_shared>> -> memref<64x128xf32, #tpu.memory_space<vmem_shared>>
      %dma_start3A_149 = arith.constant 0 : i32
      %dma_start3A_150 = tpu.memref_slice %arg12[%add3A_13, %dma_start3A_149] : memref<10240x128xf32, #tpu.memory_space<vmem_shared>> -> memref<64x128xf32, #tpu.memory_space<vmem_shared>>
      tpu.enqueue_dma source(%arg11 : memref<64x128xf32, #tpu.memory_space<vmem>>) target(%dma_start3A_150 : memref<64x128xf32, #tpu.memory_space<vmem_shared>>) target_semaphore(%run_scoped3A : memref<!tpu.dma_semaphore, #tpu.memory_space<semaphore_mem>>)
      %dma_wait3A_151 = arith.constant 0 : i32
      %dma_wait3A_152 = tpu.memref_slice %arg12[%add3A_13, %dma_wait3A_151] : memref<10240x128xf32, #tpu.memory_space<vmem_shared>> -> memref<64x128xf32, #tpu.memory_space<vmem_shared>>
      %dma_wait3A_153 = arith.constant 0 : i32
      %dma_wait3A_154 = tpu.memref_slice %arg12[%add3A_13, %dma_wait3A_153] : memref<10240x128xf32, #tpu.memory_space<vmem_shared>> -> memref<64x128xf32, #tpu.memory_space<vmem_shared>>
      tpu.wait_dma2 semaphore(%run_scoped3A : memref<!tpu.dma_semaphore, #tpu.memory_space<semaphore_mem>>) src(%arg11 : memref<64x128xf32, #tpu.memory_space<vmem>>) dst(%dma_wait3A_154 : memref<64x128xf32, #tpu.memory_space<vmem_shared>>)
      tpu.yield
    }) : () -> ()
    %mul3A_14 = arith.constant 640 : i32
    %mul3A_15 = arith.muli %arg1, %mul3A_14 : i32
    %add3A_16 = arith.constant 128 : i32
    %add3A_17 = arith.addi %mul3A_15, %add3A_16 : i32
    "tpu.region"() ({
      %run_scoped3A = tpu.sem_alloc : memref<!tpu.dma_semaphore, #tpu.memory_space<semaphore_mem>>
      %dma_start3A_147 = arith.constant 0 : i32
      %dma_start3A_148 = tpu.memref_slice %arg12[%add3A_17, %dma_start3A_147] : memref<10240x128xf32, #tpu.memory_space<vmem_shared>> -> memref<64x128xf32, #tpu.memory_space<vmem_shared>>
      %dma_start3A_149 = arith.constant 0 : i32
      %dma_start3A_150 = tpu.memref_slice %arg12[%add3A_17, %dma_start3A_149] : memref<10240x128xf32, #tpu.memory_space<vmem_shared>> -> memref<64x128xf32, #tpu.memory_space<vmem_shared>>
      tpu.enqueue_dma source(%arg11 : memref<64x128xf32, #tpu.memory_space<vmem>>) target(%dma_start3A_150 : memref<64x128xf32, #tpu.memory_space<vmem_shared>>) target_semaphore(%run_scoped3A : memref<!tpu.dma_semaphore, #tpu.memory_space<semaphore_mem>>)
      %dma_wait3A_151 = arith.constant 0 : i32
      %dma_wait3A_152 = tpu.memref_slice %arg12[%add3A_17, %dma_wait3A_151] : memref<10240x128xf32, #tpu.memory_space<vmem_shared>> -> memref<64x128xf32, #tpu.memory_space<vmem_shared>>
      %dma_wait3A_153 = arith.constant 0 : i32
      %dma_wait3A_154 = tpu.memref_slice %arg12[%add3A_17, %dma_wait3A_153] : memref<10240x128xf32, #tpu.memory_space<vmem_shared>> -> memref<64x128xf32, #tpu.memory_space<vmem_shared>>
      tpu.wait_dma2 semaphore(%run_scoped3A : memref<!tpu.dma_semaphore, #tpu.memory_space<semaphore_mem>>) src(%arg11 : memref<64x128xf32, #tpu.memory_space<vmem>>) dst(%dma_wait3A_154 : memref<64x128xf32, #tpu.memory_space<vmem_shared>>)
      tpu.yield
    }) : () -> ()
    %mul3A_18 = arith.constant 640 : i32
    %mul3A_19 = arith.muli %arg1, %mul3A_18 : i32
    %add3A_20 = arith.constant 192 : i32
    %add3A_21 = arith.addi %mul3A_19, %add3A_20 : i32
    "tpu.region"() ({
      %run_scoped3A = tpu.sem_alloc : memref<!tpu.dma_semaphore, #tpu.memory_space<semaphore_mem>>
      %dma_start3A_147 = arith.constant 0 : i32
      %dma_start3A_148 = tpu.memref_slice %arg12[%add3A_21, %dma_start3A_147] : memref<10240x128xf32, #tpu.memory_space<vmem_shared>> -> memref<64x128xf32, #tpu.memory_space<vmem_shared>>
      %dma_start3A_149 = arith.constant 0 : i32
      %dma_start3A_150 = tpu.memref_slice %arg12[%add3A_21, %dma_start3A_149] : memref<10240x128xf32, #tpu.memory_space<vmem_shared>> -> memref<64x128xf32, #tpu.memory_space<vmem_shared>>
      tpu.enqueue_dma source(%arg11 : memref<64x128xf32, #tpu.memory_space<vmem>>) target(%dma_start3A_150 : memref<64x128xf32, #tpu.memory_space<vmem_shared>>) target_semaphore(%run_scoped3A : memref<!tpu.dma_semaphore, #tpu.memory_space<semaphore_mem>>)
      %dma_wait3A_151 = arith.constant 0 : i32
      %dma_wait3A_152 = tpu.memref_slice %arg12[%add3A_21, %dma_wait3A_151] : memref<10240x128xf32, #tpu.memory_space<vmem_shared>> -> memref<64x128xf32, #tpu.memory_space<vmem_shared>>
      %dma_wait3A_153 = arith.constant 0 : i32
      %dma_wait3A_154 = tpu.memref_slice %arg12[%add3A_21, %dma_wait3A_153] : memref<10240x128xf32, #tpu.memory_space<vmem_shared>> -> memref<64x128xf32, #tpu.memory_space<vmem_shared>>
      tpu.wait_dma2 semaphore(%run_scoped3A : memref<!tpu.dma_semaphore, #tpu.memory_space<semaphore_mem>>) src(%arg11 : memref<64x128xf32, #tpu.memory_space<vmem>>) dst(%dma_wait3A_154 : memref<64x128xf32, #tpu.memory_space<vmem_shared>>)
      tpu.yield
    }) : () -> ()
    %mul3A_22 = arith.constant 640 : i32
    %mul3A_23 = arith.muli %arg1, %mul3A_22 : i32
    %add3A_24 = arith.constant 256 : i32
    %add3A_25 = arith.addi %mul3A_23, %add3A_24 : i32
    "tpu.region"() ({
      %run_scoped3A = tpu.sem_alloc : memref<!tpu.dma_semaphore, #tpu.memory_space<semaphore_mem>>
      %dma_start3A_147 = arith.constant 0 : i32
      %dma_start3A_148 = tpu.memref_slice %arg12[%add3A_25, %dma_start3A_147] : memref<10240x128xf32, #tpu.memory_space<vmem_shared>> -> memref<64x128xf32, #tpu.memory_space<vmem_shared>>
      %dma_start3A_149 = arith.constant 0 : i32
      %dma_start3A_150 = tpu.memref_slice %arg12[%add3A_25, %dma_start3A_149] : memref<10240x128xf32, #tpu.memory_space<vmem_shared>> -> memref<64x128xf32, #tpu.memory_space<vmem_shared>>
      tpu.enqueue_dma source(%arg11 : memref<64x128xf32, #tpu.memory_space<vmem>>) target(%dma_start3A_150 : memref<64x128xf32, #tpu.memory_space<vmem_shared>>) target_semaphore(%run_scoped3A : memref<!tpu.dma_semaphore, #tpu.memory_space<semaphore_mem>>)
      %dma_wait3A_151 = arith.constant 0 : i32
      %dma_wait3A_152 = tpu.memref_slice %arg12[%add3A_25, %dma_wait3A_151] : memref<10240x128xf32, #tpu.memory_space<vmem_shared>> -> memref<64x128xf32, #tpu.memory_space<vmem_shared>>
      %dma_wait3A_153 = arith.constant 0 : i32
      %dma_wait3A_154 = tpu.memref_slice %arg12[%add3A_25, %dma_wait3A_153] : memref<10240x128xf32, #tpu.memory_space<vmem_shared>> -> memref<64x128xf32, #tpu.memory_space<vmem_shared>>
      tpu.wait_dma2 semaphore(%run_scoped3A : memref<!tpu.dma_semaphore, #tpu.memory_space<semaphore_mem>>) src(%arg11 : memref<64x128xf32, #tpu.memory_space<vmem>>) dst(%dma_wait3A_154 : memref<64x128xf32, #tpu.memory_space<vmem_shared>>)
      tpu.yield
    }) : () -> ()
    %mul3A_26 = arith.constant 640 : i32
    %mul3A_27 = arith.muli %arg1, %mul3A_26 : i32
    %add3A_28 = arith.constant 320 : i32
    %add3A_29 = arith.addi %mul3A_27, %add3A_28 : i32
    "tpu.region"() ({
      %run_scoped3A = tpu.sem_alloc : memref<!tpu.dma_semaphore, #tpu.memory_space<semaphore_mem>>
      %dma_start3A_147 = arith.constant 0 : i32
      %dma_start3A_148 = tpu.memref_slice %arg12[%add3A_29, %dma_start3A_147] : memref<10240x128xf32, #tpu.memory_space<vmem_shared>> -> memref<64x128xf32, #tpu.memory_space<vmem_shared>>
      %dma_start3A_149 = arith.constant 0 : i32
      %dma_start3A_150 = tpu.memref_slice %arg12[%add3A_29, %dma_start3A_149] : memref<10240x128xf32, #tpu.memory_space<vmem_shared>> -> memref<64x128xf32, #tpu.memory_space<vmem_shared>>
      tpu.enqueue_dma source(%arg11 : memref<64x128xf32, #tpu.memory_space<vmem>>) target(%dma_start3A_150 : memref<64x128xf32, #tpu.memory_space<vmem_shared>>) target_semaphore(%run_scoped3A : memref<!tpu.dma_semaphore, #tpu.memory_space<semaphore_mem>>)
      %dma_wait3A_151 = arith.constant 0 : i32
      %dma_wait3A_152 = tpu.memref_slice %arg12[%add3A_29, %dma_wait3A_151] : memref<10240x128xf32, #tpu.memory_space<vmem_shared>> -> memref<64x128xf32, #tpu.memory_space<vmem_shared>>
      %dma_wait3A_153 = arith.constant 0 : i32
      %dma_wait3A_154 = tpu.memref_slice %arg12[%add3A_29, %dma_wait3A_153] : memref<10240x128xf32, #tpu.memory_space<vmem_shared>> -> memref<64x128xf32, #tpu.memory_space<vmem_shared>>
      tpu.wait_dma2 semaphore(%run_scoped3A : memref<!tpu.dma_semaphore, #tpu.memory_space<semaphore_mem>>) src(%arg11 : memref<64x128xf32, #tpu.memory_space<vmem>>) dst(%dma_wait3A_154 : memref<64x128xf32, #tpu.memory_space<vmem_shared>>)
      tpu.yield
    }) : () -> ()
    %mul3A_30 = arith.constant 640 : i32
    %mul3A_31 = arith.muli %arg1, %mul3A_30 : i32
    %add3A_32 = arith.constant 384 : i32
    %add3A_33 = arith.addi %mul3A_31, %add3A_32 : i32
    "tpu.region"() ({
      %run_scoped3A = tpu.sem_alloc : memref<!tpu.dma_semaphore, #tpu.memory_space<semaphore_mem>>
      %dma_start3A_147 = arith.constant 0 : i32
      %dma_start3A_148 = tpu.memref_slice %arg12[%add3A_33, %dma_start3A_147] : memref<10240x128xf32, #tpu.memory_space<vmem_shared>> -> memref<64x128xf32, #tpu.memory_space<vmem_shared>>
      %dma_start3A_149 = arith.constant 0 : i32
      %dma_start3A_150 = tpu.memref_slice %arg12[%add3A_33, %dma_start3A_149] : memref<10240x128xf32, #tpu.memory_space<vmem_shared>> -> memref<64x128xf32, #tpu.memory_space<vmem_shared>>
      tpu.enqueue_dma source(%arg11 : memref<64x128xf32, #tpu.memory_space<vmem>>) target(%dma_start3A_150 : memref<64x128xf32, #tpu.memory_space<vmem_shared>>) target_semaphore(%run_scoped3A : memref<!tpu.dma_semaphore, #tpu.memory_space<semaphore_mem>>)
      %dma_wait3A_151 = arith.constant 0 : i32
      %dma_wait3A_152 = tpu.memref_slice %arg12[%add3A_33, %dma_wait3A_151] : memref<10240x128xf32, #tpu.memory_space<vmem_shared>> -> memref<64x128xf32, #tpu.memory_space<vmem_shared>>
      %dma_wait3A_153 = arith.constant 0 : i32
      %dma_wait3A_154 = tpu.memref_slice %arg12[%add3A_33, %dma_wait3A_153] : memref<10240x128xf32, #tpu.memory_space<vmem_shared>> -> memref<64x128xf32, #tpu.memory_space<vmem_shared>>
      tpu.wait_dma2 semaphore(%run_scoped3A : memref<!tpu.dma_semaphore, #tpu.memory_space<semaphore_mem>>) src(%arg11 : memref<64x128xf32, #tpu.memory_space<vmem>>) dst(%dma_wait3A_154 : memref<64x128xf32, #tpu.memory_space<vmem_shared>>)
      tpu.yield
    }) : () -> ()
    %mul3A_34 = arith.constant 640 : i32
    %mul3A_35 = arith.muli %arg1, %mul3A_34 : i32
    %add3A_36 = arith.constant 448 : i32
    %add3A_37 = arith.addi %mul3A_35, %add3A_36 : i32
    "tpu.region"() ({
      %run_scoped3A = tpu.sem_alloc : memref<!tpu.dma_semaphore, #tpu.memory_space<semaphore_mem>>
      %dma_start3A_147 = arith.constant 0 : i32
      %dma_start3A_148 = tpu.memref_slice %arg12[%add3A_37, %dma_start3A_147] : memref<10240x128xf32, #tpu.memory_space<vmem_shared>> -> memref<64x128xf32, #tpu.memory_space<vmem_shared>>
      %dma_start3A_149 = arith.constant 0 : i32
      %dma_start3A_150 = tpu.memref_slice %arg12[%add3A_37, %dma_start3A_149] : memref<10240x128xf32, #tpu.memory_space<vmem_shared>> -> memref<64x128xf32, #tpu.memory_space<vmem_shared>>
      tpu.enqueue_dma source(%arg11 : memref<64x128xf32, #tpu.memory_space<vmem>>) target(%dma_start3A_150 : memref<64x128xf32, #tpu.memory_space<vmem_shared>>) target_semaphore(%run_scoped3A : memref<!tpu.dma_semaphore, #tpu.memory_space<semaphore_mem>>)
      %dma_wait3A_151 = arith.constant 0 : i32
      %dma_wait3A_152 = tpu.memref_slice %arg12[%add3A_37, %dma_wait3A_151] : memref<10240x128xf32, #tpu.memory_space<vmem_shared>> -> memref<64x128xf32, #tpu.memory_space<vmem_shared>>
      %dma_wait3A_153 = arith.constant 0 : i32
      %dma_wait3A_154 = tpu.memref_slice %arg12[%add3A_37, %dma_wait3A_153] : memref<10240x128xf32, #tpu.memory_space<vmem_shared>> -> memref<64x128xf32, #tpu.memory_space<vmem_shared>>
      tpu.wait_dma2 semaphore(%run_scoped3A : memref<!tpu.dma_semaphore, #tpu.memory_space<semaphore_mem>>) src(%arg11 : memref<64x128xf32, #tpu.memory_space<vmem>>) dst(%dma_wait3A_154 : memref<64x128xf32, #tpu.memory_space<vmem_shared>>)
      tpu.yield
    }) : () -> ()
    %mul3A_38 = arith.constant 640 : i32
    %mul3A_39 = arith.muli %arg1, %mul3A_38 : i32
    %add3A_40 = arith.constant 512 : i32
    %add3A_41 = arith.addi %mul3A_39, %add3A_40 : i32
    "tpu.region"() ({
      %run_scoped3A = tpu.sem_alloc : memref<!tpu.dma_semaphore, #tpu.memory_space<semaphore_mem>>
      %dma_start3A_147 = arith.constant 0 : i32
      %dma_start3A_148 = tpu.memref_slice %arg12[%add3A_41, %dma_start3A_147] : memref<10240x128xf32, #tpu.memory_space<vmem_shared>> -> memref<64x128xf32, #tpu.memory_space<vmem_shared>>
      %dma_start3A_149 = arith.constant 0 : i32
      %dma_start3A_150 = tpu.memref_slice %arg12[%add3A_41, %dma_start3A_149] : memref<10240x128xf32, #tpu.memory_space<vmem_shared>> -> memref<64x128xf32, #tpu.memory_space<vmem_shared>>
      tpu.enqueue_dma source(%arg11 : memref<64x128xf32, #tpu.memory_space<vmem>>) target(%dma_start3A_150 : memref<64x128xf32, #tpu.memory_space<vmem_shared>>) target_semaphore(%run_scoped3A : memref<!tpu.dma_semaphore, #tpu.memory_space<semaphore_mem>>)
      %dma_wait3A_151 = arith.constant 0 : i32
      %dma_wait3A_152 = tpu.memref_slice %arg12[%add3A_41, %dma_wait3A_151] : memref<10240x128xf32, #tpu.memory_space<vmem_shared>> -> memref<64x128xf32, #tpu.memory_space<vmem_shared>>
      %dma_wait3A_153 = arith.constant 0 : i32
      %dma_wait3A_154 = tpu.memref_slice %arg12[%add3A_41, %dma_wait3A_153] : memref<10240x128xf32, #tpu.memory_space<vmem_shared>> -> memref<64x128xf32, #tpu.memory_space<vmem_shared>>
      tpu.wait_dma2 semaphore(%run_scoped3A : memref<!tpu.dma_semaphore, #tpu.memory_space<semaphore_mem>>) src(%arg11 : memref<64x128xf32, #tpu.memory_space<vmem>>) dst(%dma_wait3A_154 : memref<64x128xf32, #tpu.memory_space<vmem_shared>>)
      tpu.yield
    }) : () -> ()
    %mul3A_42 = arith.constant 640 : i32
    %mul3A_43 = arith.muli %arg1, %mul3A_42 : i32
    %add3A_44 = arith.constant 576 : i32
    %add3A_45 = arith.addi %mul3A_43, %add3A_44 : i32
    "tpu.region"() ({
      %run_scoped3A = tpu.sem_alloc : memref<!tpu.dma_semaphore, #tpu.memory_space<semaphore_mem>>
      %dma_start3A_147 = arith.constant 0 : i32
      %dma_start3A_148 = tpu.memref_slice %arg12[%add3A_45, %dma_start3A_147] : memref<10240x128xf32, #tpu.memory_space<vmem_shared>> -> memref<64x128xf32, #tpu.memory_space<vmem_shared>>
      %dma_start3A_149 = arith.constant 0 : i32
      %dma_start3A_150 = tpu.memref_slice %arg12[%add3A_45, %dma_start3A_149] : memref<10240x128xf32, #tpu.memory_space<vmem_shared>> -> memref<64x128xf32, #tpu.memory_space<vmem_shared>>
      tpu.enqueue_dma source(%arg11 : memref<64x128xf32, #tpu.memory_space<vmem>>) target(%dma_start3A_150 : memref<64x128xf32, #tpu.memory_space<vmem_shared>>) target_semaphore(%run_scoped3A : memref<!tpu.dma_semaphore, #tpu.memory_space<semaphore_mem>>)
      %dma_wait3A_151 = arith.constant 0 : i32
      %dma_wait3A_152 = tpu.memref_slice %arg12[%add3A_45, %dma_wait3A_151] : memref<10240x128xf32, #tpu.memory_space<vmem_shared>> -> memref<64x128xf32, #tpu.memory_space<vmem_shared>>
      %dma_wait3A_153 = arith.constant 0 : i32
      %dma_wait3A_154 = tpu.memref_slice %arg12[%add3A_45, %dma_wait3A_153] : memref<10240x128xf32, #tpu.memory_space<vmem_shared>> -> memref<64x128xf32, #tpu.memory_space<vmem_shared>>
      tpu.wait_dma2 semaphore(%run_scoped3A : memref<!tpu.dma_semaphore, #tpu.memory_space<semaphore_mem>>) src(%arg11 : memref<64x128xf32, #tpu.memory_space<vmem>>) dst(%dma_wait3A_154 : memref<64x128xf32, #tpu.memory_space<vmem_shared>>)
      tpu.yield
    }) : () -> ()
    %barrier3A = arith.constant 0 : index
    tpu.barrier barrier_id(%barrier3A)
    %mul3A_46 = arith.constant 10000 : i32
    %mul3A_47 = arith.muli %add3A, %mul3A_46 : i32
    %add3A_48 = arith.constant 0 : i32
    %add3A_49 = arith.addi %mul3A_47, %add3A_48 : i32
    %dma_start3A = tpu.memref_slice %arg3[%add3A_49] : memref<320000xi32, #tpu.memory_space<hbm>> -> memref<128xi32, #tpu.memory_space<hbm>>
    %dma_start3A_50 = tpu.memref_slice %arg3[%add3A_49] : memref<320000xi32, #tpu.memory_space<hbm>> -> memref<128xi32, #tpu.memory_space<hbm>>
    tpu.enqueue_dma source(%dma_start3A_50 : memref<128xi32, #tpu.memory_space<hbm>>) target(%arg5 : memref<128xi32, #tpu.memory_space<vmem>>) target_semaphore(%arg13 : memref<!tpu.dma_semaphore, #tpu.memory_space<semaphore_mem>>)
    %dma_start3A_51 = arith.constant 0 : i32
    %dma_start3A_52 = tpu.memref_slice %arg2[%add3A_49, %dma_start3A_51] : memref<320000x128xf32, #tpu.memory_space<hbm>> -> memref<128x128xf32, #tpu.memory_space<hbm>>
    %dma_start3A_53 = arith.constant 0 : i32
    %dma_start3A_54 = tpu.memref_slice %arg2[%add3A_49, %dma_start3A_53] : memref<320000x128xf32, #tpu.memory_space<hbm>> -> memref<128x128xf32, #tpu.memory_space<hbm>>
    tpu.enqueue_dma source(%dma_start3A_54 : memref<128x128xf32, #tpu.memory_space<hbm>>) target(%arg7 : memref<128x128xf32, #tpu.memory_space<vmem>>) target_semaphore(%arg13 : memref<!tpu.dma_semaphore, #tpu.memory_space<semaphore_mem>>)
    %add3A_55 = arith.constant 128 : i32
    %add3A_56 = arith.addi %mul3A_47, %add3A_55 : i32
    %dma_start3A_57 = tpu.memref_slice %arg3[%add3A_56] : memref<320000xi32, #tpu.memory_space<hbm>> -> memref<128xi32, #tpu.memory_space<hbm>>
    %dma_start3A_58 = tpu.memref_slice %arg3[%add3A_56] : memref<320000xi32, #tpu.memory_space<hbm>> -> memref<128xi32, #tpu.memory_space<hbm>>
    tpu.enqueue_dma source(%dma_start3A_58 : memref<128xi32, #tpu.memory_space<hbm>>) target(%arg6 : memref<128xi32, #tpu.memory_space<vmem>>) target_semaphore(%arg14 : memref<!tpu.dma_semaphore, #tpu.memory_space<semaphore_mem>>)
    %dma_start3A_59 = arith.constant 0 : i32
    %dma_start3A_60 = tpu.memref_slice %arg2[%add3A_56, %dma_start3A_59] : memref<320000x128xf32, #tpu.memory_space<hbm>> -> memref<128x128xf32, #tpu.memory_space<hbm>>
    %dma_start3A_61 = arith.constant 0 : i32
    %dma_start3A_62 = tpu.memref_slice %arg2[%add3A_56, %dma_start3A_61] : memref<320000x128xf32, #tpu.memory_space<hbm>> -> memref<128x128xf32, #tpu.memory_space<hbm>>
    tpu.enqueue_dma source(%dma_start3A_62 : memref<128x128xf32, #tpu.memory_space<hbm>>) target(%arg8 : memref<128x128xf32, #tpu.memory_space<vmem>>) target_semaphore(%arg14 : memref<!tpu.dma_semaphore, #tpu.memory_space<semaphore_mem>>)
    %scan3A_63 = arith.constant 0 : i32
    %scan3A_64 = arith.constant 0 : i32
    %scan3A_65 = arith.constant 39 : i32
    %scan3A_66 = arith.addi %scan3A_64, %scan3A_65 : i32
    %scan3A_67 = arith.constant 1 : i32
    scf.for %scan3A_147 = %scan3A_64 to %scan3A_66 step %scan3A_67  : i32 {
      %mul3A_148 = arith.constant 2 : i32
      %mul3A_149 = arith.muli %mul3A_148, %scan3A_147 : i32
      %add3A_150 = arith.constant 0 : i32
      %add3A_151 = arith.addi %mul3A_149, %add3A_150 : i32
      %mul3A_152 = arith.constant 128 : i32
      %mul3A_153 = arith.muli %add3A_151, %mul3A_152 : i32
      %add3A_154 = arith.addi %mul3A_47, %mul3A_153 : i32
      %dma_wait3A_155 = tpu.memref_slice %arg3[%add3A_154] : memref<320000xi32, #tpu.memory_space<hbm>> -> memref<128xi32, #tpu.memory_space<hbm>>
      %dma_wait3A_156 = tpu.memref_slice %arg3[%add3A_154] : memref<320000xi32, #tpu.memory_space<hbm>> -> memref<128xi32, #tpu.memory_space<hbm>>
      tpu.wait_dma2 semaphore(%arg13 : memref<!tpu.dma_semaphore, #tpu.memory_space<semaphore_mem>>) src(%dma_wait3A_156 : memref<128xi32, #tpu.memory_space<hbm>>) dst(%arg5 : memref<128xi32, #tpu.memory_space<vmem>>)
      %dma_wait3A_157 = arith.constant 0 : i32
      %dma_wait3A_158 = tpu.memref_slice %arg2[%add3A_154, %dma_wait3A_157] : memref<320000x128xf32, #tpu.memory_space<hbm>> -> memref<128x128xf32, #tpu.memory_space<hbm>>
      %dma_wait3A_159 = arith.constant 0 : i32
      %dma_wait3A_160 = tpu.memref_slice %arg2[%add3A_154, %dma_wait3A_159] : memref<320000x128xf32, #tpu.memory_space<hbm>> -> memref<128x128xf32, #tpu.memory_space<hbm>>
      tpu.wait_dma2 semaphore(%arg13 : memref<!tpu.dma_semaphore, #tpu.memory_space<semaphore_mem>>) src(%dma_wait3A_160 : memref<128x128xf32, #tpu.memory_space<hbm>>) dst(%arg7 : memref<128x128xf32, #tpu.memory_space<vmem>>)
      %dma_start3A_161 = arith.constant 0 : i32
      %dma_start3A_162 = arith.constant 0 : i32
      %dma_start3A_163 = tpu.memref_slice %arg12[%dma_start3A_161, %dma_start3A_162] : memref<10240x128xf32, #tpu.memory_space<vmem_shared>> -> memref<10240x128xf32, #tpu.memory_space<vmem_shared>>
      tpu.enqueue_indirect_dma source(%arg7 : memref<128x128xf32, #tpu.memory_space<vmem>>) target(%dma_start3A_163 : memref<10240x128xf32, #tpu.memory_space<vmem_shared>>) offsets(%arg5 : memref<128xi32, #tpu.memory_space<vmem>>) semaphore(%arg15 : memref<!tpu.dma_semaphore, #tpu.memory_space<semaphore_mem>>) {add = true}
      %add3A_164 = arith.constant 2 : i32
      %add3A_165 = arith.addi %add3A_151, %add3A_164 : i32
      %lt3A = arith.constant 78 : i32
      %lt3A_166 = arith.cmpi slt, %add3A_165, %lt3A : i32
      %convert_element_type3A = arith.extui %lt3A_166 : i1 to i32
      %cond3A = arith.constant 0 : i32
      %cond3A_167 = arith.cmpi ne, %convert_element_type3A, %cond3A : i32
      scf.if %cond3A_167 {
        %dma_wait3A_191 = arith.constant 0 : i32
        %dma_wait3A_192 = arith.constant 0 : i32
        %dma_wait3A_193 = tpu.memref_slice %arg12[%dma_wait3A_191, %dma_wait3A_192] : memref<10240x128xf32, #tpu.memory_space<vmem_shared>> -> memref<10240x128xf32, #tpu.memory_space<vmem_shared>>
        tpu.wait_indirect_dma semaphore(%arg15 : memref<!tpu.dma_semaphore, #tpu.memory_space<semaphore_mem>>) src(%arg7 : memref<128x128xf32, #tpu.memory_space<vmem>>) dst(%dma_wait3A_193 : memref<10240x128xf32, #tpu.memory_space<vmem_shared>>)
        %mul3A_194 = arith.constant 128 : i32
        %mul3A_195 = arith.muli %add3A_165, %mul3A_194 : i32
        %add3A_196 = arith.addi %mul3A_47, %mul3A_195 : i32
        %dma_start3A_197 = tpu.memref_slice %arg3[%add3A_196] : memref<320000xi32, #tpu.memory_space<hbm>> -> memref<128xi32, #tpu.memory_space<hbm>>
        %dma_start3A_198 = tpu.memref_slice %arg3[%add3A_196] : memref<320000xi32, #tpu.memory_space<hbm>> -> memref<128xi32, #tpu.memory_space<hbm>>
        tpu.enqueue_dma source(%dma_start3A_198 : memref<128xi32, #tpu.memory_space<hbm>>) target(%arg5 : memref<128xi32, #tpu.memory_space<vmem>>) target_semaphore(%arg13 : memref<!tpu.dma_semaphore, #tpu.memory_space<semaphore_mem>>)
        %dma_start3A_199 = arith.constant 0 : i32
        %dma_start3A_200 = tpu.memref_slice %arg2[%add3A_196, %dma_start3A_199] : memref<320000x128xf32, #tpu.memory_space<hbm>> -> memref<128x128xf32, #tpu.memory_space<hbm>>
        %dma_start3A_201 = arith.constant 0 : i32
        %dma_start3A_202 = tpu.memref_slice %arg2[%add3A_196, %dma_start3A_201] : memref<320000x128xf32, #tpu.memory_space<hbm>> -> memref<128x128xf32, #tpu.memory_space<hbm>>
        tpu.enqueue_dma source(%dma_start3A_202 : memref<128x128xf32, #tpu.memory_space<hbm>>) target(%arg7 : memref<128x128xf32, #tpu.memory_space<vmem>>) target_semaphore(%arg13 : memref<!tpu.dma_semaphore, #tpu.memory_space<semaphore_mem>>)
      } else {
      }
      %mul3A_168 = arith.constant 2 : i32
      %mul3A_169 = arith.muli %mul3A_168, %scan3A_147 : i32
      %add3A_170 = arith.constant 1 : i32
      %add3A_171 = arith.addi %mul3A_169, %add3A_170 : i32
      %mul3A_172 = arith.constant 128 : i32
      %mul3A_173 = arith.muli %add3A_171, %mul3A_172 : i32
      %add3A_174 = arith.addi %mul3A_47, %mul3A_173 : i32
      %dma_wait3A_175 = tpu.memref_slice %arg3[%add3A_174] : memref<320000xi32, #tpu.memory_space<hbm>> -> memref<128xi32, #tpu.memory_space<hbm>>
      %dma_wait3A_176 = tpu.memref_slice %arg3[%add3A_174] : memref<320000xi32, #tpu.memory_space<hbm>> -> memref<128xi32, #tpu.memory_space<hbm>>
      tpu.wait_dma2 semaphore(%arg14 : memref<!tpu.dma_semaphore, #tpu.memory_space<semaphore_mem>>) src(%dma_wait3A_176 : memref<128xi32, #tpu.memory_space<hbm>>) dst(%arg6 : memref<128xi32, #tpu.memory_space<vmem>>)
      %dma_wait3A_177 = arith.constant 0 : i32
      %dma_wait3A_178 = tpu.memref_slice %arg2[%add3A_174, %dma_wait3A_177] : memref<320000x128xf32, #tpu.memory_space<hbm>> -> memref<128x128xf32, #tpu.memory_space<hbm>>
      %dma_wait3A_179 = arith.constant 0 : i32
      %dma_wait3A_180 = tpu.memref_slice %arg2[%add3A_174, %dma_wait3A_179] : memref<320000x128xf32, #tpu.memory_space<hbm>> -> memref<128x128xf32, #tpu.memory_space<hbm>>
      tpu.wait_dma2 semaphore(%arg14 : memref<!tpu.dma_semaphore, #tpu.memory_space<semaphore_mem>>) src(%dma_wait3A_180 : memref<128x128xf32, #tpu.memory_space<hbm>>) dst(%arg8 : memref<128x128xf32, #tpu.memory_space<vmem>>)
      %dma_start3A_181 = arith.constant 0 : i32
      %dma_start3A_182 = arith.constant 0 : i32
      %dma_start3A_183 = tpu.memref_slice %arg12[%dma_start3A_181, %dma_start3A_182] : memref<10240x128xf32, #tpu.memory_space<vmem_shared>> -> memref<10240x128xf32, #tpu.memory_space<vmem_shared>>
      tpu.enqueue_indirect_dma source(%arg8 : memref<128x128xf32, #tpu.memory_space<vmem>>) target(%dma_start3A_183 : memref<10240x128xf32, #tpu.memory_space<vmem_shared>>) offsets(%arg6 : memref<128xi32, #tpu.memory_space<vmem>>) semaphore(%arg16 : memref<!tpu.dma_semaphore, #tpu.memory_space<semaphore_mem>>) {add = true}
      %add3A_184 = arith.constant 2 : i32
      %add3A_185 = arith.addi %add3A_171, %add3A_184 : i32
      %lt3A_186 = arith.constant 78 : i32
      %lt3A_187 = arith.cmpi slt, %add3A_185, %lt3A_186 : i32
      %convert_element_type3A_188 = arith.extui %lt3A_187 : i1 to i32
      %cond3A_189 = arith.constant 0 : i32
      %cond3A_190 = arith.cmpi ne, %convert_element_type3A_188, %cond3A_189 : i32
      scf.if %cond3A_190 {
        %dma_wait3A_191 = arith.constant 0 : i32
        %dma_wait3A_192 = arith.constant 0 : i32
        %dma_wait3A_193 = tpu.memref_slice %arg12[%dma_wait3A_191, %dma_wait3A_192] : memref<10240x128xf32, #tpu.memory_space<vmem_shared>> -> memref<10240x128xf32, #tpu.memory_space<vmem_shared>>
        tpu.wait_indirect_dma semaphore(%arg16 : memref<!tpu.dma_semaphore, #tpu.memory_space<semaphore_mem>>) src(%arg8 : memref<128x128xf32, #tpu.memory_space<vmem>>) dst(%dma_wait3A_193 : memref<10240x128xf32, #tpu.memory_space<vmem_shared>>)
        %mul3A_194 = arith.constant 128 : i32
        %mul3A_195 = arith.muli %add3A_185, %mul3A_194 : i32
        %add3A_196 = arith.addi %mul3A_47, %mul3A_195 : i32
        %dma_start3A_197 = tpu.memref_slice %arg3[%add3A_196] : memref<320000xi32, #tpu.memory_space<hbm>> -> memref<128xi32, #tpu.memory_space<hbm>>
        %dma_start3A_198 = tpu.memref_slice %arg3[%add3A_196] : memref<320000xi32, #tpu.memory_space<hbm>> -> memref<128xi32, #tpu.memory_space<hbm>>
        tpu.enqueue_dma source(%dma_start3A_198 : memref<128xi32, #tpu.memory_space<hbm>>) target(%arg6 : memref<128xi32, #tpu.memory_space<vmem>>) target_semaphore(%arg14 : memref<!tpu.dma_semaphore, #tpu.memory_space<semaphore_mem>>)
        %dma_start3A_199 = arith.constant 0 : i32
        %dma_start3A_200 = tpu.memref_slice %arg2[%add3A_196, %dma_start3A_199] : memref<320000x128xf32, #tpu.memory_space<hbm>> -> memref<128x128xf32, #tpu.memory_space<hbm>>
        %dma_start3A_201 = arith.constant 0 : i32
        %dma_start3A_202 = tpu.memref_slice %arg2[%add3A_196, %dma_start3A_201] : memref<320000x128xf32, #tpu.memory_space<hbm>> -> memref<128x128xf32, #tpu.memory_space<hbm>>
        tpu.enqueue_dma source(%dma_start3A_202 : memref<128x128xf32, #tpu.memory_space<hbm>>) target(%arg8 : memref<128x128xf32, #tpu.memory_space<vmem>>) target_semaphore(%arg14 : memref<!tpu.dma_semaphore, #tpu.memory_space<semaphore_mem>>)
      } else {
      }
    }
    %scan3A_68 = arith.constant 39 : i32
    %dma_wait3A = arith.constant 0 : i32
    %dma_wait3A_69 = arith.constant 0 : i32
    %dma_wait3A_70 = tpu.memref_slice %arg12[%dma_wait3A, %dma_wait3A_69] : memref<10240x128xf32, #tpu.memory_space<vmem_shared>> -> memref<10240x128xf32, #tpu.memory_space<vmem_shared>>
    tpu.wait_indirect_dma semaphore(%arg15 : memref<!tpu.dma_semaphore, #tpu.memory_space<semaphore_mem>>) src(%arg7 : memref<128x128xf32, #tpu.memory_space<vmem>>) dst(%dma_wait3A_70 : memref<10240x128xf32, #tpu.memory_space<vmem_shared>>)
    %dma_wait3A_71 = arith.constant 0 : i32
    %dma_wait3A_72 = arith.constant 0 : i32
    %dma_wait3A_73 = tpu.memref_slice %arg12[%dma_wait3A_71, %dma_wait3A_72] : memref<10240x128xf32, #tpu.memory_space<vmem_shared>> -> memref<10240x128xf32, #tpu.memory_space<vmem_shared>>
    tpu.wait_indirect_dma semaphore(%arg16 : memref<!tpu.dma_semaphore, #tpu.memory_space<semaphore_mem>>) src(%arg8 : memref<128x128xf32, #tpu.memory_space<vmem>>) dst(%dma_wait3A_73 : memref<10240x128xf32, #tpu.memory_space<vmem_shared>>)
    %add3A_74 = arith.constant 9984 : i32
    %add3A_75 = arith.addi %mul3A_47, %add3A_74 : i32
    "tpu.region"() ({
      %run_scoped3A = tpu.sem_alloc : memref<!tpu.dma_semaphore, #tpu.memory_space<semaphore_mem>>
      %dma_start3A_147 = tpu.memref_slice %arg3[%add3A_75] : memref<320000xi32, #tpu.memory_space<hbm>> -> memref<16xi32, #tpu.memory_space<hbm>>
      %dma_start3A_148 = tpu.memref_slice %arg3[%add3A_75] : memref<320000xi32, #tpu.memory_space<hbm>> -> memref<16xi32, #tpu.memory_space<hbm>>
      tpu.enqueue_dma source(%dma_start3A_148 : memref<16xi32, #tpu.memory_space<hbm>>) target(%arg9 : memref<16xi32, #tpu.memory_space<vmem>>) target_semaphore(%run_scoped3A : memref<!tpu.dma_semaphore, #tpu.memory_space<semaphore_mem>>)
      %dma_wait3A_149 = tpu.memref_slice %arg3[%add3A_75] : memref<320000xi32, #tpu.memory_space<hbm>> -> memref<16xi32, #tpu.memory_space<hbm>>
      %dma_wait3A_150 = tpu.memref_slice %arg3[%add3A_75] : memref<320000xi32, #tpu.memory_space<hbm>> -> memref<16xi32, #tpu.memory_space<hbm>>
      tpu.wait_dma2 semaphore(%run_scoped3A : memref<!tpu.dma_semaphore, #tpu.memory_space<semaphore_mem>>) src(%dma_wait3A_150 : memref<16xi32, #tpu.memory_space<hbm>>) dst(%arg9 : memref<16xi32, #tpu.memory_space<vmem>>)
      tpu.yield
    }) : () -> ()
    "tpu.region"() ({
      %run_scoped3A = tpu.sem_alloc : memref<!tpu.dma_semaphore, #tpu.memory_space<semaphore_mem>>
      %dma_start3A_147 = arith.constant 0 : i32
      %dma_start3A_148 = tpu.memref_slice %arg2[%add3A_75, %dma_start3A_147] : memref<320000x128xf32, #tpu.memory_space<hbm>> -> memref<16x128xf32, #tpu.memory_space<hbm>>
      %dma_start3A_149 = arith.constant 0 : i32
      %dma_start3A_150 = tpu.memref_slice %arg2[%add3A_75, %dma_start3A_149] : memref<320000x128xf32, #tpu.memory_space<hbm>> -> memref<16x128xf32, #tpu.memory_space<hbm>>
      tpu.enqueue_dma source(%dma_start3A_150 : memref<16x128xf32, #tpu.memory_space<hbm>>) target(%arg10 : memref<16x128xf32, #tpu.memory_space<vmem>>) target_semaphore(%run_scoped3A : memref<!tpu.dma_semaphore, #tpu.memory_space<semaphore_mem>>)
      %dma_wait3A_151 = arith.constant 0 : i32
      %dma_wait3A_152 = tpu.memref_slice %arg2[%add3A_75, %dma_wait3A_151] : memref<320000x128xf32, #tpu.memory_space<hbm>> -> memref<16x128xf32, #tpu.memory_space<hbm>>
      %dma_wait3A_153 = arith.constant 0 : i32
      %dma_wait3A_154 = tpu.memref_slice %arg2[%add3A_75, %dma_wait3A_153] : memref<320000x128xf32, #tpu.memory_space<hbm>> -> memref<16x128xf32, #tpu.memory_space<hbm>>
      tpu.wait_dma2 semaphore(%run_scoped3A : memref<!tpu.dma_semaphore, #tpu.memory_space<semaphore_mem>>) src(%dma_wait3A_154 : memref<16x128xf32, #tpu.memory_space<hbm>>) dst(%arg10 : memref<16x128xf32, #tpu.memory_space<vmem>>)
      tpu.yield
    }) : () -> ()
    "tpu.region"() ({
      %run_scoped3A = tpu.sem_alloc : memref<!tpu.dma_semaphore, #tpu.memory_space<semaphore_mem>>
      %dma_start3A_147 = arith.constant 0 : i32
      %dma_start3A_148 = arith.constant 0 : i32
      %dma_start3A_149 = tpu.memref_slice %arg12[%dma_start3A_147, %dma_start3A_148] : memref<10240x128xf32, #tpu.memory_space<vmem_shared>> -> memref<10240x128xf32, #tpu.memory_space<vmem_shared>>
      tpu.enqueue_indirect_dma source(%arg10 : memref<16x128xf32, #tpu.memory_space<vmem>>) target(%dma_start3A_149 : memref<10240x128xf32, #tpu.memory_space<vmem_shared>>) offsets(%arg9 : memref<16xi32, #tpu.memory_space<vmem>>) semaphore(%run_scoped3A : memref<!tpu.dma_semaphore, #tpu.memory_space<semaphore_mem>>) {add = true}
      %dma_wait3A_150 = arith.constant 0 : i32
      %dma_wait3A_151 = arith.constant 0 : i32
      %dma_wait3A_152 = tpu.memref_slice %arg12[%dma_wait3A_150, %dma_wait3A_151] : memref<10240x128xf32, #tpu.memory_space<vmem_shared>> -> memref<10240x128xf32, #tpu.memory_space<vmem_shared>>
      tpu.wait_indirect_dma semaphore(%run_scoped3A : memref<!tpu.dma_semaphore, #tpu.memory_space<semaphore_mem>>) src(%arg10 : memref<16x128xf32, #tpu.memory_space<vmem>>) dst(%dma_wait3A_152 : memref<10240x128xf32, #tpu.memory_space<vmem_shared>>)
      tpu.yield
    }) : () -> ()
    %barrier3A_76 = arith.constant 0 : index
    tpu.barrier barrier_id(%barrier3A_76)
    %mul3A_77 = arith.constant 640 : i32
    %mul3A_78 = arith.muli %arg1, %mul3A_77 : i32
    %add3A_79 = arith.constant 0 : i32
    %add3A_80 = arith.addi %mul3A_78, %add3A_79 : i32
    "tpu.region"() ({
      %run_scoped3A = tpu.sem_alloc : memref<!tpu.dma_semaphore, #tpu.memory_space<semaphore_mem>>
      %dma_start3A_147 = arith.constant 0 : i32
      %dma_start3A_148 = tpu.memref_slice %arg12[%add3A_80, %dma_start3A_147] : memref<10240x128xf32, #tpu.memory_space<vmem_shared>> -> memref<64x128xf32, #tpu.memory_space<vmem_shared>>
      %dma_start3A_149 = arith.constant 0 : i32
      %dma_start3A_150 = tpu.memref_slice %arg12[%add3A_80, %dma_start3A_149] : memref<10240x128xf32, #tpu.memory_space<vmem_shared>> -> memref<64x128xf32, #tpu.memory_space<vmem_shared>>
      tpu.enqueue_dma source(%dma_start3A_150 : memref<64x128xf32, #tpu.memory_space<vmem_shared>>) target(%arg11 : memref<64x128xf32, #tpu.memory_space<vmem>>) target_semaphore(%run_scoped3A : memref<!tpu.dma_semaphore, #tpu.memory_space<semaphore_mem>>)
      %dma_wait3A_151 = arith.constant 0 : i32
      %dma_wait3A_152 = tpu.memref_slice %arg12[%add3A_80, %dma_wait3A_151] : memref<10240x128xf32, #tpu.memory_space<vmem_shared>> -> memref<64x128xf32, #tpu.memory_space<vmem_shared>>
      %dma_wait3A_153 = arith.constant 0 : i32
      %dma_wait3A_154 = tpu.memref_slice %arg12[%add3A_80, %dma_wait3A_153] : memref<10240x128xf32, #tpu.memory_space<vmem_shared>> -> memref<64x128xf32, #tpu.memory_space<vmem_shared>>
      tpu.wait_dma2 semaphore(%run_scoped3A : memref<!tpu.dma_semaphore, #tpu.memory_space<semaphore_mem>>) src(%dma_wait3A_154 : memref<64x128xf32, #tpu.memory_space<vmem_shared>>) dst(%arg11 : memref<64x128xf32, #tpu.memory_space<vmem>>)
      tpu.yield
    }) : () -> ()
    %mul3A_81 = arith.constant 10240 : i32
    %mul3A_82 = arith.muli %arg0, %mul3A_81 : i32
    %add3A_83 = arith.addi %mul3A_82, %add3A_80 : i32
    "tpu.region"() ({
      %run_scoped3A = tpu.sem_alloc : memref<!tpu.dma_semaphore, #tpu.memory_space<semaphore_mem>>
      %dma_start3A_147 = arith.constant 0 : i32
      %dma_start3A_148 = tpu.memref_slice %arg4[%add3A_83, %dma_start3A_147] : memref<20480x128xf32, #tpu.memory_space<hbm>> -> memref<64x128xf32, #tpu.memory_space<hbm>>
      %dma_start3A_149 = arith.constant 0 : i32
      %dma_start3A_150 = tpu.memref_slice %arg4[%add3A_83, %dma_start3A_149] : memref<20480x128xf32, #tpu.memory_space<hbm>> -> memref<64x128xf32, #tpu.memory_space<hbm>>
      tpu.enqueue_dma source(%arg11 : memref<64x128xf32, #tpu.memory_space<vmem>>) target(%dma_start3A_150 : memref<64x128xf32, #tpu.memory_space<hbm>>) target_semaphore(%run_scoped3A : memref<!tpu.dma_semaphore, #tpu.memory_space<semaphore_mem>>)
      %dma_wait3A_151 = arith.constant 0 : i32
      %dma_wait3A_152 = tpu.memref_slice %arg4[%add3A_83, %dma_wait3A_151] : memref<20480x128xf32, #tpu.memory_space<hbm>> -> memref<64x128xf32, #tpu.memory_space<hbm>>
      %dma_wait3A_153 = arith.constant 0 : i32
      %dma_wait3A_154 = tpu.memref_slice %arg4[%add3A_83, %dma_wait3A_153] : memref<20480x128xf32, #tpu.memory_space<hbm>> -> memref<64x128xf32, #tpu.memory_space<hbm>>
      tpu.wait_dma2 semaphore(%run_scoped3A : memref<!tpu.dma_semaphore, #tpu.memory_space<semaphore_mem>>) src(%arg11 : memref<64x128xf32, #tpu.memory_space<vmem>>) dst(%dma_wait3A_154 : memref<64x128xf32, #tpu.memory_space<hbm>>)
      tpu.yield
    }) : () -> ()
    %mul3A_84 = arith.constant 640 : i32
    %mul3A_85 = arith.muli %arg1, %mul3A_84 : i32
    %add3A_86 = arith.constant 64 : i32
    %add3A_87 = arith.addi %mul3A_85, %add3A_86 : i32
    "tpu.region"() ({
      %run_scoped3A = tpu.sem_alloc : memref<!tpu.dma_semaphore, #tpu.memory_space<semaphore_mem>>
      %dma_start3A_147 = arith.constant 0 : i32
      %dma_start3A_148 = tpu.memref_slice %arg12[%add3A_87, %dma_start3A_147] : memref<10240x128xf32, #tpu.memory_space<vmem_shared>> -> memref<64x128xf32, #tpu.memory_space<vmem_shared>>
      %dma_start3A_149 = arith.constant 0 : i32
      %dma_start3A_150 = tpu.memref_slice %arg12[%add3A_87, %dma_start3A_149] : memref<10240x128xf32, #tpu.memory_space<vmem_shared>> -> memref<64x128xf32, #tpu.memory_space<vmem_shared>>
      tpu.enqueue_dma source(%dma_start3A_150 : memref<64x128xf32, #tpu.memory_space<vmem_shared>>) target(%arg11 : memref<64x128xf32, #tpu.memory_space<vmem>>) target_semaphore(%run_scoped3A : memref<!tpu.dma_semaphore, #tpu.memory_space<semaphore_mem>>)
      %dma_wait3A_151 = arith.constant 0 : i32
      %dma_wait3A_152 = tpu.memref_slice %arg12[%add3A_87, %dma_wait3A_151] : memref<10240x128xf32, #tpu.memory_space<vmem_shared>> -> memref<64x128xf32, #tpu.memory_space<vmem_shared>>
      %dma_wait3A_153 = arith.constant 0 : i32
      %dma_wait3A_154 = tpu.memref_slice %arg12[%add3A_87, %dma_wait3A_153] : memref<10240x128xf32, #tpu.memory_space<vmem_shared>> -> memref<64x128xf32, #tpu.memory_space<vmem_shared>>
      tpu.wait_dma2 semaphore(%run_scoped3A : memref<!tpu.dma_semaphore, #tpu.memory_space<semaphore_mem>>) src(%dma_wait3A_154 : memref<64x128xf32, #tpu.memory_space<vmem_shared>>) dst(%arg11 : memref<64x128xf32, #tpu.memory_space<vmem>>)
      tpu.yield
    }) : () -> ()
    %mul3A_88 = arith.constant 10240 : i32
    %mul3A_89 = arith.muli %arg0, %mul3A_88 : i32
    %add3A_90 = arith.addi %mul3A_89, %add3A_87 : i32
    "tpu.region"() ({
      %run_scoped3A = tpu.sem_alloc : memref<!tpu.dma_semaphore, #tpu.memory_space<semaphore_mem>>
      %dma_start3A_147 = arith.constant 0 : i32
      %dma_start3A_148 = tpu.memref_slice %arg4[%add3A_90, %dma_start3A_147] : memref<20480x128xf32, #tpu.memory_space<hbm>> -> memref<64x128xf32, #tpu.memory_space<hbm>>
      %dma_start3A_149 = arith.constant 0 : i32
      %dma_start3A_150 = tpu.memref_slice %arg4[%add3A_90, %dma_start3A_149] : memref<20480x128xf32, #tpu.memory_space<hbm>> -> memref<64x128xf32, #tpu.memory_space<hbm>>
      tpu.enqueue_dma source(%arg11 : memref<64x128xf32, #tpu.memory_space<vmem>>) target(%dma_start3A_150 : memref<64x128xf32, #tpu.memory_space<hbm>>) target_semaphore(%run_scoped3A : memref<!tpu.dma_semaphore, #tpu.memory_space<semaphore_mem>>)
      %dma_wait3A_151 = arith.constant 0 : i32
      %dma_wait3A_152 = tpu.memref_slice %arg4[%add3A_90, %dma_wait3A_151] : memref<20480x128xf32, #tpu.memory_space<hbm>> -> memref<64x128xf32, #tpu.memory_space<hbm>>
      %dma_wait3A_153 = arith.constant 0 : i32
      %dma_wait3A_154 = tpu.memref_slice %arg4[%add3A_90, %dma_wait3A_153] : memref<20480x128xf32, #tpu.memory_space<hbm>> -> memref<64x128xf32, #tpu.memory_space<hbm>>
      tpu.wait_dma2 semaphore(%run_scoped3A : memref<!tpu.dma_semaphore, #tpu.memory_space<semaphore_mem>>) src(%arg11 : memref<64x128xf32, #tpu.memory_space<vmem>>) dst(%dma_wait3A_154 : memref<64x128xf32, #tpu.memory_space<hbm>>)
      tpu.yield
    }) : () -> ()
    %mul3A_91 = arith.constant 640 : i32
    %mul3A_92 = arith.muli %arg1, %mul3A_91 : i32
    %add3A_93 = arith.constant 128 : i32
    %add3A_94 = arith.addi %mul3A_92, %add3A_93 : i32
    "tpu.region"() ({
      %run_scoped3A = tpu.sem_alloc : memref<!tpu.dma_semaphore, #tpu.memory_space<semaphore_mem>>
      %dma_start3A_147 = arith.constant 0 : i32
      %dma_start3A_148 = tpu.memref_slice %arg12[%add3A_94, %dma_start3A_147] : memref<10240x128xf32, #tpu.memory_space<vmem_shared>> -> memref<64x128xf32, #tpu.memory_space<vmem_shared>>
      %dma_start3A_149 = arith.constant 0 : i32
      %dma_start3A_150 = tpu.memref_slice %arg12[%add3A_94, %dma_start3A_149] : memref<10240x128xf32, #tpu.memory_space<vmem_shared>> -> memref<64x128xf32, #tpu.memory_space<vmem_shared>>
      tpu.enqueue_dma source(%dma_start3A_150 : memref<64x128xf32, #tpu.memory_space<vmem_shared>>) target(%arg11 : memref<64x128xf32, #tpu.memory_space<vmem>>) target_semaphore(%run_scoped3A : memref<!tpu.dma_semaphore, #tpu.memory_space<semaphore_mem>>)
      %dma_wait3A_151 = arith.constant 0 : i32
      %dma_wait3A_152 = tpu.memref_slice %arg12[%add3A_94, %dma_wait3A_151] : memref<10240x128xf32, #tpu.memory_space<vmem_shared>> -> memref<64x128xf32, #tpu.memory_space<vmem_shared>>
      %dma_wait3A_153 = arith.constant 0 : i32
      %dma_wait3A_154 = tpu.memref_slice %arg12[%add3A_94, %dma_wait3A_153] : memref<10240x128xf32, #tpu.memory_space<vmem_shared>> -> memref<64x128xf32, #tpu.memory_space<vmem_shared>>
      tpu.wait_dma2 semaphore(%run_scoped3A : memref<!tpu.dma_semaphore, #tpu.memory_space<semaphore_mem>>) src(%dma_wait3A_154 : memref<64x128xf32, #tpu.memory_space<vmem_shared>>) dst(%arg11 : memref<64x128xf32, #tpu.memory_space<vmem>>)
      tpu.yield
    }) : () -> ()
    %mul3A_95 = arith.constant 10240 : i32
    %mul3A_96 = arith.muli %arg0, %mul3A_95 : i32
    %add3A_97 = arith.addi %mul3A_96, %add3A_94 : i32
    "tpu.region"() ({
      %run_scoped3A = tpu.sem_alloc : memref<!tpu.dma_semaphore, #tpu.memory_space<semaphore_mem>>
      %dma_start3A_147 = arith.constant 0 : i32
      %dma_start3A_148 = tpu.memref_slice %arg4[%add3A_97, %dma_start3A_147] : memref<20480x128xf32, #tpu.memory_space<hbm>> -> memref<64x128xf32, #tpu.memory_space<hbm>>
      %dma_start3A_149 = arith.constant 0 : i32
      %dma_start3A_150 = tpu.memref_slice %arg4[%add3A_97, %dma_start3A_149] : memref<20480x128xf32, #tpu.memory_space<hbm>> -> memref<64x128xf32, #tpu.memory_space<hbm>>
      tpu.enqueue_dma source(%arg11 : memref<64x128xf32, #tpu.memory_space<vmem>>) target(%dma_start3A_150 : memref<64x128xf32, #tpu.memory_space<hbm>>) target_semaphore(%run_scoped3A : memref<!tpu.dma_semaphore, #tpu.memory_space<semaphore_mem>>)
      %dma_wait3A_151 = arith.constant 0 : i32
      %dma_wait3A_152 = tpu.memref_slice %arg4[%add3A_97, %dma_wait3A_151] : memref<20480x128xf32, #tpu.memory_space<hbm>> -> memref<64x128xf32, #tpu.memory_space<hbm>>
      %dma_wait3A_153 = arith.constant 0 : i32
      %dma_wait3A_154 = tpu.memref_slice %arg4[%add3A_97, %dma_wait3A_153] : memref<20480x128xf32, #tpu.memory_space<hbm>> -> memref<64x128xf32, #tpu.memory_space<hbm>>
      tpu.wait_dma2 semaphore(%run_scoped3A : memref<!tpu.dma_semaphore, #tpu.memory_space<semaphore_mem>>) src(%arg11 : memref<64x128xf32, #tpu.memory_space<vmem>>) dst(%dma_wait3A_154 : memref<64x128xf32, #tpu.memory_space<hbm>>)
      tpu.yield
    }) : () -> ()
    %mul3A_98 = arith.constant 640 : i32
    %mul3A_99 = arith.muli %arg1, %mul3A_98 : i32
    %add3A_100 = arith.constant 192 : i32
    %add3A_101 = arith.addi %mul3A_99, %add3A_100 : i32
    "tpu.region"() ({
      %run_scoped3A = tpu.sem_alloc : memref<!tpu.dma_semaphore, #tpu.memory_space<semaphore_mem>>
      %dma_start3A_147 = arith.constant 0 : i32
      %dma_start3A_148 = tpu.memref_slice %arg12[%add3A_101, %dma_start3A_147] : memref<10240x128xf32, #tpu.memory_space<vmem_shared>> -> memref<64x128xf32, #tpu.memory_space<vmem_shared>>
      %dma_start3A_149 = arith.constant 0 : i32
      %dma_start3A_150 = tpu.memref_slice %arg12[%add3A_101, %dma_start3A_149] : memref<10240x128xf32, #tpu.memory_space<vmem_shared>> -> memref<64x128xf32, #tpu.memory_space<vmem_shared>>
      tpu.enqueue_dma source(%dma_start3A_150 : memref<64x128xf32, #tpu.memory_space<vmem_shared>>) target(%arg11 : memref<64x128xf32, #tpu.memory_space<vmem>>) target_semaphore(%run_scoped3A : memref<!tpu.dma_semaphore, #tpu.memory_space<semaphore_mem>>)
      %dma_wait3A_151 = arith.constant 0 : i32
      %dma_wait3A_152 = tpu.memref_slice %arg12[%add3A_101, %dma_wait3A_151] : memref<10240x128xf32, #tpu.memory_space<vmem_shared>> -> memref<64x128xf32, #tpu.memory_space<vmem_shared>>
      %dma_wait3A_153 = arith.constant 0 : i32
      %dma_wait3A_154 = tpu.memref_slice %arg12[%add3A_101, %dma_wait3A_153] : memref<10240x128xf32, #tpu.memory_space<vmem_shared>> -> memref<64x128xf32, #tpu.memory_space<vmem_shared>>
      tpu.wait_dma2 semaphore(%run_scoped3A : memref<!tpu.dma_semaphore, #tpu.memory_space<semaphore_mem>>) src(%dma_wait3A_154 : memref<64x128xf32, #tpu.memory_space<vmem_shared>>) dst(%arg11 : memref<64x128xf32, #tpu.memory_space<vmem>>)
      tpu.yield
    }) : () -> ()
    %mul3A_102 = arith.constant 10240 : i32
    %mul3A_103 = arith.muli %arg0, %mul3A_102 : i32
    %add3A_104 = arith.addi %mul3A_103, %add3A_101 : i32
    "tpu.region"() ({
      %run_scoped3A = tpu.sem_alloc : memref<!tpu.dma_semaphore, #tpu.memory_space<semaphore_mem>>
      %dma_start3A_147 = arith.constant 0 : i32
      %dma_start3A_148 = tpu.memref_slice %arg4[%add3A_104, %dma_start3A_147] : memref<20480x128xf32, #tpu.memory_space<hbm>> -> memref<64x128xf32, #tpu.memory_space<hbm>>
      %dma_start3A_149 = arith.constant 0 : i32
      %dma_start3A_150 = tpu.memref_slice %arg4[%add3A_104, %dma_start3A_149] : memref<20480x128xf32, #tpu.memory_space<hbm>> -> memref<64x128xf32, #tpu.memory_space<hbm>>
      tpu.enqueue_dma source(%arg11 : memref<64x128xf32, #tpu.memory_space<vmem>>) target(%dma_start3A_150 : memref<64x128xf32, #tpu.memory_space<hbm>>) target_semaphore(%run_scoped3A : memref<!tpu.dma_semaphore, #tpu.memory_space<semaphore_mem>>)
      %dma_wait3A_151 = arith.constant 0 : i32
      %dma_wait3A_152 = tpu.memref_slice %arg4[%add3A_104, %dma_wait3A_151] : memref<20480x128xf32, #tpu.memory_space<hbm>> -> memref<64x128xf32, #tpu.memory_space<hbm>>
      %dma_wait3A_153 = arith.constant 0 : i32
      %dma_wait3A_154 = tpu.memref_slice %arg4[%add3A_104, %dma_wait3A_153] : memref<20480x128xf32, #tpu.memory_space<hbm>> -> memref<64x128xf32, #tpu.memory_space<hbm>>
      tpu.wait_dma2 semaphore(%run_scoped3A : memref<!tpu.dma_semaphore, #tpu.memory_space<semaphore_mem>>) src(%arg11 : memref<64x128xf32, #tpu.memory_space<vmem>>) dst(%dma_wait3A_154 : memref<64x128xf32, #tpu.memory_space<hbm>>)
      tpu.yield
    }) : () -> ()
    %mul3A_105 = arith.constant 640 : i32
    %mul3A_106 = arith.muli %arg1, %mul3A_105 : i32
    %add3A_107 = arith.constant 256 : i32
    %add3A_108 = arith.addi %mul3A_106, %add3A_107 : i32
    "tpu.region"() ({
      %run_scoped3A = tpu.sem_alloc : memref<!tpu.dma_semaphore, #tpu.memory_space<semaphore_mem>>
      %dma_start3A_147 = arith.constant 0 : i32
      %dma_start3A_148 = tpu.memref_slice %arg12[%add3A_108, %dma_start3A_147] : memref<10240x128xf32, #tpu.memory_space<vmem_shared>> -> memref<64x128xf32, #tpu.memory_space<vmem_shared>>
      %dma_start3A_149 = arith.constant 0 : i32
      %dma_start3A_150 = tpu.memref_slice %arg12[%add3A_108, %dma_start3A_149] : memref<10240x128xf32, #tpu.memory_space<vmem_shared>> -> memref<64x128xf32, #tpu.memory_space<vmem_shared>>
      tpu.enqueue_dma source(%dma_start3A_150 : memref<64x128xf32, #tpu.memory_space<vmem_shared>>) target(%arg11 : memref<64x128xf32, #tpu.memory_space<vmem>>) target_semaphore(%run_scoped3A : memref<!tpu.dma_semaphore, #tpu.memory_space<semaphore_mem>>)
      %dma_wait3A_151 = arith.constant 0 : i32
      %dma_wait3A_152 = tpu.memref_slice %arg12[%add3A_108, %dma_wait3A_151] : memref<10240x128xf32, #tpu.memory_space<vmem_shared>> -> memref<64x128xf32, #tpu.memory_space<vmem_shared>>
      %dma_wait3A_153 = arith.constant 0 : i32
      %dma_wait3A_154 = tpu.memref_slice %arg12[%add3A_108, %dma_wait3A_153] : memref<10240x128xf32, #tpu.memory_space<vmem_shared>> -> memref<64x128xf32, #tpu.memory_space<vmem_shared>>
      tpu.wait_dma2 semaphore(%run_scoped3A : memref<!tpu.dma_semaphore, #tpu.memory_space<semaphore_mem>>) src(%dma_wait3A_154 : memref<64x128xf32, #tpu.memory_space<vmem_shared>>) dst(%arg11 : memref<64x128xf32, #tpu.memory_space<vmem>>)
      tpu.yield
    }) : () -> ()
    %mul3A_109 = arith.constant 10240 : i32
    %mul3A_110 = arith.muli %arg0, %mul3A_109 : i32
    %add3A_111 = arith.addi %mul3A_110, %add3A_108 : i32
    "tpu.region"() ({
      %run_scoped3A = tpu.sem_alloc : memref<!tpu.dma_semaphore, #tpu.memory_space<semaphore_mem>>
      %dma_start3A_147 = arith.constant 0 : i32
      %dma_start3A_148 = tpu.memref_slice %arg4[%add3A_111, %dma_start3A_147] : memref<20480x128xf32, #tpu.memory_space<hbm>> -> memref<64x128xf32, #tpu.memory_space<hbm>>
      %dma_start3A_149 = arith.constant 0 : i32
      %dma_start3A_150 = tpu.memref_slice %arg4[%add3A_111, %dma_start3A_149] : memref<20480x128xf32, #tpu.memory_space<hbm>> -> memref<64x128xf32, #tpu.memory_space<hbm>>
      tpu.enqueue_dma source(%arg11 : memref<64x128xf32, #tpu.memory_space<vmem>>) target(%dma_start3A_150 : memref<64x128xf32, #tpu.memory_space<hbm>>) target_semaphore(%run_scoped3A : memref<!tpu.dma_semaphore, #tpu.memory_space<semaphore_mem>>)
      %dma_wait3A_151 = arith.constant 0 : i32
      %dma_wait3A_152 = tpu.memref_slice %arg4[%add3A_111, %dma_wait3A_151] : memref<20480x128xf32, #tpu.memory_space<hbm>> -> memref<64x128xf32, #tpu.memory_space<hbm>>
      %dma_wait3A_153 = arith.constant 0 : i32
      %dma_wait3A_154 = tpu.memref_slice %arg4[%add3A_111, %dma_wait3A_153] : memref<20480x128xf32, #tpu.memory_space<hbm>> -> memref<64x128xf32, #tpu.memory_space<hbm>>
      tpu.wait_dma2 semaphore(%run_scoped3A : memref<!tpu.dma_semaphore, #tpu.memory_space<semaphore_mem>>) src(%arg11 : memref<64x128xf32, #tpu.memory_space<vmem>>) dst(%dma_wait3A_154 : memref<64x128xf32, #tpu.memory_space<hbm>>)
      tpu.yield
    }) : () -> ()
    %mul3A_112 = arith.constant 640 : i32
    %mul3A_113 = arith.muli %arg1, %mul3A_112 : i32
    %add3A_114 = arith.constant 320 : i32
    %add3A_115 = arith.addi %mul3A_113, %add3A_114 : i32
    "tpu.region"() ({
      %run_scoped3A = tpu.sem_alloc : memref<!tpu.dma_semaphore, #tpu.memory_space<semaphore_mem>>
      %dma_start3A_147 = arith.constant 0 : i32
      %dma_start3A_148 = tpu.memref_slice %arg12[%add3A_115, %dma_start3A_147] : memref<10240x128xf32, #tpu.memory_space<vmem_shared>> -> memref<64x128xf32, #tpu.memory_space<vmem_shared>>
      %dma_start3A_149 = arith.constant 0 : i32
      %dma_start3A_150 = tpu.memref_slice %arg12[%add3A_115, %dma_start3A_149] : memref<10240x128xf32, #tpu.memory_space<vmem_shared>> -> memref<64x128xf32, #tpu.memory_space<vmem_shared>>
      tpu.enqueue_dma source(%dma_start3A_150 : memref<64x128xf32, #tpu.memory_space<vmem_shared>>) target(%arg11 : memref<64x128xf32, #tpu.memory_space<vmem>>) target_semaphore(%run_scoped3A : memref<!tpu.dma_semaphore, #tpu.memory_space<semaphore_mem>>)
      %dma_wait3A_151 = arith.constant 0 : i32
      %dma_wait3A_152 = tpu.memref_slice %arg12[%add3A_115, %dma_wait3A_151] : memref<10240x128xf32, #tpu.memory_space<vmem_shared>> -> memref<64x128xf32, #tpu.memory_space<vmem_shared>>
      %dma_wait3A_153 = arith.constant 0 : i32
      %dma_wait3A_154 = tpu.memref_slice %arg12[%add3A_115, %dma_wait3A_153] : memref<10240x128xf32, #tpu.memory_space<vmem_shared>> -> memref<64x128xf32, #tpu.memory_space<vmem_shared>>
      tpu.wait_dma2 semaphore(%run_scoped3A : memref<!tpu.dma_semaphore, #tpu.memory_space<semaphore_mem>>) src(%dma_wait3A_154 : memref<64x128xf32, #tpu.memory_space<vmem_shared>>) dst(%arg11 : memref<64x128xf32, #tpu.memory_space<vmem>>)
      tpu.yield
    }) : () -> ()
    %mul3A_116 = arith.constant 10240 : i32
    %mul3A_117 = arith.muli %arg0, %mul3A_116 : i32
    %add3A_118 = arith.addi %mul3A_117, %add3A_115 : i32
    "tpu.region"() ({
      %run_scoped3A = tpu.sem_alloc : memref<!tpu.dma_semaphore, #tpu.memory_space<semaphore_mem>>
      %dma_start3A_147 = arith.constant 0 : i32
      %dma_start3A_148 = tpu.memref_slice %arg4[%add3A_118, %dma_start3A_147] : memref<20480x128xf32, #tpu.memory_space<hbm>> -> memref<64x128xf32, #tpu.memory_space<hbm>>
      %dma_start3A_149 = arith.constant 0 : i32
      %dma_start3A_150 = tpu.memref_slice %arg4[%add3A_118, %dma_start3A_149] : memref<20480x128xf32, #tpu.memory_space<hbm>> -> memref<64x128xf32, #tpu.memory_space<hbm>>
      tpu.enqueue_dma source(%arg11 : memref<64x128xf32, #tpu.memory_space<vmem>>) target(%dma_start3A_150 : memref<64x128xf32, #tpu.memory_space<hbm>>) target_semaphore(%run_scoped3A : memref<!tpu.dma_semaphore, #tpu.memory_space<semaphore_mem>>)
      %dma_wait3A_151 = arith.constant 0 : i32
      %dma_wait3A_152 = tpu.memref_slice %arg4[%add3A_118, %dma_wait3A_151] : memref<20480x128xf32, #tpu.memory_space<hbm>> -> memref<64x128xf32, #tpu.memory_space<hbm>>
      %dma_wait3A_153 = arith.constant 0 : i32
      %dma_wait3A_154 = tpu.memref_slice %arg4[%add3A_118, %dma_wait3A_153] : memref<20480x128xf32, #tpu.memory_space<hbm>> -> memref<64x128xf32, #tpu.memory_space<hbm>>
      tpu.wait_dma2 semaphore(%run_scoped3A : memref<!tpu.dma_semaphore, #tpu.memory_space<semaphore_mem>>) src(%arg11 : memref<64x128xf32, #tpu.memory_space<vmem>>) dst(%dma_wait3A_154 : memref<64x128xf32, #tpu.memory_space<hbm>>)
      tpu.yield
    }) : () -> ()
    %mul3A_119 = arith.constant 640 : i32
    %mul3A_120 = arith.muli %arg1, %mul3A_119 : i32
    %add3A_121 = arith.constant 384 : i32
    %add3A_122 = arith.addi %mul3A_120, %add3A_121 : i32
    "tpu.region"() ({
      %run_scoped3A = tpu.sem_alloc : memref<!tpu.dma_semaphore, #tpu.memory_space<semaphore_mem>>
      %dma_start3A_147 = arith.constant 0 : i32
      %dma_start3A_148 = tpu.memref_slice %arg12[%add3A_122, %dma_start3A_147] : memref<10240x128xf32, #tpu.memory_space<vmem_shared>> -> memref<64x128xf32, #tpu.memory_space<vmem_shared>>
      %dma_start3A_149 = arith.constant 0 : i32
      %dma_start3A_150 = tpu.memref_slice %arg12[%add3A_122, %dma_start3A_149] : memref<10240x128xf32, #tpu.memory_space<vmem_shared>> -> memref<64x128xf32, #tpu.memory_space<vmem_shared>>
      tpu.enqueue_dma source(%dma_start3A_150 : memref<64x128xf32, #tpu.memory_space<vmem_shared>>) target(%arg11 : memref<64x128xf32, #tpu.memory_space<vmem>>) target_semaphore(%run_scoped3A : memref<!tpu.dma_semaphore, #tpu.memory_space<semaphore_mem>>)
      %dma_wait3A_151 = arith.constant 0 : i32
      %dma_wait3A_152 = tpu.memref_slice %arg12[%add3A_122, %dma_wait3A_151] : memref<10240x128xf32, #tpu.memory_space<vmem_shared>> -> memref<64x128xf32, #tpu.memory_space<vmem_shared>>
      %dma_wait3A_153 = arith.constant 0 : i32
      %dma_wait3A_154 = tpu.memref_slice %arg12[%add3A_122, %dma_wait3A_153] : memref<10240x128xf32, #tpu.memory_space<vmem_shared>> -> memref<64x128xf32, #tpu.memory_space<vmem_shared>>
      tpu.wait_dma2 semaphore(%run_scoped3A : memref<!tpu.dma_semaphore, #tpu.memory_space<semaphore_mem>>) src(%dma_wait3A_154 : memref<64x128xf32, #tpu.memory_space<vmem_shared>>) dst(%arg11 : memref<64x128xf32, #tpu.memory_space<vmem>>)
      tpu.yield
    }) : () -> ()
    %mul3A_123 = arith.constant 10240 : i32
    %mul3A_124 = arith.muli %arg0, %mul3A_123 : i32
    %add3A_125 = arith.addi %mul3A_124, %add3A_122 : i32
    "tpu.region"() ({
      %run_scoped3A = tpu.sem_alloc : memref<!tpu.dma_semaphore, #tpu.memory_space<semaphore_mem>>
      %dma_start3A_147 = arith.constant 0 : i32
      %dma_start3A_148 = tpu.memref_slice %arg4[%add3A_125, %dma_start3A_147] : memref<20480x128xf32, #tpu.memory_space<hbm>> -> memref<64x128xf32, #tpu.memory_space<hbm>>
      %dma_start3A_149 = arith.constant 0 : i32
      %dma_start3A_150 = tpu.memref_slice %arg4[%add3A_125, %dma_start3A_149] : memref<20480x128xf32, #tpu.memory_space<hbm>> -> memref<64x128xf32, #tpu.memory_space<hbm>>
      tpu.enqueue_dma source(%arg11 : memref<64x128xf32, #tpu.memory_space<vmem>>) target(%dma_start3A_150 : memref<64x128xf32, #tpu.memory_space<hbm>>) target_semaphore(%run_scoped3A : memref<!tpu.dma_semaphore, #tpu.memory_space<semaphore_mem>>)
      %dma_wait3A_151 = arith.constant 0 : i32
      %dma_wait3A_152 = tpu.memref_slice %arg4[%add3A_125, %dma_wait3A_151] : memref<20480x128xf32, #tpu.memory_space<hbm>> -> memref<64x128xf32, #tpu.memory_space<hbm>>
      %dma_wait3A_153 = arith.constant 0 : i32
      %dma_wait3A_154 = tpu.memref_slice %arg4[%add3A_125, %dma_wait3A_153] : memref<20480x128xf32, #tpu.memory_space<hbm>> -> memref<64x128xf32, #tpu.memory_space<hbm>>
      tpu.wait_dma2 semaphore(%run_scoped3A : memref<!tpu.dma_semaphore, #tpu.memory_space<semaphore_mem>>) src(%arg11 : memref<64x128xf32, #tpu.memory_space<vmem>>) dst(%dma_wait3A_154 : memref<64x128xf32, #tpu.memory_space<hbm>>)
      tpu.yield
    }) : () -> ()
    %mul3A_126 = arith.constant 640 : i32
    %mul3A_127 = arith.muli %arg1, %mul3A_126 : i32
    %add3A_128 = arith.constant 448 : i32
    %add3A_129 = arith.addi %mul3A_127, %add3A_128 : i32
    "tpu.region"() ({
      %run_scoped3A = tpu.sem_alloc : memref<!tpu.dma_semaphore, #tpu.memory_space<semaphore_mem>>
      %dma_start3A_147 = arith.constant 0 : i32
      %dma_start3A_148 = tpu.memref_slice %arg12[%add3A_129, %dma_start3A_147] : memref<10240x128xf32, #tpu.memory_space<vmem_shared>> -> memref<64x128xf32, #tpu.memory_space<vmem_shared>>
      %dma_start3A_149 = arith.constant 0 : i32
      %dma_start3A_150 = tpu.memref_slice %arg12[%add3A_129, %dma_start3A_149] : memref<10240x128xf32, #tpu.memory_space<vmem_shared>> -> memref<64x128xf32, #tpu.memory_space<vmem_shared>>
      tpu.enqueue_dma source(%dma_start3A_150 : memref<64x128xf32, #tpu.memory_space<vmem_shared>>) target(%arg11 : memref<64x128xf32, #tpu.memory_space<vmem>>) target_semaphore(%run_scoped3A : memref<!tpu.dma_semaphore, #tpu.memory_space<semaphore_mem>>)
      %dma_wait3A_151 = arith.constant 0 : i32
      %dma_wait3A_152 = tpu.memref_slice %arg12[%add3A_129, %dma_wait3A_151] : memref<10240x128xf32, #tpu.memory_space<vmem_shared>> -> memref<64x128xf32, #tpu.memory_space<vmem_shared>>
      %dma_wait3A_153 = arith.constant 0 : i32
      %dma_wait3A_154 = tpu.memref_slice %arg12[%add3A_129, %dma_wait3A_153] : memref<10240x128xf32, #tpu.memory_space<vmem_shared>> -> memref<64x128xf32, #tpu.memory_space<vmem_shared>>
      tpu.wait_dma2 semaphore(%run_scoped3A : memref<!tpu.dma_semaphore, #tpu.memory_space<semaphore_mem>>) src(%dma_wait3A_154 : memref<64x128xf32, #tpu.memory_space<vmem_shared>>) dst(%arg11 : memref<64x128xf32, #tpu.memory_space<vmem>>)
      tpu.yield
    }) : () -> ()
    %mul3A_130 = arith.constant 10240 : i32
    %mul3A_131 = arith.muli %arg0, %mul3A_130 : i32
    %add3A_132 = arith.addi %mul3A_131, %add3A_129 : i32
    "tpu.region"() ({
      %run_scoped3A = tpu.sem_alloc : memref<!tpu.dma_semaphore, #tpu.memory_space<semaphore_mem>>
      %dma_start3A_147 = arith.constant 0 : i32
      %dma_start3A_148 = tpu.memref_slice %arg4[%add3A_132, %dma_start3A_147] : memref<20480x128xf32, #tpu.memory_space<hbm>> -> memref<64x128xf32, #tpu.memory_space<hbm>>
      %dma_start3A_149 = arith.constant 0 : i32
      %dma_start3A_150 = tpu.memref_slice %arg4[%add3A_132, %dma_start3A_149] : memref<20480x128xf32, #tpu.memory_space<hbm>> -> memref<64x128xf32, #tpu.memory_space<hbm>>
      tpu.enqueue_dma source(%arg11 : memref<64x128xf32, #tpu.memory_space<vmem>>) target(%dma_start3A_150 : memref<64x128xf32, #tpu.memory_space<hbm>>) target_semaphore(%run_scoped3A : memref<!tpu.dma_semaphore, #tpu.memory_space<semaphore_mem>>)
      %dma_wait3A_151 = arith.constant 0 : i32
      %dma_wait3A_152 = tpu.memref_slice %arg4[%add3A_132, %dma_wait3A_151] : memref<20480x128xf32, #tpu.memory_space<hbm>> -> memref<64x128xf32, #tpu.memory_space<hbm>>
      %dma_wait3A_153 = arith.constant 0 : i32
      %dma_wait3A_154 = tpu.memref_slice %arg4[%add3A_132, %dma_wait3A_153] : memref<20480x128xf32, #tpu.memory_space<hbm>> -> memref<64x128xf32, #tpu.memory_space<hbm>>
      tpu.wait_dma2 semaphore(%run_scoped3A : memref<!tpu.dma_semaphore, #tpu.memory_space<semaphore_mem>>) src(%arg11 : memref<64x128xf32, #tpu.memory_space<vmem>>) dst(%dma_wait3A_154 : memref<64x128xf32, #tpu.memory_space<hbm>>)
      tpu.yield
    }) : () -> ()
    %mul3A_133 = arith.constant 640 : i32
    %mul3A_134 = arith.muli %arg1, %mul3A_133 : i32
    %add3A_135 = arith.constant 512 : i32
    %add3A_136 = arith.addi %mul3A_134, %add3A_135 : i32
    "tpu.region"() ({
      %run_scoped3A = tpu.sem_alloc : memref<!tpu.dma_semaphore, #tpu.memory_space<semaphore_mem>>
      %dma_start3A_147 = arith.constant 0 : i32
      %dma_start3A_148 = tpu.memref_slice %arg12[%add3A_136, %dma_start3A_147] : memref<10240x128xf32, #tpu.memory_space<vmem_shared>> -> memref<64x128xf32, #tpu.memory_space<vmem_shared>>
      %dma_start3A_149 = arith.constant 0 : i32
      %dma_start3A_150 = tpu.memref_slice %arg12[%add3A_136, %dma_start3A_149] : memref<10240x128xf32, #tpu.memory_space<vmem_shared>> -> memref<64x128xf32, #tpu.memory_space<vmem_shared>>
      tpu.enqueue_dma source(%dma_start3A_150 : memref<64x128xf32, #tpu.memory_space<vmem_shared>>) target(%arg11 : memref<64x128xf32, #tpu.memory_space<vmem>>) target_semaphore(%run_scoped3A : memref<!tpu.dma_semaphore, #tpu.memory_space<semaphore_mem>>)
      %dma_wait3A_151 = arith.constant 0 : i32
      %dma_wait3A_152 = tpu.memref_slice %arg12[%add3A_136, %dma_wait3A_151] : memref<10240x128xf32, #tpu.memory_space<vmem_shared>> -> memref<64x128xf32, #tpu.memory_space<vmem_shared>>
      %dma_wait3A_153 = arith.constant 0 : i32
      %dma_wait3A_154 = tpu.memref_slice %arg12[%add3A_136, %dma_wait3A_153] : memref<10240x128xf32, #tpu.memory_space<vmem_shared>> -> memref<64x128xf32, #tpu.memory_space<vmem_shared>>
      tpu.wait_dma2 semaphore(%run_scoped3A : memref<!tpu.dma_semaphore, #tpu.memory_space<semaphore_mem>>) src(%dma_wait3A_154 : memref<64x128xf32, #tpu.memory_space<vmem_shared>>) dst(%arg11 : memref<64x128xf32, #tpu.memory_space<vmem>>)
      tpu.yield
    }) : () -> ()
    %mul3A_137 = arith.constant 10240 : i32
    %mul3A_138 = arith.muli %arg0, %mul3A_137 : i32
    %add3A_139 = arith.addi %mul3A_138, %add3A_136 : i32
    "tpu.region"() ({
      %run_scoped3A = tpu.sem_alloc : memref<!tpu.dma_semaphore, #tpu.memory_space<semaphore_mem>>
      %dma_start3A_147 = arith.constant 0 : i32
      %dma_start3A_148 = tpu.memref_slice %arg4[%add3A_139, %dma_start3A_147] : memref<20480x128xf32, #tpu.memory_space<hbm>> -> memref<64x128xf32, #tpu.memory_space<hbm>>
      %dma_start3A_149 = arith.constant 0 : i32
      %dma_start3A_150 = tpu.memref_slice %arg4[%add3A_139, %dma_start3A_149] : memref<20480x128xf32, #tpu.memory_space<hbm>> -> memref<64x128xf32, #tpu.memory_space<hbm>>
      tpu.enqueue_dma source(%arg11 : memref<64x128xf32, #tpu.memory_space<vmem>>) target(%dma_start3A_150 : memref<64x128xf32, #tpu.memory_space<hbm>>) target_semaphore(%run_scoped3A : memref<!tpu.dma_semaphore, #tpu.memory_space<semaphore_mem>>)
      %dma_wait3A_151 = arith.constant 0 : i32
      %dma_wait3A_152 = tpu.memref_slice %arg4[%add3A_139, %dma_wait3A_151] : memref<20480x128xf32, #tpu.memory_space<hbm>> -> memref<64x128xf32, #tpu.memory_space<hbm>>
      %dma_wait3A_153 = arith.constant 0 : i32
      %dma_wait3A_154 = tpu.memref_slice %arg4[%add3A_139, %dma_wait3A_153] : memref<20480x128xf32, #tpu.memory_space<hbm>> -> memref<64x128xf32, #tpu.memory_space<hbm>>
      tpu.wait_dma2 semaphore(%run_scoped3A : memref<!tpu.dma_semaphore, #tpu.memory_space<semaphore_mem>>) src(%arg11 : memref<64x128xf32, #tpu.memory_space<vmem>>) dst(%dma_wait3A_154 : memref<64x128xf32, #tpu.memory_space<hbm>>)
      tpu.yield
    }) : () -> ()
    %mul3A_140 = arith.constant 640 : i32
    %mul3A_141 = arith.muli %arg1, %mul3A_140 : i32
    %add3A_142 = arith.constant 576 : i32
    %add3A_143 = arith.addi %mul3A_141, %add3A_142 : i32
    "tpu.region"() ({
      %run_scoped3A = tpu.sem_alloc : memref<!tpu.dma_semaphore, #tpu.memory_space<semaphore_mem>>
      %dma_start3A_147 = arith.constant 0 : i32
      %dma_start3A_148 = tpu.memref_slice %arg12[%add3A_143, %dma_start3A_147] : memref<10240x128xf32, #tpu.memory_space<vmem_shared>> -> memref<64x128xf32, #tpu.memory_space<vmem_shared>>
      %dma_start3A_149 = arith.constant 0 : i32
      %dma_start3A_150 = tpu.memref_slice %arg12[%add3A_143, %dma_start3A_149] : memref<10240x128xf32, #tpu.memory_space<vmem_shared>> -> memref<64x128xf32, #tpu.memory_space<vmem_shared>>
      tpu.enqueue_dma source(%dma_start3A_150 : memref<64x128xf32, #tpu.memory_space<vmem_shared>>) target(%arg11 : memref<64x128xf32, #tpu.memory_space<vmem>>) target_semaphore(%run_scoped3A : memref<!tpu.dma_semaphore, #tpu.memory_space<semaphore_mem>>)
      %dma_wait3A_151 = arith.constant 0 : i32
      %dma_wait3A_152 = tpu.memref_slice %arg12[%add3A_143, %dma_wait3A_151] : memref<10240x128xf32, #tpu.memory_space<vmem_shared>> -> memref<64x128xf32, #tpu.memory_space<vmem_shared>>
      %dma_wait3A_153 = arith.constant 0 : i32
      %dma_wait3A_154 = tpu.memref_slice %arg12[%add3A_143, %dma_wait3A_153] : memref<10240x128xf32, #tpu.memory_space<vmem_shared>> -> memref<64x128xf32, #tpu.memory_space<vmem_shared>>
      tpu.wait_dma2 semaphore(%run_scoped3A : memref<!tpu.dma_semaphore, #tpu.memory_space<semaphore_mem>>) src(%dma_wait3A_154 : memref<64x128xf32, #tpu.memory_space<vmem_shared>>) dst(%arg11 : memref<64x128xf32, #tpu.memory_space<vmem>>)
      tpu.yield
    }) : () -> ()
    %mul3A_144 = arith.constant 10240 : i32
    %mul3A_145 = arith.muli %arg0, %mul3A_144 : i32
    %add3A_146 = arith.addi %mul3A_145, %add3A_143 : i32
    "tpu.region"() ({
      %run_scoped3A = tpu.sem_alloc : memref<!tpu.dma_semaphore, #tpu.memory_space<semaphore_mem>>
      %dma_start3A_147 = arith.constant 0 : i32
      %dma_start3A_148 = tpu.memref_slice %arg4[%add3A_146, %dma_start3A_147] : memref<20480x128xf32, #tpu.memory_space<hbm>> -> memref<64x128xf32, #tpu.memory_space<hbm>>
      %dma_start3A_149 = arith.constant 0 : i32
      %dma_start3A_150 = tpu.memref_slice %arg4[%add3A_146, %dma_start3A_149] : memref<20480x128xf32, #tpu.memory_space<hbm>> -> memref<64x128xf32, #tpu.memory_space<hbm>>
      tpu.enqueue_dma source(%arg11 : memref<64x128xf32, #tpu.memory_space<vmem>>) target(%dma_start3A_150 : memref<64x128xf32, #tpu.memory_space<hbm>>) target_semaphore(%run_scoped3A : memref<!tpu.dma_semaphore, #tpu.memory_space<semaphore_mem>>)
      %dma_wait3A_151 = arith.constant 0 : i32
      %dma_wait3A_152 = tpu.memref_slice %arg4[%add3A_146, %dma_wait3A_151] : memref<20480x128xf32, #tpu.memory_space<hbm>> -> memref<64x128xf32, #tpu.memory_space<hbm>>
      %dma_wait3A_153 = arith.constant 0 : i32
      %dma_wait3A_154 = tpu.memref_slice %arg4[%add3A_146, %dma_wait3A_153] : memref<20480x128xf32, #tpu.memory_space<hbm>> -> memref<64x128xf32, #tpu.memory_space<hbm>>
      tpu.wait_dma2 semaphore(%run_scoped3A : memref<!tpu.dma_semaphore, #tpu.memory_space<semaphore_mem>>) src(%arg11 : memref<64x128xf32, #tpu.memory_space<vmem>>) dst(%dma_wait3A_154 : memref<64x128xf32, #tpu.memory_space<hbm>>)
      tpu.yield
    }) : () -> ()
    return
  }
}

module attributes {stable_mosaic.version = 14 : i64} {
  func.func @body(%arg0: i32, %arg1: memref<2000x128xf32, #tpu.memory_space<vmem>>, %arg2: memref<128x128xf32, #tpu.memory_space<vmem>>, %arg3: memref<1x128xf32, #tpu.memory_space<vmem>>, %arg4: memref<128x128xf32, #tpu.memory_space<vmem>>, %arg5: memref<1x128xf32, #tpu.memory_space<vmem>>, %arg6: memref<2000x128xf32, #tpu.memory_space<vmem>>, %arg7: memref<2000x128xf32, #tpu.memory_space<vmem>>) attributes {dimension_semantics = [#tpu.dimension_semantics<arbitrary>], iteration_bounds = array<i64: 5>, scalar_prefetch = 0 : i64, scratch_operands = 0 : i64, tpu.core_type = #tpu.core_type<tc>, window_params = [{transform_indices = @transform_0, window_bounds = array<i64: 2000, 128>}, {pipeline_mode = #tpu.pipeline_mode<synchronous>, transform_indices = @transform_1, window_bounds = array<i64: 128, 128>}, {pipeline_mode = #tpu.pipeline_mode<synchronous>, transform_indices = @transform_2, window_bounds = array<i64: 1, 128>}, {pipeline_mode = #tpu.pipeline_mode<synchronous>, transform_indices = @transform_3, window_bounds = array<i64: 128, 128>}, {pipeline_mode = #tpu.pipeline_mode<synchronous>, transform_indices = @transform_4, window_bounds = array<i64: 1, 128>}, {transform_indices = @transform_5, window_bounds = array<i64: 2000, 128>}, {transform_indices = @transform_6, window_bounds = array<i64: 2000, 128>}]} {
    %get3A = arith.constant 0 : index
    %get3A_0 = arith.constant 0 : index
    %get3A_1 = vector.load %arg1[%get3A, %get3A_0] : memref<2000x128xf32, #tpu.memory_space<vmem>>, vector<2000x128xf32>
    %get3A_2 = arith.constant 0 : index
    %get3A_3 = arith.constant 0 : index
    %get3A_4 = vector.load %arg2[%get3A_2, %get3A_3] : memref<128x128xf32, #tpu.memory_space<vmem>>, vector<128x128xf32>
    %dot_general3A = arith.constant dense<0.000000e+00> : vector<2000x128xf32>
    %dot_general3A_5 = tpu.matmul %get3A_1, %get3A_4, %dot_general3A {dimension_numbers = #tpu.dot_dimension_numbers<[1], [0], [0], [1], [0, 0, 1, 1], [], []>, transpose_lhs_hint = false} : vector<2000x128xf32>, vector<128x128xf32>, vector<2000x128xf32> -> vector<2000x128xf32>
    %get3A_6 = arith.constant 0 : index
    %get3A_7 = arith.constant 0 : index
    %get3A_8 = vector.load %arg3[%get3A_6, %get3A_7] : memref<1x128xf32, #tpu.memory_space<vmem>>, vector<1x128xf32>
    %add3A = vector.broadcast %get3A_8 : vector<1x128xf32> to vector<2000x128xf32>
    %add3A_9 = arith.addf %dot_general3A_5, %add3A : vector<2000x128xf32>
    %swap3A = arith.constant 0 : index
    %swap3A_10 = arith.constant 0 : index
    %swap3A_11 = vector.load %arg6[%swap3A, %swap3A_10] : memref<2000x128xf32, #tpu.memory_space<vmem>>, vector<2000x128xf32>
    tpu.vector_store %arg6[%swap3A, %swap3A_10], %add3A_9 {strides = array<i32>} : memref<2000x128xf32, #tpu.memory_space<vmem>>, vector<2000x128xf32>,
    %get3A_12 = arith.constant 0 : index
    %get3A_13 = arith.constant 0 : index
    %get3A_14 = vector.load %arg4[%get3A_12, %get3A_13] : memref<128x128xf32, #tpu.memory_space<vmem>>, vector<128x128xf32>
    %dot_general3A_15 = arith.constant dense<0.000000e+00> : vector<2000x128xf32>
    %dot_general3A_16 = tpu.matmul %get3A_1, %get3A_14, %dot_general3A_15 {dimension_numbers = #tpu.dot_dimension_numbers<[1], [0], [0], [1], [0, 0, 1, 1], [], []>, transpose_lhs_hint = false} : vector<2000x128xf32>, vector<128x128xf32>, vector<2000x128xf32> -> vector<2000x128xf32>
    %get3A_17 = arith.constant 0 : index
    %get3A_18 = arith.constant 0 : index
    %get3A_19 = vector.load %arg5[%get3A_17, %get3A_18] : memref<1x128xf32, #tpu.memory_space<vmem>>, vector<1x128xf32>
    %add3A_20 = vector.broadcast %get3A_19 : vector<1x128xf32> to vector<2000x128xf32>
    %add3A_21 = arith.addf %dot_general3A_16, %add3A_20 : vector<2000x128xf32>
    %swap3A_22 = arith.constant 0 : index
    %swap3A_23 = arith.constant 0 : index
    %swap3A_24 = vector.load %arg7[%swap3A_22, %swap3A_23] : memref<2000x128xf32, #tpu.memory_space<vmem>>, vector<2000x128xf32>
    tpu.vector_store %arg7[%swap3A_22, %swap3A_23], %add3A_21 {strides = array<i32>} : memref<2000x128xf32, #tpu.memory_space<vmem>>, vector<2000x128xf32>,
    return
  }
  func.func @transform_0(%arg0: i32) -> (i32, i32) {
    %c0_i32 = arith.constant 0 : i32
    %c0_i32_0 = arith.constant 0 : i32
    return %arg0, %c0_i32 : i32, i32
  }
  func.func @transform_1(%arg0: i32) -> (i32, i32) {
    %c0_i32 = arith.constant 0 : i32
    %c0_i32_0 = arith.constant 0 : i32
    %c0_i32_1 = arith.constant 0 : i32
    return %c0_i32, %c0_i32_0 : i32, i32
  }
  func.func @transform_2(%arg0: i32) -> (i32, i32) {
    %c0_i32 = arith.constant 0 : i32
    %c0_i32_0 = arith.constant 0 : i32
    %c0_i32_1 = arith.constant 0 : i32
    return %c0_i32, %c0_i32_0 : i32, i32
  }
  func.func @transform_3(%arg0: i32) -> (i32, i32) {
    %c0_i32 = arith.constant 0 : i32
    %c0_i32_0 = arith.constant 0 : i32
    %c0_i32_1 = arith.constant 0 : i32
    return %c0_i32, %c0_i32_0 : i32, i32
  }
  func.func @transform_4(%arg0: i32) -> (i32, i32) {
    %c0_i32 = arith.constant 0 : i32
    %c0_i32_0 = arith.constant 0 : i32
    %c0_i32_1 = arith.constant 0 : i32
    return %c0_i32, %c0_i32_0 : i32, i32
  }
  func.func @transform_5(%arg0: i32) -> (i32, i32) {
    %c0_i32 = arith.constant 0 : i32
    %c0_i32_0 = arith.constant 0 : i32
    return %arg0, %c0_i32 : i32, i32
  }
  func.func @transform_6(%arg0: i32) -> (i32, i32) {
    %c0_i32 = arith.constant 0 : i32
    %c0_i32_0 = arith.constant 0 : i32
    return %arg0, %c0_i32 : i32, i32
  }
}

module attributes {stable_mosaic.version = 14 : i64} {
  func.func @body(%arg0: i32, %arg1: memref<2000x128xf32, #tpu.memory_space<vmem>>, %arg2: memref<2000x16xf32, #tpu.memory_space<vmem>>, %arg3: memref<16x128xf32, #tpu.memory_space<vmem>>, %arg4: memref<1x128xf32, #tpu.memory_space<vmem>>, %arg5: memref<128x16xf32, #tpu.memory_space<vmem>>, %arg6: memref<2000x16xf32, #tpu.memory_space<vmem>>, %arg7: memref<1x16xf32, #tpu.memory_space<vmem>>) attributes {dimension_semantics = [#tpu.dimension_semantics<arbitrary>], iteration_bounds = array<i64: 160>, scalar_prefetch = 0 : i64, scratch_operands = 0 : i64, tpu.core_type = #tpu.core_type<tc>, window_params = [{transform_indices = @transform_0, window_bounds = array<i64: 2000, 128>}, {transform_indices = @transform_1, window_bounds = array<i64: 2000, 16>}, {pipeline_mode = #tpu.pipeline_mode<synchronous>, transform_indices = @transform_2, window_bounds = array<i64: 16, 128>}, {pipeline_mode = #tpu.pipeline_mode<synchronous>, transform_indices = @transform_3, window_bounds = array<i64: 1, 128>}, {pipeline_mode = #tpu.pipeline_mode<synchronous>, transform_indices = @transform_4, window_bounds = array<i64: 128, 16>}, {transform_indices = @transform_5, window_bounds = array<i64: 2000, 16>}, {pipeline_mode = #tpu.pipeline_mode<synchronous>, transform_indices = @transform_6, window_bounds = array<i64: 1, 16>}]} {
    %get3A = arith.constant 0 : index
    %get3A_0 = arith.constant 0 : index
    %get3A_1 = vector.load %arg2[%get3A, %get3A_0] : memref<2000x16xf32, #tpu.memory_space<vmem>>, vector<2000x16xf32>
    %get3A_2 = arith.constant 0 : index
    %get3A_3 = arith.constant 0 : index
    %get3A_4 = vector.load %arg3[%get3A_2, %get3A_3] : memref<16x128xf32, #tpu.memory_space<vmem>>, vector<16x128xf32>
    %dot_general3A = arith.constant dense<0.000000e+00> : vector<2000x128xf32>
    %dot_general3A_5 = tpu.matmul %get3A_1, %get3A_4, %dot_general3A {dimension_numbers = #tpu.dot_dimension_numbers<[1], [0], [0], [1], [0, 0, 1, 1], [], []>, transpose_lhs_hint = false} : vector<2000x16xf32>, vector<16x128xf32>, vector<2000x128xf32> -> vector<2000x128xf32>
    %get3A_6 = arith.constant 0 : index
    %get3A_7 = arith.constant 0 : index
    %get3A_8 = vector.load %arg1[%get3A_6, %get3A_7] : memref<2000x128xf32, #tpu.memory_space<vmem>>, vector<2000x128xf32>
    %add3A = arith.addf %get3A_8, %dot_general3A_5 : vector<2000x128xf32>
    %ge3A = arith.constant 0.000000e+00 : f32
    %ge3A_9 = vector.broadcast %ge3A : f32 to vector<2000x128xf32>
    %ge3A_10 = arith.cmpf oge, %add3A, %ge3A_9 : vector<2000x128xf32>
    %mul3A = arith.constant 2.000000e-01 : f32
    %mul3A_11 = vector.broadcast %mul3A : f32 to vector<2000x128xf32>
    %mul3A_12 = arith.mulf %mul3A_11, %add3A : vector<2000x128xf32>
    %select_n3A = arith.select %ge3A_10, %add3A, %mul3A_12 : vector<2000x128xi1>, vector<2000x128xf32>
    %get3A_13 = arith.constant 0 : index
    %get3A_14 = arith.constant 0 : index
    %get3A_15 = vector.load %arg4[%get3A_13, %get3A_14] : memref<1x128xf32, #tpu.memory_space<vmem>>, vector<1x128xf32>
    %mul3A_16 = vector.broadcast %get3A_15 : vector<1x128xf32> to vector<2000x128xf32>
    %mul3A_17 = arith.mulf %select_n3A, %mul3A_16 : vector<2000x128xf32>
    %get3A_18 = arith.constant 0 : index
    %get3A_19 = arith.constant 0 : index
    %get3A_20 = vector.load %arg5[%get3A_18, %get3A_19] : memref<128x16xf32, #tpu.memory_space<vmem>>, vector<128x16xf32>
    %dot_general3A_21 = arith.constant dense<0.000000e+00> : vector<2000x16xf32>
    %dot_general3A_22 = tpu.matmul %mul3A_17, %get3A_20, %dot_general3A_21 {dimension_numbers = #tpu.dot_dimension_numbers<[1], [0], [0], [1], [0, 0, 1, 1], [], []>, transpose_lhs_hint = false} : vector<2000x128xf32>, vector<128x16xf32>, vector<2000x16xf32> -> vector<2000x16xf32>
    %swap3A = arith.constant 0 : index
    %swap3A_23 = arith.constant 0 : index
    %swap3A_24 = vector.load %arg6[%swap3A, %swap3A_23] : memref<2000x16xf32, #tpu.memory_space<vmem>>, vector<2000x16xf32>
    tpu.vector_store %arg6[%swap3A, %swap3A_23], %dot_general3A_22 {strides = array<i32>} : memref<2000x16xf32, #tpu.memory_space<vmem>>, vector<2000x16xf32>,
    %reduce_max3A = arith.constant dense<0xFF800000> : vector<16xf32>
    %reduce_max3A_25 = vector.multi_reduction <maximumf>, %dot_general3A_22, %reduce_max3A [0] : vector<2000x16xf32> to vector<16xf32>
    %broadcast_in_dim3A = vector.shape_cast %reduce_max3A_25 : vector<16xf32> to vector<1x16xf32>
    %eq3A = arith.constant 0 : i32
    %eq3A_26 = arith.cmpi eq, %arg0, %eq3A : i32
    %convert_element_type3A = arith.extui %eq3A_26 : i1 to i32
    %cond3A = arith.constant 0 : i32
    %cond3A_27 = arith.cmpi ne, %convert_element_type3A, %cond3A : i32
    scf.if %cond3A_27 {
      %swap3A_32 = arith.constant 0 : index
      %swap3A_33 = arith.constant 0 : index
      %swap3A_34 = vector.load %arg7[%swap3A_32, %swap3A_33] : memref<1x16xf32, #tpu.memory_space<vmem>>, vector<1x16xf32>
      tpu.vector_store %arg7[%swap3A_32, %swap3A_33], %broadcast_in_dim3A {strides = array<i32>} : memref<1x16xf32, #tpu.memory_space<vmem>>, vector<1x16xf32>,
    } else {
    }
    %ne3A = arith.constant 0 : i32
    %ne3A_28 = arith.cmpi ne, %arg0, %ne3A : i32
    %convert_element_type3A_29 = arith.extui %ne3A_28 : i1 to i32
    %cond3A_30 = arith.constant 0 : i32
    %cond3A_31 = arith.cmpi ne, %convert_element_type3A_29, %cond3A_30 : i32
    scf.if %cond3A_31 {
      %get3A_32 = arith.constant 0 : index
      %get3A_33 = arith.constant 0 : index
      %get3A_34 = vector.load %arg7[%get3A_32, %get3A_33] : memref<1x16xf32, #tpu.memory_space<vmem>>, vector<1x16xf32>
      %max3A = arith.maximumf %get3A_34, %broadcast_in_dim3A : vector<1x16xf32>
      %swap3A_35 = arith.constant 0 : index
      %swap3A_36 = arith.constant 0 : index
      %swap3A_37 = vector.load %arg7[%swap3A_35, %swap3A_36] : memref<1x16xf32, #tpu.memory_space<vmem>>, vector<1x16xf32>
      tpu.vector_store %arg7[%swap3A_35, %swap3A_36], %max3A {strides = array<i32>} : memref<1x16xf32, #tpu.memory_space<vmem>>, vector<1x16xf32>,
    } else {
    }
    return
  }
  func.func @transform_0(%arg0: i32) -> (i32, i32) {
    %c0_i32 = arith.constant 0 : i32
    %c0_i32_0 = arith.constant 0 : i32
    return %arg0, %c0_i32 : i32, i32
  }
  func.func @transform_1(%arg0: i32) -> (i32, i32) {
    %c0_i32 = arith.constant 0 : i32
    %c0_i32_0 = arith.constant 0 : i32
    return %arg0, %c0_i32 : i32, i32
  }
  func.func @transform_2(%arg0: i32) -> (i32, i32) {
    %c0_i32 = arith.constant 0 : i32
    %c0_i32_0 = arith.constant 0 : i32
    %c0_i32_1 = arith.constant 0 : i32
    return %c0_i32, %c0_i32_0 : i32, i32
  }
  func.func @transform_3(%arg0: i32) -> (i32, i32) {
    %c0_i32 = arith.constant 0 : i32
    %c0_i32_0 = arith.constant 0 : i32
    %c0_i32_1 = arith.constant 0 : i32
    return %c0_i32, %c0_i32_0 : i32, i32
  }
  func.func @transform_4(%arg0: i32) -> (i32, i32) {
    %c0_i32 = arith.constant 0 : i32
    %c0_i32_0 = arith.constant 0 : i32
    %c0_i32_1 = arith.constant 0 : i32
    return %c0_i32, %c0_i32_0 : i32, i32
  }
  func.func @transform_5(%arg0: i32) -> (i32, i32) {
    %c0_i32 = arith.constant 0 : i32
    %c0_i32_0 = arith.constant 0 : i32
    return %arg0, %c0_i32 : i32, i32
  }
  func.func @transform_6(%arg0: i32) -> (i32, i32) {
    %c0_i32 = arith.constant 0 : i32
    %c0_i32_0 = arith.constant 0 : i32
    %c0_i32_1 = arith.constant 0 : i32
    return %c0_i32, %c0_i32_0 : i32, i32
  }
}

module attributes {stable_mosaic.version = 14 : i64} {
  func.func @body(%arg0: i32, %arg1: memref<2000x128xf32, #tpu.memory_space<vmem>>, %arg2: memref<2000x16xf32, #tpu.memory_space<vmem>>, %arg3: memref<1x16xf32, #tpu.memory_space<vmem>>, %arg4: memref<8x128xf32, #tpu.memory_space<vmem>>, %arg5: memref<2000x128xf32, #tpu.memory_space<vmem>>) attributes {dimension_semantics = [#tpu.dimension_semantics<arbitrary>], iteration_bounds = array<i64: 160>, scalar_prefetch = 0 : i64, scratch_operands = 0 : i64, tpu.core_type = #tpu.core_type<tc>, window_params = [{transform_indices = @transform_0, window_bounds = array<i64: 2000, 128>}, {transform_indices = @transform_1, window_bounds = array<i64: 2000, 16>}, {pipeline_mode = #tpu.pipeline_mode<synchronous>, transform_indices = @transform_2, window_bounds = array<i64: 1, 16>}, {pipeline_mode = #tpu.pipeline_mode<synchronous>, transform_indices = @transform_3, window_bounds = array<i64: 8, 128>}, {transform_indices = @transform_4, window_bounds = array<i64: 2000, 128>}]} {
    %get3A = arith.constant 0 : index
    %get3A_0 = arith.constant 0 : index
    %get3A_1 = vector.load %arg2[%get3A, %get3A_0] : memref<2000x16xf32, #tpu.memory_space<vmem>>, vector<2000x8xf32>
    %get3A_2 = arith.constant 0 : index
    %get3A_3 = arith.constant 0 : index
    %get3A_4 = vector.load %arg3[%get3A_2, %get3A_3] : memref<1x16xf32, #tpu.memory_space<vmem>>, vector<1x8xf32>
    %sub3A = vector.broadcast %get3A_4 : vector<1x8xf32> to vector<2000x8xf32>
    %sub3A_5 = arith.subf %get3A_1, %sub3A : vector<2000x8xf32>
    %exp3A = math.exp %sub3A_5 : vector<2000x8xf32>
    %get3A_6 = arith.constant 0 : index
    %get3A_7 = arith.constant 0 : index
    %get3A_8 = vector.load %arg4[%get3A_6, %get3A_7] : memref<8x128xf32, #tpu.memory_space<vmem>>, vector<8x128xf32>
    %dot_general3A = arith.constant dense<0.000000e+00> : vector<2000x128xf32>
    %dot_general3A_9 = tpu.matmul %exp3A, %get3A_8, %dot_general3A {dimension_numbers = #tpu.dot_dimension_numbers<[1], [0], [0], [1], [0, 0, 1, 1], [], []>, transpose_lhs_hint = false} : vector<2000x8xf32>, vector<8x128xf32>, vector<2000x128xf32> -> vector<2000x128xf32>
    %get3A_10 = arith.constant 0 : index
    %get3A_11 = arith.constant 0 : index
    %get3A_12 = vector.load %arg1[%get3A_10, %get3A_11] : memref<2000x128xf32, #tpu.memory_space<vmem>>, vector<2000x128xf32>
    %mul3A = arith.mulf %get3A_12, %dot_general3A_9 : vector<2000x128xf32>
    %swap3A = arith.constant 0 : index
    %swap3A_13 = arith.constant 0 : index
    %swap3A_14 = vector.load %arg5[%swap3A, %swap3A_13] : memref<2000x128xf32, #tpu.memory_space<vmem>>, vector<2000x128xf32>
    tpu.vector_store %arg5[%swap3A, %swap3A_13], %mul3A {strides = array<i32>} : memref<2000x128xf32, #tpu.memory_space<vmem>>, vector<2000x128xf32>,
    return
  }
  func.func @transform_0(%arg0: i32) -> (i32, i32) {
    %c0_i32 = arith.constant 0 : i32
    %c0_i32_0 = arith.constant 0 : i32
    return %arg0, %c0_i32 : i32, i32
  }
  func.func @transform_1(%arg0: i32) -> (i32, i32) {
    %c0_i32 = arith.constant 0 : i32
    %c0_i32_0 = arith.constant 0 : i32
    return %arg0, %c0_i32 : i32, i32
  }
  func.func @transform_2(%arg0: i32) -> (i32, i32) {
    %c0_i32 = arith.constant 0 : i32
    %c0_i32_0 = arith.constant 0 : i32
    %c0_i32_1 = arith.constant 0 : i32
    return %c0_i32, %c0_i32_0 : i32, i32
  }
  func.func @transform_3(%arg0: i32) -> (i32, i32) {
    %c0_i32 = arith.constant 0 : i32
    %c0_i32_0 = arith.constant 0 : i32
    %c0_i32_1 = arith.constant 0 : i32
    return %c0_i32, %c0_i32_0 : i32, i32
  }
  func.func @transform_4(%arg0: i32) -> (i32, i32) {
    %c0_i32 = arith.constant 0 : i32
    %c0_i32_0 = arith.constant 0 : i32
    return %arg0, %c0_i32 : i32, i32
  }
}

module attributes {stable_mosaic.version = 14 : i64} {
  func.func @body(%arg0: i32, %arg1: memref<2000x128xf32, #tpu.memory_space<vmem>>, %arg2: memref<2000x128xf32, #tpu.memory_space<vmem>>, %arg3: memref<2000x16xf32, #tpu.memory_space<vmem>>, %arg4: memref<2000x16xf32, #tpu.memory_space<vmem>>, %arg5: memref<2000x128xf32, #tpu.memory_space<vmem>>, %arg6: memref<2000x1xf32, #tpu.memory_space<vmem>>, %arg7: memref<1x128xf32, #tpu.memory_space<vmem>>, %arg8: memref<128x128xf32, #tpu.memory_space<vmem>>, %arg9: memref<1x128xf32, #tpu.memory_space<vmem>>, %arg10: memref<1x128xf32, #tpu.memory_space<vmem>>, %arg11: memref<128x1xf32, #tpu.memory_space<vmem>>, %arg12: memref<1x1xf32, #tpu.memory_space<vmem>>, %arg13: memref<8x128xf32, #tpu.memory_space<vmem>>, %arg14: memref<2000x128xf32, #tpu.memory_space<vmem>>, %arg15: memref<2000x1xf32, #tpu.memory_space<vmem>>) attributes {dimension_semantics = [#tpu.dimension_semantics<arbitrary>], iteration_bounds = array<i64: 5>, scalar_prefetch = 0 : i64, scratch_operands = 0 : i64, tpu.core_type = #tpu.core_type<tc>, window_params = [{transform_indices = @transform_0, window_bounds = array<i64: 2000, 128>}, {transform_indices = @transform_1, window_bounds = array<i64: 2000, 128>}, {transform_indices = @transform_2, window_bounds = array<i64: 2000, 16>}, {transform_indices = @transform_3, window_bounds = array<i64: 2000, 16>}, {transform_indices = @transform_4, window_bounds = array<i64: 2000, 128>}, {transform_indices = @transform_5, window_bounds = array<i64: 2000, 1>}, {pipeline_mode = #tpu.pipeline_mode<synchronous>, transform_indices = @transform_6, window_bounds = array<i64: 1, 128>}, {pipeline_mode = #tpu.pipeline_mode<synchronous>, transform_indices = @transform_7, window_bounds = array<i64: 128, 128>}, {pipeline_mode = #tpu.pipeline_mode<synchronous>, transform_indices = @transform_8, window_bounds = array<i64: 1, 128>}, {pipeline_mode = #tpu.pipeline_mode<synchronous>, transform_indices = @transform_9, window_bounds = array<i64: 1, 128>}, {pipeline_mode = #tpu.pipeline_mode<synchronous>, transform_indices = @transform_10, window_bounds = array<i64: 128, 1>}, {pipeline_mode = #tpu.pipeline_mode<synchronous>, transform_indices = @transform_11, window_bounds = array<i64: 1, 1>}, {pipeline_mode = #tpu.pipeline_mode<synchronous>, transform_indices = @transform_12, window_bounds = array<i64: 8, 128>}, {transform_indices = @transform_13, window_bounds = array<i64: 2000, 128>}, {transform_indices = @transform_14, window_bounds = array<i64: 2000, 1>}]} {
    %get3A = arith.constant 0 : index
    %get3A_0 = arith.constant 0 : index
    %get3A_1 = vector.load %arg3[%get3A, %get3A_0] : memref<2000x16xf32, #tpu.memory_space<vmem>>, vector<2000x8xf32>
    %get3A_2 = arith.constant 0 : index
    %get3A_3 = arith.constant 0 : index
    %get3A_4 = vector.load %arg4[%get3A_2, %get3A_3] : memref<2000x16xf32, #tpu.memory_space<vmem>>, vector<2000x8xf32>
    %add3A = arith.addf %get3A_1, %get3A_4 : vector<2000x8xf32>
    %add3A_5 = arith.constant 1.000000e-16 : f32
    %add3A_6 = vector.broadcast %add3A_5 : f32 to vector<2000x8xf32>
    %add3A_7 = arith.addf %add3A, %add3A_6 : vector<2000x8xf32>
    %div3A = arith.constant 1.000000e+00 : f32
    %div3A_8 = vector.broadcast %div3A : f32 to vector<2000x8xf32>
    %div3A_9 = arith.divf %div3A_8, %add3A_7 : vector<2000x8xf32>
    %get3A_10 = arith.constant 0 : index
    %get3A_11 = arith.constant 0 : index
    %get3A_12 = vector.load %arg13[%get3A_10, %get3A_11] : memref<8x128xf32, #tpu.memory_space<vmem>>, vector<8x128xf32>
    %dot_general3A = arith.constant dense<0.000000e+00> : vector<2000x128xf32>
    %dot_general3A_13 = tpu.matmul %div3A_9, %get3A_12, %dot_general3A {dimension_numbers = #tpu.dot_dimension_numbers<[1], [0], [0], [1], [0, 0, 1, 1], [], []>, transpose_lhs_hint = false} : vector<2000x8xf32>, vector<8x128xf32>, vector<2000x128xf32> -> vector<2000x128xf32>
    %get3A_14 = arith.constant 0 : index
    %get3A_15 = arith.constant 0 : index
    %get3A_16 = vector.load %arg1[%get3A_14, %get3A_15] : memref<2000x128xf32, #tpu.memory_space<vmem>>, vector<2000x128xf32>
    %get3A_17 = arith.constant 0 : index
    %get3A_18 = arith.constant 0 : index
    %get3A_19 = vector.load %arg2[%get3A_17, %get3A_18] : memref<2000x128xf32, #tpu.memory_space<vmem>>, vector<2000x128xf32>
    %add3A_20 = arith.addf %get3A_16, %get3A_19 : vector<2000x128xf32>
    %mul3A = arith.mulf %add3A_20, %dot_general3A_13 : vector<2000x128xf32>
    %get3A_21 = arith.constant 0 : index
    %get3A_22 = arith.constant 0 : index
    %get3A_23 = vector.load %arg7[%get3A_21, %get3A_22] : memref<1x128xf32, #tpu.memory_space<vmem>>, vector<1x128xf32>
    %add3A_24 = vector.broadcast %get3A_23 : vector<1x128xf32> to vector<2000x128xf32>
    %add3A_25 = arith.addf %mul3A, %add3A_24 : vector<2000x128xf32>
    %get3A_26 = arith.constant 0 : index
    %get3A_27 = arith.constant 0 : index
    %get3A_28 = vector.load %arg8[%get3A_26, %get3A_27] : memref<128x128xf32, #tpu.memory_space<vmem>>, vector<128x128xf32>
    %dot_general3A_29 = arith.constant dense<0.000000e+00> : vector<2000x128xf32>
    %dot_general3A_30 = tpu.matmul %add3A_25, %get3A_28, %dot_general3A_29 {dimension_numbers = #tpu.dot_dimension_numbers<[1], [0], [0], [1], [0, 0, 1, 1], [], []>, transpose_lhs_hint = false} : vector<2000x128xf32>, vector<128x128xf32>, vector<2000x128xf32> -> vector<2000x128xf32>
    %get3A_31 = arith.constant 0 : index
    %get3A_32 = arith.constant 0 : index
    %get3A_33 = vector.load %arg6[%get3A_31, %get3A_32] : memref<2000x1xf32, #tpu.memory_space<vmem>>, vector<2000x1xf32>
    %get3A_34 = arith.constant 0 : index
    %get3A_35 = arith.constant 0 : index
    %get3A_36 = vector.load %arg9[%get3A_34, %get3A_35] : memref<1x128xf32, #tpu.memory_space<vmem>>, vector<1x128xf32>
    %mul3A_37 = vector.broadcast %get3A_33 : vector<2000x1xf32> to vector<2000x128xf32>
    %mul3A_38 = vector.broadcast %get3A_36 : vector<1x128xf32> to vector<2000x128xf32>
    %mul3A_39 = arith.mulf %mul3A_37, %mul3A_38 : vector<2000x128xf32>
    %add3A_40 = arith.addf %dot_general3A_30, %mul3A_39 : vector<2000x128xf32>
    %get3A_41 = arith.constant 0 : index
    %get3A_42 = arith.constant 0 : index
    %get3A_43 = vector.load %arg10[%get3A_41, %get3A_42] : memref<1x128xf32, #tpu.memory_space<vmem>>, vector<1x128xf32>
    %add3A_44 = vector.broadcast %get3A_43 : vector<1x128xf32> to vector<2000x128xf32>
    %add3A_45 = arith.addf %add3A_40, %add3A_44 : vector<2000x128xf32>
    %neg3A = arith.constant 0.000000e+00 : f32
    %neg3A_46 = vector.broadcast %neg3A : f32 to vector<2000x128xf32>
    %neg3A_47 = arith.subf %neg3A_46, %add3A_45 : vector<2000x128xf32>
    %exp3A = math.exp %neg3A_47 : vector<2000x128xf32>
    %add3A_48 = arith.constant 1.000000e+00 : f32
    %add3A_49 = vector.broadcast %add3A_48 : f32 to vector<2000x128xf32>
    %add3A_50 = arith.addf %add3A_49, %exp3A : vector<2000x128xf32>
    %div3A_51 = arith.constant 1.000000e+00 : f32
    %div3A_52 = vector.broadcast %div3A_51 : f32 to vector<2000x128xf32>
    %div3A_53 = arith.divf %div3A_52, %add3A_50 : vector<2000x128xf32>
    %mul3A_54 = arith.mulf %div3A_53, %add3A_25 : vector<2000x128xf32>
    %sub3A = arith.constant 1.000000e+00 : f32
    %sub3A_55 = vector.broadcast %sub3A : f32 to vector<2000x128xf32>
    %sub3A_56 = arith.subf %sub3A_55, %div3A_53 : vector<2000x128xf32>
    %get3A_57 = arith.constant 0 : index
    %get3A_58 = arith.constant 0 : index
    %get3A_59 = vector.load %arg5[%get3A_57, %get3A_58] : memref<2000x128xf32, #tpu.memory_space<vmem>>, vector<2000x128xf32>
    %mul3A_60 = arith.mulf %sub3A_56, %get3A_59 : vector<2000x128xf32>
    %add3A_61 = arith.addf %mul3A_54, %mul3A_60 : vector<2000x128xf32>
    %swap3A = arith.constant 0 : index
    %swap3A_62 = arith.constant 0 : index
    %swap3A_63 = vector.load %arg14[%swap3A, %swap3A_62] : memref<2000x128xf32, #tpu.memory_space<vmem>>, vector<2000x128xf32>
    tpu.vector_store %arg14[%swap3A, %swap3A_62], %add3A_61 {strides = array<i32>} : memref<2000x128xf32, #tpu.memory_space<vmem>>, vector<2000x128xf32>,
    %get3A_64 = arith.constant 0 : index
    %get3A_65 = arith.constant 0 : index
    %get3A_66 = vector.load %arg11[%get3A_64, %get3A_65] : memref<128x1xf32, #tpu.memory_space<vmem>>, vector<128x1xf32>
    %dot_general3A_67 = arith.constant dense<0.000000e+00> : vector<2000x1xf32>
    %dot_general3A_68 = tpu.matmul %add3A_61, %get3A_66, %dot_general3A_67 {dimension_numbers = #tpu.dot_dimension_numbers<[1], [0], [0], [1], [0, 0, 1, 1], [], []>, transpose_lhs_hint = false} : vector<2000x128xf32>, vector<128x1xf32>, vector<2000x1xf32> -> vector<2000x1xf32>
    %get3A_69 = arith.constant 0 : index
    %get3A_70 = arith.constant 0 : index
    %get3A_71 = vector.load %arg12[%get3A_69, %get3A_70] : memref<1x1xf32, #tpu.memory_space<vmem>>, vector<1x1xf32>
    %add3A_72 = vector.broadcast %get3A_71 : vector<1x1xf32> to vector<2000x1xf32>
    %add3A_73 = arith.addf %dot_general3A_68, %add3A_72 : vector<2000x1xf32>
    %swap3A_74 = arith.constant 0 : index
    %swap3A_75 = arith.constant 0 : index
    %swap3A_76 = vector.load %arg15[%swap3A_74, %swap3A_75] : memref<2000x1xf32, #tpu.memory_space<vmem>>, vector<2000x1xf32>
    tpu.vector_store %arg15[%swap3A_74, %swap3A_75], %add3A_73 {strides = array<i32>} : memref<2000x1xf32, #tpu.memory_space<vmem>>, vector<2000x1xf32>,
    return
  }
  func.func @transform_0(%arg0: i32) -> (i32, i32) {
    %c0_i32 = arith.constant 0 : i32
    %c0_i32_0 = arith.constant 0 : i32
    return %arg0, %c0_i32 : i32, i32
  }
  func.func @transform_1(%arg0: i32) -> (i32, i32) {
    %c0_i32 = arith.constant 0 : i32
    %c0_i32_0 = arith.constant 0 : i32
    return %arg0, %c0_i32 : i32, i32
  }
  func.func @transform_2(%arg0: i32) -> (i32, i32) {
    %c0_i32 = arith.constant 0 : i32
    %c0_i32_0 = arith.constant 0 : i32
    return %arg0, %c0_i32 : i32, i32
  }
  func.func @transform_3(%arg0: i32) -> (i32, i32) {
    %c0_i32 = arith.constant 0 : i32
    %c0_i32_0 = arith.constant 0 : i32
    return %arg0, %c0_i32 : i32, i32
  }
  func.func @transform_4(%arg0: i32) -> (i32, i32) {
    %c0_i32 = arith.constant 0 : i32
    %c0_i32_0 = arith.constant 0 : i32
    return %arg0, %c0_i32 : i32, i32
  }
  func.func @transform_5(%arg0: i32) -> (i32, i32) {
    %c0_i32 = arith.constant 0 : i32
    %c0_i32_0 = arith.constant 0 : i32
    return %arg0, %c0_i32 : i32, i32
  }
  func.func @transform_6(%arg0: i32) -> (i32, i32) {
    %c0_i32 = arith.constant 0 : i32
    %c0_i32_0 = arith.constant 0 : i32
    %c0_i32_1 = arith.constant 0 : i32
    return %c0_i32, %c0_i32_0 : i32, i32
  }
  func.func @transform_7(%arg0: i32) -> (i32, i32) {
    %c0_i32 = arith.constant 0 : i32
    %c0_i32_0 = arith.constant 0 : i32
    %c0_i32_1 = arith.constant 0 : i32
    return %c0_i32, %c0_i32_0 : i32, i32
  }
  func.func @transform_8(%arg0: i32) -> (i32, i32) {
    %c0_i32 = arith.constant 0 : i32
    %c0_i32_0 = arith.constant 0 : i32
    %c0_i32_1 = arith.constant 0 : i32
    return %c0_i32, %c0_i32_0 : i32, i32
  }
  func.func @transform_9(%arg0: i32) -> (i32, i32) {
    %c0_i32 = arith.constant 0 : i32
    %c0_i32_0 = arith.constant 0 : i32
    %c0_i32_1 = arith.constant 0 : i32
    return %c0_i32, %c0_i32_0 : i32, i32
  }
  func.func @transform_10(%arg0: i32) -> (i32, i32) {
    %c0_i32 = arith.constant 0 : i32
    %c0_i32_0 = arith.constant 0 : i32
    %c0_i32_1 = arith.constant 0 : i32
    return %c0_i32, %c0_i32_0 : i32, i32
  }
  func.func @transform_11(%arg0: i32) -> (i32, i32) {
    %c0_i32 = arith.constant 0 : i32
    %c0_i32_0 = arith.constant 0 : i32
    %c0_i32_1 = arith.constant 0 : i32
    return %c0_i32, %c0_i32_0 : i32, i32
  }
  func.func @transform_12(%arg0: i32) -> (i32, i32) {
    %c0_i32 = arith.constant 0 : i32
    %c0_i32_0 = arith.constant 0 : i32
    %c0_i32_1 = arith.constant 0 : i32
    return %c0_i32, %c0_i32_0 : i32, i32
  }
  func.func @transform_13(%arg0: i32) -> (i32, i32) {
    %c0_i32 = arith.constant 0 : i32
    %c0_i32_0 = arith.constant 0 : i32
    return %arg0, %c0_i32 : i32, i32
  }
  func.func @transform_14(%arg0: i32) -> (i32, i32) {
    %c0_i32 = arith.constant 0 : i32
    %c0_i32_0 = arith.constant 0 : i32
    return %arg0, %c0_i32 : i32, i32
  }
}

</mosaic_0001>

<sc_bundles>
// kernel: kernel.12.cloned.1.call-start
scs
__scs_entry_jumppad:
0x0: {  	(pc) =	sbr.rel $0x88, $3  }
0x1: {  	(tag) =	ssettag $0x0;
	lr =	simm.s32 $0x1  }
0x2: {  	[smem:$0x3F92] =	sst lr;
	_ =	strace $0xD0000000  }
0x3: {  	_ = 	snop  }
0x4: {  	_ = 	snop  }
0x5: {  	_ = 	snop  }
0x6: {  	_ = 	snop  }
0x7: {  	_ = 	snop  }
__scs_overlays_trampoline_lowered:
0x8: {  	[smem:$0x3FA1] =	sst s0  }
0x9: {  	[smem:$0x3FA2] =	sst s1  }
0xa: {  	[smem:$0x3FA3] =	sst s2  }
0xb: {  	[smem:$0x3FA4] =	sst s3  }
0xc: {  	[smem:$0x3FA5] =	sst s4  }
0xd: {  	[smem:$0x3FA6] =	sst s5  }
0xe: {  	[smem:$0x3FA7] =	sst s6  }
0xf: {  	[smem:$0x3FA8] =	sst s7  }
0x10: {  	[smem:$0x3FA9] =	sst s8  }
0x11: {  	[smem:$0x3FAA] =	sst s9;
	s0 =	simm.s32 @!p0 $0x0  }
0x12: {  	s1 =	sld [smem:$0x3F90];
	s0 =	simm.s32 @p0 $0x1  }
0x13: {  	[smem:$0x3FAB] =	sst s0;
	s0 =	simm.s32 @!p1 $0x0  }
0x14: {  	s2 =	sld [smem:$0x3F8F];
	s0 =	simm.s32 @p1 $0x1  }
0x15: {  	[smem:$0x3FAC] =	sst s0;
	s0 =	simm.s32 @!p2 $0x0  }
0x16: {  	s3 =	sld [smem:$0x3FDB];
	s0 =	simm.s32 @p2 $0x1  }
0x17: {  	s4 =	simm.s32 $0x1BF5;
	[smem:$0x3FAE] =	sst s0  }
0x18: {  	s0 =	sld [smem:$0x3F91];
	_ =	swait.ge [sflag:s4], $0x0  }
0x19: {  	s7 =	sld [smem:$0x3F92]  }
0x1a: {  	s8 =	sadd.s32 $0xFFFFE003, lr  }
0x1b: {  	s9 =	sadd.s32 $0xFFFFFEF7, lr;
	s5 =	simm.s32 $0xFFFFFFFF;
	p2 =	slt.u32 s8, $0xFFFFF086  }
0x1c: {  	p1 =	slt.u32 s9, $0xF7A;
	s5 =	simm.s32 @!p2 $0x0  }
0x1d: {  	s5 =	simm.s32 @p1 $0x1;
	p0 =	seq.s32 s7, s2  }
0x1e: {  	s7 =	smul.u32 @!p0 $0xF7A, s2;
	p2 =	seq.s32 @!p0 s5, $0x0  }
0x1f: {  	s9 =	smul.u32 $0xF7A, s1;
	s8 =	simm.s32 @!p0 $0x1BF5;
	p2 =	por !p2, p0  }
0x20: {  	[sflag:s8] =	ssyncset.s32 @!p0 $0xFFFFF086;
	s6 =	sadd.s32 @!p0 s3, s7;
	s7 =	simm.s32 @!p0 $0x108  }
0x21: {  	s3 =	sadd.s32 s3, s9;
	s6 =	sadd.s32 @!p0 $0x88, s6;
	s7 =	simm.s32 @p2 $0x1082  }
0x22: {  	[simem:s7], [sflag:s8] =	dma.local @!p0 [hbm:s6], $0xF7A  }
0x23: {  	s9 =	sor.u32 $0xD0000000, s2;
	s6 =	simm.s32 $0x108;
	_ =	swait.ge @!p0 [sflag:s8], $0x0  }
0x24: {  	s3 =	sadd.s32 $0x88, s3;
	s6 =	simm.s32 @!p1 $0x1082;
	[sflag:s4] =	ssyncset.s32 $0xFFFFF086  }
0x25: {  	[simem:s6], [sflag:s4] =	dma.local [hbm:s3], $0xF7A  }
0x26: {  	[smem:$0x3F92] =	sst s1;
	(tag) =	ssettag s2;
	_ =	strace s9  }
0x27: {  	s1 =	sld [smem:$0x3FA2]  }
0x28: {  	s2 =	sld [smem:$0x3FA3]  }
0x29: {  	s4 =	sld [smem:$0x3FA5]  }
0x2a: {  	p0 =	seq.s32 s5, $0x0;
	s5 =	sld [smem:$0x3FA6]  }
0x2b: {  	s6 =	sld [smem:$0x3FA7]  }
0x2c: {  	s7 =	sld [smem:$0x3FA8]  }
0x2d: {  	s3 =	simm.s32 $0x108;
	s8 =	sld [smem:$0x3FA9]  }
0x2e: {  	s3 =	simm.s32 @!p0 $0x1082;
	s9 =	sld [smem:$0x3FAA]  }
0x2f: {  	lr =	sadd.s32 s0, s3;
	s0 =	sld [smem:$0x3FA1]  }
0x30: {  	s3 =	sld [smem:$0x3FA4]  }
0x31: {  	[smem:$0x3FAD] =	sst s10  }
0x32: {  	s10 =	sld [smem:$0x3FAB];
	_ =	sdelay $0x3  }
0x33: {  	p0 =	seq.s32 s10, $0x1;
	s10 =	sld [smem:$0x3FAD];
	_ =	sdelay $0x3  }
0x34: {  	[smem:$0x3FAD] =	sst s10  }
0x35: {  	s10 =	sld [smem:$0x3FAC];
	_ =	sdelay $0x3  }
0x36: {  	p1 =	seq.s32 s10, $0x1;
	s10 =	sld [smem:$0x3FAD];
	_ =	sdelay $0x3  }
0x37: {  	[smem:$0x3FAD] =	sst s10  }
0x38: {  	s10 =	sld [smem:$0x3FAE]  }
0x39: {  	_ = 	snop;
	(pc) =	sbr.ind lr, $3  }
0x3a: {  	_ = 	snop  }
0x3b: {  	_ = 	snop  }
0x3c: {  	p2 =	seq.s32 s10, $0x1;
	s10 =	sld [smem:$0x3FAD]  }
0x3d: {  	_ =	shalt  }
0x3e: {  	_ =	shalt  }
0x3f: {  	_ =	shalt  }
0x40: {  	_ =	shalt  }
0x41: {  	_ =	shalt  }
0x42: {  	_ =	shalt  }
0x43: {  	_ =	shalt  }
0x44: {  	_ =	shalt  }
0x45: {  	_ =	shalt  }
0x46: {  	_ =	shalt  }
0x47: {  	_ =	shalt  }
0x48: {  	_ =	shalt  }
0x49: {  	_ =	shalt  }
0x4a: {  	_ =	shalt  }
0x4b: {  	_ =	shalt  }
0x4c: {  	_ =	shalt  }
0x4d: {  	_ =	shalt  }
0x4e: {  	_ =	shalt  }
0x4f: {  	_ =	shalt  }
0x50: {  	_ =	shalt  }
0x51: {  	_ =	shalt  }
0x52: {  	_ =	shalt  }
0x53: {  	_ =	shalt  }
0x54: {  	_ =	shalt  }
0x55: {  	_ =	shalt  }
0x56: {  	_ =	shalt  }
0x57: {  	_ =	shalt  }
0x58: {  	_ =	shalt  }
0x59: {  	_ =	shalt  }
0x5a: {  	_ =	shalt  }
0x5b: {  	_ =	shalt  }
0x5c: {  	_ =	shalt  }
0x5d: {  	_ =	shalt  }
0x5e: {  	_ =	shalt  }
0x5f: {  	_ =	shalt  }
0x60: {  	_ =	shalt  }
0x61: {  	_ =	shalt  }
0x62: {  	_ =	shalt  }
0x63: {  	_ =	shalt  }
0x64: {  	_ =	shalt  }
0x65: {  	_ =	shalt  }
0x66: {  	_ =	shalt  }
0x67: {  	_ =	shalt  }
0x68: {  	_ =	shalt  }
0x69: {  	_ =	shalt  }
0x6a: {  	_ =	shalt  }
0x6b: {  	_ =	shalt  }
0x6c: {  	_ =	shalt  }
0x6d: {  	_ =	shalt  }
0x6e: {  	_ =	shalt  }
0x6f: {  	_ =	shalt  }
0x70: {  	_ =	shalt  }
0x71: {  	_ =	shalt  }
0x72: {  	_ =	shalt  }
0x73: {  	_ =	shalt  }
0x74: {  	_ =	shalt  }
0x75: {  	_ =	shalt  }
0x76: {  	_ =	shalt  }
0x77: {  	_ =	shalt  }
0x78: {  	_ =	shalt  }
0x79: {  	_ =	shalt  }
0x7a: {  	_ =	shalt  }
0x7b: {  	_ =	shalt  }
0x7c: {  	_ =	shalt  }
0x7d: {  	_ =	shalt  }
0x7e: {  	_ =	shalt  }
0x7f: {  	_ =	shalt  }
0x80: {  	_ =	shalt  }
0x81: {  	_ =	shalt  }
0x82: {  	_ =	shalt  }
0x83: {  	_ =	shalt  }
0x84: {  	_ =	shalt  }
0x85: {  	_ =	shalt  }
0x86: {  	_ =	shalt  }
0x87: {  	_ =	shalt  }
.Lfunc_end0:
.L_simem_size_0:
called_computation.1_lowered:
.L_overlay_start_0:
0x88: {  	s2 =	sld [smem:$0x3FD9]  }
0x89: {  	s3 =	sld [smem:$0x3FFE];
	_ =	sdelay $0x1  }
0x8a: {  	s1 =	srdreg.scid  }
0x8b: {  	s0 =	sand.u32 $0x1, s1  }
0x8c: {  	s16 =	sshll.u32 s0, $0xA;
	s2 =	sadd.s32 s3, s2  }
0x8d: {  	s2 =	sadd.s32 s2, s16  }
0x8e: {  	[smem:$0x3FB9] =	sst s2  }
0x8f: {  	_ = 	snop  }
0x90: {  	(tm) =	ssettm $0x1  }
0x91: {  	s17 =	sld [smem:$0x3FFB];
	_ =	sdelay $0x3  }
0x92: {  	_ =	strace s17  }
0x93: {  	s2 =	sld [smem:$0x3FFC];
	_ =	sdelay $0x3  }
0x94: {  	_ =	strace s2  }
0x95: {  	s2 =	sld [smem:$0x3FFD];
	_ =	sdelay $0x3  }
0x96: {  	_ =	strace s2  }
0x97: {  	_ =	strace $0x8FFFFFFF  }
0x98: {  	s18 =	sld [smem:$0x3FDB];
	_ =	sdelay $0x1  }
0x99: {  	s19 =	simm.s32 $_scs_section_size  }
0x9a: {  	s4 =	simm.s32 $_size__tile_overlayer_lowered;
	s5 =	simm.s32 $_tile_overlayer_lowered  }
0x9b: {  	s22 =	simm.s32 $0x1BFF;
	s21 =	sshll.u32 s5, $0x1;
	s2 =	sadd.s32 s19, s18  }
0x9c: {  	s6 =	simm.s32 $0x0;
	s20 =	sshll.u32 s4, $0x1;
	s4 =	sadd.s32 s21, s2  }
0x9d: {  	[timem:s6], [sflag:s22] =	dma.local [hbm:s4], s20  }
0x9e: {  	_ =	swait.ge [sflag:s22], s20  }
0x9f: {  	s3 =	ssub.s32 $0x0, s20;
	[sflag:s22] =	ssyncset.done $0x0  }
0xa0: {  	[sflag:s22] =	ssyncadd.s32 s3;
	_ =	sdelay $0x1  }
0xa1: {  	s23 =	simm.s32 $0x1B8B  }
0xa2: {  	_ =	swait.ge [sflag:s23], $0x1  }
0xa3: {  	[sflag:s23] =	ssyncset.done $0x0  }
0xa4: {  	s25 =	simm.s32 $0x1B8E;
	s24 =	sld [smem:$0x3FFE];
	[sflag:s23] =	ssyncadd.s32 $0xFFFFFFFF  }
0xa5: {  	s26 =	simm.s32 $execute0_lowered;
	[smem:$0x3FD2] =	sst s25  }
0xa6: {  	s4 =	sshll.u32 s26, $0x1;
	_ =	strace $0x80000049;
	[dreg:$0x1] =	wrdreg $0xFFFFFFFF  }
0xa7: {  	s28 =	simm.s32 $_size_execute0_lowered;
	s2 =	sadd.s32 s2, s4;
	[dreg:$0x0] =	wrdreg $0x0  }
0xa8: {  	s4 =	sshll.u32 s28, $0x1;
	[dreg:$0x2] =	wrdreg s2  }
0xa9: {  	[dreg:$0x3] =	wrdreg s4  }
0xaa: {  	[dreg:$0x4] =	wrdreg $0xC0  }
0xab: {  	_ =	task [dreg:s6], $0x5FFFF  }
0xac: {  	[dreg:$0x1] =	wrdreg $0xFFFFFFFF  }
0xad: {  	[dreg:$0x0] =	wrdreg $0x60  }
0xae: {  	[dreg:$0x2] =	wrdreg s24  }
0xaf: {  	[dreg:$0x3] =	wrdreg $0xA9100  }
0xb0: {  	[dreg:$0x4] =	wrdreg $0x9  }
0xb1: {  	_ =	task.clear_ibuf [dreg:s6], $0x5FFFF;
	_ =	strace $0x90000049  }
0xb2: {  	s29 =	simm.s32 $0x9;
	_ =	strace $0x8000004B  }
0xb3: {  	_ =	swait.ge [sflag:s29], $0x1  }
0xb4: {  	[sflag:s29] =	ssyncadd.s32 $0xFFFFFFFF  }
0xb5: {  	_ =	strace $0x9000004B  }
0xb6: {  	_ =	sfence  }
0xb7: {  	s30 =	sld [smem:$0x0];
	_ =	sdelay $0x2  }
0xb8: {  	s31 =	sshll.u32 s1, $0xD;
	s1 =	sshrl.u32 s1, $0x2  }
0xb9: {  	s3 =	sand.u32 $0x4000, s31;
	s1 =	sadd.s32 s1, s30  }
0xba: {  	s0 =	sor.u32 s3, s0;
	s1 =	sshll.u32 s1, $0x11  }
0xbb: {  	s0 =	sor.u32 s1, s0  }
0xbc: {  	s0 =	sadd.s32 $0x8F2B, s0  }
0xbd: {  	[sflag:s0] =	ssyncadd.remote.s32 $0x1  }
0xbe: {  	_ =	sfence.sel $0xFFFF  }
0xbf: {  	[dreg:$0x0] =	wrdreg $0xFFFFFFFF;
	(pc) =	sbr.abs _section_cstart, $3  }
0xc0: {  	[dreg:$0x1] =	wrdreg $0xFFFFFFFF  }
0xc1: {  	_ =	task.clear_ibuf [dreg:s6], $0x2FFFF;
	_ =	strace $0x9FFFFFFF  }
0xc2: {  	(tm) =	ssettm $0x7FFFFFFF  }
0xc3: {  	_ =	shalt  }
tec
execute0_lowered:
.L_overlay_start_1:
0x0: {  	(tag) =	ssettag $0x1  }
0x1: {  	s0 =	srdreg.scid  }
0x2: {  	s1 =	rddreg [dreg:$0x0];
	s18 =	stileid.u32  }
0x3: {  	s11 =	sand.u32 $0x1, s0;
	s3 =	sshll.u32 s18, $0x1;
	s6 =	smul.u32 $0x280, s18  }
0x4: {  	s12 =	sadd.s32 $0x18400, s1;
	s0 =	ssub.s32 $0x2, s11;
	s14 =	smul.u32 $0x2800, s11  }
0x5: {  	s13 =	sor.u32 s11, s3;
	s11 =	smul.u32 $0x2710, s11;
	s2 =	sshrl.u32 s0, $0x1  }
0x6: {  	s9 =	sor.u32 $0x40, s6;
	s8 =	sadd.s32 $0x80, s6;
	s10 =	sadd.s32 $0xC0, s6  }
0x7: {  	s7 =	sadd.s32 $0x100, s6;
	s4 =	sadd.s32 $0x140, s6;
	s5 =	sadd.s32 $0x180, s6  }
0x8: {  	s3 =	sadd.s32 $0x200, s6;
	s0 =	ssub.s32 s0, s2;
	s2 =	sadd.s32 $0x1C0, s6  }
0x9: {  	s15 =	sadd.s32 s6, s14;
	s16 =	sadd.s32 s14, s9;
	s6 =	sadd.s32 $0x240, s6  }
0xa: {  	s17 =	sadd.s32 s14, s8;
	s19 =	sadd.s32 s14, s10;
	s24 =	sadd.s32 s14, s4  }
0xb: {  	s25 =	sadd.s32 s14, s5;
	s4 =	sshll.u32 s4, $0x7;
	s15 =	sshll.u32 s15, $0x4  }
0xc: {  	[dreg:$0x15] =	wrdreg s0;
	s0 =	sshll.u32 s16, $0x4;
	s26 =	sadd.s32 s12, s15  }
0xd: {  	s16 =	sadd.s32 s12, s0;
	s15 =	sshll.u32 s17, $0x4;
	[dreg:$0x3] =	wrdreg s26  }
0xe: {  	s17 =	sadd.s32 s14, s7;
	[dreg:$0x4] =	wrdreg s16;
	s16 =	sshll.u32 s19, $0x4  }
0xf: {  	s20 =	sadd.s32 s12, s15;
	s22 =	sshll.u32 s17, $0x4;
	s15 =	sshll.u32 s24, $0x4  }
0x10: {  	s26 =	sadd.s32 s14, s2;
	[dreg:$0x5] =	wrdreg s20;
	s21 =	sadd.s32 s12, s16  }
0x11: {  	s23 =	sadd.s32 s12, s22;
	s16 =	sshll.u32 s25, $0x4;
	[dreg:$0x6] =	wrdreg s21  }
0x12: {  	s15 =	sadd.s32 s12, s15;
	s19 =	sshll.u32 s26, $0x4;
	[dreg:$0x7] =	wrdreg s23  }
0x13: {  	s22 =	smul.u32 $0x4E20, s18;
	[dreg:$0x8] =	wrdreg s15;
	s16 =	sadd.s32 s12, s16  }
0x14: {  	s20 =	sadd.s32 s12, s19;
	s21 =	sadd.s32 s14, s3;
	[dreg:$0x9] =	wrdreg s16  }
0x15: {  	s14 =	sadd.s32 s14, s6;
	s19 =	sadd.s32 $0xA03600, s1;
	[dreg:$0xa] =	wrdreg s20  }
0x16: {  	s15 =	sshll.u32 s21, $0x4;
	s25 =	sadd.s32 s11, s22;
	s11 =	simm.s32 $0x0  }
0x17: {  	s14 =	sshll.u32 s14, $0x4;
	s23 =	sadd.s32 s12, s15;
	[smem:$0x7FF] =	sst s11  }
0x18: {  	s21 =	smul.u32 $0x50000, s18;
	s24 =	sadd.s32 s12, s14;
	[dreg:$0xb] =	wrdreg s23  }
0x19: {  	s15 =	smul.u32 $0x2710, s13;
	s20 =	sadd.s32 $0x100, s25;
	[dreg:$0xc] =	wrdreg s24  }
0x1a: {  	s13 =	smul.u32 $0x27100, s13;
	[dreg:$0x10] =	wrdreg s20;
	s20 =	sshll.u32 s20, $0x4  }
0x1b: {  	s12 =	sshrl.u32 s21, $0x2;
	s23 =	sshll.u32 s9, $0x7;
	s24 =	sshll.u32 s8, $0x7  }
0x1c: {  	s8 =	sshll.u32 s2, $0x7;
	s9 =	sshll.u32 s3, $0x7;
	s14 =	sadd.s32 $0x80, s15  }
0x1d: {  	s0 =	sadd.s32 $0x2700, s15;
	s13 =	sadd.s32 s19, s13;
	s26 =	sshll.u32 s14, $0x4  }
0x1e: {  	[dreg:$0xd] =	wrdreg s13;
	s17 =	sshll.u32 s0, $0x4;
	s14 =	sshrl.u32 s14, $0x3  }
0x1f: {  	s16 =	sadd.s32 s19, s26;
	s13 =	sadd.s32 s19, s17;
	s17 =	rddreg [dreg:$0x1]  }
0x20: {  	s0 =	sshrl.u32 s0, $0x3;
	s26 =	sshll.u32 s7, $0x7;
	[dreg:$0xe] =	wrdreg s16  }
0x21: {  	s7 =	sshll.u32 s5, $0x7;
	s5 =	simm.s32 $0x5;
	[dreg:$0xf] =	wrdreg s13  }
0x22: {  	s13 =	sadd.s32 $0x180, s25;
	s21 =	sadd.s32 s12, s17;
	s25 =	sshll.u32 s10, $0x7  }
0x23: {  	s28 =	sadd.s32 s7, s17;
	s29 =	sadd.s32 s8, s17;
	s10 =	sshll.u32 s6, $0x7  }
0x24: {  	s30 =	sadd.s32 s9, s17;
	s12 =	sshrl.u32 s15, $0x3;
	s6 =	simm.s32 $0x100  }
0x25: {  	s7 =	simm.s32 $0x80;
	s8 =	simm.s32 $0x4100;
	s9 =	simm.s32 $0x1  }
0x26: {  	s22 =	sshll.u32 s13, $0x4;
	_ =	strace $0x8000004A;
	s31 =	sadd.s32 s10, s17  }
0x27: {  	s15 =	sshrl.u32 s13, $0x3;
	s10 =	simm.s32 $0x3;
	s13 =	simm.s32 $0x4  }
0x28: {  	s18 =	sadd.s32 s22, s19;
	s19 =	sadd.s32 s20, s19;
	s20 =	sadd.s32 $0xE600, s1  }
0x29: {  	s22 =	sadd.s32 s23, s17;
	s23 =	sadd.s32 s24, s17;
	s24 =	sadd.s32 s25, s17  }
0x2a: {  	s25 =	sadd.s32 s26, s17;
	s16 =	rddreg [dreg:$0x15];
	s1 =	sadd.s32 s20, s12  }
0x2b: {  	s26 =	sadd.s32 s4, s17;
	s0 =	sadd.s32 s20, s0;
	[dreg:$0x11] =	wrdreg s1  }
0x2c: {  	s4 =	simm.s32 $0x8910;
	s1 =	sadd.s32 s20, s14;
	[dreg:$0x13] =	wrdreg s0  }
0x2d: {  	s3 =	sadd.s32 s15, s20;
	[dreg:$0x12] =	wrdreg s1;
	s1 =	smax.u32 s16, $0x1  }
0x2e: {  	v0 =	vimm.f32 $0.0e+00;
	s12 =	simm.s32 $0x2;
	s0 =	simm.s32 $0x0;
	[dreg:$0x14] =	wrdreg s1  }
.LBB2_1:
0x2f: {  	s1 =	simm.s32 $0x0;
	s2 =	simm.s32 $0x200  }
.LBB2_2:
0x30: {  	p0 =	sne.s32 s2, $0x7E00;
	[tilespmem:s1+$0x8980] =	vst v0  }
0x31: {  	[tilespmem:s1+$0x8910] =	vst v0  }
0x32: {  	[tilespmem:s1+$0x8920] =	vst v0  }
.Ltmp0:
0x33: {  	[tilespmem:s1+$0x8930] =	vst v0;
	(pc) =	sbr.rel @p0 .LBB2_2-.Ltmp0, $4  }
0x34: {  	[tilespmem:s1+$0x8940] =	vst v0  }
0x35: {  	[tilespmem:s1+$0x8950] =	vst v0  }
0x36: {  	[tilespmem:s1+$0x8960] =	vst v0  }
0x37: {  	[tilespmem:s1+$0x8970] =	vst v0;
	s1 =	sshra.s32 s2, $0x2;
	s2 =	sadd.s32 $0x200, s2  }
0x38: {  	[tilespmem:s1+$0x8980] =	vst v0  }
0x39: {  	[tilespmem:s1+$0x8910] =	vst v0  }
0x3a: {  	[tilespmem:s1+$0x8920] =	vst v0  }
0x3b: {  	[tilespmem:s1+$0x8930] =	vst v0  }
0x3c: {  	[tilespmem:s1+$0x8940] =	vst v0  }
0x3d: {  	[tilespmem:s1+$0x8950] =	vst v0  }
0x3e: {  	[tilespmem:s1+$0x8960] =	vst v0  }
0x3f: {  	[tilespmem:s1+$0x8970] =	vst v0  }
0x40: {  	[spmem:s21] =	stream.linear.scatter [tilespmem:s4], [sflag:$0x5], $0x2000, $0x38;
	[tilespmem:$0x1E910] =	vst v63  }
0x41: {  	_ =	swait.ge [sflag:s5], $0x2000  }
0x42: {  	[sflag:s5] =	ssyncset.done $0x0  }
0x43: {  	[sflag:s5] =	ssyncadd.s32 $0xFFFFE000  }
0x44: {  	[spmem:s22] =	stream.linear.scatter [tilespmem:s4], [sflag:$0x5], $0x2000, $0x38;
	[tilespmem:$0x1E910] =	vst v63  }
0x45: {  	_ =	swait.ge [sflag:s5], $0x2000  }
0x46: {  	[sflag:s5] =	ssyncset.done $0x0  }
0x47: {  	[sflag:s5] =	ssyncadd.s32 $0xFFFFE000  }
0x48: {  	[spmem:s23] =	stream.linear.scatter [tilespmem:s4], [sflag:$0x5], $0x2000, $0x38;
	[tilespmem:$0x1E910] =	vst v63  }
0x49: {  	_ =	swait.ge [sflag:s5], $0x2000  }
0x4a: {  	[sflag:s5] =	ssyncset.done $0x0  }
0x4b: {  	[sflag:s5] =	ssyncadd.s32 $0xFFFFE000  }
0x4c: {  	[spmem:s24] =	stream.linear.scatter [tilespmem:s4], [sflag:$0x5], $0x2000, $0x38;
	[tilespmem:$0x1E910] =	vst v63  }
0x4d: {  	_ =	swait.ge [sflag:s5], $0x2000  }
0x4e: {  	[sflag:s5] =	ssyncset.done $0x0  }
0x4f: {  	[sflag:s5] =	ssyncadd.s32 $0xFFFFE000  }
0x50: {  	[spmem:s25] =	stream.linear.scatter [tilespmem:s4], [sflag:$0x5], $0x2000, $0x38;
	[tilespmem:$0x1E910] =	vst v63  }
0x51: {  	_ =	swait.ge [sflag:s5], $0x2000  }
0x52: {  	[sflag:s5] =	ssyncset.done $0x0  }
0x53: {  	[sflag:s5] =	ssyncadd.s32 $0xFFFFE000  }
0x54: {  	[spmem:s26] =	stream.linear.scatter [tilespmem:s4], [sflag:$0x5], $0x2000, $0x38;
	[tilespmem:$0x1E910] =	vst v63  }
0x55: {  	_ =	swait.ge [sflag:s5], $0x2000  }
0x56: {  	[sflag:s5] =	ssyncset.done $0x0  }
0x57: {  	[sflag:s5] =	ssyncadd.s32 $0xFFFFE000  }
0x58: {  	[spmem:s28] =	stream.linear.scatter [tilespmem:s4], [sflag:$0x5], $0x2000, $0x38;
	[tilespmem:$0x1E910] =	vst v63  }
0x59: {  	_ =	swait.ge [sflag:s5], $0x2000  }
0x5a: {  	[sflag:s5] =	ssyncset.done $0x0  }
0x5b: {  	[sflag:s5] =	ssyncadd.s32 $0xFFFFE000  }
0x5c: {  	[spmem:s29] =	stream.linear.scatter [tilespmem:s4], [sflag:$0x5], $0x2000, $0x38;
	[tilespmem:$0x1E910] =	vst v63  }
0x5d: {  	_ =	swait.ge [sflag:s5], $0x2000  }
0x5e: {  	[sflag:s5] =	ssyncset.done $0x0  }
0x5f: {  	[sflag:s5] =	ssyncadd.s32 $0xFFFFE000  }
0x60: {  	[spmem:s30] =	stream.linear.scatter [tilespmem:s4], [sflag:$0x5], $0x2000, $0x38;
	[tilespmem:$0x1E910] =	vst v63  }
0x61: {  	_ =	swait.ge [sflag:s5], $0x2000  }
0x62: {  	[sflag:s5] =	ssyncset.done $0x0  }
0x63: {  	[sflag:s5] =	ssyncadd.s32 $0xFFFFE000  }
0x64: {  	[spmem:s31] =	stream.linear.scatter [tilespmem:s4], [sflag:$0x5], $0x2000, $0x38;
	[tilespmem:$0x1E910] =	vst v63  }
0x65: {  	_ =	swait.ge [sflag:s5], $0x2000  }
0x66: {  	[sflag:s5] =	ssyncset.done $0x0  }
0x67: {  	[sflag:s5] =	ssyncadd.s32 $0xFFFFE000  }
0x68: {  	[bflag:$0x0] =	sbarrier.arrive $0xFFFF  }
0x69: {  	s1 =	simm.s32 $0x0;
	s2 =	rddreg [dreg:$0x11]  }
0x6a: {  	[tilespmem:s1], [sflag:$0x1] =	stream.linear.gather [hbm4b:s2+s1], $0x80, $0x38;
	[tilespmem:$0x1E910] =	vst v63  }
0x6b: {  	s15 =	rddreg [dreg:$0xd]  }
0x6c: {  	[tilespmem:s6], [sflag:$0x1] =	stream.linear.gather [hbm4b:s15+s1], $0x4000, $0x38;
	[tilespmem:$0x1E910] =	vst v63  }
0x6d: {  	s16 =	rddreg [dreg:$0x12]  }
0x6e: {  	[tilespmem:s7], [sflag:$0x2] =	stream.linear.gather [hbm4b:s16+s1], $0x80, $0x38;
	[tilespmem:$0x1E910] =	vst v63  }
0x6f: {  	s14 =	rddreg [dreg:$0xe]  }
0x70: {  	[tilespmem:s8], [sflag:$0x2] =	stream.linear.gather [hbm4b:s14+s1], $0x4000, $0x38;
	[tilespmem:$0x1E910] =	vst v63  }
0x71: {  	_ =	swait.ge [sflag:s9], $0x80  }
0x72: {  	[sflag:s9] =	ssyncset.done $0x0  }
0x73: {  	[sflag:s9] =	ssyncadd.s32 $0xFFFFFF80  }
0x74: {  	_ =	swait.ge [sflag:s9], $0x4000  }
0x75: {  	[sflag:s9] =	ssyncset.done $0x0  }
0x76: {  	[sflag:s9] =	ssyncadd.s32 $0xFFFFC000  }
0x77: {  	[spmem:s17] =	stream.indirect.scatter.add.f32 [tilespmem:s6], [sflag:$0x3], $0x80, s11, s7, $0xb8;
	[tilespmem:$0x1E910] =	vst v63  }
0x78: {  	_ =	swait.ge [sflag:s10], $0x4000  }
0x79: {  	s14 =	rddreg [dreg:$0x10]  }
0x7a: {  	[sflag:s10] =	ssyncset.done $0x0;
	s15 =	sshrl.u32 s14, $0x3  }
0x7b: {  	[sflag:s10] =	ssyncadd.s32 $0xFFFFC000;
	s1 =	sadd.s32 s20, s15  }
0x7c: {  	[tilespmem:s11], [sflag:$0x1] =	stream.linear.gather [hbm4b:s1+s11], $0x80, $0x38;
	[tilespmem:$0x1E910] =	vst v63  }
0x7d: {  	s16 =	sadd.s32 $0x0, s19  }
0x7e: {  	[tilespmem:s6], [sflag:$0x1] =	stream.linear.gather [hbm4b:s16+s11], $0x4000, $0x38;
	[tilespmem:$0x1E910] =	vst v63  }
0x7f: {  	_ =	swait.ge [sflag:s12], $0x80  }
0x80: {  	[sflag:s12] =	ssyncset.done $0x0  }
0x81: {  	[sflag:s12] =	ssyncadd.s32 $0xFFFFFF80  }
0x82: {  	_ =	swait.ge [sflag:s12], $0x4000  }
0x83: {  	[sflag:s12] =	ssyncset.done $0x0  }
0x84: {  	[sflag:s12] =	ssyncadd.s32 $0xFFFFC000  }
0x85: {  	[spmem:s17] =	stream.indirect.scatter.add.f32 [tilespmem:s8], [sflag:$0x4], $0x80, s7, s7, $0xb8;
	[tilespmem:$0x1E910] =	vst v63  }
0x86: {  	_ =	swait.ge [sflag:s13], $0x4000  }
0x87: {  	s2 =	sadd.s32 $0x20, s3;
	s14 =	sadd.s32 $0x100, s14;
	[sflag:s13] =	ssyncset.done $0x0  }
0x88: {  	s15 =	sadd.s32 $0x0, s18;
	s1 =	simm.s32 $0x1000;
	[sflag:s13] =	ssyncadd.s32 $0xFFFFC000  }
0x89: {  	[tilespmem:s7], [sflag:$0x2] =	stream.linear.gather [hbm4b:s3+s11], $0x80, $0x38;
	[tilespmem:$0x1E910] =	vst v63  }
.LBB2_4:
0x8a: {  	[tilespmem:s8], [sflag:$0x2] =	stream.linear.gather [hbm4b:s15+s11], $0x4000, $0x38;
	[tilespmem:$0x1E910] =	vst v63  }
0x8b: {  	s15 =	smov.u32 s1  }
0x8c: {  	p0 =	sne.s32 s1, $0x25000;
	s1 =	sadd.s32 $0x1000, s1;
	_ =	swait.ge [sflag:s9], $0x80  }
0x8d: {  	[sflag:s9] =	ssyncset.done $0x0  }
0x8e: {  	[sflag:s9] =	ssyncadd.s32 $0xFFFFFF80  }
0x8f: {  	_ =	swait.ge [sflag:s9], $0x4000  }
0x90: {  	[sflag:s9] =	ssyncset.done $0x0  }
0x91: {  	[sflag:s9] =	ssyncadd.s32 $0xFFFFC000  }
0x92: {  	[spmem:s17] =	stream.indirect.scatter.add.f32 [tilespmem:s6], [sflag:$0x3], $0x80, s11, s7, $0xb8;
	[tilespmem:$0x1E910] =	vst v63  }
0x93: {  	_ =	swait.ge [sflag:s10], $0x4000  }
0x94: {  	s16 =	sshrl.u32 s14, $0x3;
	[sflag:s10] =	ssyncset.done $0x0  }
0x95: {  	s16 =	sadd.s32 s20, s16;
	[sflag:s10] =	ssyncadd.s32 $0xFFFFC000  }
0x96: {  	[tilespmem:s11], [sflag:$0x1] =	stream.linear.gather [hbm4b:s16+s11], $0x80, $0x38;
	[tilespmem:$0x1E910] =	vst v63  }
0x97: {  	s16 =	sadd.s32 s15, s19  }
0x98: {  	[tilespmem:s6], [sflag:$0x1] =	stream.linear.gather [hbm4b:s16+s11], $0x4000, $0x38;
	[tilespmem:$0x1E910] =	vst v63  }
0x99: {  	_ =	swait.ge [sflag:s12], $0x80  }
0x9a: {  	[sflag:s12] =	ssyncset.done $0x0  }
0x9b: {  	[sflag:s12] =	ssyncadd.s32 $0xFFFFFF80  }
0x9c: {  	_ =	swait.ge [sflag:s12], $0x4000  }
0x9d: {  	[sflag:s12] =	ssyncset.done $0x0  }
0x9e: {  	[sflag:s12] =	ssyncadd.s32 $0xFFFFC000  }
0x9f: {  	[spmem:s17] =	stream.indirect.scatter.add.f32 [tilespmem:s8], [sflag:$0x4], $0x80, s7, s7, $0xb8;
	[tilespmem:$0x1E910] =	vst v63  }
.Ltmp1:
0xa0: {  	_ =	swait.ge [sflag:s13], $0x4000;
	(pc) =	sbr.rel @p0 .LBB2_4-.Ltmp1, $4  }
0xa1: {  	[sflag:s13] =	ssyncset.done $0x0  }
0xa2: {  	[sflag:s13] =	ssyncadd.s32 $0xFFFFC000  }
0xa3: {  	[tilespmem:s7], [sflag:$0x2] =	stream.linear.gather [hbm4b:s2+s11], $0x80, $0x38;
	[tilespmem:$0x1E910] =	vst v63  }
0xa4: {  	s14 =	sadd.s32 $0x100, s14;
	s15 =	sadd.s32 s15, s18;
	s2 =	sadd.s32 $0x20, s2  }
0xa5: {  	[tilespmem:s8], [sflag:$0x2] =	stream.linear.gather [hbm4b:s15+s11], $0x4000, $0x38;
	[tilespmem:$0x1E910] =	vst v63  }
0xa6: {  	_ =	swait.ge [sflag:s9], $0x80  }
0xa7: {  	[sflag:s9] =	ssyncset.done $0x0  }
0xa8: {  	[sflag:s9] =	ssyncadd.s32 $0xFFFFFF80  }
0xa9: {  	_ =	swait.ge [sflag:s9], $0x4000  }
0xaa: {  	[sflag:s9] =	ssyncset.done $0x0  }
0xab: {  	[sflag:s9] =	ssyncadd.s32 $0xFFFFC000  }
0xac: {  	[spmem:s17] =	stream.indirect.scatter.add.f32 [tilespmem:s6], [sflag:$0x3], $0x80, s11, s7, $0xb8;
	[tilespmem:$0x1E910] =	vst v63  }
0xad: {  	_ =	swait.ge [sflag:s12], $0x80  }
0xae: {  	[sflag:s12] =	ssyncset.done $0x0  }
0xaf: {  	[sflag:s12] =	ssyncadd.s32 $0xFFFFFF80  }
0xb0: {  	_ =	swait.ge [sflag:s12], $0x4000  }
0xb1: {  	[sflag:s12] =	ssyncset.done $0x0  }
0xb2: {  	[sflag:s12] =	ssyncadd.s32 $0xFFFFC000  }
0xb3: {  	[spmem:s17] =	stream.indirect.scatter.add.f32 [tilespmem:s8], [sflag:$0x4], $0x80, s7, s7, $0xb8;
	[tilespmem:$0x1E910] =	vst v63  }
0xb4: {  	_ =	swait.ge [sflag:s10], $0x4000  }
0xb5: {  	[sflag:s10] =	ssyncset.done $0x0  }
0xb6: {  	[sflag:s10] =	ssyncadd.s32 $0xFFFFC000  }
0xb7: {  	_ =	swait.ge [sflag:s13], $0x4000  }
0xb8: {  	[sflag:s13] =	ssyncset.done $0x0  }
0xb9: {  	s2 =	simm.s32 $0x8100;
	s1 =	rddreg [dreg:$0x13];
	[sflag:s13] =	ssyncadd.s32 $0xFFFFC000  }
0xba: {  	[tilespmem:s2], [sflag:$0x5] =	stream.linear.gather [hbm4b:s1+s11], $0x10, $0x38;
	[tilespmem:$0x1E910] =	vst v63  }
0xbb: {  	_ =	swait.ge [sflag:s5], $0x10  }
0xbc: {  	[sflag:s5] =	ssyncset.done $0x0  }
0xbd: {  	s14 =	simm.s32 $0x8110;
	s15 =	rddreg [dreg:$0xf];
	[sflag:s5] =	ssyncadd.s32 $0xFFFFFFF0  }
0xbe: {  	[tilespmem:s14], [sflag:$0x5] =	stream.linear.gather [hbm4b:s15+s11], $0x800, $0x38;
	[tilespmem:$0x1E910] =	vst v63  }
0xbf: {  	_ =	swait.ge [sflag:s5], $0x800  }
0xc0: {  	[sflag:s5] =	ssyncset.done $0x0  }
0xc1: {  	s16 =	simm.s32 $0x10;
	[sflag:s5] =	ssyncadd.s32 $0xFFFFF800  }
0xc2: {  	[spmem:s17] =	stream.indirect.scatter.add.f32 [tilespmem:s14], [sflag:$0x5], $0x80, s2, s16, $0xb8;
	[tilespmem:$0x1E910] =	vst v63  }
0xc3: {  	_ =	swait.ge [sflag:s5], $0x800  }
0xc4: {  	[sflag:s5] =	ssyncset.done $0x0  }
0xc5: {  	[sflag:s5] =	ssyncadd.s32 $0xFFFFF800  }
0xc6: {  	[bflag:$0x0] =	sbarrier.arrive $0xFFFF  }
0xc7: {  	[tilespmem:s4], [sflag:$0x5] =	stream.linear.gather [spmem:s21], $0x2000, $0x38;
	[tilespmem:$0x1E910] =	vst v63  }
0xc8: {  	_ =	swait.ge [sflag:s5], $0x2000  }
0xc9: {  	[sflag:s5] =	ssyncset.done $0x0  }
0xca: {  	s14 =	rddreg [dreg:$0x3];
	[sflag:s5] =	ssyncadd.s32 $0xFFFFE000  }
0xcb: {  	[hbm4b:s14+s11] =	stream.linear.scatter [tilespmem:s4], [sflag:$0x5], $0x2000, $0x38;
	[tilespmem:$0x1E910] =	vst v63  }
0xcc: {  	_ =	swait.ge [sflag:s5], $0x2000  }
0xcd: {  	[sflag:s5] =	ssyncset.done $0x0  }
0xce: {  	[sflag:s5] =	ssyncadd.s32 $0xFFFFE000  }
0xcf: {  	[tilespmem:s4], [sflag:$0x5] =	stream.linear.gather [spmem:s22], $0x2000, $0x38;
	[tilespmem:$0x1E910] =	vst v63  }
0xd0: {  	_ =	swait.ge [sflag:s5], $0x2000  }
0xd1: {  	[sflag:s5] =	ssyncset.done $0x0  }
0xd2: {  	s15 =	rddreg [dreg:$0x4];
	[sflag:s5] =	ssyncadd.s32 $0xFFFFE000  }
0xd3: {  	[hbm4b:s15+s11] =	stream.linear.scatter [tilespmem:s4], [sflag:$0x5], $0x2000, $0x38;
	[tilespmem:$0x1E910] =	vst v63  }
0xd4: {  	_ =	swait.ge [sflag:s5], $0x2000  }
0xd5: {  	[sflag:s5] =	ssyncset.done $0x0  }
0xd6: {  	[sflag:s5] =	ssyncadd.s32 $0xFFFFE000  }
0xd7: {  	[tilespmem:s4], [sflag:$0x5] =	stream.linear.gather [spmem:s23], $0x2000, $0x38;
	[tilespmem:$0x1E910] =	vst v63  }
0xd8: {  	_ =	swait.ge [sflag:s5], $0x2000  }
0xd9: {  	[sflag:s5] =	ssyncset.done $0x0  }
0xda: {  	s16 =	rddreg [dreg:$0x5];
	[sflag:s5] =	ssyncadd.s32 $0xFFFFE000  }
0xdb: {  	[hbm4b:s16+s11] =	stream.linear.scatter [tilespmem:s4], [sflag:$0x5], $0x2000, $0x38;
	[tilespmem:$0x1E910] =	vst v63  }
0xdc: {  	_ =	swait.ge [sflag:s5], $0x2000  }
0xdd: {  	[sflag:s5] =	ssyncset.done $0x0  }
0xde: {  	[sflag:s5] =	ssyncadd.s32 $0xFFFFE000  }
0xdf: {  	[tilespmem:s4], [sflag:$0x5] =	stream.linear.gather [spmem:s24], $0x2000, $0x38;
	[tilespmem:$0x1E910] =	vst v63  }
0xe0: {  	_ =	swait.ge [sflag:s5], $0x2000  }
0xe1: {  	[sflag:s5] =	ssyncset.done $0x0  }
0xe2: {  	s2 =	rddreg [dreg:$0x6];
	[sflag:s5] =	ssyncadd.s32 $0xFFFFE000  }
0xe3: {  	[hbm4b:s2+s11] =	stream.linear.scatter [tilespmem:s4], [sflag:$0x5], $0x2000, $0x38;
	[tilespmem:$0x1E910] =	vst v63  }
0xe4: {  	_ =	swait.ge [sflag:s5], $0x2000  }
0xe5: {  	[sflag:s5] =	ssyncset.done $0x0  }
0xe6: {  	[sflag:s5] =	ssyncadd.s32 $0xFFFFE000  }
0xe7: {  	[tilespmem:s4], [sflag:$0x5] =	stream.linear.gather [spmem:s25], $0x2000, $0x38;
	[tilespmem:$0x1E910] =	vst v63  }
0xe8: {  	_ =	swait.ge [sflag:s5], $0x2000  }
0xe9: {  	[sflag:s5] =	ssyncset.done $0x0  }
0xea: {  	s14 =	rddreg [dreg:$0x7];
	[sflag:s5] =	ssyncadd.s32 $0xFFFFE000  }
0xeb: {  	[hbm4b:s14+s11] =	stream.linear.scatter [tilespmem:s4], [sflag:$0x5], $0x2000, $0x38;
	[tilespmem:$0x1E910] =	vst v63  }
0xec: {  	_ =	swait.ge [sflag:s5], $0x2000  }
0xed: {  	[sflag:s5] =	ssyncset.done $0x0  }
0xee: {  	[sflag:s5] =	ssyncadd.s32 $0xFFFFE000  }
0xef: {  	[tilespmem:s4], [sflag:$0x5] =	stream.linear.gather [spmem:s26], $0x2000, $0x38;
	[tilespmem:$0x1E910] =	vst v63  }
0xf0: {  	_ =	swait.ge [sflag:s5], $0x2000  }
0xf1: {  	[sflag:s5] =	ssyncset.done $0x0  }
0xf2: {  	s15 =	rddreg [dreg:$0x8];
	[sflag:s5] =	ssyncadd.s32 $0xFFFFE000  }
0xf3: {  	[hbm4b:s15+s11] =	stream.linear.scatter [tilespmem:s4], [sflag:$0x5], $0x2000, $0x38;
	[tilespmem:$0x1E910] =	vst v63  }
0xf4: {  	_ =	swait.ge [sflag:s5], $0x2000  }
0xf5: {  	[sflag:s5] =	ssyncset.done $0x0  }
0xf6: {  	[sflag:s5] =	ssyncadd.s32 $0xFFFFE000  }
0xf7: {  	[tilespmem:s4], [sflag:$0x5] =	stream.linear.gather [spmem:s28], $0x2000, $0x38;
	[tilespmem:$0x1E910] =	vst v63  }
0xf8: {  	_ =	swait.ge [sflag:s5], $0x2000  }
0xf9: {  	[sflag:s5] =	ssyncset.done $0x0  }
0xfa: {  	s16 =	rddreg [dreg:$0x9];
	[sflag:s5] =	ssyncadd.s32 $0xFFFFE000  }
0xfb: {  	[hbm4b:s16+s11] =	stream.linear.scatter [tilespmem:s4], [sflag:$0x5], $0x2000, $0x38;
	[tilespmem:$0x1E910] =	vst v63  }
0xfc: {  	_ =	swait.ge [sflag:s5], $0x2000  }
0xfd: {  	[sflag:s5] =	ssyncset.done $0x0  }
0xfe: {  	[sflag:s5] =	ssyncadd.s32 $0xFFFFE000  }
0xff: {  	[tilespmem:s4], [sflag:$0x5] =	stream.linear.gather [spmem:s29], $0x2000, $0x38;
	[tilespmem:$0x1E910] =	vst v63  }
0x100: {  	_ =	swait.ge [sflag:s5], $0x2000  }
0x101: {  	[sflag:s5] =	ssyncset.done $0x0  }
0x102: {  	s2 =	rddreg [dreg:$0xa];
	[sflag:s5] =	ssyncadd.s32 $0xFFFFE000  }
0x103: {  	[hbm4b:s2+s11] =	stream.linear.scatter [tilespmem:s4], [sflag:$0x5], $0x2000, $0x38;
	[tilespmem:$0x1E910] =	vst v63  }
0x104: {  	_ =	swait.ge [sflag:s5], $0x2000  }
0x105: {  	[sflag:s5] =	ssyncset.done $0x0  }
0x106: {  	[sflag:s5] =	ssyncadd.s32 $0xFFFFE000  }
0x107: {  	[tilespmem:s4], [sflag:$0x5] =	stream.linear.gather [spmem:s30], $0x2000, $0x38;
	[tilespmem:$0x1E910] =	vst v63  }
0x108: {  	_ =	swait.ge [sflag:s5], $0x2000  }
0x109: {  	[sflag:s5] =	ssyncset.done $0x0  }
0x10a: {  	s14 =	rddreg [dreg:$0xb];
	[sflag:s5] =	ssyncadd.s32 $0xFFFFE000  }
0x10b: {  	[hbm4b:s14+s11] =	stream.linear.scatter [tilespmem:s4], [sflag:$0x5], $0x2000, $0x38;
	[tilespmem:$0x1E910] =	vst v63  }
0x10c: {  	_ =	swait.ge [sflag:s5], $0x2000  }
0x10d: {  	[sflag:s5] =	ssyncset.done $0x0  }
0x10e: {  	[sflag:s5] =	ssyncadd.s32 $0xFFFFE000  }
0x10f: {  	[tilespmem:s4], [sflag:$0x5] =	stream.linear.gather [spmem:s31], $0x2000, $0x38;
	[tilespmem:$0x1E910] =	vst v63  }
0x110: {  	_ =	swait.ge [sflag:s5], $0x2000  }
0x111: {  	[sflag:s5] =	ssyncset.done $0x0  }
0x112: {  	s15 =	rddreg [dreg:$0xc];
	[sflag:s5] =	ssyncadd.s32 $0xFFFFE000  }
0x113: {  	[hbm4b:s15+s11] =	stream.linear.scatter [tilespmem:s4], [sflag:$0x5], $0x2000, $0x38;
	[tilespmem:$0x1E910] =	vst v63  }
0x114: {  	_ =	swait.ge [sflag:s5], $0x2000  }
0x115: {  	s0 =	sadd.s32 $0x1, s0;
	s16 =	rddreg [dreg:$0x14]  }
0x116: {  	p0 =	sne.s32 s0, s16  }
.Ltmp2:
0x117: {  	_ = 	snop;
	(pc) =	sbr.rel @p0 .LBB2_1-.Ltmp2, $3  }
0x118: {  	_ =	sdelay $0x1  }
0x119: {  	[sflag:s5] =	ssyncset.done $0x0  }
0x11a: {  	[sflag:s5] =	ssyncadd.s32 $0xFFFFE000  }
0x11b: {  	_ =	sfence.sel $0x180000  }
0x11c: {  	[bflag:$0x0] =	sbarrier.arrive $0xFFFF  }
0x11d: {  	_ =	strace $0x9000004A  }
0x11e: {  	s0 =	stileid.u32;
	[bflag:$0x2] =	sbarrier.arrive $0xFFFF  }
0x11f: {  	p0 =	sne.s32 s0, $0x0;
	s0 =	rddreg [dreg:$0x2]  }
0x120: {  	s0 =	sadd.s32 @!p0 $0x100000, s0  }
0x121: {  	[sflag:s0] =	ssyncadd.tile.s32 @!p0 $0x1;
	_ =	shalt  }
.Lfunc_end2:
_tile_overlayer_lowered:
.L_overlay_start_2:
0x122: {  	(tag) =	ssettag $0x2  }
0x123: {  	s0 =	rddreg [dreg:$0x0];
	s2 =	stileid.u32  }
0x124: {  	s1 =	rddreg [dreg:$0x1];
	p0 =	sne.s32 s2, $0x0  }
0x125: {  	s3 =	rddreg [dreg:$0x2];
	[bflag:$0x3] =	sbarrier.arrive $0xFFFF;
	s2 =	simm.s32 @!p0 $0x1C05  }
0x126: {  	[timem:s3], [sflag:s2] =	dma.local @!p0 [hbm:s0], s1  }
0x127: {  	s0 =	simm.s32 @!p0 $0x5  }
0x128: {  	_ =	swait.ge @!p0 [sflag:s0], s1  }
0x129: {  	s1 =	ssub.s32 @!p0 $0x0, s1;
	[sflag:s0] =	ssyncset.done @!p0 $0x0  }
0x12a: {  	[sflag:s0] =	ssyncadd.s32 @!p0 s1  }
0x12b: {  	[bflag:$0x3] =	sbarrier.arrive $0xFFFF  }
0x12c: {  	_ =	shalt  }

// kernel: kernel.15.cloned.1.call-start
scs
__scs_entry_jumppad:
0x0: {  	(pc) =	sbr.rel $0x88, $3  }
0x1: {  	(tag) =	ssettag $0x0;
	lr =	simm.s32 $0x1  }
0x2: {  	[smem:$0x3F92] =	sst lr;
	_ =	strace $0xD0000000  }
0x3: {  	_ = 	snop  }
0x4: {  	_ = 	snop  }
0x5: {  	_ = 	snop  }
0x6: {  	_ = 	snop  }
0x7: {  	_ = 	snop  }
__scs_overlays_trampoline_lowered:
0x8: {  	[smem:$0x3FA1] =	sst s0  }
0x9: {  	[smem:$0x3FA2] =	sst s1  }
0xa: {  	[smem:$0x3FA3] =	sst s2  }
0xb: {  	[smem:$0x3FA4] =	sst s3  }
0xc: {  	[smem:$0x3FA5] =	sst s4  }
0xd: {  	[smem:$0x3FA6] =	sst s5  }
0xe: {  	[smem:$0x3FA7] =	sst s6  }
0xf: {  	[smem:$0x3FA8] =	sst s7  }
0x10: {  	[smem:$0x3FA9] =	sst s8  }
0x11: {  	[smem:$0x3FAA] =	sst s9;
	s0 =	simm.s32 @!p0 $0x0  }
0x12: {  	s1 =	sld [smem:$0x3F90];
	s0 =	simm.s32 @p0 $0x1  }
0x13: {  	[smem:$0x3FAB] =	sst s0;
	s0 =	simm.s32 @!p1 $0x0  }
0x14: {  	s2 =	sld [smem:$0x3F8F];
	s0 =	simm.s32 @p1 $0x1  }
0x15: {  	[smem:$0x3FAC] =	sst s0;
	s0 =	simm.s32 @!p2 $0x0  }
0x16: {  	s3 =	sld [smem:$0x3FDB];
	s0 =	simm.s32 @p2 $0x1  }
0x17: {  	s4 =	simm.s32 $0x1BF5;
	[smem:$0x3FAE] =	sst s0  }
0x18: {  	s0 =	sld [smem:$0x3F91];
	_ =	swait.ge [sflag:s4], $0x0  }
0x19: {  	s7 =	sld [smem:$0x3F92]  }
0x1a: {  	s8 =	sadd.s32 $0xFFFFE003, lr  }
0x1b: {  	s9 =	sadd.s32 $0xFFFFFEF7, lr;
	s5 =	simm.s32 $0xFFFFFFFF;
	p2 =	slt.u32 s8, $0xFFFFF086  }
0x1c: {  	p1 =	slt.u32 s9, $0xF7A;
	s5 =	simm.s32 @!p2 $0x0  }
0x1d: {  	s5 =	simm.s32 @p1 $0x1;
	p0 =	seq.s32 s7, s2  }
0x1e: {  	s7 =	smul.u32 @!p0 $0xF7A, s2;
	p2 =	seq.s32 @!p0 s5, $0x0  }
0x1f: {  	s9 =	smul.u32 $0xF7A, s1;
	s8 =	simm.s32 @!p0 $0x1BF5;
	p2 =	por !p2, p0  }
0x20: {  	[sflag:s8] =	ssyncset.s32 @!p0 $0xFFFFF086;
	s6 =	sadd.s32 @!p0 s3, s7;
	s7 =	simm.s32 @!p0 $0x108  }
0x21: {  	s3 =	sadd.s32 s3, s9;
	s6 =	sadd.s32 @!p0 $0x88, s6;
	s7 =	simm.s32 @p2 $0x1082  }
0x22: {  	[simem:s7], [sflag:s8] =	dma.local @!p0 [hbm:s6], $0xF7A  }
0x23: {  	s9 =	sor.u32 $0xD0000000, s2;
	s6 =	simm.s32 $0x108;
	_ =	swait.ge @!p0 [sflag:s8], $0x0  }
0x24: {  	s3 =	sadd.s32 $0x88, s3;
	s6 =	simm.s32 @!p1 $0x1082;
	[sflag:s4] =	ssyncset.s32 $0xFFFFF086  }
0x25: {  	[simem:s6], [sflag:s4] =	dma.local [hbm:s3], $0xF7A  }
0x26: {  	[smem:$0x3F92] =	sst s1;
	(tag) =	ssettag s2;
	_ =	strace s9  }
0x27: {  	s1 =	sld [smem:$0x3FA2]  }
0x28: {  	s2 =	sld [smem:$0x3FA3]  }
0x29: {  	s4 =	sld [smem:$0x3FA5]  }
0x2a: {  	p0 =	seq.s32 s5, $0x0;
	s5 =	sld [smem:$0x3FA6]  }
0x2b: {  	s6 =	sld [smem:$0x3FA7]  }
0x2c: {  	s7 =	sld [smem:$0x3FA8]  }
0x2d: {  	s3 =	simm.s32 $0x108;
	s8 =	sld [smem:$0x3FA9]  }
0x2e: {  	s3 =	simm.s32 @!p0 $0x1082;
	s9 =	sld [smem:$0x3FAA]  }
0x2f: {  	lr =	sadd.s32 s0, s3;
	s0 =	sld [smem:$0x3FA1]  }
0x30: {  	s3 =	sld [smem:$0x3FA4]  }
0x31: {  	[smem:$0x3FAD] =	sst s10  }
0x32: {  	s10 =	sld [smem:$0x3FAB];
	_ =	sdelay $0x3  }
0x33: {  	p0 =	seq.s32 s10, $0x1;
	s10 =	sld [smem:$0x3FAD];
	_ =	sdelay $0x3  }
0x34: {  	[smem:$0x3FAD] =	sst s10  }
0x35: {  	s10 =	sld [smem:$0x3FAC];
	_ =	sdelay $0x3  }
0x36: {  	p1 =	seq.s32 s10, $0x1;
	s10 =	sld [smem:$0x3FAD];
	_ =	sdelay $0x3  }
0x37: {  	[smem:$0x3FAD] =	sst s10  }
0x38: {  	s10 =	sld [smem:$0x3FAE]  }
0x39: {  	_ = 	snop;
	(pc) =	sbr.ind lr, $3  }
0x3a: {  	_ = 	snop  }
0x3b: {  	_ = 	snop  }
0x3c: {  	p2 =	seq.s32 s10, $0x1;
	s10 =	sld [smem:$0x3FAD]  }
0x3d: {  	_ =	shalt  }
0x3e: {  	_ =	shalt  }
0x3f: {  	_ =	shalt  }
0x40: {  	_ =	shalt  }
0x41: {  	_ =	shalt  }
0x42: {  	_ =	shalt  }
0x43: {  	_ =	shalt  }
0x44: {  	_ =	shalt  }
0x45: {  	_ =	shalt  }
0x46: {  	_ =	shalt  }
0x47: {  	_ =	shalt  }
0x48: {  	_ =	shalt  }
0x49: {  	_ =	shalt  }
0x4a: {  	_ =	shalt  }
0x4b: {  	_ =	shalt  }
0x4c: {  	_ =	shalt  }
0x4d: {  	_ =	shalt  }
0x4e: {  	_ =	shalt  }
0x4f: {  	_ =	shalt  }
0x50: {  	_ =	shalt  }
0x51: {  	_ =	shalt  }
0x52: {  	_ =	shalt  }
0x53: {  	_ =	shalt  }
0x54: {  	_ =	shalt  }
0x55: {  	_ =	shalt  }
0x56: {  	_ =	shalt  }
0x57: {  	_ =	shalt  }
0x58: {  	_ =	shalt  }
0x59: {  	_ =	shalt  }
0x5a: {  	_ =	shalt  }
0x5b: {  	_ =	shalt  }
0x5c: {  	_ =	shalt  }
0x5d: {  	_ =	shalt  }
0x5e: {  	_ =	shalt  }
0x5f: {  	_ =	shalt  }
0x60: {  	_ =	shalt  }
0x61: {  	_ =	shalt  }
0x62: {  	_ =	shalt  }
0x63: {  	_ =	shalt  }
0x64: {  	_ =	shalt  }
0x65: {  	_ =	shalt  }
0x66: {  	_ =	shalt  }
0x67: {  	_ =	shalt  }
0x68: {  	_ =	shalt  }
0x69: {  	_ =	shalt  }
0x6a: {  	_ =	shalt  }
0x6b: {  	_ =	shalt  }
0x6c: {  	_ =	shalt  }
0x6d: {  	_ =	shalt  }
0x6e: {  	_ =	shalt  }
0x6f: {  	_ =	shalt  }
0x70: {  	_ =	shalt  }
0x71: {  	_ =	shalt  }
0x72: {  	_ =	shalt  }
0x73: {  	_ =	shalt  }
0x74: {  	_ =	shalt  }
0x75: {  	_ =	shalt  }
0x76: {  	_ =	shalt  }
0x77: {  	_ =	shalt  }
0x78: {  	_ =	shalt  }
0x79: {  	_ =	shalt  }
0x7a: {  	_ =	shalt  }
0x7b: {  	_ =	shalt  }
0x7c: {  	_ =	shalt  }
0x7d: {  	_ =	shalt  }
0x7e: {  	_ =	shalt  }
0x7f: {  	_ =	shalt  }
0x80: {  	_ =	shalt  }
0x81: {  	_ =	shalt  }
0x82: {  	_ =	shalt  }
0x83: {  	_ =	shalt  }
0x84: {  	_ =	shalt  }
0x85: {  	_ =	shalt  }
0x86: {  	_ =	shalt  }
0x87: {  	_ =	shalt  }
.Lfunc_end0:
.L_simem_size_0:
called_computation.2_lowered:
.L_overlay_start_0:
0x88: {  	s2 =	sld [smem:$0x3FD9]  }
0x89: {  	s3 =	sld [smem:$0x3FFE];
	_ =	sdelay $0x1  }
0x8a: {  	s1 =	srdreg.scid  }
0x8b: {  	s0 =	sand.u32 $0x1, s1  }
0x8c: {  	s15 =	sshll.u32 s0, $0xA;
	s2 =	sadd.s32 s3, s2  }
0x8d: {  	s2 =	sadd.s32 s2, s15  }
0x8e: {  	[smem:$0x3FB9] =	sst s2  }
0x8f: {  	_ = 	snop  }
0x90: {  	s2 =	sld [smem:$0x3FD0];
	_ =	sdelay $0x2  }
0x91: {  	s16 =	simm.s32 $0xB;
	s4 =	simm.s32 $0x10  }
0x92: {  	[smem:s4], [sflag:s16] =	dma.local [hbm:s2], $0x1  }
0x93: {  	_ =	swait.eq [sflag:s16], $0x1  }
0x94: {  	[sflag:s16] =	ssyncset.done $0x0  }
0x95: {  	[sflag:s16] =	ssyncadd.s32 $0xFFFFFFFF  }
0x96: {  	s17 =	sld [smem:$0x10];
	(tm) =	ssettm $0x1  }
0x97: {  	s18 =	sld [smem:$0x3FFB];
	_ =	sdelay $0x3  }
0x98: {  	_ =	strace s18  }
0x99: {  	s2 =	sld [smem:$0x3FFC];
	_ =	sdelay $0x3  }
0x9a: {  	_ =	strace s2  }
0x9b: {  	s2 =	sld [smem:$0x3FFD];
	_ =	sdelay $0x3  }
0x9c: {  	_ =	strace s2  }
0x9d: {  	_ =	strace $0x8FFFFFFF  }
0x9e: {  	s19 =	sld [smem:$0x3FDB];
	_ =	sdelay $0x1  }
0x9f: {  	s20 =	simm.s32 $_scs_section_size  }
0xa0: {  	s5 =	simm.s32 $_size__tile_overlayer_lowered;
	s6 =	simm.s32 $_tile_overlayer_lowered  }
0xa1: {  	s7 =	simm.s32 $0x1BFF;
	s21 =	sshll.u32 s6, $0x1;
	s4 =	sadd.s32 s20, s19  }
0xa2: {  	s22 =	simm.s32 $0x0;
	s5 =	sshll.u32 s5, $0x1;
	s6 =	sadd.s32 s21, s4  }
0xa3: {  	[timem:s22], [sflag:s7] =	dma.local [hbm:s6], s5  }
0xa4: {  	_ =	swait.ge [sflag:s7], s5  }
0xa5: {  	s5 =	ssub.s32 $0x0, s5;
	[sflag:s7] =	ssyncset.done $0x0  }
0xa6: {  	[sflag:s7] =	ssyncadd.s32 s5;
	_ =	sdelay $0x1  }
0xa7: {  	s23 =	simm.s32 $0x1B8B  }
0xa8: {  	_ =	swait.ge [sflag:s23], $0x1  }
0xa9: {  	[sflag:s23] =	ssyncset.done $0x0  }
0xaa: {  	[sflag:s23] =	ssyncadd.s32 $0xFFFFFFFF  }
0xab: {  	s5 =	sld [smem:$0x0]  }
0xac: {  	s6 =	sand.u32 $0xFFFFFFFE, s1  }
0xad: {  	p0 =	sne.s32 s1, s6  }
0xae: {  	s6 =	sshll.u32 @p0 s6, $0xE  }
0xaf: {  	s6 =	sadd.s32 @p0 $0x11B8D, s6;
	s7 =	sshll.u32 @p0 s5, $0x11  }
0xb0: {  	s6 =	sor.u32 @p0 s7, s6  }
0xb1: {  	[sflag:s6] =	ssyncadd.remote.s32 @p0 $0x1;
	_ =	sdelay $0x1  }
0xb2: {  	s6 =	simm.s32 @p0 $0x1B8D  }
0xb3: {  	_ =	swait.eq @p0 [sflag:s6], $0x1  }
0xb4: {  	[sflag:s6] =	ssyncadd.s32 @p0 $0xFFFFFFFF  }
0xb5: {  	s7 =	sshll.u32 @!p0 s1, $0xE  }
0xb6: {  	s7 =	sor.u32 @!p0 $0x4000, s7;
	s6 =	simm.s32 @!p0 $0x1B8D  }
0xb7: {  	s5 =	sshll.u32 @!p0 s5, $0x11;
	s7 =	sadd.s32 @!p0 $0x11B8D, s7;
	_ =	swait.eq @!p0 [sflag:s6], $0x1  }
0xb8: {  	s5 =	sor.u32 @!p0 s5, s7;
	[sflag:s6] =	ssyncadd.s32 @!p0 $0xFFFFFFFF  }
0xb9: {  	s25 =	simm.s32 $0x1B8E;
	s24 =	sld [smem:$0x3FFE];
	[sflag:s5] =	ssyncadd.remote.s32 @!p0 $0x1  }
0xba: {  	s26 =	simm.s32 $execute0_lowered;
	[smem:$0x3FD2] =	sst s25  }
0xbb: {  	s6 =	sshll.u32 s26, $0x1;
	_ =	strace $0x8000004C;
	[dreg:$0x1] =	wrdreg $0xFFFFFFFF  }
0xbc: {  	s28 =	simm.s32 $_size_execute0_lowered;
	s4 =	sadd.s32 s4, s6;
	[dreg:$0x0] =	wrdreg $0x0  }
0xbd: {  	s6 =	sshll.u32 s28, $0x1;
	[dreg:$0x2] =	wrdreg s4  }
0xbe: {  	[dreg:$0x3] =	wrdreg s6  }
0xbf: {  	[dreg:$0x4] =	wrdreg $0xC0  }
0xc0: {  	_ =	task [dreg:s22], $0x5FFFF  }
0xc1: {  	[dreg:$0x1] =	wrdreg $0xFFFFFFFF  }
0xc2: {  	[dreg:$0x0] =	wrdreg $0x60  }
0xc3: {  	[dreg:$0x2] =	wrdreg s24  }
0xc4: {  	[dreg:$0x3] =	wrdreg s17  }
0xc5: {  	[dreg:$0x4] =	wrdreg $0x16100  }
0xc6: {  	[dreg:$0x5] =	wrdreg $0xA  }
0xc7: {  	_ =	task.clear_ibuf [dreg:s22], $0x6FFFF;
	_ =	strace $0x9000004C  }
0xc8: {  	s29 =	simm.s32 $0xA;
	_ =	strace $0x8000004E  }
0xc9: {  	_ =	swait.ge [sflag:s29], $0x1  }
0xca: {  	[sflag:s29] =	ssyncadd.s32 $0xFFFFFFFF  }
0xcb: {  	_ =	strace $0x9000004E  }
0xcc: {  	_ =	sfence  }
0xcd: {  	s30 =	sld [smem:$0x0];
	_ =	sdelay $0x2  }
0xce: {  	s31 =	sshll.u32 s1, $0xD;
	s1 =	sshrl.u32 s1, $0x2  }
0xcf: {  	s4 =	sand.u32 $0x4000, s31;
	s1 =	sadd.s32 s1, s30  }
0xd0: {  	s0 =	sor.u32 s4, s0;
	s1 =	sshll.u32 s1, $0x11  }
0xd1: {  	s0 =	sor.u32 s1, s0  }
0xd2: {  	s0 =	sadd.s32 $0x8F2B, s0  }
0xd3: {  	[sflag:s0] =	ssyncadd.remote.s32 $0x1  }
0xd4: {  	_ =	sfence.sel $0xFFFF  }
0xd5: {  	[dreg:$0x0] =	wrdreg $0xFFFFFFFF;
	(pc) =	sbr.abs _section_cstart, $3  }
0xd6: {  	[dreg:$0x1] =	wrdreg $0xFFFFFFFF  }
0xd7: {  	_ =	task.clear_ibuf [dreg:s22], $0x2FFFF;
	_ =	strace $0x9FFFFFFF  }
0xd8: {  	(tm) =	ssettm $0x7FFFFFFF  }
0xd9: {  	_ =	shalt  }
tec
execute0_lowered:
.L_overlay_start_1:
0x0: {  	(tag) =	ssettag $0x1  }
0x1: {  	s4 =	rddreg [dreg:$0x0]  }
0x2: {  	s0 =	srdreg.scid;
	s5 =	rddreg [dreg:$0x1]  }
0x3: {  	s1 =	rddreg [dreg:$0x2];
	s19 =	stileid.u32;
	s2 =	simm.s32 $0x0  }
0x4: {  	s28 =	simm.s32 $0x4;
	s31 =	simm.s32 $0x0;
	s6 =	sand.u32 $0x1, s0  }
0x5: {  	s7 =	smul.u32 $0x280, s19;
	[smem:$0x7FF] =	sst s2;
	s0 =	ssub.s32 $0x2, s6  }
0x6: {  	s20 =	sshll.u32 s19, $0x1;
	s19 =	smul.u32 $0xA000, s19;
	s3 =	sshrl.u32 s0, $0x1  }
0x7: {  	s8 =	sor.u32 $0x40, s7;
	s9 =	sadd.s32 $0x80, s7;
	s10 =	sadd.s32 $0xC0, s7  }
0x8: {  	s11 =	sadd.s32 $0x100, s7;
	s12 =	sadd.s32 $0x140, s7;
	s13 =	sadd.s32 $0x180, s7  }
0x9: {  	s3 =	ssub.s32 s0, s3;
	s0 =	sor.u32 s6, s20;
	s6 =	smul.u32 $0x2800, s6  }
0xa: {  	s16 =	sadd.s32 $0x1C0, s7;
	s17 =	sadd.s32 $0x200, s7;
	s18 =	sadd.s32 $0x240, s7  }
0xb: {  	s3 =	smax.u32 s3, $0x1;
	s7 =	sadd.s32 s7, s6;
	s14 =	sadd.s32 s6, s8  }
0xc: {  	s15 =	sadd.s32 s6, s9;
	s24 =	sadd.s32 s6, s10;
	s25 =	sadd.s32 s6, s11  }
0xd: {  	s26 =	sadd.s32 s6, s12;
	s7 =	sshll.u32 s7, $0x1;
	s21 =	sshll.u32 s14, $0x1  }
0xe: {  	s22 =	sshll.u32 s15, $0x1;
	s14 =	sshll.u32 s25, $0x1;
	s7 =	sadd.s32 s5, s7  }
0xf: {  	s20 =	sshll.u32 s26, $0x1;
	s23 =	sadd.s32 s5, s22;
	[dreg:$0x4] =	wrdreg s7  }
0x10: {  	s22 =	sadd.s32 s6, s13;
	s7 =	sadd.s32 s5, s21;
	[dreg:$0x6] =	wrdreg s23  }
0x11: {  	s21 =	sadd.s32 s5, s20;
	s23 =	sadd.s32 s6, s16;
	[dreg:$0x5] =	wrdreg s7  }
0x12: {  	s20 =	sshrl.u32 s19, $0x2;
	s7 =	sshll.u32 s24, $0x1;
	[dreg:$0x9] =	wrdreg s21  }
0x13: {  	s24 =	sadd.s32 s6, s17;
	s25 =	sshll.u32 s23, $0x1;
	s6 =	sadd.s32 s6, s18  }
0x14: {  	s29 =	sadd.s32 s20, s1;
	s21 =	sshll.u32 s8, $0x4;
	s8 =	smul.u32 $0x2710, s0  }
0x15: {  	s0 =	smul.u32 $0x4E20, s0;
	s7 =	sadd.s32 s5, s7;
	s26 =	sshll.u32 s24, $0x1  }
0x16: {  	s6 =	sshll.u32 s6, $0x1;
	s30 =	sadd.s32 s21, s1;
	s24 =	sshll.u32 s10, $0x4  }
0x17: {  	[dreg:$0x7] =	wrdreg s7;
	s7 =	sadd.s32 s5, s14;
	s15 =	sadd.s32 s5, s26  }
0x18: {  	s14 =	sadd.s32 $0x68400, s4;
	s26 =	sshll.u32 s12, $0x4;
	s10 =	sshrl.u32 s8, $0x3  }
0x19: {  	s12 =	sadd.s32 $0x80, s8;
	[dreg:$0x8] =	wrdreg s7;
	s7 =	sshll.u32 s22, $0x1  }
0x1a: {  	[dreg:$0xc] =	wrdreg s15;
	s15 =	sadd.s32 $0xE600, s4;
	s4 =	sadd.s32 $0x4800, s4  }
0x1b: {  	s22 =	sshll.u32 s9, $0x4;
	s9 =	sshll.u32 s18, $0x4;
	s0 =	sadd.s32 s14, s0  }
0x1c: {  	s7 =	sadd.s32 s5, s7;
	s23 =	sadd.s32 s22, s1;
	s22 =	sadd.s32 s26, s1  }
0x1d: {  	s26 =	sadd.s32 s9, s1;
	s9 =	simm.s32 $0x80;
	[dreg:$0xa] =	wrdreg s7  }
0x1e: {  	s7 =	sadd.s32 s5, s25;
	s5 =	sadd.s32 s5, s6;
	s25 =	sshll.u32 s11, $0x4  }
0x1f: {  	s6 =	sshll.u32 s16, $0x4;
	s11 =	sadd.s32 s15, s10;
	[dreg:$0xb] =	wrdreg s7  }
0x20: {  	s10 =	sadd.s32 $0x100, s8;
	[dreg:$0xd] =	wrdreg s5;
	s21 =	sadd.s32 s25, s1  }
0x21: {  	s5 =	sshll.u32 s13, $0x4;
	s7 =	sshll.u32 s17, $0x4;
	s13 =	sshrl.u32 s12, $0x3  }
0x22: {  	s17 =	sadd.s32 $0x2700, s8;
	_ =	strace $0x8000004D;
	[dreg:$0xe] =	wrdreg s4  }
0x23: {  	[dreg:$0xf] =	wrdreg s23;
	s4 =	sadd.s32 s24, s1;
	s23 =	sadd.s32 s5, s1  }
0x24: {  	s24 =	sadd.s32 s6, s1;
	s25 =	sadd.s32 s7, s1;
	[dreg:$0x11] =	wrdreg s11  }
0x25: {  	[dreg:$0x12] =	wrdreg s0;
	s0 =	sadd.s32 s15, s13;
	s18 =	sshrl.u32 s17, $0x3  }
0x26: {  	s19 =	sshll.u32 s17, $0x1;
	[dreg:$0x17] =	wrdreg s3;
	s6 =	simm.s32 $0x1210  }
0x27: {  	s7 =	simm.s32 $0x5;
	s11 =	simm.s32 $0x900;
	[dreg:$0x10] =	wrdreg s4  }
0x28: {  	s4 =	sshll.u32 s12, $0x1;
	[dreg:$0x13] =	wrdreg s0;
	s20 =	sadd.s32 s14, s19  }
0x29: {  	s13 =	simm.s32 $0x2;
	s16 =	sadd.s32 s14, s4;
	[dreg:$0x16] =	wrdreg s20  }
0x2a: {  	s0 =	sadd.s32 $0x180, s8;
	s4 =	sadd.s32 s15, s18;
	[dreg:$0x14] =	wrdreg s16  }
0x2b: {  	v0 =	vimm.f32 $0.0e+00;
	s8 =	simm.s32 $0x100;
	s12 =	simm.s32 $0x1;
	[dreg:$0x15] =	wrdreg s4  }
.LBB2_1:
0x2c: {  	s3 =	simm.s32 $0x40;
	s4 =	simm.s32 $0x0  }
.LBB2_2:
0x2d: {  	p0 =	sne.s32 s3, $0xFC0;
	[tilespmem:s4+$0x1210] =	vst v0;
	s4 =	smov.u32 s3;
	s3 =	sadd.s32 $0x40, s3  }
.Ltmp0:
0x2e: {  	(pc) =	sbr.rel @p0 .LBB2_2-.Ltmp0, $2  }
0x2f: {  	_ =	sdelay $0x2  }
0x30: {  	s4 =	sshra.s32 s4, $0x2  }
0x31: {  	[tilespmem:s4+$0x1210] =	vst v0  }
0x32: {  	[spmem:s29] =	stream.linear.scatter [tilespmem:s6], [sflag:$0x5], $0x400, $0x38;
	[tilespmem:$0x3E20] =	vst v63  }
0x33: {  	_ =	swait.ge [sflag:s7], $0x400  }
0x34: {  	[sflag:s7] =	ssyncset.done $0x0  }
0x35: {  	[sflag:s7] =	ssyncadd.s32 $0xFFFFFC00  }
0x36: {  	[spmem:s30] =	stream.linear.scatter [tilespmem:s6], [sflag:$0x5], $0x400, $0x38;
	[tilespmem:$0x3E20] =	vst v63  }
0x37: {  	_ =	swait.ge [sflag:s7], $0x400  }
0x38: {  	[sflag:s7] =	ssyncset.done $0x0  }
0x39: {  	s3 =	rddreg [dreg:$0xf];
	[sflag:s7] =	ssyncadd.s32 $0xFFFFFC00  }
0x3a: {  	[spmem:s3] =	stream.linear.scatter [tilespmem:s6], [sflag:$0x5], $0x400, $0x38;
	[tilespmem:$0x3E20] =	vst v63  }
0x3b: {  	_ =	swait.ge [sflag:s7], $0x400  }
0x3c: {  	[sflag:s7] =	ssyncset.done $0x0  }
0x3d: {  	s5 =	rddreg [dreg:$0x10];
	[sflag:s7] =	ssyncadd.s32 $0xFFFFFC00  }
0x3e: {  	[spmem:s5] =	stream.linear.scatter [tilespmem:s6], [sflag:$0x5], $0x400, $0x38;
	[tilespmem:$0x3E20] =	vst v63  }
0x3f: {  	_ =	swait.ge [sflag:s7], $0x400  }
0x40: {  	[sflag:s7] =	ssyncset.done $0x0  }
0x41: {  	[sflag:s7] =	ssyncadd.s32 $0xFFFFFC00  }
0x42: {  	[spmem:s21] =	stream.linear.scatter [tilespmem:s6], [sflag:$0x5], $0x400, $0x38;
	[tilespmem:$0x3E20] =	vst v63  }
0x43: {  	_ =	swait.ge [sflag:s7], $0x400  }
0x44: {  	[sflag:s7] =	ssyncset.done $0x0  }
0x45: {  	[sflag:s7] =	ssyncadd.s32 $0xFFFFFC00  }
0x46: {  	[spmem:s22] =	stream.linear.scatter [tilespmem:s6], [sflag:$0x5], $0x400, $0x38;
	[tilespmem:$0x3E20] =	vst v63  }
0x47: {  	_ =	swait.ge [sflag:s7], $0x400  }
0x48: {  	[sflag:s7] =	ssyncset.done $0x0  }
0x49: {  	[sflag:s7] =	ssyncadd.s32 $0xFFFFFC00  }
0x4a: {  	[spmem:s23] =	stream.linear.scatter [tilespmem:s6], [sflag:$0x5], $0x400, $0x38;
	[tilespmem:$0x3E20] =	vst v63  }
0x4b: {  	_ =	swait.ge [sflag:s7], $0x400  }
0x4c: {  	[sflag:s7] =	ssyncset.done $0x0  }
0x4d: {  	[sflag:s7] =	ssyncadd.s32 $0xFFFFFC00  }
0x4e: {  	[spmem:s24] =	stream.linear.scatter [tilespmem:s6], [sflag:$0x5], $0x400, $0x38;
	[tilespmem:$0x3E20] =	vst v63  }
0x4f: {  	_ =	swait.ge [sflag:s7], $0x400  }
0x50: {  	[sflag:s7] =	ssyncset.done $0x0  }
0x51: {  	[sflag:s7] =	ssyncadd.s32 $0xFFFFFC00  }
0x52: {  	[spmem:s25] =	stream.linear.scatter [tilespmem:s6], [sflag:$0x5], $0x400, $0x38;
	[tilespmem:$0x3E20] =	vst v63  }
0x53: {  	_ =	swait.ge [sflag:s7], $0x400  }
0x54: {  	[sflag:s7] =	ssyncset.done $0x0  }
0x55: {  	[sflag:s7] =	ssyncadd.s32 $0xFFFFFC00  }
0x56: {  	[spmem:s26] =	stream.linear.scatter [tilespmem:s6], [sflag:$0x5], $0x400, $0x38;
	[tilespmem:$0x3E20] =	vst v63  }
0x57: {  	_ =	swait.ge [sflag:s7], $0x400  }
0x58: {  	s3 =	simm.s32 $0x0;
	[sflag:s7] =	ssyncset.done $0x0  }
0x59: {  	s5 =	simm.s32 $0x3E10;
	s16 =	rddreg [dreg:$0xe];
	[sflag:s7] =	ssyncadd.s32 $0xFFFFFC00  }
0x5a: {  	[tilespmem:s5], [sflag:$0x5] =	stream.linear.gather [hbm4b:s16+s3], $0x10, $0x38;
	[tilespmem:$0x3E20] =	vst v63  }
0x5b: {  	_ =	swait.ge [sflag:s7], $0x10  }
0x5c: {  	[sflag:s7] =	ssyncset.done $0x0  }
0x5d: {  	[sflag:s7] =	ssyncadd.s32 $0xFFFFFFF0  }
0x5e: {  	[bflag:$0x0] =	sbarrier.arrive $0xFFFF  }
0x5f: {  	s17 =	rddreg [dreg:$0x11]  }
0x60: {  	[tilespmem:s3], [sflag:$0x1] =	stream.linear.gather [hbm4b:s17+s3], $0x80, $0x38;
	[tilespmem:$0x3E20] =	vst v63  }
0x61: {  	s18 =	rddreg [dreg:$0x12]  }
0x62: {  	[tilespmem:s8], [sflag:$0x1] =	stream.linear.gather [hbm4b:s18+s3], $0x800, $0x38;
	[tilespmem:$0x3E20] =	vst v63  }
0x63: {  	s19 =	smov.u32 s29;
	s29 =	rddreg [dreg:$0x13]  }
0x64: {  	[tilespmem:s9], [sflag:$0x2] =	stream.linear.gather [hbm4b:s29+s3], $0x80, $0x38;
	[tilespmem:$0x3E20] =	vst v63  }
0x65: {  	s20 =	smov.u32 s30;
	s30 =	rddreg [dreg:$0x14]  }
0x66: {  	[tilespmem:s11], [sflag:$0x2] =	stream.linear.gather [hbm4b:s30+s3], $0x800, $0x38;
	[tilespmem:$0x3E20] =	vst v63  }
.LBB2_4:
0x67: {  	_ =	swait.ge [sflag:s12], $0x80  }
0x68: {  	[sflag:s12] =	ssyncset.done $0x0  }
0x69: {  	[sflag:s12] =	ssyncadd.s32 $0xFFFFFF80  }
0x6a: {  	_ =	swait.ge [sflag:s12], $0x800  }
0x6b: {  	[sflag:s12] =	ssyncset.done $0x0  }
0x6c: {  	[sflag:s12] =	ssyncadd.s32 $0xFFFFF800  }
0x6d: {  	s5 =	simm.s32 $0x120;
	v1 =	vld [tilespmem:$0x3E10]  }
0x6e: {  	v2 =	vld [tilespmem:s5+$0xFFFFFFE0]  }
0x6f: {  	v3 =	vld [tilespmem:s5+$0x10]  }
0x70: {  	v4 =	vld [tilespmem:s5+$0x0]  }
0x71: {  	v5 =	vld [tilespmem:s5+$0xFFFFFFF0];
	_ =	sdelay $0x1  }
0x72: {  	s4 =	simm.s32 $0x160;
	v2 =	vsub.f32 v2, v1  }
0x73: {  	v6 =	vld [tilespmem:s4+$0xFFFFFFE0];
	v3 =	vsub.f32 v3, v1  }
0x74: {  	v7 =	vld [tilespmem:s4+$0x10];
	v4 =	vsub.f32 v4, v1;
	v2 =	vmul.f32 $1.442695020e+00, v2  }
0x75: {  	v5 =	vsub.f32 v5, v1;
	v3 =	vmul.f32 $1.442695020e+00, v3  }
0x76: {  	v4 =	vmul.f32 $1.442695020e+00, v4;
	(erf) = vpow2.f32 v2;
	v2 =	vld [tilespmem:s4+$0x0]  }
0x77: {  	s29 =	simm.s32 $0x1A0;
	v5 =	vmul.f32 $1.442695020e+00, v5;
	(erf) = vpow2.f32 v3;
	v3 =	vld [tilespmem:s4+$0xFFFFFFF0]  }
0x78: {  	(erf) = vpow2.f32 v4;
	v4 =	vld [tilespmem:s29+$0xFFFFFFE0]  }
0x79: {  	v7 =	vsub.f32 v7, v1;
	(erf) = vpow2.f32 v5;
	v5 =	vsub.f32 v6, v1;
	_ =	sdelay $0x1  }
0x7a: {  	v8 =	vld [tilespmem:s29+$0x0];
	v7 =	vmul.f32 $1.442695020e+00, v7;
	v5 =	vmul.f32 $1.442695020e+00, v5;
	v2 =	vsub.f32 v2, v1  }
0x7b: {  	v6 =	vld [tilespmem:s29+$0x10];
	v3 =	vsub.f32 v3, v1  }
0x7c: {  	v10 =	vmul.f32 $1.442695020e+00, v2;
	(erf) = vpow2.f32 v5;
	v4 =	vsub.f32 v4, v1  }
0x7d: {  	v9 =	vld [tilespmem:s29+$0xFFFFFFF0];
	v5 =	vmul.f32 $1.442695020e+00, v3;
	(erf) = vpow2.f32 v7  }
0x7e: {  	s16 =	simm.s32 $0x1E0;
	v7 =	vpop (erf);
	(erf) = vpow2.f32 v10;
	v10 =	vmul.f32 $1.442695020e+00, v4  }
0x7f: {  	v2 =	vld [tilespmem:s16+$0xFFFFFFE0];
	[tilespmem:s5+$0xFFFFFFE0] =	vst v7;
	v7 =	vpop (erf);
	(erf) = vpow2.f32 v5  }
0x80: {  	v11 =	vsub.f32 v8, v1;
	v6 =	vsub.f32 v6, v1;
	v3 =	vld [tilespmem:s16+$0x10];
	v12 =	vpop (erf);
	(erf) = vpow2.f32 v10  }
0x81: {  	v4 =	vld [tilespmem:s16+$0x0];
	[tilespmem:s5+$0x10] =	vst v7  }
0x82: {  	s17 =	simm.s32 $0xC;
	s30 =	simm.s32 $0x1E0;
	v8 =	vsub.f32 v9, v1;
	v6 =	vmul.f32 $1.442695020e+00, v6;
	v5 =	vld [tilespmem:s16+$0xFFFFFFF0];
	v7 =	vmul.f32 $1.442695020e+00, v11;
	[tilespmem:s5+$0x0] =	vst v12;
	v9 =	vpop (erf)  }
.LBB2_5:
0x83: {  	s17 =	sadd.s32 $0x4, s17  }
0x84: {  	v10 =	vmul.f32 $1.442695020e+00, v8;
	(erf) = vpow2.f32 v6;
	[tilespmem:s5+$0xFFFFFFF0] =	vst v9;
	s5 =	smov.u32 s4;
	s4 =	smov.u32 s29;
	p0 =	slt.u32 s17, $0x7C  }
.Ltmp1:
0x85: {  	s16 =	sadd.s32 $0x40, s16;
	v6 =	vsub.f32 v2, v1;
	(erf) = vpow2.f32 v7;
	(pc) =	sbr.rel @p0 .LBB2_5-.Ltmp1, $4  }
0x86: {  	s29 =	smov.u32 s30;
	s30 =	smov.u32 s16;
	v2 =	vld [tilespmem:s16+$0xFFFFFFE0];
	v7 =	vsub.f32 v3, v1;
	(erf) = vpow2.f32 v10;
	v8 =	vpop (erf)  }
0x87: {  	v3 =	vld [tilespmem:s16+$0x10];
	v12 =	vmul.f32 $1.442695020e+00, v6;
	v10 =	vsub.f32 v4, v1;
	[tilespmem:s5+$0xFFFFFFE0] =	vst v8;
	v11 =	vpop (erf)  }
0x88: {  	v4 =	vld [tilespmem:s16+$0x0];
	v8 =	vsub.f32 v5, v1;
	v6 =	vmul.f32 $1.442695020e+00, v7;
	[tilespmem:s5+$0x10] =	vst v11;
	v11 =	vpop (erf)  }
0x89: {  	v5 =	vld [tilespmem:s16+$0xFFFFFFF0];
	v7 =	vmul.f32 $1.442695020e+00, v10;
	(erf) = vpow2.f32 v12;
	[tilespmem:s5+$0x0] =	vst v11;
	v9 =	vpop (erf)  }
0x8a: {  	_ = 	snop  }
0x8b: {  	(erf) = vpow2.f32 v6;
	v2 =	vsub.f32 v2, v1  }
0x8c: {  	v8 =	vmul.f32 $1.442695020e+00, v8;
	(erf) = vpow2.f32 v7  }
0x8d: {  	v3 =	vsub.f32 v3, v1;
	v2 =	vmul.f32 $1.442695020e+00, v2;
	v4 =	vsub.f32 v4, v1  }
0x8e: {  	(erf) = vpow2.f32 v8;
	v1 =	vsub.f32 v5, v1  }
0x8f: {  	v3 =	vmul.f32 $1.442695020e+00, v3;
	v4 =	vmul.f32 $1.442695020e+00, v4  }
0x90: {  	(erf) = vpow2.f32 v2;
	v1 =	vmul.f32 $1.442695020e+00, v1  }
0x91: {  	[tilespmem:s5+$0xFFFFFFF0] =	vst v9;
	v2 =	vpop (erf);
	(erf) = vpow2.f32 v3  }
0x92: {  	[tilespmem:s4+$0xFFFFFFE0] =	vst v2;
	v2 =	vpop (erf);
	(erf) = vpow2.f32 v4  }
0x93: {  	[tilespmem:s4+$0x10] =	vst v2;
	v2 =	vpop (erf);
	(erf) = vpow2.f32 v1  }
0x94: {  	v1 =	vpop (erf);
	[tilespmem:s4+$0x0] =	vst v2  }
0x95: {  	[tilespmem:s4+$0xFFFFFFF0] =	vst v1;
	v1 =	vpop (erf)  }
0x96: {  	[tilespmem:s29+$0xFFFFFFE0] =	vst v1;
	v1 =	vpop (erf)  }
0x97: {  	[tilespmem:s29+$0x10] =	vst v1;
	v1 =	vpop (erf)  }
0x98: {  	[tilespmem:s29+$0x0] =	vst v1;
	v1 =	vpop (erf)  }
0x99: {  	[tilespmem:s29+$0xFFFFFFF0] =	vst v1;
	v1 =	vpop (erf)  }
0x9a: {  	[tilespmem:s30+$0xFFFFFFE0] =	vst v1;
	v1 =	vpop (erf)  }
0x9b: {  	[tilespmem:s30+$0x10] =	vst v1;
	v1 =	vpop (erf)  }
0x9c: {  	p0 =	seq.s32 s3, $0x26;
	[tilespmem:s30+$0x0] =	vst v1;
	v1 =	vpop (erf)  }
0x9d: {  	s5 =	simm.s32 @!p0 $0x3;
	s4 =	sshll.u32 s3, $0x8;
	[tilespmem:s30+$0xFFFFFFF0] =	vst v1  }
0x9e: {  	[spmem:s1] =	stream.indirect.scatter.add.f32 [tilespmem:s8], [sflag:$0x3], $0x10, s2, s9, $0xb8;
	[tilespmem:$0x3E20] =	vst v63  }
0x9f: {  	s16 =	sadd.s32 @!p0 s4, s10;
	_ =	swait.ge @!p0 [sflag:s5], $0x800  }
0xa0: {  	s17 =	sshrl.u32 @!p0 s16, $0x3;
	[sflag:s5] =	ssyncset.done @!p0 $0x0  }
0xa1: {  	[sflag:s5] =	ssyncadd.s32 @!p0 $0xFFFFF800;
	s5 =	sadd.s32 @!p0 s15, s17;
	s17 =	simm.s32 @!p0 $0x0  }
0xa2: {  	[tilespmem:s17], [sflag:$0x1] =	stream.linear.gather @!p0 [hbm4b:s5+s17], $0x80, $0x38;
	[tilespmem:$0x3E20] =	vst v63  }
0xa3: {  	s5 =	sshll.u32 @!p0 s16, $0x1  }
0xa4: {  	s5 =	sand.u32 @!p0 $0x1FFFFFE0, s5  }
0xa5: {  	s16 =	simm.s32 @!p0 $0x100;
	s5 =	sadd.s32 @!p0 s14, s5  }
0xa6: {  	[tilespmem:s16], [sflag:$0x1] =	stream.linear.gather @!p0 [hbm4b:s5+s17], $0x800, $0x38;
	[tilespmem:$0x3E20] =	vst v63  }
0xa7: {  	_ =	swait.ge [sflag:s13], $0x80  }
0xa8: {  	[sflag:s13] =	ssyncset.done $0x0  }
0xa9: {  	[sflag:s13] =	ssyncadd.s32 $0xFFFFFF80  }
0xaa: {  	_ =	swait.ge [sflag:s13], $0x800  }
0xab: {  	[sflag:s13] =	ssyncset.done $0x0  }
0xac: {  	[sflag:s13] =	ssyncadd.s32 $0xFFFFF800  }
0xad: {  	s29 =	simm.s32 $0x920;
	v1 =	vld [tilespmem:$0x3E10]  }
0xae: {  	v2 =	vld [tilespmem:s29+$0xFFFFFFE0]  }
0xaf: {  	v3 =	vld [tilespmem:s29+$0x10]  }
0xb0: {  	v4 =	vld [tilespmem:s29+$0x0]  }
0xb1: {  	v5 =	vld [tilespmem:s29+$0xFFFFFFF0];
	_ =	sdelay $0x1  }
0xb2: {  	s5 =	simm.s32 $0x960;
	v2 =	vsub.f32 v2, v1  }
0xb3: {  	v6 =	vld [tilespmem:s5+$0xFFFFFFE0];
	v3 =	vsub.f32 v3, v1  }
0xb4: {  	v7 =	vld [tilespmem:s5+$0x10];
	v4 =	vsub.f32 v4, v1;
	v2 =	vmul.f32 $1.442695020e+00, v2  }
0xb5: {  	v5 =	vsub.f32 v5, v1;
	v3 =	vmul.f32 $1.442695020e+00, v3  }
0xb6: {  	v4 =	vmul.f32 $1.442695020e+00, v4;
	(erf) = vpow2.f32 v2;
	v2 =	vld [tilespmem:s5+$0x0]  }
0xb7: {  	s30 =	simm.s32 $0x9A0;
	v5 =	vmul.f32 $1.442695020e+00, v5;
	(erf) = vpow2.f32 v3;
	v3 =	vld [tilespmem:s5+$0xFFFFFFF0]  }
0xb8: {  	(erf) = vpow2.f32 v4;
	v4 =	vld [tilespmem:s30+$0xFFFFFFE0]  }
0xb9: {  	v7 =	vsub.f32 v7, v1;
	(erf) = vpow2.f32 v5;
	v5 =	vsub.f32 v6, v1;
	_ =	sdelay $0x1  }
0xba: {  	v8 =	vld [tilespmem:s30+$0x0];
	v7 =	vmul.f32 $1.442695020e+00, v7;
	v5 =	vmul.f32 $1.442695020e+00, v5;
	v2 =	vsub.f32 v2, v1  }
0xbb: {  	v6 =	vld [tilespmem:s30+$0x10];
	v3 =	vsub.f32 v3, v1  }
0xbc: {  	v10 =	vmul.f32 $1.442695020e+00, v2;
	(erf) = vpow2.f32 v5;
	v4 =	vsub.f32 v4, v1  }
0xbd: {  	v9 =	vld [tilespmem:s30+$0xFFFFFFF0];
	v5 =	vmul.f32 $1.442695020e+00, v3;
	(erf) = vpow2.f32 v7  }
0xbe: {  	s17 =	simm.s32 $0x9E0;
	v7 =	vpop (erf);
	(erf) = vpow2.f32 v10;
	v10 =	vmul.f32 $1.442695020e+00, v4  }
0xbf: {  	v2 =	vld [tilespmem:s17+$0xFFFFFFE0];
	[tilespmem:s29+$0xFFFFFFE0] =	vst v7;
	v7 =	vpop (erf);
	(erf) = vpow2.f32 v5  }
0xc0: {  	v11 =	vsub.f32 v8, v1;
	v6 =	vsub.f32 v6, v1;
	v3 =	vld [tilespmem:s17+$0x10];
	v12 =	vpop (erf);
	(erf) = vpow2.f32 v10  }
0xc1: {  	v4 =	vld [tilespmem:s17+$0x0];
	[tilespmem:s29+$0x10] =	vst v7  }
0xc2: {  	s18 =	simm.s32 $0xC;
	s16 =	simm.s32 $0x9E0;
	v8 =	vsub.f32 v9, v1;
	v6 =	vmul.f32 $1.442695020e+00, v6;
	v5 =	vld [tilespmem:s17+$0xFFFFFFF0];
	v7 =	vmul.f32 $1.442695020e+00, v11;
	[tilespmem:s29+$0x0] =	vst v12;
	v9 =	vpop (erf)  }
.LBB2_7:
0xc3: {  	s18 =	sadd.s32 $0x4, s18  }
0xc4: {  	v10 =	vmul.f32 $1.442695020e+00, v8;
	(erf) = vpow2.f32 v6;
	[tilespmem:s29+$0xFFFFFFF0] =	vst v9;
	s29 =	smov.u32 s5;
	s5 =	smov.u32 s30;
	p1 =	slt.u32 s18, $0x7C  }
.Ltmp2:
0xc5: {  	s17 =	sadd.s32 $0x40, s17;
	v6 =	vsub.f32 v2, v1;
	(erf) = vpow2.f32 v7;
	(pc) =	sbr.rel @p1 .LBB2_7-.Ltmp2, $4  }
0xc6: {  	s30 =	smov.u32 s16;
	s16 =	smov.u32 s17;
	v2 =	vld [tilespmem:s17+$0xFFFFFFE0];
	v7 =	vsub.f32 v3, v1;
	(erf) = vpow2.f32 v10;
	v8 =	vpop (erf)  }
0xc7: {  	v3 =	vld [tilespmem:s17+$0x10];
	v12 =	vmul.f32 $1.442695020e+00, v6;
	v10 =	vsub.f32 v4, v1;
	[tilespmem:s29+$0xFFFFFFE0] =	vst v8;
	v11 =	vpop (erf)  }
0xc8: {  	v4 =	vld [tilespmem:s17+$0x0];
	v8 =	vsub.f32 v5, v1;
	v6 =	vmul.f32 $1.442695020e+00, v7;
	[tilespmem:s29+$0x10] =	vst v11;
	v11 =	vpop (erf)  }
0xc9: {  	v5 =	vld [tilespmem:s17+$0xFFFFFFF0];
	v7 =	vmul.f32 $1.442695020e+00, v10;
	(erf) = vpow2.f32 v12;
	[tilespmem:s29+$0x0] =	vst v11;
	v9 =	vpop (erf)  }
0xca: {  	_ = 	snop  }
0xcb: {  	(erf) = vpow2.f32 v6;
	v2 =	vsub.f32 v2, v1  }
0xcc: {  	v8 =	vmul.f32 $1.442695020e+00, v8;
	(erf) = vpow2.f32 v7  }
0xcd: {  	v3 =	vsub.f32 v3, v1;
	v2 =	vmul.f32 $1.442695020e+00, v2;
	v4 =	vsub.f32 v4, v1  }
0xce: {  	(erf) = vpow2.f32 v8;
	v1 =	vsub.f32 v5, v1  }
0xcf: {  	v3 =	vmul.f32 $1.442695020e+00, v3;
	v4 =	vmul.f32 $1.442695020e+00, v4  }
0xd0: {  	(erf) = vpow2.f32 v2;
	v1 =	vmul.f32 $1.442695020e+00, v1  }
0xd1: {  	[tilespmem:s29+$0xFFFFFFF0] =	vst v9;
	v2 =	vpop (erf);
	(erf) = vpow2.f32 v3  }
0xd2: {  	[tilespmem:s5+$0xFFFFFFE0] =	vst v2;
	v2 =	vpop (erf);
	(erf) = vpow2.f32 v4  }
0xd3: {  	[tilespmem:s5+$0x10] =	vst v2;
	v2 =	vpop (erf);
	(erf) = vpow2.f32 v1  }
0xd4: {  	v1 =	vpop (erf);
	[tilespmem:s5+$0x0] =	vst v2  }
0xd5: {  	[tilespmem:s5+$0xFFFFFFF0] =	vst v1;
	v1 =	vpop (erf)  }
0xd6: {  	[tilespmem:s30+$0xFFFFFFE0] =	vst v1;
	v1 =	vpop (erf)  }
0xd7: {  	[tilespmem:s30+$0x10] =	vst v1;
	v1 =	vpop (erf)  }
0xd8: {  	[tilespmem:s30+$0x0] =	vst v1;
	v1 =	vpop (erf)  }
0xd9: {  	[tilespmem:s30+$0xFFFFFFF0] =	vst v1;
	v1 =	vpop (erf)  }
.Ltmp3:
0xda: {  	[tilespmem:s16+$0xFFFFFFE0] =	vst v1;
	v1 =	vpop (erf);
	(pc) =	sbr.rel @p0 .LBB2_10-.Ltmp3, $4  }
0xdb: {  	[tilespmem:s16+$0x10] =	vst v1;
	v1 =	vpop (erf)  }
0xdc: {  	[tilespmem:s16+$0x0] =	vst v1;
	v1 =	vpop (erf)  }
0xdd: {  	[tilespmem:s16+$0xFFFFFFF0] =	vst v1  }
0xde: {  	[spmem:s1] =	stream.indirect.scatter.add.f32 [tilespmem:s11], [sflag:$0x4], $0x10, s9, s9, $0xb8;
	[tilespmem:$0x3E20] =	vst v63  }
0xdf: {  	_ =	swait.ge [sflag:s28], $0x800  }
0xe0: {  	s4 =	sadd.s32 s4, s0;
	[sflag:s28] =	ssyncset.done $0x0  }
.Ltmp4:
0xe1: {  	s5 =	sshrl.u32 s4, $0x3;
	s4 =	sshll.u32 s4, $0x1;
	(pc) =	sbr.rel .LBB2_4-.Ltmp4, $4  }
0xe2: {  	[sflag:s28] =	ssyncadd.s32 $0xFFFFF800;
	s5 =	sadd.s32 s15, s5;
	s4 =	sand.u32 $0x1FFFFFE0, s4  }
0xe3: {  	[tilespmem:s9], [sflag:$0x2] =	stream.linear.gather [hbm4b:s5+s2], $0x80, $0x38;
	[tilespmem:$0x3E20] =	vst v63  }
0xe4: {  	s3 =	sadd.s32 $0x1, s3;
	s4 =	sadd.s32 s14, s4  }
0xe5: {  	[tilespmem:s11], [sflag:$0x2] =	stream.linear.gather [hbm4b:s4+s2], $0x800, $0x38;
	[tilespmem:$0x3E20] =	vst v63  }
.LBB2_10:
0xe6: {  	s3 =	simm.s32 $0x3  }
0xe7: {  	_ =	swait.ge [sflag:s3], $0x800  }
0xe8: {  	[sflag:s3] =	ssyncset.done $0x0  }
0xe9: {  	[sflag:s3] =	ssyncadd.s32 $0xFFFFF800  }
0xea: {  	_ =	swait.ge [sflag:s28], $0x800  }
0xeb: {  	[sflag:s28] =	ssyncset.done $0x0  }
0xec: {  	s4 =	simm.s32 $0x1100;
	s18 =	rddreg [dreg:$0x15];
	[sflag:s28] =	ssyncadd.s32 $0xFFFFF800  }
0xed: {  	[tilespmem:s4], [sflag:$0x5] =	stream.linear.gather [hbm4b:s18+s2], $0x10, $0x38;
	[tilespmem:$0x3E20] =	vst v63  }
0xee: {  	_ =	swait.ge [sflag:s7], $0x10  }
0xef: {  	[sflag:s7] =	ssyncset.done $0x0  }
0xf0: {  	s30 =	simm.s32 $0x1110;
	s29 =	rddreg [dreg:$0x16];
	[sflag:s7] =	ssyncadd.s32 $0xFFFFFFF0  }
0xf1: {  	[tilespmem:s30], [sflag:$0x5] =	stream.linear.gather [hbm4b:s29+s2], $0x100, $0x38;
	[tilespmem:$0x3E20] =	vst v63  }
0xf2: {  	_ =	swait.ge [sflag:s7], $0x100  }
0xf3: {  	[sflag:s7] =	ssyncset.done $0x0  }
0xf4: {  	[sflag:s7] =	ssyncadd.s32 $0xFFFFFF00  }
0xf5: {  	s3 =	simm.s32 $0x1130;
	v1 =	vld [tilespmem:$0x3E10]  }
0xf6: {  	v2 =	vld [tilespmem:s3+$0x10]  }
0xf7: {  	v3 =	vld [tilespmem:s3+$0xFFFFFFF0]  }
0xf8: {  	v4 =	vld [tilespmem:s3+$0x0];
	_ =	sdelay $0x2  }
0xf9: {  	v2 =	vsub.f32 v2, v1  }
0xfa: {  	s4 =	simm.s32 $0x1170;
	v5 =	vld [tilespmem:s3+$0xFFFFFFE0];
	v3 =	vsub.f32 v3, v1  }
0xfb: {  	v6 =	vld [tilespmem:s4+$0x10];
	v4 =	vsub.f32 v4, v1;
	v2 =	vmul.f32 $1.442695020e+00, v2  }
0xfc: {  	v7 =	vld [tilespmem:s4+$0xFFFFFFF0];
	v3 =	vmul.f32 $1.442695020e+00, v3  }
0xfd: {  	v4 =	vmul.f32 $1.442695020e+00, v4;
	(erf) = vpow2.f32 v2;
	v2 =	vld [tilespmem:s4+$0x0]  }
0xfe: {  	(erf) = vpow2.f32 v3;
	v3 =	vld [tilespmem:s4+$0xFFFFFFE0]  }
0xff: {  	(erf) = vpow2.f32 v4;
	v4 =	vsub.f32 v5, v1;
	_ =	sdelay $0x1  }
0x100: {  	v4 =	vmul.f32 $1.442695020e+00, v4  }
0x101: {  	v5 =	vsub.f32 v6, v1;
	v6 =	vsub.f32 v7, v1  }
0x102: {  	v2 =	vsub.f32 v2, v1;
	(erf) = vpow2.f32 v4;
	v3 =	vsub.f32 v3, v1  }
0x103: {  	s5 =	simm.s32 $0x11B0;
	v5 =	vmul.f32 $1.442695020e+00, v5  }
0x104: {  	v7 =	vld [tilespmem:s5+$0x10];
	v4 =	vmul.f32 $1.442695020e+00, v6;
	v6 =	vmul.f32 $1.442695020e+00, v2  }
0x105: {  	v8 =	vld [tilespmem:s5+$0xFFFFFFF0];
	(erf) = vpow2.f32 v5  }
0x106: {  	v2 =	vld [tilespmem:s5+$0x0];
	v9 =	vmul.f32 $1.442695020e+00, v3;
	(erf) = vpow2.f32 v4;
	v3 =	vpop (erf)  }
0x107: {  	(erf) = vpow2.f32 v6;
	[tilespmem:s3+$0x10] =	vst v3;
	v3 =	vld [tilespmem:s5+$0xFFFFFFE0]  }
0x108: {  	v6 =	vpop (erf);
	(erf) = vpow2.f32 v9  }
0x109: {  	v5 =	vsub.f32 v7, v1  }
0x10a: {  	s16 =	simm.s32 $0x8;
	s17 =	simm.s32 $0x11F0;
	v4 =	vsub.f32 v8, v1;
	[tilespmem:s3+$0xFFFFFFF0] =	vst v6;
	v6 =	vpop (erf)  }
.LBB2_11:
0x10b: {  	v7 =	vld [tilespmem:s17+$0x10];
	s16 =	sadd.s32 $0x4, s16;
	v8 =	vsub.f32 v2, v1;
	v5 =	vmul.f32 $1.442695020e+00, v5;
	[tilespmem:s3+$0x0] =	vst v6;
	v2 =	vpop (erf)  }
0x10c: {  	v6 =	vld [tilespmem:s17+$0xFFFFFFF0];
	p0 =	slt.u32 s16, $0xC;
	v9 =	vsub.f32 v3, v1;
	v10 =	vmul.f32 $1.442695020e+00, v4;
	[tilespmem:s3+$0xFFFFFFE0] =	vst v2;
	s3 =	smov.u32 s4;
	s4 =	smov.u32 s5  }
.Ltmp5:
0x10d: {  	s5 =	smov.u32 s17;
	v2 =	vld [tilespmem:s17+$0x0];
	v8 =	vmul.f32 $1.442695020e+00, v8;
	(erf) = vpow2.f32 v5;
	(pc) =	sbr.rel @p0 .LBB2_11-.Ltmp5, $4  }
0x10e: {  	v3 =	vld [tilespmem:s17+$0xFFFFFFE0];
	v9 =	vmul.f32 $1.442695020e+00, v9;
	(erf) = vpow2.f32 v10  }
0x10f: {  	(erf) = vpow2.f32 v8;
	v4 =	vpop (erf)  }
0x110: {  	v5 =	vsub.f32 v7, v1;
	(erf) = vpow2.f32 v9;
	[tilespmem:s3+$0x10] =	vst v4;
	v7 =	vpop (erf)  }
0x111: {  	s17 =	sadd.s32 $0x40, s17;
	v4 =	vsub.f32 v6, v1;
	[tilespmem:s3+$0xFFFFFFF0] =	vst v7;
	v6 =	vpop (erf)  }
0x112: {  	v2 =	vsub.f32 v2, v1  }
0x113: {  	v5 =	vmul.f32 $1.442695020e+00, v5;
	v1 =	vsub.f32 v3, v1  }
0x114: {  	v3 =	vmul.f32 $1.442695020e+00, v4;
	v2 =	vmul.f32 $1.442695020e+00, v2  }
0x115: {  	(erf) = vpow2.f32 v5;
	v1 =	vmul.f32 $1.442695020e+00, v1  }
0x116: {  	(erf) = vpow2.f32 v3  }
0x117: {  	(erf) = vpow2.f32 v2  }
0x118: {  	(erf) = vpow2.f32 v1  }
0x119: {  	[tilespmem:s3+$0x0] =	vst v6;
	v1 =	vpop (erf)  }
0x11a: {  	[tilespmem:s3+$0xFFFFFFE0] =	vst v1;
	v1 =	vpop (erf)  }
0x11b: {  	[tilespmem:s4+$0x10] =	vst v1;
	v1 =	vpop (erf)  }
0x11c: {  	[tilespmem:s4+$0xFFFFFFF0] =	vst v1;
	v1 =	vpop (erf)  }
0x11d: {  	[tilespmem:s4+$0x0] =	vst v1;
	v1 =	vpop (erf)  }
0x11e: {  	[tilespmem:s4+$0xFFFFFFE0] =	vst v1;
	v1 =	vpop (erf)  }
0x11f: {  	[tilespmem:s5+$0x10] =	vst v1;
	v1 =	vpop (erf)  }
0x120: {  	[tilespmem:s5+$0xFFFFFFF0] =	vst v1;
	v1 =	vpop (erf)  }
0x121: {  	[tilespmem:s5+$0x0] =	vst v1;
	v1 =	vpop (erf)  }
0x122: {  	s16 =	simm.s32 $0x1100;
	s17 =	simm.s32 $0x1110;
	s18 =	simm.s32 $0x10;
	[tilespmem:s5+$0xFFFFFFE0] =	vst v1  }
0x123: {  	[spmem:s1] =	stream.indirect.scatter.add.f32 [tilespmem:s17], [sflag:$0x5], $0x10, s16, s18, $0xb8;
	[tilespmem:$0x3E20] =	vst v63  }
0x124: {  	_ =	swait.ge [sflag:s7], $0x100  }
0x125: {  	[sflag:s7] =	ssyncset.done $0x0  }
0x126: {  	[sflag:s7] =	ssyncadd.s32 $0xFFFFFF00  }
0x127: {  	[bflag:$0x0] =	sbarrier.arrive $0xFFFF  }
0x128: {  	[tilespmem:s6], [sflag:$0x5] =	stream.linear.gather [spmem:s19], $0x400, $0x38;
	[tilespmem:$0x3E20] =	vst v63  }
0x129: {  	_ =	swait.ge [sflag:s7], $0x400  }
0x12a: {  	[sflag:s7] =	ssyncset.done $0x0  }
0x12b: {  	s5 =	rddreg [dreg:$0x4];
	[sflag:s7] =	ssyncadd.s32 $0xFFFFFC00  }
0x12c: {  	[hbm4b:s5+s2] =	stream.linear.scatter [tilespmem:s6], [sflag:$0x5], $0x400, $0x38;
	[tilespmem:$0x3E20] =	vst v63  }
0x12d: {  	_ =	swait.ge [sflag:s7], $0x400  }
0x12e: {  	[sflag:s7] =	ssyncset.done $0x0  }
0x12f: {  	[sflag:s7] =	ssyncadd.s32 $0xFFFFFC00  }
0x130: {  	[tilespmem:s6], [sflag:$0x5] =	stream.linear.gather [spmem:s20], $0x400, $0x38;
	[tilespmem:$0x3E20] =	vst v63  }
0x131: {  	_ =	swait.ge [sflag:s7], $0x400  }
0x132: {  	[sflag:s7] =	ssyncset.done $0x0  }
0x133: {  	s16 =	rddreg [dreg:$0x5];
	[sflag:s7] =	ssyncadd.s32 $0xFFFFFC00  }
0x134: {  	[hbm4b:s16+s2] =	stream.linear.scatter [tilespmem:s6], [sflag:$0x5], $0x400, $0x38;
	[tilespmem:$0x3E20] =	vst v63  }
0x135: {  	_ =	swait.ge [sflag:s7], $0x400  }
0x136: {  	[sflag:s7] =	ssyncset.done $0x0  }
0x137: {  	s17 =	rddreg [dreg:$0xf];
	[sflag:s7] =	ssyncadd.s32 $0xFFFFFC00  }
0x138: {  	[tilespmem:s6], [sflag:$0x5] =	stream.linear.gather [spmem:s17], $0x400, $0x38;
	[tilespmem:$0x3E20] =	vst v63  }
0x139: {  	_ =	swait.ge [sflag:s7], $0x400  }
0x13a: {  	[sflag:s7] =	ssyncset.done $0x0  }
0x13b: {  	s18 =	rddreg [dreg:$0x6];
	[sflag:s7] =	ssyncadd.s32 $0xFFFFFC00  }
0x13c: {  	[hbm4b:s18+s2] =	stream.linear.scatter [tilespmem:s6], [sflag:$0x5], $0x400, $0x38;
	[tilespmem:$0x3E20] =	vst v63  }
0x13d: {  	_ =	swait.ge [sflag:s7], $0x400  }
0x13e: {  	[sflag:s7] =	ssyncset.done $0x0  }
0x13f: {  	s29 =	smov.u32 s19;
	s19 =	rddreg [dreg:$0x10];
	[sflag:s7] =	ssyncadd.s32 $0xFFFFFC00  }
0x140: {  	[tilespmem:s6], [sflag:$0x5] =	stream.linear.gather [spmem:s19], $0x400, $0x38;
	[tilespmem:$0x3E20] =	vst v63  }
0x141: {  	_ =	swait.ge [sflag:s7], $0x400  }
0x142: {  	[sflag:s7] =	ssyncset.done $0x0  }
0x143: {  	s30 =	smov.u32 s20;
	s20 =	rddreg [dreg:$0x7];
	[sflag:s7] =	ssyncadd.s32 $0xFFFFFC00  }
0x144: {  	[hbm4b:s20+s2] =	stream.linear.scatter [tilespmem:s6], [sflag:$0x5], $0x400, $0x38;
	[tilespmem:$0x3E20] =	vst v63  }
0x145: {  	_ =	swait.ge [sflag:s7], $0x400  }
0x146: {  	[sflag:s7] =	ssyncset.done $0x0  }
0x147: {  	[sflag:s7] =	ssyncadd.s32 $0xFFFFFC00  }
0x148: {  	[tilespmem:s6], [sflag:$0x5] =	stream.linear.gather [spmem:s21], $0x400, $0x38;
	[tilespmem:$0x3E20] =	vst v63  }
0x149: {  	_ =	swait.ge [sflag:s7], $0x400  }
0x14a: {  	[sflag:s7] =	ssyncset.done $0x0  }
0x14b: {  	s4 =	rddreg [dreg:$0x8];
	[sflag:s7] =	ssyncadd.s32 $0xFFFFFC00  }
0x14c: {  	[hbm4b:s4+s2] =	stream.linear.scatter [tilespmem:s6], [sflag:$0x5], $0x400, $0x38;
	[tilespmem:$0x3E20] =	vst v63  }
0x14d: {  	_ =	swait.ge [sflag:s7], $0x400  }
0x14e: {  	[sflag:s7] =	ssyncset.done $0x0  }
0x14f: {  	[sflag:s7] =	ssyncadd.s32 $0xFFFFFC00  }
0x150: {  	[tilespmem:s6], [sflag:$0x5] =	stream.linear.gather [spmem:s22], $0x400, $0x38;
	[tilespmem:$0x3E20] =	vst v63  }
0x151: {  	_ =	swait.ge [sflag:s7], $0x400  }
0x152: {  	[sflag:s7] =	ssyncset.done $0x0  }
0x153: {  	s5 =	rddreg [dreg:$0x9];
	[sflag:s7] =	ssyncadd.s32 $0xFFFFFC00  }
0x154: {  	[hbm4b:s5+s2] =	stream.linear.scatter [tilespmem:s6], [sflag:$0x5], $0x400, $0x38;
	[tilespmem:$0x3E20] =	vst v63  }
0x155: {  	_ =	swait.ge [sflag:s7], $0x400  }
0x156: {  	[sflag:s7] =	ssyncset.done $0x0  }
0x157: {  	[sflag:s7] =	ssyncadd.s32 $0xFFFFFC00  }
0x158: {  	[tilespmem:s6], [sflag:$0x5] =	stream.linear.gather [spmem:s23], $0x400, $0x38;
	[tilespmem:$0x3E20] =	vst v63  }
0x159: {  	_ =	swait.ge [sflag:s7], $0x400  }
0x15a: {  	[sflag:s7] =	ssyncset.done $0x0  }
0x15b: {  	s16 =	rddreg [dreg:$0xa];
	[sflag:s7] =	ssyncadd.s32 $0xFFFFFC00  }
0x15c: {  	[hbm4b:s16+s2] =	stream.linear.scatter [tilespmem:s6], [sflag:$0x5], $0x400, $0x38;
	[tilespmem:$0x3E20] =	vst v63  }
0x15d: {  	_ =	swait.ge [sflag:s7], $0x400  }
0x15e: {  	[sflag:s7] =	ssyncset.done $0x0  }
0x15f: {  	[sflag:s7] =	ssyncadd.s32 $0xFFFFFC00  }
0x160: {  	[tilespmem:s6], [sflag:$0x5] =	stream.linear.gather [spmem:s24], $0x400, $0x38;
	[tilespmem:$0x3E20] =	vst v63  }
0x161: {  	_ =	swait.ge [sflag:s7], $0x400  }
0x162: {  	[sflag:s7] =	ssyncset.done $0x0  }
0x163: {  	s17 =	rddreg [dreg:$0xb];
	[sflag:s7] =	ssyncadd.s32 $0xFFFFFC00  }
0x164: {  	[hbm4b:s17+s2] =	stream.linear.scatter [tilespmem:s6], [sflag:$0x5], $0x400, $0x38;
	[tilespmem:$0x3E20] =	vst v63  }
0x165: {  	_ =	swait.ge [sflag:s7], $0x400  }
0x166: {  	[sflag:s7] =	ssyncset.done $0x0  }
0x167: {  	[sflag:s7] =	ssyncadd.s32 $0xFFFFFC00  }
0x168: {  	[tilespmem:s6], [sflag:$0x5] =	stream.linear.gather [spmem:s25], $0x400, $0x38;
	[tilespmem:$0x3E20] =	vst v63  }
0x169: {  	_ =	swait.ge [sflag:s7], $0x400  }
0x16a: {  	[sflag:s7] =	ssyncset.done $0x0  }
0x16b: {  	s18 =	rddreg [dreg:$0xc];
	[sflag:s7] =	ssyncadd.s32 $0xFFFFFC00  }
0x16c: {  	[hbm4b:s18+s2] =	stream.linear.scatter [tilespmem:s6], [sflag:$0x5], $0x400, $0x38;
	[tilespmem:$0x3E20] =	vst v63  }
0x16d: {  	_ =	swait.ge [sflag:s7], $0x400  }
0x16e: {  	[sflag:s7] =	ssyncset.done $0x0  }
0x16f: {  	[sflag:s7] =	ssyncadd.s32 $0xFFFFFC00  }
0x170: {  	[tilespmem:s6], [sflag:$0x5] =	stream.linear.gather [spmem:s26], $0x400, $0x38;
	[tilespmem:$0x3E20] =	vst v63  }
0x171: {  	_ =	swait.ge [sflag:s7], $0x400  }
0x172: {  	[sflag:s7] =	ssyncset.done $0x0  }
0x173: {  	s19 =	rddreg [dreg:$0xd];
	[sflag:s7] =	ssyncadd.s32 $0xFFFFFC00  }
0x174: {  	[hbm4b:s19+s2] =	stream.linear.scatter [tilespmem:s6], [sflag:$0x5], $0x400, $0x38;
	[tilespmem:$0x3E20] =	vst v63  }
0x175: {  	_ =	swait.ge [sflag:s7], $0x400  }
0x176: {  	s31 =	sadd.s32 $0x1, s31;
	s20 =	rddreg [dreg:$0x17]  }
0x177: {  	p0 =	sne.s32 s31, s20  }
.Ltmp6:
0x178: {  	_ = 	snop;
	(pc) =	sbr.rel @p0 .LBB2_1-.Ltmp6, $3  }
0x179: {  	_ =	sdelay $0x1  }
0x17a: {  	[sflag:s7] =	ssyncset.done $0x0  }
0x17b: {  	[sflag:s7] =	ssyncadd.s32 $0xFFFFFC00  }
0x17c: {  	_ =	sfence.sel $0x180000  }
0x17d: {  	[bflag:$0x0] =	sbarrier.arrive $0xFFFF  }
0x17e: {  	_ =	strace $0x9000004D  }
0x17f: {  	s0 =	stileid.u32;
	[bflag:$0x2] =	sbarrier.arrive $0xFFFF  }
0x180: {  	p0 =	sne.s32 s0, $0x0;
	s0 =	rddreg [dreg:$0x3]  }
0x181: {  	s0 =	sadd.s32 @!p0 $0x100000, s0  }
0x182: {  	[sflag:s0] =	ssyncadd.tile.s32 @!p0 $0x1;
	_ =	shalt  }
.Lfunc_end2:
_tile_overlayer_lowered:
.L_overlay_start_2:
0x183: {  	(tag) =	ssettag $0x2  }
0x184: {  	s0 =	rddreg [dreg:$0x0];
	s2 =	stileid.u32  }
0x185: {  	s1 =	rddreg [dreg:$0x1];
	p0 =	sne.s32 s2, $0x0  }
0x186: {  	s3 =	rddreg [dreg:$0x2];
	[bflag:$0x3] =	sbarrier.arrive $0xFFFF;
	s2 =	simm.s32 @!p0 $0x1C05  }
0x187: {  	[timem:s3], [sflag:s2] =	dma.local @!p0 [hbm:s0], s1  }
0x188: {  	s0 =	simm.s32 @!p0 $0x5  }
0x189: {  	_ =	swait.ge @!p0 [sflag:s0], s1  }
0x18a: {  	s1 =	ssub.s32 @!p0 $0x0, s1;
	[sflag:s0] =	ssyncset.done @!p0 $0x0  }
0x18b: {  	[sflag:s0] =	ssyncadd.s32 @!p0 s1  }
0x18c: {  	[bflag:$0x3] =	sbarrier.arrive $0xFFFF  }
0x18d: {  	_ =	shalt  }

// kernel: kernel.9.cloned.1.call-start
scs
__scs_entry_jumppad:
0x0: {  	(pc) =	sbr.rel $0x88, $3  }
0x1: {  	(tag) =	ssettag $0x0;
	lr =	simm.s32 $0x1  }
0x2: {  	[smem:$0x3F92] =	sst lr;
	_ =	strace $0xD0000000  }
0x3: {  	_ = 	snop  }
0x4: {  	_ = 	snop  }
0x5: {  	_ = 	snop  }
0x6: {  	_ = 	snop  }
0x7: {  	_ = 	snop  }
__scs_overlays_trampoline_lowered:
0x8: {  	[smem:$0x3FA1] =	sst s0  }
0x9: {  	[smem:$0x3FA2] =	sst s1  }
0xa: {  	[smem:$0x3FA3] =	sst s2  }
0xb: {  	[smem:$0x3FA4] =	sst s3  }
0xc: {  	[smem:$0x3FA5] =	sst s4  }
0xd: {  	[smem:$0x3FA6] =	sst s5  }
0xe: {  	[smem:$0x3FA7] =	sst s6  }
0xf: {  	[smem:$0x3FA8] =	sst s7  }
0x10: {  	[smem:$0x3FA9] =	sst s8  }
0x11: {  	[smem:$0x3FAA] =	sst s9;
	s0 =	simm.s32 @!p0 $0x0  }
0x12: {  	s1 =	sld [smem:$0x3F90];
	s0 =	simm.s32 @p0 $0x1  }
0x13: {  	[smem:$0x3FAB] =	sst s0;
	s0 =	simm.s32 @!p1 $0x0  }
0x14: {  	s2 =	sld [smem:$0x3F8F];
	s0 =	simm.s32 @p1 $0x1  }
0x15: {  	[smem:$0x3FAC] =	sst s0;
	s0 =	simm.s32 @!p2 $0x0  }
0x16: {  	s3 =	sld [smem:$0x3FDB];
	s0 =	simm.s32 @p2 $0x1  }
0x17: {  	s4 =	simm.s32 $0x1BF5;
	[smem:$0x3FAE] =	sst s0  }
0x18: {  	s0 =	sld [smem:$0x3F91];
	_ =	swait.ge [sflag:s4], $0x0  }
0x19: {  	s7 =	sld [smem:$0x3F92]  }
0x1a: {  	s8 =	sadd.s32 $0xFFFFE003, lr  }
0x1b: {  	s9 =	sadd.s32 $0xFFFFFEF7, lr;
	s5 =	simm.s32 $0xFFFFFFFF;
	p2 =	slt.u32 s8, $0xFFFFF086  }
0x1c: {  	p1 =	slt.u32 s9, $0xF7A;
	s5 =	simm.s32 @!p2 $0x0  }
0x1d: {  	s5 =	simm.s32 @p1 $0x1;
	p0 =	seq.s32 s7, s2  }
0x1e: {  	s7 =	smul.u32 @!p0 $0xF7A, s2;
	p2 =	seq.s32 @!p0 s5, $0x0  }
0x1f: {  	s9 =	smul.u32 $0xF7A, s1;
	s8 =	simm.s32 @!p0 $0x1BF5;
	p2 =	por !p2, p0  }
0x20: {  	[sflag:s8] =	ssyncset.s32 @!p0 $0xFFFFF086;
	s6 =	sadd.s32 @!p0 s3, s7;
	s7 =	simm.s32 @!p0 $0x108  }
0x21: {  	s3 =	sadd.s32 s3, s9;
	s6 =	sadd.s32 @!p0 $0x88, s6;
	s7 =	simm.s32 @p2 $0x1082  }
0x22: {  	[simem:s7], [sflag:s8] =	dma.local @!p0 [hbm:s6], $0xF7A  }
0x23: {  	s9 =	sor.u32 $0xD0000000, s2;
	s6 =	simm.s32 $0x108;
	_ =	swait.ge @!p0 [sflag:s8], $0x0  }
0x24: {  	s3 =	sadd.s32 $0x88, s3;
	s6 =	simm.s32 @!p1 $0x1082;
	[sflag:s4] =	ssyncset.s32 $0xFFFFF086  }
0x25: {  	[simem:s6], [sflag:s4] =	dma.local [hbm:s3], $0xF7A  }
0x26: {  	[smem:$0x3F92] =	sst s1;
	(tag) =	ssettag s2;
	_ =	strace s9  }
0x27: {  	s1 =	sld [smem:$0x3FA2]  }
0x28: {  	s2 =	sld [smem:$0x3FA3]  }
0x29: {  	s4 =	sld [smem:$0x3FA5]  }
0x2a: {  	p0 =	seq.s32 s5, $0x0;
	s5 =	sld [smem:$0x3FA6]  }
0x2b: {  	s6 =	sld [smem:$0x3FA7]  }
0x2c: {  	s7 =	sld [smem:$0x3FA8]  }
0x2d: {  	s3 =	simm.s32 $0x108;
	s8 =	sld [smem:$0x3FA9]  }
0x2e: {  	s3 =	simm.s32 @!p0 $0x1082;
	s9 =	sld [smem:$0x3FAA]  }
0x2f: {  	lr =	sadd.s32 s0, s3;
	s0 =	sld [smem:$0x3FA1]  }
0x30: {  	s3 =	sld [smem:$0x3FA4]  }
0x31: {  	[smem:$0x3FAD] =	sst s10  }
0x32: {  	s10 =	sld [smem:$0x3FAB];
	_ =	sdelay $0x3  }
0x33: {  	p0 =	seq.s32 s10, $0x1;
	s10 =	sld [smem:$0x3FAD];
	_ =	sdelay $0x3  }
0x34: {  	[smem:$0x3FAD] =	sst s10  }
0x35: {  	s10 =	sld [smem:$0x3FAC];
	_ =	sdelay $0x3  }
0x36: {  	p1 =	seq.s32 s10, $0x1;
	s10 =	sld [smem:$0x3FAD];
	_ =	sdelay $0x3  }
0x37: {  	[smem:$0x3FAD] =	sst s10  }
0x38: {  	s10 =	sld [smem:$0x3FAE]  }
0x39: {  	_ = 	snop;
	(pc) =	sbr.ind lr, $3  }
0x3a: {  	_ = 	snop  }
0x3b: {  	_ = 	snop  }
0x3c: {  	p2 =	seq.s32 s10, $0x1;
	s10 =	sld [smem:$0x3FAD]  }
0x3d: {  	_ =	shalt  }
0x3e: {  	_ =	shalt  }
0x3f: {  	_ =	shalt  }
0x40: {  	_ =	shalt  }
0x41: {  	_ =	shalt  }
0x42: {  	_ =	shalt  }
0x43: {  	_ =	shalt  }
0x44: {  	_ =	shalt  }
0x45: {  	_ =	shalt  }
0x46: {  	_ =	shalt  }
0x47: {  	_ =	shalt  }
0x48: {  	_ =	shalt  }
0x49: {  	_ =	shalt  }
0x4a: {  	_ =	shalt  }
0x4b: {  	_ =	shalt  }
0x4c: {  	_ =	shalt  }
0x4d: {  	_ =	shalt  }
0x4e: {  	_ =	shalt  }
0x4f: {  	_ =	shalt  }
0x50: {  	_ =	shalt  }
0x51: {  	_ =	shalt  }
0x52: {  	_ =	shalt  }
0x53: {  	_ =	shalt  }
0x54: {  	_ =	shalt  }
0x55: {  	_ =	shalt  }
0x56: {  	_ =	shalt  }
0x57: {  	_ =	shalt  }
0x58: {  	_ =	shalt  }
0x59: {  	_ =	shalt  }
0x5a: {  	_ =	shalt  }
0x5b: {  	_ =	shalt  }
0x5c: {  	_ =	shalt  }
0x5d: {  	_ =	shalt  }
0x5e: {  	_ =	shalt  }
0x5f: {  	_ =	shalt  }
0x60: {  	_ =	shalt  }
0x61: {  	_ =	shalt  }
0x62: {  	_ =	shalt  }
0x63: {  	_ =	shalt  }
0x64: {  	_ =	shalt  }
0x65: {  	_ =	shalt  }
0x66: {  	_ =	shalt  }
0x67: {  	_ =	shalt  }
0x68: {  	_ =	shalt  }
0x69: {  	_ =	shalt  }
0x6a: {  	_ =	shalt  }
0x6b: {  	_ =	shalt  }
0x6c: {  	_ =	shalt  }
0x6d: {  	_ =	shalt  }
0x6e: {  	_ =	shalt  }
0x6f: {  	_ =	shalt  }
0x70: {  	_ =	shalt  }
0x71: {  	_ =	shalt  }
0x72: {  	_ =	shalt  }
0x73: {  	_ =	shalt  }
0x74: {  	_ =	shalt  }
0x75: {  	_ =	shalt  }
0x76: {  	_ =	shalt  }
0x77: {  	_ =	shalt  }
0x78: {  	_ =	shalt  }
0x79: {  	_ =	shalt  }
0x7a: {  	_ =	shalt  }
0x7b: {  	_ =	shalt  }
0x7c: {  	_ =	shalt  }
0x7d: {  	_ =	shalt  }
0x7e: {  	_ =	shalt  }
0x7f: {  	_ =	shalt  }
0x80: {  	_ =	shalt  }
0x81: {  	_ =	shalt  }
0x82: {  	_ =	shalt  }
0x83: {  	_ =	shalt  }
0x84: {  	_ =	shalt  }
0x85: {  	_ =	shalt  }
0x86: {  	_ =	shalt  }
0x87: {  	_ =	shalt  }
.Lfunc_end0:
.L_simem_size_0:
called_computation_lowered:
.L_overlay_start_0:
0x88: {  	s2 =	sld [smem:$0x3FD9]  }
0x89: {  	s3 =	sld [smem:$0x3FFE];
	_ =	sdelay $0x1  }
0x8a: {  	s1 =	srdreg.scid  }
0x8b: {  	s0 =	sand.u32 $0x1, s1  }
0x8c: {  	s14 =	sshll.u32 s0, $0xA;
	s2 =	sadd.s32 s3, s2  }
0x8d: {  	s2 =	sadd.s32 s2, s14  }
0x8e: {  	[smem:$0x3FB9] =	sst s2  }
0x8f: {  	_ = 	snop  }
0x90: {  	s2 =	sld [smem:$0x3FD0];
	_ =	sdelay $0x2  }
0x91: {  	s15 =	simm.s32 $0xB;
	s4 =	simm.s32 $0x10  }
0x92: {  	[smem:s4], [sflag:s15] =	dma.local [hbm:s2], $0x1  }
0x93: {  	_ =	swait.eq [sflag:s15], $0x1  }
0x94: {  	[sflag:s15] =	ssyncset.done $0x0  }
0x95: {  	[sflag:s15] =	ssyncadd.s32 $0xFFFFFFFF  }
0x96: {  	s16 =	sld [smem:$0x10];
	(tm) =	ssettm $0x1  }
0x97: {  	s17 =	sld [smem:$0x3FFB];
	_ =	sdelay $0x3  }
0x98: {  	_ =	strace s17  }
0x99: {  	s3 =	sld [smem:$0x3FFC];
	_ =	sdelay $0x3  }
0x9a: {  	_ =	strace s3  }
0x9b: {  	s3 =	sld [smem:$0x3FFD];
	_ =	sdelay $0x3  }
0x9c: {  	_ =	strace s3  }
0x9d: {  	_ =	strace $0x8FFFFFFF  }
0x9e: {  	s18 =	sld [smem:$0x3FDB];
	_ =	sdelay $0x1  }
0x9f: {  	s19 =	simm.s32 $_scs_section_size  }
0xa0: {  	s5 =	simm.s32 $_size__tile_overlayer_lowered;
	s6 =	simm.s32 $_tile_overlayer_lowered  }
0xa1: {  	s22 =	simm.s32 $0x1BFF;
	s21 =	sshll.u32 s6, $0x1;
	s3 =	sadd.s32 s19, s18  }
0xa2: {  	s7 =	simm.s32 $0x0;
	s20 =	sshll.u32 s5, $0x1;
	s5 =	sadd.s32 s21, s3  }
0xa3: {  	[timem:s7], [sflag:s22] =	dma.local [hbm:s5], s20  }
0xa4: {  	_ =	swait.ge [sflag:s22], s20  }
0xa5: {  	s4 =	ssub.s32 $0x0, s20;
	[sflag:s22] =	ssyncset.done $0x0  }
0xa6: {  	[sflag:s22] =	ssyncadd.s32 s4;
	_ =	sdelay $0x1  }
0xa7: {  	s23 =	simm.s32 $0x1B8B  }
0xa8: {  	_ =	swait.ge [sflag:s23], $0x1  }
0xa9: {  	[sflag:s23] =	ssyncset.done $0x0  }
0xaa: {  	s25 =	simm.s32 $0x1B8E;
	s24 =	sld [smem:$0x3FFE];
	[sflag:s23] =	ssyncadd.s32 $0xFFFFFFFF  }
0xab: {  	s26 =	simm.s32 $execute0_lowered;
	[smem:$0x3FD2] =	sst s25  }
0xac: {  	s5 =	sshll.u32 s26, $0x1;
	_ =	strace $0x80000046;
	[dreg:$0x1] =	wrdreg $0xFFFFFFFF  }
0xad: {  	s28 =	simm.s32 $_size_execute0_lowered;
	s3 =	sadd.s32 s3, s5;
	[dreg:$0x0] =	wrdreg $0x0  }
0xae: {  	s5 =	sshll.u32 s28, $0x1;
	[dreg:$0x2] =	wrdreg s3  }
0xaf: {  	[dreg:$0x3] =	wrdreg s5  }
0xb0: {  	[dreg:$0x4] =	wrdreg $0xC0  }
0xb1: {  	_ =	task [dreg:s7], $0x5FFFF  }
0xb2: {  	[dreg:$0x1] =	wrdreg $0xFFFFFFFF  }
0xb3: {  	[dreg:$0x0] =	wrdreg $0x60  }
0xb4: {  	[dreg:$0x2] =	wrdreg s16  }
0xb5: {  	[dreg:$0x3] =	wrdreg s24  }
0xb6: {  	[dreg:$0x4] =	wrdreg $0x9  }
0xb7: {  	_ =	task.clear_ibuf [dreg:s7], $0x5FFFF;
	_ =	strace $0x90000046  }
0xb8: {  	s29 =	simm.s32 $0x9;
	_ =	strace $0x80000048  }
0xb9: {  	_ =	swait.ge [sflag:s29], $0x1  }
0xba: {  	[sflag:s29] =	ssyncadd.s32 $0xFFFFFFFF  }
0xbb: {  	_ =	strace $0x90000048  }
0xbc: {  	_ =	sfence  }
0xbd: {  	s30 =	sld [smem:$0x0];
	_ =	sdelay $0x2  }
0xbe: {  	s31 =	sshll.u32 s1, $0xD;
	s1 =	sshrl.u32 s1, $0x2  }
0xbf: {  	s3 =	sand.u32 $0x4000, s31;
	s1 =	sadd.s32 s1, s30  }
0xc0: {  	s0 =	sor.u32 s3, s0;
	s1 =	sshll.u32 s1, $0x11  }
0xc1: {  	s0 =	sor.u32 s1, s0  }
0xc2: {  	s0 =	sadd.s32 $0x8F2B, s0  }
0xc3: {  	[sflag:s0] =	ssyncadd.remote.s32 $0x1  }
0xc4: {  	_ =	sfence.sel $0xFFFF  }
0xc5: {  	[dreg:$0x0] =	wrdreg $0xFFFFFFFF;
	(pc) =	sbr.abs _section_cstart, $3  }
0xc6: {  	[dreg:$0x1] =	wrdreg $0xFFFFFFFF  }
0xc7: {  	_ =	task.clear_ibuf [dreg:s7], $0x2FFFF;
	_ =	strace $0x9FFFFFFF  }
0xc8: {  	(tm) =	ssettm $0x7FFFFFFF  }
0xc9: {  	_ =	shalt  }
tec
execute0_lowered:
.L_overlay_start_1:
0x0: {  	(tag) =	ssettag $0x1  }
0x1: {  	s0 =	srdreg.scid;
	s2 =	rddreg [dreg:$0x0]  }
0x2: {  	s1 =	stileid.u32;
	s8 =	rddreg [dreg:$0x1];
	s3 =	simm.s32 $0x0  }
0x3: {  	s15 =	simm.s32 $0x7;
	s17 =	simm.s32 $0x80;
	s18 =	simm.s32 $0x4E20  }
0x4: {  	s19 =	simm.s32 $0x10E20;
	s20 =	simm.s32 $0x8E20;
	s22 =	simm.s32 $0x14E20  }
0x5: {  	s28 =	simm.s32 $0x1;
	s0 =	sand.u32 $0x1, s0;
	s1 =	sshll.u32 s1, $0x1  }
0x6: {  	s29 =	simm.s32 $0x2;
	s30 =	simm.s32 $0x3;
	s1 =	sor.u32 s0, s1  }
0x7: {  	s31 =	simm.s32 $0x4;
	s16 =	simm.s32 $0x0;
	s4 =	smul.u32 $0x2710, s1  }
0x8: {  	[smem:$0x7FF] =	sst s3;
	s5 =	sadd.s32 $0x18400, s8;
	s0 =	ssub.s32 $0x2, s0  }
0x9: {  	s7 =	sadd.s32 $0x521600, s8;
	s23 =	sshrl.u32 s0, $0x1;
	s6 =	sshrl.u32 s4, $0x3  }
0xa: {  	s0 =	ssub.s32 s0, s23;
	s9 =	sadd.s32 s6, s8;
	s6 =	smul.u32 $0x138800, s1  }
0xb: {  	_ =	strace $0x80000047;
	s14 =	smax.u32 s0, $0x1;
	s0 =	simm.s32 $0x6  }
0xc: {  	s8 =	sadd.s32 $0x3F600, s8;
	s24 =	sadd.s32 $0x4800, s9;
	s25 =	sshrl.u32 s6, $0x3  }
0xd: {  	s9 =	sadd.s32 $0xE600, s9;
	[dreg:$0x3] =	wrdreg s24;
	s1 =	sadd.s32 $0x27000, s25  }
0xe: {  	[dreg:$0x4] =	wrdreg s9;
	s11 =	sadd.s32 $0x4000, s6;
	s26 =	sadd.s32 s7, s1  }
0xf: {  	s24 =	simm.s32 $0xCE20;
	s1 =	sadd.s32 s8, s1;
	[dreg:$0x5] =	wrdreg s26  }
0x10: {  	[dreg:$0x6] =	wrdreg s1;
	s26 =	simm.s32 $0x18E20;
	s1 =	simm.s32 $0x5  }
.LBB2_1:
0x11: {  	s9 =	rddreg [dreg:$0x3]  }
0x12: {  	[tilespmem:s3], [sflag:$0x7] =	stream.linear.gather [hbm4b:s9+s3], $0x2710, $0x38;
	[tilespmem:$0x1DE20] =	vst v63  }
0x13: {  	_ =	swait.ge [sflag:s15], $0x2710  }
0x14: {  	[sflag:s15] =	ssyncset.done $0x0  }
0x15: {  	s10 =	simm.s32 $0x2710;
	s13 =	rddreg [dreg:$0x4];
	[sflag:s15] =	ssyncadd.s32 $0xFFFFD8F0  }
0x16: {  	[tilespmem:s10], [sflag:$0x7] =	stream.linear.gather [hbm4b:s13+s3], $0x2710, $0x38;
	[tilespmem:$0x1DE20] =	vst v63  }
0x17: {  	_ =	swait.ge [sflag:s15], $0x2710  }
0x18: {  	[sflag:s15] =	ssyncset.done $0x0  }
0x19: {  	[sflag:s15] =	ssyncadd.s32 $0xFFFFD8F0  }
0x1a: {  	[tilespmem:s18], [sflag:$0x1] =	stream.indirect.gather [hbm4b:s2+s17], $0x80, s3, s17, $0xb8;
	[tilespmem:$0x1DE20] =	vst v63  }
0x1b: {  	_ = 	snop  }
0x1c: {  	[tilespmem:s19], [sflag:$0x1] =	stream.indirect.gather [hbm4b:s5+s17], $0x80, s10, s17, $0xb8;
	[tilespmem:$0x1DE20] =	vst v63  }
0x1d: {  	_ = 	snop  }
0x1e: {  	[tilespmem:s20], [sflag:$0x2] =	stream.indirect.gather [hbm4b:s2+s17], $0x80, s17, s17, $0xb8;
	[tilespmem:$0x1DE20] =	vst v63  }
0x1f: {  	s21 =	simm.s32 $0x2790  }
0x20: {  	[tilespmem:s22], [sflag:$0x2] =	stream.indirect.gather [hbm4b:s5+s17], $0x80, s21, s17, $0xb8;
	[tilespmem:$0x1DE20] =	vst v63  }
0x21: {  	s23 =	simm.s32 $0x100  }
0x22: {  	[tilespmem:s24], [sflag:$0x3] =	stream.indirect.gather [hbm4b:s2+s17], $0x80, s23, s17, $0xb8;
	[tilespmem:$0x1DE20] =	vst v63  }
0x23: {  	s25 =	simm.s32 $0x2810;
	s9 =	simm.s32 $0x0  }
0x24: {  	[tilespmem:s26], [sflag:$0x3] =	stream.indirect.gather [hbm4b:s5+s17], $0x80, s25, s17, $0xb8;
	[tilespmem:$0x1DE20] =	vst v63  }
.LBB2_2:
0x25: {  	_ =	swait.ge [sflag:s28], $0x4000  }
0x26: {  	[sflag:s28] =	ssyncset.done $0x0  }
0x27: {  	[sflag:s28] =	ssyncadd.s32 $0xFFFFC000  }
0x28: {  	_ =	swait.ge [sflag:s28], $0x4000  }
0x29: {  	[sflag:s28] =	ssyncset.done $0x0  }
0x2a: {  	s12 =	simm.s32 $0x4F20;
	[sflag:s28] =	ssyncadd.s32 $0xFFFFC000  }
0x2b: {  	s21 =	simm.s32 $0x10F20;
	v0 =	vld [tilespmem:s12+$0x80]  }
0x2c: {  	v1 =	vld [tilespmem:s21+$0x80]  }
0x2d: {  	v2 =	vld [tilespmem:s12+$0xFFFFFF80]  }
0x2e: {  	v3 =	vld [tilespmem:s21+$0xFFFFFF80]  }
0x2f: {  	v4 =	vld [tilespmem:s12+$0x0]  }
0x30: {  	v5 =	vld [tilespmem:s21+$0x0]  }
0x31: {  	v6 =	vld [tilespmem:s12+$0xFFFFFF00];
	v0 =	vadd.f32 v1, v0  }
0x32: {  	v1 =	vld [tilespmem:s21+$0xFFFFFF00]  }
0x33: {  	[tilespmem:s21+$0x80] =	vst v0;
	v0 =	vld [tilespmem:s21+$0x90]  }
0x34: {  	v2 =	vadd.f32 v3, v2;
	v3 =	vld [tilespmem:s12+$0x90]  }
0x35: {  	v7 =	vld [tilespmem:s21+$0xFFFFFF10]  }
0x36: {  	[tilespmem:s21+$0xFFFFFF80] =	vst v2;
	v2 =	vadd.f32 v5, v4;
	v4 =	vld [tilespmem:s21+$0xFFFFFF90]  }
0x37: {  	v5 =	vld [tilespmem:s12+$0xFFFFFF90];
	v1 =	vadd.f32 v1, v6  }
0x38: {  	[tilespmem:s21+$0x0] =	vst v2;
	v2 =	vld [tilespmem:s21+$0x10]  }
0x39: {  	v6 =	vld [tilespmem:s12+$0x10];
	[tilespmem:s21+$0xFFFFFF00] =	vst v1;
	v0 =	vadd.f32 v0, v3  }
0x3a: {  	v1 =	vld [tilespmem:s12+$0xFFFFFF10]  }
0x3b: {  	[tilespmem:s21+$0x90] =	vst v0;
	v0 =	vld [tilespmem:s21+$0xA0]  }
0x3c: {  	v3 =	vadd.f32 v4, v5;
	v4 =	vld [tilespmem:s12+$0xA0]  }
0x3d: {  	v5 =	vld [tilespmem:s21+$0xFFFFFF20]  }
0x3e: {  	[tilespmem:s21+$0xFFFFFF90] =	vst v3;
	v2 =	vadd.f32 v2, v6;
	v3 =	vld [tilespmem:s21+$0xFFFFFFA0]  }
0x3f: {  	v6 =	vld [tilespmem:s12+$0xFFFFFFA0];
	v1 =	vadd.f32 v7, v1  }
0x40: {  	[tilespmem:s21+$0x10] =	vst v2;
	v2 =	vld [tilespmem:s21+$0x20]  }
0x41: {  	v7 =	vld [tilespmem:s12+$0x20];
	[tilespmem:s21+$0xFFFFFF10] =	vst v1;
	v0 =	vadd.f32 v0, v4  }
0x42: {  	v1 =	vld [tilespmem:s12+$0xFFFFFF20]  }
0x43: {  	[tilespmem:s21+$0xA0] =	vst v0;
	v0 =	vld [tilespmem:s21+$0xB0]  }
0x44: {  	v3 =	vadd.f32 v3, v6;
	v4 =	vld [tilespmem:s12+$0xB0]  }
0x45: {  	v6 =	vld [tilespmem:s21+$0xFFFFFF30]  }
0x46: {  	[tilespmem:s21+$0xFFFFFFA0] =	vst v3;
	v2 =	vadd.f32 v2, v7;
	v3 =	vld [tilespmem:s21+$0xFFFFFFB0]  }
0x47: {  	v7 =	vld [tilespmem:s12+$0xFFFFFFB0];
	v1 =	vadd.f32 v5, v1  }
0x48: {  	[tilespmem:s21+$0x20] =	vst v2;
	v2 =	vld [tilespmem:s21+$0x30]  }
0x49: {  	v5 =	vld [tilespmem:s12+$0x30];
	[tilespmem:s21+$0xFFFFFF20] =	vst v1;
	v0 =	vadd.f32 v0, v4  }
0x4a: {  	v1 =	vld [tilespmem:s12+$0xFFFFFF30]  }
0x4b: {  	[tilespmem:s21+$0xB0] =	vst v0;
	v0 =	vld [tilespmem:s21+$0xC0]  }
0x4c: {  	v3 =	vadd.f32 v3, v7;
	v4 =	vld [tilespmem:s12+$0xC0]  }
0x4d: {  	v7 =	vld [tilespmem:s21+$0xFFFFFF40]  }
0x4e: {  	[tilespmem:s21+$0xFFFFFFB0] =	vst v3;
	v2 =	vadd.f32 v2, v5;
	v3 =	vld [tilespmem:s21+$0xFFFFFFC0]  }
0x4f: {  	v5 =	vld [tilespmem:s12+$0xFFFFFFC0];
	v1 =	vadd.f32 v6, v1  }
0x50: {  	[tilespmem:s21+$0x30] =	vst v2;
	v2 =	vld [tilespmem:s21+$0x40]  }
0x51: {  	v6 =	vld [tilespmem:s12+$0x40];
	[tilespmem:s21+$0xFFFFFF30] =	vst v1;
	v0 =	vadd.f32 v0, v4  }
0x52: {  	v1 =	vld [tilespmem:s12+$0xFFFFFF40]  }
0x53: {  	[tilespmem:s21+$0xC0] =	vst v0;
	v0 =	vld [tilespmem:s21+$0xD0]  }
0x54: {  	v3 =	vadd.f32 v3, v5;
	v4 =	vld [tilespmem:s12+$0xD0]  }
0x55: {  	v5 =	vld [tilespmem:s21+$0xFFFFFF50]  }
0x56: {  	[tilespmem:s21+$0xFFFFFFC0] =	vst v3;
	v2 =	vadd.f32 v2, v6;
	v3 =	vld [tilespmem:s21+$0xFFFFFFD0]  }
0x57: {  	v6 =	vld [tilespmem:s12+$0xFFFFFFD0];
	v1 =	vadd.f32 v7, v1  }
0x58: {  	[tilespmem:s21+$0x40] =	vst v2;
	v2 =	vld [tilespmem:s21+$0x50]  }
0x59: {  	v7 =	vld [tilespmem:s12+$0x50];
	[tilespmem:s21+$0xFFFFFF40] =	vst v1;
	v0 =	vadd.f32 v0, v4  }
0x5a: {  	v1 =	vld [tilespmem:s12+$0xFFFFFF50]  }
0x5b: {  	[tilespmem:s21+$0xD0] =	vst v0;
	v0 =	vld [tilespmem:s21+$0xE0]  }
0x5c: {  	v3 =	vadd.f32 v3, v6;
	v4 =	vld [tilespmem:s12+$0xE0]  }
0x5d: {  	v6 =	vld [tilespmem:s21+$0xFFFFFF60]  }
0x5e: {  	[tilespmem:s21+$0xFFFFFFD0] =	vst v3;
	v2 =	vadd.f32 v2, v7;
	v3 =	vld [tilespmem:s21+$0xFFFFFFE0]  }
0x5f: {  	v7 =	vld [tilespmem:s12+$0xFFFFFFE0];
	v1 =	vadd.f32 v5, v1  }
0x60: {  	[tilespmem:s21+$0x50] =	vst v2;
	v2 =	vld [tilespmem:s21+$0x60]  }
0x61: {  	v5 =	vld [tilespmem:s12+$0x60];
	[tilespmem:s21+$0xFFFFFF50] =	vst v1;
	v0 =	vadd.f32 v0, v4  }
0x62: {  	v4 =	vld [tilespmem:s12+$0xFFFFFF60]  }
0x63: {  	v8 =	vld [tilespmem:s21+$0xF0];
	[tilespmem:s21+$0xE0] =	vst v0  }
0x64: {  	v1 =	vadd.f32 v3, v7;
	v7 =	vld [tilespmem:s12+$0xF0]  }
0x65: {  	v0 =	vld [tilespmem:s21+$0xFFFFFF70]  }
0x66: {  	[tilespmem:s21+$0xFFFFFFE0] =	vst v1;
	v2 =	vadd.f32 v2, v5;
	v1 =	vld [tilespmem:s21+$0xFFFFFFF0]  }
0x67: {  	v3 =	vld [tilespmem:s12+$0xFFFFFFF0];
	v4 =	vadd.f32 v6, v4  }
0x68: {  	[tilespmem:s21+$0x60] =	vst v2;
	v2 =	vld [tilespmem:s21+$0x70]  }
0x69: {  	[tilespmem:s21+$0xFFFFFF60] =	vst v4;
	v4 =	vld [tilespmem:s12+$0x70];
	v6 =	vadd.f32 v8, v7  }
0x6a: {  	s10 =	simm.s32 $0x0;
	s13 =	simm.s32 $0x10F20;
	v5 =	vld [tilespmem:s12+$0xFFFFFF70];
	s12 =	simm.s32 $0x5120  }
.LBB2_3:
0x6b: {  	v7 =	vld [tilespmem:s12+$0x80];
	[tilespmem:s21+$0xF0] =	vst v6;
	s13 =	sadd.s32 $0x200, s13  }
0x6c: {  	s10 =	sadd.s32 $0x4, s10;
	v6 =	vld [tilespmem:s13+$0x80];
	v1 =	vadd.f32 v1, v3  }
0x6d: {  	p0 =	slt.u32 s10, $0x7C;
	v3 =	vld [tilespmem:s13+$0xFFFFFF00]  }
0x6e: {  	v8 =	vld [tilespmem:s12+$0xFFFFFF80];
	[tilespmem:s21+$0xFFFFFFF0] =	vst v1;
	v1 =	vadd.f32 v2, v4  }
0x6f: {  	v2 =	vld [tilespmem:s13+$0xFFFFFF80];
	v0 =	vadd.f32 v0, v5  }
0x70: {  	v4 =	vld [tilespmem:s12+$0x0];
	[tilespmem:s21+$0x70] =	vst v1  }
0x71: {  	v1 =	vld [tilespmem:s13+$0x0];
	v5 =	vadd.f32 v6, v7;
	[tilespmem:s21+$0xFFFFFF70] =	vst v0;
	s21 =	smov.u32 s13  }
0x72: {  	v0 =	vld [tilespmem:s12+$0xFFFFFF00]  }
0x73: {  	[tilespmem:s13+$0x80] =	vst v5;
	v5 =	vld [tilespmem:s13+$0x90]  }
0x74: {  	v2 =	vadd.f32 v2, v8;
	v6 =	vld [tilespmem:s12+$0x90]  }
0x75: {  	v7 =	vld [tilespmem:s13+$0xFFFFFF10]  }
0x76: {  	[tilespmem:s13+$0xFFFFFF80] =	vst v2;
	v2 =	vld [tilespmem:s13+$0xFFFFFF90];
	v1 =	vadd.f32 v1, v4  }
0x77: {  	v0 =	vadd.f32 v3, v0;
	v3 =	vld [tilespmem:s12+$0xFFFFFF90]  }
0x78: {  	[tilespmem:s13+$0x0] =	vst v1;
	v1 =	vld [tilespmem:s13+$0x10]  }
0x79: {  	[tilespmem:s13+$0xFFFFFF00] =	vst v0;
	v0 =	vld [tilespmem:s12+$0x10];
	v4 =	vadd.f32 v5, v6  }
0x7a: {  	v5 =	vld [tilespmem:s12+$0xFFFFFF10]  }
0x7b: {  	[tilespmem:s13+$0x90] =	vst v4;
	v4 =	vld [tilespmem:s13+$0xA0]  }
0x7c: {  	v2 =	vadd.f32 v2, v3;
	v3 =	vld [tilespmem:s12+$0xA0]  }
0x7d: {  	v6 =	vld [tilespmem:s13+$0xFFFFFF20]  }
0x7e: {  	[tilespmem:s13+$0xFFFFFF90] =	vst v2;
	v2 =	vld [tilespmem:s13+$0xFFFFFFA0];
	v0 =	vadd.f32 v1, v0  }
0x7f: {  	v1 =	vadd.f32 v7, v5;
	v5 =	vld [tilespmem:s12+$0xFFFFFFA0]  }
0x80: {  	[tilespmem:s13+$0x10] =	vst v0;
	v0 =	vld [tilespmem:s13+$0x20]  }
0x81: {  	[tilespmem:s13+$0xFFFFFF10] =	vst v1;
	v1 =	vld [tilespmem:s12+$0x20];
	v3 =	vadd.f32 v4, v3  }
0x82: {  	v4 =	vld [tilespmem:s12+$0xFFFFFF20]  }
0x83: {  	[tilespmem:s13+$0xA0] =	vst v3;
	v3 =	vld [tilespmem:s13+$0xB0]  }
0x84: {  	v2 =	vadd.f32 v2, v5;
	v5 =	vld [tilespmem:s12+$0xB0]  }
0x85: {  	v7 =	vld [tilespmem:s13+$0xFFFFFF30]  }
0x86: {  	[tilespmem:s13+$0xFFFFFFA0] =	vst v2;
	v2 =	vld [tilespmem:s13+$0xFFFFFFB0];
	v0 =	vadd.f32 v0, v1  }
0x87: {  	v1 =	vadd.f32 v6, v4;
	v4 =	vld [tilespmem:s12+$0xFFFFFFB0]  }
0x88: {  	[tilespmem:s13+$0x20] =	vst v0;
	v0 =	vld [tilespmem:s13+$0x30]  }
0x89: {  	[tilespmem:s13+$0xFFFFFF20] =	vst v1;
	v1 =	vld [tilespmem:s12+$0x30];
	v3 =	vadd.f32 v3, v5  }
0x8a: {  	v5 =	vld [tilespmem:s12+$0xFFFFFF30]  }
0x8b: {  	[tilespmem:s13+$0xB0] =	vst v3;
	v3 =	vld [tilespmem:s13+$0xC0]  }
0x8c: {  	v2 =	vadd.f32 v2, v4;
	v4 =	vld [tilespmem:s12+$0xC0]  }
0x8d: {  	v6 =	vld [tilespmem:s13+$0xFFFFFF40]  }
0x8e: {  	[tilespmem:s13+$0xFFFFFFB0] =	vst v2;
	v2 =	vld [tilespmem:s13+$0xFFFFFFC0];
	v0 =	vadd.f32 v0, v1  }
0x8f: {  	v1 =	vadd.f32 v7, v5;
	v5 =	vld [tilespmem:s12+$0xFFFFFFC0]  }
0x90: {  	[tilespmem:s13+$0x30] =	vst v0;
	v0 =	vld [tilespmem:s13+$0x40]  }
0x91: {  	[tilespmem:s13+$0xFFFFFF30] =	vst v1;
	v1 =	vld [tilespmem:s12+$0x40];
	v3 =	vadd.f32 v3, v4  }
0x92: {  	v4 =	vld [tilespmem:s12+$0xFFFFFF40]  }
0x93: {  	[tilespmem:s13+$0xC0] =	vst v3;
	v3 =	vld [tilespmem:s13+$0xD0]  }
0x94: {  	v2 =	vadd.f32 v2, v5;
	v5 =	vld [tilespmem:s12+$0xD0]  }
0x95: {  	v7 =	vld [tilespmem:s13+$0xFFFFFF50]  }
0x96: {  	[tilespmem:s13+$0xFFFFFFC0] =	vst v2;
	v2 =	vld [tilespmem:s13+$0xFFFFFFD0];
	v0 =	vadd.f32 v0, v1  }
0x97: {  	v1 =	vadd.f32 v6, v4;
	v4 =	vld [tilespmem:s12+$0xFFFFFFD0]  }
0x98: {  	[tilespmem:s13+$0x40] =	vst v0;
	v0 =	vld [tilespmem:s13+$0x50]  }
0x99: {  	[tilespmem:s13+$0xFFFFFF40] =	vst v1;
	v1 =	vld [tilespmem:s12+$0x50];
	v3 =	vadd.f32 v3, v5  }
0x9a: {  	v5 =	vld [tilespmem:s12+$0xFFFFFF50]  }
0x9b: {  	[tilespmem:s13+$0xD0] =	vst v3;
	v3 =	vld [tilespmem:s13+$0xE0]  }
0x9c: {  	v2 =	vadd.f32 v2, v4;
	v4 =	vld [tilespmem:s12+$0xE0]  }
0x9d: {  	v6 =	vld [tilespmem:s13+$0xFFFFFF60]  }
0x9e: {  	[tilespmem:s13+$0xFFFFFFD0] =	vst v2;
	v2 =	vld [tilespmem:s13+$0xFFFFFFE0];
	v0 =	vadd.f32 v0, v1  }
0x9f: {  	v1 =	vadd.f32 v7, v5;
	v5 =	vld [tilespmem:s12+$0xFFFFFFE0]  }
0xa0: {  	[tilespmem:s13+$0x50] =	vst v0;
	v7 =	vld [tilespmem:s13+$0x60]  }
0xa1: {  	[tilespmem:s13+$0xFFFFFF50] =	vst v1;
	v8 =	vld [tilespmem:s12+$0x60];
	v0 =	vadd.f32 v3, v4  }
0xa2: {  	v3 =	vld [tilespmem:s12+$0xFFFFFF60]  }
0xa3: {  	[tilespmem:s13+$0xE0] =	vst v0;
	v9 =	vld [tilespmem:s13+$0xF0]  }
0xa4: {  	v1 =	vadd.f32 v2, v5;
	v5 =	vld [tilespmem:s12+$0xF0]  }
0xa5: {  	v0 =	vld [tilespmem:s13+$0xFFFFFF70]  }
.Ltmp0:
0xa6: {  	[tilespmem:s13+$0xFFFFFFE0] =	vst v1;
	v1 =	vld [tilespmem:s13+$0xFFFFFFF0];
	v2 =	vadd.f32 v7, v8;
	(pc) =	sbr.rel @p0 .LBB2_3-.Ltmp0, $4  }
0xa7: {  	v4 =	vadd.f32 v6, v3;
	v3 =	vld [tilespmem:s12+$0xFFFFFFF0]  }
0xa8: {  	[tilespmem:s13+$0x60] =	vst v2;
	v2 =	vld [tilespmem:s13+$0x70]  }
0xa9: {  	[tilespmem:s13+$0xFFFFFF60] =	vst v4;
	v4 =	vld [tilespmem:s12+$0x70];
	v6 =	vadd.f32 v9, v5  }
0xaa: {  	v5 =	vld [tilespmem:s12+$0xFFFFFF70];
	s12 =	sadd.s32 $0x200, s12  }
0xab: {  	_ =	sdelay $0x1  }
0xac: {  	s10 =	smul.u32 $0x180, s9;
	v1 =	vadd.f32 v1, v3  }
0xad: {  	[tilespmem:s21+$0xF0] =	vst v6;
	v2 =	vadd.f32 v2, v4  }
0xae: {  	s12 =	sadd.s32 s4, s10;
	[tilespmem:s21+$0xFFFFFFF0] =	vst v1;
	v0 =	vadd.f32 v0, v5  }
0xaf: {  	s12 =	sshll.u32 s12, $0x4;
	[tilespmem:s21+$0x70] =	vst v2  }
0xb0: {  	s13 =	sadd.s32 s7, s12;
	[tilespmem:s21+$0xFFFFFF70] =	vst v0  }
0xb1: {  	[hbm4b:s13+s3] =	stream.linear.scatter [tilespmem:s18], [sflag:$0x4], $0x4000, $0x38;
	[tilespmem:$0x1DE20] =	vst v63  }
0xb2: {  	p0 =	seq.s32 s9, $0x0;
	s12 =	sadd.s32 s8, s12  }
0xb3: {  	[hbm4b:s12+s3] =	stream.linear.scatter [tilespmem:s19], [sflag:$0x4], $0x4000, $0x38;
	[tilespmem:$0x1DE20] =	vst v63  }
0xb4: {  	s12 =	simm.s32 @!p0 $0x6  }
0xb5: {  	_ =	swait.ge @!p0 [sflag:s12], $0x4000  }
0xb6: {  	[sflag:s12] =	ssyncset.done @!p0 $0x0  }
0xb7: {  	s21 =	smul.u32 $0x3, s9;
	[sflag:s12] =	ssyncadd.s32 @!p0 $0xFFFFC000  }
0xb8: {  	_ =	swait.ge @!p0 [sflag:s12], $0x4000  }
0xb9: {  	s23 =	simm.s32 @!p0 $0xCE20;
	s21 =	sadd.s32 $0x2, s21;
	[sflag:s12] =	ssyncset.done @!p0 $0x0  }
0xba: {  	s13 =	simm.s32 @!p0 $0x80;
	[sflag:s12] =	ssyncadd.s32 @!p0 $0xFFFFC000;
	s12 =	sshll.u32 @!p0 s21, $0x7  }
0xbb: {  	[tilespmem:s23], [sflag:$0x3] =	stream.indirect.gather @!p0 [hbm4b:s2+s13], $0x80, s12, s13, $0xb8;
	[tilespmem:$0x1DE20] =	vst v63  }
0xbc: {  	s12 =	sadd.s32 @!p0 $0x2710, s12;
	s23 =	simm.s32 @!p0 $0x18E20  }
0xbd: {  	[tilespmem:s23], [sflag:$0x3] =	stream.indirect.gather @!p0 [hbm4b:s5+s13], $0x80, s12, s13, $0xb8;
	[tilespmem:$0x1DE20] =	vst v63  }
0xbe: {  	_ =	swait.ge [sflag:s29], $0x4000  }
0xbf: {  	[sflag:s29] =	ssyncset.done $0x0  }
0xc0: {  	[sflag:s29] =	ssyncadd.s32 $0xFFFFC000  }
0xc1: {  	_ =	swait.ge [sflag:s29], $0x4000  }
0xc2: {  	[sflag:s29] =	ssyncset.done $0x0  }
0xc3: {  	s23 =	simm.s32 $0x8F20;
	[sflag:s29] =	ssyncadd.s32 $0xFFFFC000  }
0xc4: {  	s25 =	simm.s32 $0x14F20;
	v0 =	vld [tilespmem:s23+$0x80]  }
0xc5: {  	v1 =	vld [tilespmem:s25+$0x80]  }
0xc6: {  	v2 =	vld [tilespmem:s23+$0xFFFFFF80]  }
0xc7: {  	v3 =	vld [tilespmem:s25+$0xFFFFFF80]  }
0xc8: {  	v4 =	vld [tilespmem:s23+$0x0]  }
0xc9: {  	v5 =	vld [tilespmem:s25+$0x0]  }
0xca: {  	v6 =	vld [tilespmem:s23+$0xFFFFFF00];
	v0 =	vadd.f32 v1, v0  }
0xcb: {  	v1 =	vld [tilespmem:s25+$0xFFFFFF00]  }
0xcc: {  	[tilespmem:s25+$0x80] =	vst v0;
	v0 =	vld [tilespmem:s25+$0x90]  }
0xcd: {  	v2 =	vadd.f32 v3, v2;
	v3 =	vld [tilespmem:s23+$0x90]  }
0xce: {  	v7 =	vld [tilespmem:s25+$0xFFFFFF10]  }
0xcf: {  	[tilespmem:s25+$0xFFFFFF80] =	vst v2;
	v2 =	vadd.f32 v5, v4;
	v4 =	vld [tilespmem:s25+$0xFFFFFF90]  }
0xd0: {  	v5 =	vld [tilespmem:s23+$0xFFFFFF90];
	v1 =	vadd.f32 v1, v6  }
0xd1: {  	[tilespmem:s25+$0x0] =	vst v2;
	v2 =	vld [tilespmem:s25+$0x10]  }
0xd2: {  	v6 =	vld [tilespmem:s23+$0x10];
	[tilespmem:s25+$0xFFFFFF00] =	vst v1;
	v0 =	vadd.f32 v0, v3  }
0xd3: {  	v1 =	vld [tilespmem:s23+$0xFFFFFF10]  }
0xd4: {  	[tilespmem:s25+$0x90] =	vst v0;
	v0 =	vld [tilespmem:s25+$0xA0]  }
0xd5: {  	v3 =	vadd.f32 v4, v5;
	v4 =	vld [tilespmem:s23+$0xA0]  }
0xd6: {  	v5 =	vld [tilespmem:s25+$0xFFFFFF20]  }
0xd7: {  	[tilespmem:s25+$0xFFFFFF90] =	vst v3;
	v2 =	vadd.f32 v2, v6;
	v3 =	vld [tilespmem:s25+$0xFFFFFFA0]  }
0xd8: {  	v6 =	vld [tilespmem:s23+$0xFFFFFFA0];
	v1 =	vadd.f32 v7, v1  }
0xd9: {  	[tilespmem:s25+$0x10] =	vst v2;
	v2 =	vld [tilespmem:s25+$0x20]  }
0xda: {  	v7 =	vld [tilespmem:s23+$0x20];
	[tilespmem:s25+$0xFFFFFF10] =	vst v1;
	v0 =	vadd.f32 v0, v4  }
0xdb: {  	v1 =	vld [tilespmem:s23+$0xFFFFFF20]  }
0xdc: {  	[tilespmem:s25+$0xA0] =	vst v0;
	v0 =	vld [tilespmem:s25+$0xB0]  }
0xdd: {  	v3 =	vadd.f32 v3, v6;
	v4 =	vld [tilespmem:s23+$0xB0]  }
0xde: {  	v6 =	vld [tilespmem:s25+$0xFFFFFF30]  }
0xdf: {  	[tilespmem:s25+$0xFFFFFFA0] =	vst v3;
	v2 =	vadd.f32 v2, v7;
	v3 =	vld [tilespmem:s25+$0xFFFFFFB0]  }
0xe0: {  	v7 =	vld [tilespmem:s23+$0xFFFFFFB0];
	v1 =	vadd.f32 v5, v1  }
0xe1: {  	[tilespmem:s25+$0x20] =	vst v2;
	v2 =	vld [tilespmem:s25+$0x30]  }
0xe2: {  	v5 =	vld [tilespmem:s23+$0x30];
	[tilespmem:s25+$0xFFFFFF20] =	vst v1;
	v0 =	vadd.f32 v0, v4  }
0xe3: {  	v1 =	vld [tilespmem:s23+$0xFFFFFF30]  }
0xe4: {  	[tilespmem:s25+$0xB0] =	vst v0;
	v0 =	vld [tilespmem:s25+$0xC0]  }
0xe5: {  	v3 =	vadd.f32 v3, v7;
	v4 =	vld [tilespmem:s23+$0xC0]  }
0xe6: {  	v7 =	vld [tilespmem:s25+$0xFFFFFF40]  }
0xe7: {  	[tilespmem:s25+$0xFFFFFFB0] =	vst v3;
	v2 =	vadd.f32 v2, v5;
	v3 =	vld [tilespmem:s25+$0xFFFFFFC0]  }
0xe8: {  	v5 =	vld [tilespmem:s23+$0xFFFFFFC0];
	v1 =	vadd.f32 v6, v1  }
0xe9: {  	[tilespmem:s25+$0x30] =	vst v2;
	v2 =	vld [tilespmem:s25+$0x40]  }
0xea: {  	v6 =	vld [tilespmem:s23+$0x40];
	[tilespmem:s25+$0xFFFFFF30] =	vst v1;
	v0 =	vadd.f32 v0, v4  }
0xeb: {  	v1 =	vld [tilespmem:s23+$0xFFFFFF40]  }
0xec: {  	[tilespmem:s25+$0xC0] =	vst v0;
	v0 =	vld [tilespmem:s25+$0xD0]  }
0xed: {  	v3 =	vadd.f32 v3, v5;
	v4 =	vld [tilespmem:s23+$0xD0]  }
0xee: {  	v5 =	vld [tilespmem:s25+$0xFFFFFF50]  }
0xef: {  	[tilespmem:s25+$0xFFFFFFC0] =	vst v3;
	v2 =	vadd.f32 v2, v6;
	v3 =	vld [tilespmem:s25+$0xFFFFFFD0]  }
0xf0: {  	v6 =	vld [tilespmem:s23+$0xFFFFFFD0];
	v1 =	vadd.f32 v7, v1  }
0xf1: {  	[tilespmem:s25+$0x40] =	vst v2;
	v2 =	vld [tilespmem:s25+$0x50]  }
0xf2: {  	v7 =	vld [tilespmem:s23+$0x50];
	[tilespmem:s25+$0xFFFFFF40] =	vst v1;
	v0 =	vadd.f32 v0, v4  }
0xf3: {  	v1 =	vld [tilespmem:s23+$0xFFFFFF50]  }
0xf4: {  	[tilespmem:s25+$0xD0] =	vst v0;
	v0 =	vld [tilespmem:s25+$0xE0]  }
0xf5: {  	v3 =	vadd.f32 v3, v6;
	v4 =	vld [tilespmem:s23+$0xE0]  }
0xf6: {  	v6 =	vld [tilespmem:s25+$0xFFFFFF60]  }
0xf7: {  	[tilespmem:s25+$0xFFFFFFD0] =	vst v3;
	v2 =	vadd.f32 v2, v7;
	v3 =	vld [tilespmem:s25+$0xFFFFFFE0]  }
0xf8: {  	v7 =	vld [tilespmem:s23+$0xFFFFFFE0];
	v1 =	vadd.f32 v5, v1  }
0xf9: {  	[tilespmem:s25+$0x50] =	vst v2;
	v2 =	vld [tilespmem:s25+$0x60]  }
0xfa: {  	v5 =	vld [tilespmem:s23+$0x60];
	[tilespmem:s25+$0xFFFFFF50] =	vst v1;
	v0 =	vadd.f32 v0, v4  }
0xfb: {  	v4 =	vld [tilespmem:s23+$0xFFFFFF60]  }
0xfc: {  	v8 =	vld [tilespmem:s25+$0xF0];
	[tilespmem:s25+$0xE0] =	vst v0  }
0xfd: {  	v1 =	vadd.f32 v3, v7;
	v7 =	vld [tilespmem:s23+$0xF0]  }
0xfe: {  	v0 =	vld [tilespmem:s25+$0xFFFFFF70]  }
0xff: {  	[tilespmem:s25+$0xFFFFFFE0] =	vst v1;
	v2 =	vadd.f32 v2, v5;
	v1 =	vld [tilespmem:s25+$0xFFFFFFF0]  }
0x100: {  	v3 =	vld [tilespmem:s23+$0xFFFFFFF0];
	v4 =	vadd.f32 v6, v4  }
0x101: {  	[tilespmem:s25+$0x60] =	vst v2;
	v2 =	vld [tilespmem:s25+$0x70]  }
0x102: {  	[tilespmem:s25+$0xFFFFFF60] =	vst v4;
	v4 =	vld [tilespmem:s23+$0x70];
	v6 =	vadd.f32 v8, v7  }
0x103: {  	s12 =	simm.s32 $0x0;
	s13 =	simm.s32 $0x9120;
	v5 =	vld [tilespmem:s23+$0xFFFFFF70];
	s23 =	simm.s32 $0x14F20  }
.LBB2_5:
0x104: {  	v7 =	vld [tilespmem:s13+$0x80];
	[tilespmem:s25+$0xF0] =	vst v6;
	s23 =	sadd.s32 $0x200, s23  }
0x105: {  	s12 =	sadd.s32 $0x4, s12;
	v6 =	vld [tilespmem:s23+$0x80];
	v1 =	vadd.f32 v1, v3  }
0x106: {  	p0 =	slt.u32 s12, $0x7C;
	v3 =	vld [tilespmem:s23+$0xFFFFFF00]  }
0x107: {  	v8 =	vld [tilespmem:s13+$0xFFFFFF80];
	[tilespmem:s25+$0xFFFFFFF0] =	vst v1;
	v1 =	vadd.f32 v2, v4  }
0x108: {  	v2 =	vld [tilespmem:s23+$0xFFFFFF80];
	v0 =	vadd.f32 v0, v5  }
0x109: {  	v4 =	vld [tilespmem:s13+$0x0];
	[tilespmem:s25+$0x70] =	vst v1  }
0x10a: {  	v1 =	vld [tilespmem:s23+$0x0];
	v5 =	vadd.f32 v6, v7;
	[tilespmem:s25+$0xFFFFFF70] =	vst v0;
	s25 =	smov.u32 s23  }
0x10b: {  	v0 =	vld [tilespmem:s13+$0xFFFFFF00]  }
0x10c: {  	[tilespmem:s23+$0x80] =	vst v5;
	v5 =	vld [tilespmem:s23+$0x90]  }
0x10d: {  	v2 =	vadd.f32 v2, v8;
	v6 =	vld [tilespmem:s13+$0x90]  }
0x10e: {  	v7 =	vld [tilespmem:s23+$0xFFFFFF10]  }
0x10f: {  	[tilespmem:s23+$0xFFFFFF80] =	vst v2;
	v2 =	vld [tilespmem:s23+$0xFFFFFF90];
	v1 =	vadd.f32 v1, v4  }
0x110: {  	v0 =	vadd.f32 v3, v0;
	v3 =	vld [tilespmem:s13+$0xFFFFFF90]  }
0x111: {  	[tilespmem:s23+$0x0] =	vst v1;
	v1 =	vld [tilespmem:s23+$0x10]  }
0x112: {  	[tilespmem:s23+$0xFFFFFF00] =	vst v0;
	v0 =	vld [tilespmem:s13+$0x10];
	v4 =	vadd.f32 v5, v6  }
0x113: {  	v5 =	vld [tilespmem:s13+$0xFFFFFF10]  }
0x114: {  	[tilespmem:s23+$0x90] =	vst v4;
	v4 =	vld [tilespmem:s23+$0xA0]  }
0x115: {  	v2 =	vadd.f32 v2, v3;
	v3 =	vld [tilespmem:s13+$0xA0]  }
0x116: {  	v6 =	vld [tilespmem:s23+$0xFFFFFF20]  }
0x117: {  	[tilespmem:s23+$0xFFFFFF90] =	vst v2;
	v2 =	vld [tilespmem:s23+$0xFFFFFFA0];
	v0 =	vadd.f32 v1, v0  }
0x118: {  	v1 =	vadd.f32 v7, v5;
	v5 =	vld [tilespmem:s13+$0xFFFFFFA0]  }
0x119: {  	[tilespmem:s23+$0x10] =	vst v0;
	v0 =	vld [tilespmem:s23+$0x20]  }
0x11a: {  	[tilespmem:s23+$0xFFFFFF10] =	vst v1;
	v1 =	vld [tilespmem:s13+$0x20];
	v3 =	vadd.f32 v4, v3  }
0x11b: {  	v4 =	vld [tilespmem:s13+$0xFFFFFF20]  }
0x11c: {  	[tilespmem:s23+$0xA0] =	vst v3;
	v3 =	vld [tilespmem:s23+$0xB0]  }
0x11d: {  	v2 =	vadd.f32 v2, v5;
	v5 =	vld [tilespmem:s13+$0xB0]  }
0x11e: {  	v7 =	vld [tilespmem:s23+$0xFFFFFF30]  }
0x11f: {  	[tilespmem:s23+$0xFFFFFFA0] =	vst v2;
	v2 =	vld [tilespmem:s23+$0xFFFFFFB0];
	v0 =	vadd.f32 v0, v1  }
0x120: {  	v1 =	vadd.f32 v6, v4;
	v4 =	vld [tilespmem:s13+$0xFFFFFFB0]  }
0x121: {  	[tilespmem:s23+$0x20] =	vst v0;
	v0 =	vld [tilespmem:s23+$0x30]  }
0x122: {  	[tilespmem:s23+$0xFFFFFF20] =	vst v1;
	v1 =	vld [tilespmem:s13+$0x30];
	v3 =	vadd.f32 v3, v5  }
0x123: {  	v5 =	vld [tilespmem:s13+$0xFFFFFF30]  }
0x124: {  	[tilespmem:s23+$0xB0] =	vst v3;
	v3 =	vld [tilespmem:s23+$0xC0]  }
0x125: {  	v2 =	vadd.f32 v2, v4;
	v4 =	vld [tilespmem:s13+$0xC0]  }
0x126: {  	v6 =	vld [tilespmem:s23+$0xFFFFFF40]  }
0x127: {  	[tilespmem:s23+$0xFFFFFFB0] =	vst v2;
	v2 =	vld [tilespmem:s23+$0xFFFFFFC0];
	v0 =	vadd.f32 v0, v1  }
0x128: {  	v1 =	vadd.f32 v7, v5;
	v5 =	vld [tilespmem:s13+$0xFFFFFFC0]  }
0x129: {  	[tilespmem:s23+$0x30] =	vst v0;
	v0 =	vld [tilespmem:s23+$0x40]  }
0x12a: {  	[tilespmem:s23+$0xFFFFFF30] =	vst v1;
	v1 =	vld [tilespmem:s13+$0x40];
	v3 =	vadd.f32 v3, v4  }
0x12b: {  	v4 =	vld [tilespmem:s13+$0xFFFFFF40]  }
0x12c: {  	[tilespmem:s23+$0xC0] =	vst v3;
	v3 =	vld [tilespmem:s23+$0xD0]  }
0x12d: {  	v2 =	vadd.f32 v2, v5;
	v5 =	vld [tilespmem:s13+$0xD0]  }
0x12e: {  	v7 =	vld [tilespmem:s23+$0xFFFFFF50]  }
0x12f: {  	[tilespmem:s23+$0xFFFFFFC0] =	vst v2;
	v2 =	vld [tilespmem:s23+$0xFFFFFFD0];
	v0 =	vadd.f32 v0, v1  }
0x130: {  	v1 =	vadd.f32 v6, v4;
	v4 =	vld [tilespmem:s13+$0xFFFFFFD0]  }
0x131: {  	[tilespmem:s23+$0x40] =	vst v0;
	v0 =	vld [tilespmem:s23+$0x50]  }
0x132: {  	[tilespmem:s23+$0xFFFFFF40] =	vst v1;
	v1 =	vld [tilespmem:s13+$0x50];
	v3 =	vadd.f32 v3, v5  }
0x133: {  	v5 =	vld [tilespmem:s13+$0xFFFFFF50]  }
0x134: {  	[tilespmem:s23+$0xD0] =	vst v3;
	v3 =	vld [tilespmem:s23+$0xE0]  }
0x135: {  	v2 =	vadd.f32 v2, v4;
	v4 =	vld [tilespmem:s13+$0xE0]  }
0x136: {  	v6 =	vld [tilespmem:s23+$0xFFFFFF60]  }
0x137: {  	[tilespmem:s23+$0xFFFFFFD0] =	vst v2;
	v2 =	vld [tilespmem:s23+$0xFFFFFFE0];
	v0 =	vadd.f32 v0, v1  }
0x138: {  	v1 =	vadd.f32 v7, v5;
	v5 =	vld [tilespmem:s13+$0xFFFFFFE0]  }
0x139: {  	[tilespmem:s23+$0x50] =	vst v0;
	v7 =	vld [tilespmem:s23+$0x60]  }
0x13a: {  	[tilespmem:s23+$0xFFFFFF50] =	vst v1;
	v8 =	vld [tilespmem:s13+$0x60];
	v0 =	vadd.f32 v3, v4  }
0x13b: {  	v3 =	vld [tilespmem:s13+$0xFFFFFF60]  }
0x13c: {  	[tilespmem:s23+$0xE0] =	vst v0;
	v9 =	vld [tilespmem:s23+$0xF0]  }
0x13d: {  	v1 =	vadd.f32 v2, v5;
	v5 =	vld [tilespmem:s13+$0xF0]  }
0x13e: {  	v0 =	vld [tilespmem:s23+$0xFFFFFF70]  }
.Ltmp1:
0x13f: {  	[tilespmem:s23+$0xFFFFFFE0] =	vst v1;
	v1 =	vld [tilespmem:s23+$0xFFFFFFF0];
	v2 =	vadd.f32 v7, v8;
	(pc) =	sbr.rel @p0 .LBB2_5-.Ltmp1, $4  }
0x140: {  	v4 =	vadd.f32 v6, v3;
	v3 =	vld [tilespmem:s13+$0xFFFFFFF0]  }
0x141: {  	[tilespmem:s23+$0x60] =	vst v2;
	v2 =	vld [tilespmem:s23+$0x70]  }
0x142: {  	[tilespmem:s23+$0xFFFFFF60] =	vst v4;
	v4 =	vld [tilespmem:s13+$0x70];
	v6 =	vadd.f32 v9, v5  }
0x143: {  	v5 =	vld [tilespmem:s13+$0xFFFFFF70];
	s13 =	sadd.s32 $0x200, s13  }
0x144: {  	_ =	sdelay $0x1  }
0x145: {  	s12 =	smul.u32 $0xC000, s9;
	v1 =	vadd.f32 v1, v3  }
0x146: {  	[tilespmem:s25+$0xF0] =	vst v6;
	v2 =	vadd.f32 v2, v4  }
0x147: {  	s12 =	sadd.s32 s12, s11;
	[tilespmem:s25+$0xFFFFFFF0] =	vst v1;
	v0 =	vadd.f32 v0, v5  }
0x148: {  	s12 =	sshrl.u32 s12, $0x3;
	[tilespmem:s25+$0x70] =	vst v2  }
0x149: {  	s13 =	sadd.s32 s7, s12;
	[tilespmem:s25+$0xFFFFFF70] =	vst v0  }
0x14a: {  	[hbm4b:s13+s3] =	stream.linear.scatter [tilespmem:s20], [sflag:$0x5], $0x4000, $0x38;
	[tilespmem:$0x1DE20] =	vst v63  }
0x14b: {  	p0 =	seq.s32 s9, $0x19;
	s12 =	sadd.s32 s8, s12  }
0x14c: {  	[hbm4b:s12+s3] =	stream.linear.scatter [tilespmem:s22], [sflag:$0x5], $0x4000, $0x38;
	[tilespmem:$0x1DE20] =	vst v63  }
0x14d: {  	s12 =	simm.s32 @!p0 $0x4  }
0x14e: {  	_ =	swait.ge @!p0 [sflag:s12], $0x4000  }
0x14f: {  	[sflag:s12] =	ssyncset.done @!p0 $0x0  }
0x150: {  	[sflag:s12] =	ssyncadd.s32 @!p0 $0xFFFFC000  }
0x151: {  	_ =	swait.ge @!p0 [sflag:s12], $0x4000  }
0x152: {  	s23 =	simm.s32 @!p0 $0x4E20;
	[sflag:s12] =	ssyncset.done @!p0 $0x0  }
0x153: {  	s13 =	simm.s32 @!p0 $0x80;
	[sflag:s12] =	ssyncadd.s32 @!p0 $0xFFFFC000;
	s12 =	sadd.s32 @!p0 $0x180, s10  }
0x154: {  	[tilespmem:s23], [sflag:$0x1] =	stream.indirect.gather @!p0 [hbm4b:s2+s13], $0x80, s12, s13, $0xb8;
	[tilespmem:$0x1DE20] =	vst v63  }
0x155: {  	s12 =	sadd.s32 @!p0 $0x2890, s10;
	s23 =	simm.s32 @!p0 $0x10E20  }
0x156: {  	[tilespmem:s23], [sflag:$0x1] =	stream.indirect.gather @!p0 [hbm4b:s5+s13], $0x80, s12, s13, $0xb8;
	[tilespmem:$0x1DE20] =	vst v63  }
0x157: {  	_ =	swait.ge [sflag:s30], $0x4000  }
0x158: {  	[sflag:s30] =	ssyncset.done $0x0  }
0x159: {  	[sflag:s30] =	ssyncadd.s32 $0xFFFFC000  }
0x15a: {  	_ =	swait.ge [sflag:s30], $0x4000  }
0x15b: {  	[sflag:s30] =	ssyncset.done $0x0  }
0x15c: {  	s23 =	simm.s32 $0xCF20;
	[sflag:s30] =	ssyncadd.s32 $0xFFFFC000  }
0x15d: {  	s25 =	simm.s32 $0x18F20;
	v0 =	vld [tilespmem:s23+$0x80]  }
0x15e: {  	v1 =	vld [tilespmem:s25+$0x80]  }
0x15f: {  	v2 =	vld [tilespmem:s23+$0xFFFFFF80]  }
0x160: {  	v3 =	vld [tilespmem:s25+$0xFFFFFF80]  }
0x161: {  	v4 =	vld [tilespmem:s23+$0x0]  }
0x162: {  	v5 =	vld [tilespmem:s25+$0x0]  }
0x163: {  	v6 =	vld [tilespmem:s23+$0xFFFFFF00];
	v0 =	vadd.f32 v1, v0  }
0x164: {  	v1 =	vld [tilespmem:s25+$0xFFFFFF00]  }
0x165: {  	[tilespmem:s25+$0x80] =	vst v0;
	v0 =	vld [tilespmem:s25+$0x90]  }
0x166: {  	v2 =	vadd.f32 v3, v2;
	v3 =	vld [tilespmem:s23+$0x90]  }
0x167: {  	v7 =	vld [tilespmem:s25+$0xFFFFFF10]  }
0x168: {  	[tilespmem:s25+$0xFFFFFF80] =	vst v2;
	v2 =	vadd.f32 v5, v4;
	v4 =	vld [tilespmem:s25+$0xFFFFFF90]  }
0x169: {  	v5 =	vld [tilespmem:s23+$0xFFFFFF90];
	v1 =	vadd.f32 v1, v6  }
0x16a: {  	[tilespmem:s25+$0x0] =	vst v2;
	v2 =	vld [tilespmem:s25+$0x10]  }
0x16b: {  	v6 =	vld [tilespmem:s23+$0x10];
	[tilespmem:s25+$0xFFFFFF00] =	vst v1;
	v0 =	vadd.f32 v0, v3  }
0x16c: {  	v1 =	vld [tilespmem:s23+$0xFFFFFF10]  }
0x16d: {  	[tilespmem:s25+$0x90] =	vst v0;
	v0 =	vld [tilespmem:s25+$0xA0]  }
0x16e: {  	v3 =	vadd.f32 v4, v5;
	v4 =	vld [tilespmem:s23+$0xA0]  }
0x16f: {  	v5 =	vld [tilespmem:s25+$0xFFFFFF20]  }
0x170: {  	[tilespmem:s25+$0xFFFFFF90] =	vst v3;
	v2 =	vadd.f32 v2, v6;
	v3 =	vld [tilespmem:s25+$0xFFFFFFA0]  }
0x171: {  	v6 =	vld [tilespmem:s23+$0xFFFFFFA0];
	v1 =	vadd.f32 v7, v1  }
0x172: {  	[tilespmem:s25+$0x10] =	vst v2;
	v2 =	vld [tilespmem:s25+$0x20]  }
0x173: {  	v7 =	vld [tilespmem:s23+$0x20];
	[tilespmem:s25+$0xFFFFFF10] =	vst v1;
	v0 =	vadd.f32 v0, v4  }
0x174: {  	v1 =	vld [tilespmem:s23+$0xFFFFFF20]  }
0x175: {  	[tilespmem:s25+$0xA0] =	vst v0;
	v0 =	vld [tilespmem:s25+$0xB0]  }
0x176: {  	v3 =	vadd.f32 v3, v6;
	v4 =	vld [tilespmem:s23+$0xB0]  }
0x177: {  	v6 =	vld [tilespmem:s25+$0xFFFFFF30]  }
0x178: {  	[tilespmem:s25+$0xFFFFFFA0] =	vst v3;
	v2 =	vadd.f32 v2, v7;
	v3 =	vld [tilespmem:s25+$0xFFFFFFB0]  }
0x179: {  	v7 =	vld [tilespmem:s23+$0xFFFFFFB0];
	v1 =	vadd.f32 v5, v1  }
0x17a: {  	[tilespmem:s25+$0x20] =	vst v2;
	v2 =	vld [tilespmem:s25+$0x30]  }
0x17b: {  	v5 =	vld [tilespmem:s23+$0x30];
	[tilespmem:s25+$0xFFFFFF20] =	vst v1;
	v0 =	vadd.f32 v0, v4  }
0x17c: {  	v1 =	vld [tilespmem:s23+$0xFFFFFF30]  }
0x17d: {  	[tilespmem:s25+$0xB0] =	vst v0;
	v0 =	vld [tilespmem:s25+$0xC0]  }
0x17e: {  	v3 =	vadd.f32 v3, v7;
	v4 =	vld [tilespmem:s23+$0xC0]  }
0x17f: {  	v7 =	vld [tilespmem:s25+$0xFFFFFF40]  }
0x180: {  	[tilespmem:s25+$0xFFFFFFB0] =	vst v3;
	v2 =	vadd.f32 v2, v5;
	v3 =	vld [tilespmem:s25+$0xFFFFFFC0]  }
0x181: {  	v5 =	vld [tilespmem:s23+$0xFFFFFFC0];
	v1 =	vadd.f32 v6, v1  }
0x182: {  	[tilespmem:s25+$0x30] =	vst v2;
	v2 =	vld [tilespmem:s25+$0x40]  }
0x183: {  	v6 =	vld [tilespmem:s23+$0x40];
	[tilespmem:s25+$0xFFFFFF30] =	vst v1;
	v0 =	vadd.f32 v0, v4  }
0x184: {  	v1 =	vld [tilespmem:s23+$0xFFFFFF40]  }
0x185: {  	[tilespmem:s25+$0xC0] =	vst v0;
	v0 =	vld [tilespmem:s25+$0xD0]  }
0x186: {  	v3 =	vadd.f32 v3, v5;
	v4 =	vld [tilespmem:s23+$0xD0]  }
0x187: {  	v5 =	vld [tilespmem:s25+$0xFFFFFF50]  }
0x188: {  	[tilespmem:s25+$0xFFFFFFC0] =	vst v3;
	v2 =	vadd.f32 v2, v6;
	v3 =	vld [tilespmem:s25+$0xFFFFFFD0]  }
0x189: {  	v6 =	vld [tilespmem:s23+$0xFFFFFFD0];
	v1 =	vadd.f32 v7, v1  }
0x18a: {  	[tilespmem:s25+$0x40] =	vst v2;
	v2 =	vld [tilespmem:s25+$0x50]  }
0x18b: {  	v7 =	vld [tilespmem:s23+$0x50];
	[tilespmem:s25+$0xFFFFFF40] =	vst v1;
	v0 =	vadd.f32 v0, v4  }
0x18c: {  	v1 =	vld [tilespmem:s23+$0xFFFFFF50]  }
0x18d: {  	[tilespmem:s25+$0xD0] =	vst v0;
	v0 =	vld [tilespmem:s25+$0xE0]  }
0x18e: {  	v3 =	vadd.f32 v3, v6;
	v4 =	vld [tilespmem:s23+$0xE0]  }
0x18f: {  	v6 =	vld [tilespmem:s25+$0xFFFFFF60]  }
0x190: {  	[tilespmem:s25+$0xFFFFFFD0] =	vst v3;
	v2 =	vadd.f32 v2, v7;
	v3 =	vld [tilespmem:s25+$0xFFFFFFE0]  }
0x191: {  	v7 =	vld [tilespmem:s23+$0xFFFFFFE0];
	v1 =	vadd.f32 v5, v1  }
0x192: {  	[tilespmem:s25+$0x50] =	vst v2;
	v2 =	vld [tilespmem:s25+$0x60]  }
0x193: {  	v5 =	vld [tilespmem:s23+$0x60];
	[tilespmem:s25+$0xFFFFFF50] =	vst v1;
	v0 =	vadd.f32 v0, v4  }
0x194: {  	v4 =	vld [tilespmem:s23+$0xFFFFFF60]  }
0x195: {  	v8 =	vld [tilespmem:s25+$0xF0];
	[tilespmem:s25+$0xE0] =	vst v0  }
0x196: {  	v1 =	vadd.f32 v3, v7;
	v7 =	vld [tilespmem:s23+$0xF0]  }
0x197: {  	v0 =	vld [tilespmem:s25+$0xFFFFFF70]  }
0x198: {  	[tilespmem:s25+$0xFFFFFFE0] =	vst v1;
	v2 =	vadd.f32 v2, v5;
	v1 =	vld [tilespmem:s25+$0xFFFFFFF0]  }
0x199: {  	v3 =	vld [tilespmem:s23+$0xFFFFFFF0];
	v4 =	vadd.f32 v6, v4  }
0x19a: {  	[tilespmem:s25+$0x60] =	vst v2;
	v2 =	vld [tilespmem:s25+$0x70]  }
0x19b: {  	[tilespmem:s25+$0xFFFFFF60] =	vst v4;
	v4 =	vld [tilespmem:s23+$0x70];
	v6 =	vadd.f32 v8, v7  }
0x19c: {  	s12 =	simm.s32 $0x0;
	s13 =	simm.s32 $0xD120;
	v5 =	vld [tilespmem:s23+$0xFFFFFF70];
	s23 =	simm.s32 $0x18F20  }
.LBB2_7:
0x19d: {  	v7 =	vld [tilespmem:s13+$0x80];
	[tilespmem:s25+$0xF0] =	vst v6;
	s23 =	sadd.s32 $0x200, s23  }
0x19e: {  	s12 =	sadd.s32 $0x4, s12;
	v6 =	vld [tilespmem:s23+$0x80];
	v1 =	vadd.f32 v1, v3  }
0x19f: {  	p1 =	slt.u32 s12, $0x7C;
	v3 =	vld [tilespmem:s23+$0xFFFFFF00]  }
0x1a0: {  	v8 =	vld [tilespmem:s13+$0xFFFFFF80];
	[tilespmem:s25+$0xFFFFFFF0] =	vst v1;
	v1 =	vadd.f32 v2, v4  }
0x1a1: {  	v2 =	vld [tilespmem:s23+$0xFFFFFF80];
	v0 =	vadd.f32 v0, v5  }
0x1a2: {  	v4 =	vld [tilespmem:s13+$0x0];
	[tilespmem:s25+$0x70] =	vst v1  }
0x1a3: {  	v1 =	vld [tilespmem:s23+$0x0];
	v5 =	vadd.f32 v6, v7;
	[tilespmem:s25+$0xFFFFFF70] =	vst v0;
	s25 =	smov.u32 s23  }
0x1a4: {  	v0 =	vld [tilespmem:s13+$0xFFFFFF00]  }
0x1a5: {  	[tilespmem:s23+$0x80] =	vst v5;
	v5 =	vld [tilespmem:s23+$0x90]  }
0x1a6: {  	v2 =	vadd.f32 v2, v8;
	v6 =	vld [tilespmem:s13+$0x90]  }
0x1a7: {  	v7 =	vld [tilespmem:s23+$0xFFFFFF10]  }
0x1a8: {  	[tilespmem:s23+$0xFFFFFF80] =	vst v2;
	v2 =	vld [tilespmem:s23+$0xFFFFFF90];
	v1 =	vadd.f32 v1, v4  }
0x1a9: {  	v0 =	vadd.f32 v3, v0;
	v3 =	vld [tilespmem:s13+$0xFFFFFF90]  }
0x1aa: {  	[tilespmem:s23+$0x0] =	vst v1;
	v1 =	vld [tilespmem:s23+$0x10]  }
0x1ab: {  	[tilespmem:s23+$0xFFFFFF00] =	vst v0;
	v0 =	vld [tilespmem:s13+$0x10];
	v4 =	vadd.f32 v5, v6  }
0x1ac: {  	v5 =	vld [tilespmem:s13+$0xFFFFFF10]  }
0x1ad: {  	[tilespmem:s23+$0x90] =	vst v4;
	v4 =	vld [tilespmem:s23+$0xA0]  }
0x1ae: {  	v2 =	vadd.f32 v2, v3;
	v3 =	vld [tilespmem:s13+$0xA0]  }
0x1af: {  	v6 =	vld [tilespmem:s23+$0xFFFFFF20]  }
0x1b0: {  	[tilespmem:s23+$0xFFFFFF90] =	vst v2;
	v2 =	vld [tilespmem:s23+$0xFFFFFFA0];
	v0 =	vadd.f32 v1, v0  }
0x1b1: {  	v1 =	vadd.f32 v7, v5;
	v5 =	vld [tilespmem:s13+$0xFFFFFFA0]  }
0x1b2: {  	[tilespmem:s23+$0x10] =	vst v0;
	v0 =	vld [tilespmem:s23+$0x20]  }
0x1b3: {  	[tilespmem:s23+$0xFFFFFF10] =	vst v1;
	v1 =	vld [tilespmem:s13+$0x20];
	v3 =	vadd.f32 v4, v3  }
0x1b4: {  	v4 =	vld [tilespmem:s13+$0xFFFFFF20]  }
0x1b5: {  	[tilespmem:s23+$0xA0] =	vst v3;
	v3 =	vld [tilespmem:s23+$0xB0]  }
0x1b6: {  	v2 =	vadd.f32 v2, v5;
	v5 =	vld [tilespmem:s13+$0xB0]  }
0x1b7: {  	v7 =	vld [tilespmem:s23+$0xFFFFFF30]  }
0x1b8: {  	[tilespmem:s23+$0xFFFFFFA0] =	vst v2;
	v2 =	vld [tilespmem:s23+$0xFFFFFFB0];
	v0 =	vadd.f32 v0, v1  }
0x1b9: {  	v1 =	vadd.f32 v6, v4;
	v4 =	vld [tilespmem:s13+$0xFFFFFFB0]  }
0x1ba: {  	[tilespmem:s23+$0x20] =	vst v0;
	v0 =	vld [tilespmem:s23+$0x30]  }
0x1bb: {  	[tilespmem:s23+$0xFFFFFF20] =	vst v1;
	v1 =	vld [tilespmem:s13+$0x30];
	v3 =	vadd.f32 v3, v5  }
0x1bc: {  	v5 =	vld [tilespmem:s13+$0xFFFFFF30]  }
0x1bd: {  	[tilespmem:s23+$0xB0] =	vst v3;
	v3 =	vld [tilespmem:s23+$0xC0]  }
0x1be: {  	v2 =	vadd.f32 v2, v4;
	v4 =	vld [tilespmem:s13+$0xC0]  }
0x1bf: {  	v6 =	vld [tilespmem:s23+$0xFFFFFF40]  }
0x1c0: {  	[tilespmem:s23+$0xFFFFFFB0] =	vst v2;
	v2 =	vld [tilespmem:s23+$0xFFFFFFC0];
	v0 =	vadd.f32 v0, v1  }
0x1c1: {  	v1 =	vadd.f32 v7, v5;
	v5 =	vld [tilespmem:s13+$0xFFFFFFC0]  }
0x1c2: {  	[tilespmem:s23+$0x30] =	vst v0;
	v0 =	vld [tilespmem:s23+$0x40]  }
0x1c3: {  	[tilespmem:s23+$0xFFFFFF30] =	vst v1;
	v1 =	vld [tilespmem:s13+$0x40];
	v3 =	vadd.f32 v3, v4  }
0x1c4: {  	v4 =	vld [tilespmem:s13+$0xFFFFFF40]  }
0x1c5: {  	[tilespmem:s23+$0xC0] =	vst v3;
	v3 =	vld [tilespmem:s23+$0xD0]  }
0x1c6: {  	v2 =	vadd.f32 v2, v5;
	v5 =	vld [tilespmem:s13+$0xD0]  }
0x1c7: {  	v7 =	vld [tilespmem:s23+$0xFFFFFF50]  }
0x1c8: {  	[tilespmem:s23+$0xFFFFFFC0] =	vst v2;
	v2 =	vld [tilespmem:s23+$0xFFFFFFD0];
	v0 =	vadd.f32 v0, v1  }
0x1c9: {  	v1 =	vadd.f32 v6, v4;
	v4 =	vld [tilespmem:s13+$0xFFFFFFD0]  }
0x1ca: {  	[tilespmem:s23+$0x40] =	vst v0;
	v0 =	vld [tilespmem:s23+$0x50]  }
0x1cb: {  	[tilespmem:s23+$0xFFFFFF40] =	vst v1;
	v1 =	vld [tilespmem:s13+$0x50];
	v3 =	vadd.f32 v3, v5  }
0x1cc: {  	v5 =	vld [tilespmem:s13+$0xFFFFFF50]  }
0x1cd: {  	[tilespmem:s23+$0xD0] =	vst v3;
	v3 =	vld [tilespmem:s23+$0xE0]  }
0x1ce: {  	v2 =	vadd.f32 v2, v4;
	v4 =	vld [tilespmem:s13+$0xE0]  }
0x1cf: {  	v6 =	vld [tilespmem:s23+$0xFFFFFF60]  }
0x1d0: {  	[tilespmem:s23+$0xFFFFFFD0] =	vst v2;
	v2 =	vld [tilespmem:s23+$0xFFFFFFE0];
	v0 =	vadd.f32 v0, v1  }
0x1d1: {  	v1 =	vadd.f32 v7, v5;
	v5 =	vld [tilespmem:s13+$0xFFFFFFE0]  }
0x1d2: {  	[tilespmem:s23+$0x50] =	vst v0;
	v7 =	vld [tilespmem:s23+$0x60]  }
0x1d3: {  	[tilespmem:s23+$0xFFFFFF50] =	vst v1;
	v8 =	vld [tilespmem:s13+$0x60];
	v0 =	vadd.f32 v3, v4  }
0x1d4: {  	v3 =	vld [tilespmem:s13+$0xFFFFFF60]  }
0x1d5: {  	[tilespmem:s23+$0xE0] =	vst v0;
	v9 =	vld [tilespmem:s23+$0xF0]  }
0x1d6: {  	v1 =	vadd.f32 v2, v5;
	v5 =	vld [tilespmem:s13+$0xF0]  }
0x1d7: {  	v0 =	vld [tilespmem:s23+$0xFFFFFF70]  }
.Ltmp2:
0x1d8: {  	[tilespmem:s23+$0xFFFFFFE0] =	vst v1;
	v1 =	vld [tilespmem:s23+$0xFFFFFFF0];
	v2 =	vadd.f32 v7, v8;
	(pc) =	sbr.rel @p1 .LBB2_7-.Ltmp2, $4  }
0x1d9: {  	v4 =	vadd.f32 v6, v3;
	v3 =	vld [tilespmem:s13+$0xFFFFFFF0]  }
0x1da: {  	[tilespmem:s23+$0x60] =	vst v2;
	v2 =	vld [tilespmem:s23+$0x70]  }
0x1db: {  	[tilespmem:s23+$0xFFFFFF60] =	vst v4;
	v4 =	vld [tilespmem:s13+$0x70];
	v6 =	vadd.f32 v9, v5  }
0x1dc: {  	v5 =	vld [tilespmem:s13+$0xFFFFFF70];
	s13 =	sadd.s32 $0x200, s13  }
0x1dd: {  	_ =	sdelay $0x1  }
0x1de: {  	v1 =	vadd.f32 v1, v3  }
0x1df: {  	[tilespmem:s25+$0xF0] =	vst v6;
	s12 =	sshll.u32 s21, $0xE;
	v2 =	vadd.f32 v2, v4  }
0x1e0: {  	s12 =	sadd.s32 s6, s12;
	[tilespmem:s25+$0xFFFFFFF0] =	vst v1;
	v0 =	vadd.f32 v0, v5  }
.Ltmp3:
0x1e1: {  	s12 =	sshrl.u32 s12, $0x3;
	[tilespmem:s25+$0x70] =	vst v2;
	(pc) =	sbr.rel @p0 .LBB2_10-.Ltmp3, $4  }
0x1e2: {  	s13 =	sadd.s32 s7, s12;
	[tilespmem:s25+$0xFFFFFF70] =	vst v0  }
0x1e3: {  	[hbm4b:s13+s3] =	stream.linear.scatter [tilespmem:s24], [sflag:$0x6], $0x4000, $0x38;
	[tilespmem:$0x1DE20] =	vst v63  }
0x1e4: {  	s12 =	sadd.s32 s8, s12  }
0x1e5: {  	[hbm4b:s12+s3] =	stream.linear.scatter [tilespmem:s26], [sflag:$0x6], $0x4000, $0x38;
	[tilespmem:$0x1DE20] =	vst v63  }
0x1e6: {  	_ =	swait.ge [sflag:s1], $0x4000  }
0x1e7: {  	[sflag:s1] =	ssyncset.done $0x0  }
0x1e8: {  	[sflag:s1] =	ssyncadd.s32 $0xFFFFC000  }
0x1e9: {  	_ =	swait.ge [sflag:s1], $0x4000  }
.Ltmp4:
0x1ea: {  	[sflag:s1] =	ssyncset.done $0x0;
	(pc) =	sbr.rel .LBB2_2-.Ltmp4, $4  }
0x1eb: {  	s12 =	sadd.s32 $0x200, s10;
	[sflag:s1] =	ssyncadd.s32 $0xFFFFC000  }
0x1ec: {  	[tilespmem:s20], [sflag:$0x2] =	stream.indirect.gather [hbm4b:s2+s17], $0x80, s12, s17, $0xb8;
	[tilespmem:$0x1DE20] =	vst v63  }
0x1ed: {  	s25 =	sadd.s32 $0x2910, s10;
	s9 =	sadd.s32 $0x1, s9  }
0x1ee: {  	[tilespmem:s22], [sflag:$0x2] =	stream.indirect.gather [hbm4b:s5+s17], $0x80, s25, s17, $0xb8;
	[tilespmem:$0x1DE20] =	vst v63  }
.LBB2_10:
0x1ef: {  	_ =	swait.ge [sflag:s31], $0x4000  }
0x1f0: {  	[sflag:s31] =	ssyncset.done $0x0  }
0x1f1: {  	[sflag:s31] =	ssyncadd.s32 $0xFFFFC000  }
0x1f2: {  	_ =	swait.ge [sflag:s31], $0x4000  }
0x1f3: {  	[sflag:s31] =	ssyncset.done $0x0  }
0x1f4: {  	[sflag:s31] =	ssyncadd.s32 $0xFFFFC000  }
0x1f5: {  	_ =	swait.ge [sflag:s1], $0x4000  }
0x1f6: {  	[sflag:s1] =	ssyncset.done $0x0  }
0x1f7: {  	[sflag:s1] =	ssyncadd.s32 $0xFFFFC000  }
0x1f8: {  	_ =	swait.ge [sflag:s1], $0x4000  }
0x1f9: {  	[sflag:s1] =	ssyncset.done $0x0  }
0x1fa: {  	[sflag:s1] =	ssyncadd.s32 $0xFFFFC000  }
0x1fb: {  	_ =	swait.ge [sflag:s0], $0x4000  }
0x1fc: {  	[sflag:s0] =	ssyncset.done $0x0  }
0x1fd: {  	[sflag:s0] =	ssyncadd.s32 $0xFFFFC000  }
0x1fe: {  	_ =	swait.ge [sflag:s0], $0x4000  }
0x1ff: {  	s9 =	simm.s32 $0x10;
	[sflag:s0] =	ssyncset.done $0x0  }
0x200: {  	s10 =	simm.s32 $0x2700;
	s21 =	simm.s32 $0x1CE20;
	[sflag:s0] =	ssyncadd.s32 $0xFFFFC000  }
0x201: {  	[tilespmem:s21], [sflag:$0x1] =	stream.indirect.gather [hbm4b:s2+s9], $0x80, s10, s9, $0xb8;
	[tilespmem:$0x1DE20] =	vst v63  }
0x202: {  	s23 =	simm.s32 $0x4E10;
	s12 =	simm.s32 $0x1D620  }
0x203: {  	[tilespmem:s12], [sflag:$0x2] =	stream.indirect.gather [hbm4b:s5+s9], $0x80, s23, s9, $0xb8;
	[tilespmem:$0x1DE20] =	vst v63  }
0x204: {  	_ =	swait.ge [sflag:s28], $0x800  }
0x205: {  	[sflag:s28] =	ssyncset.done $0x0  }
0x206: {  	[sflag:s28] =	ssyncadd.s32 $0xFFFFF800  }
0x207: {  	_ =	swait.ge [sflag:s29], $0x800  }
0x208: {  	[sflag:s29] =	ssyncset.done $0x0  }
0x209: {  	s25 =	simm.s32 $0x1CF20;
	[sflag:s29] =	ssyncadd.s32 $0xFFFFF800  }
0x20a: {  	s9 =	simm.s32 $0x1D720;
	v0 =	vld [tilespmem:s25+$0x80]  }
0x20b: {  	v1 =	vld [tilespmem:s9+$0x80]  }
0x20c: {  	v2 =	vld [tilespmem:s25+$0xFFFFFF80]  }
0x20d: {  	v3 =	vld [tilespmem:s9+$0xFFFFFF80]  }
0x20e: {  	v4 =	vld [tilespmem:s25+$0x0]  }
0x20f: {  	v5 =	vld [tilespmem:s9+$0x0]  }
0x210: {  	v6 =	vld [tilespmem:s25+$0xFFFFFF00];
	v0 =	vadd.f32 v1, v0  }
0x211: {  	v1 =	vld [tilespmem:s9+$0xFFFFFF00]  }
0x212: {  	[tilespmem:s9+$0x80] =	vst v0;
	v0 =	vld [tilespmem:s9+$0x90]  }
0x213: {  	v2 =	vadd.f32 v3, v2;
	v3 =	vld [tilespmem:s25+$0x90]  }
0x214: {  	v7 =	vld [tilespmem:s9+$0xFFFFFF10]  }
0x215: {  	[tilespmem:s9+$0xFFFFFF80] =	vst v2;
	v2 =	vadd.f32 v5, v4;
	v4 =	vld [tilespmem:s9+$0xFFFFFF90]  }
0x216: {  	v5 =	vld [tilespmem:s25+$0xFFFFFF90];
	v1 =	vadd.f32 v1, v6  }
0x217: {  	[tilespmem:s9+$0x0] =	vst v2;
	v2 =	vld [tilespmem:s9+$0x10]  }
0x218: {  	v6 =	vld [tilespmem:s25+$0x10];
	[tilespmem:s9+$0xFFFFFF00] =	vst v1;
	v0 =	vadd.f32 v0, v3  }
0x219: {  	v1 =	vld [tilespmem:s25+$0xFFFFFF10]  }
0x21a: {  	[tilespmem:s9+$0x90] =	vst v0;
	v0 =	vld [tilespmem:s9+$0xA0]  }
0x21b: {  	v3 =	vadd.f32 v4, v5;
	v4 =	vld [tilespmem:s25+$0xA0]  }
0x21c: {  	v5 =	vld [tilespmem:s9+$0xFFFFFF20]  }
0x21d: {  	[tilespmem:s9+$0xFFFFFF90] =	vst v3;
	v2 =	vadd.f32 v2, v6;
	v3 =	vld [tilespmem:s9+$0xFFFFFFA0]  }
0x21e: {  	v6 =	vld [tilespmem:s25+$0xFFFFFFA0];
	v1 =	vadd.f32 v7, v1  }
0x21f: {  	[tilespmem:s9+$0x10] =	vst v2;
	v2 =	vld [tilespmem:s9+$0x20]  }
0x220: {  	v7 =	vld [tilespmem:s25+$0x20];
	[tilespmem:s9+$0xFFFFFF10] =	vst v1;
	v0 =	vadd.f32 v0, v4  }
0x221: {  	v1 =	vld [tilespmem:s25+$0xFFFFFF20]  }
0x222: {  	[tilespmem:s9+$0xA0] =	vst v0;
	v0 =	vld [tilespmem:s9+$0xB0]  }
0x223: {  	v3 =	vadd.f32 v3, v6;
	v4 =	vld [tilespmem:s25+$0xB0]  }
0x224: {  	v6 =	vld [tilespmem:s9+$0xFFFFFF30]  }
0x225: {  	[tilespmem:s9+$0xFFFFFFA0] =	vst v3;
	v2 =	vadd.f32 v2, v7;
	v3 =	vld [tilespmem:s9+$0xFFFFFFB0]  }
0x226: {  	v7 =	vld [tilespmem:s25+$0xFFFFFFB0];
	v1 =	vadd.f32 v5, v1  }
0x227: {  	[tilespmem:s9+$0x20] =	vst v2;
	v2 =	vld [tilespmem:s9+$0x30]  }
0x228: {  	v5 =	vld [tilespmem:s25+$0x30];
	[tilespmem:s9+$0xFFFFFF20] =	vst v1;
	v0 =	vadd.f32 v0, v4  }
0x229: {  	v1 =	vld [tilespmem:s25+$0xFFFFFF30]  }
0x22a: {  	[tilespmem:s9+$0xB0] =	vst v0;
	v0 =	vld [tilespmem:s9+$0xC0]  }
0x22b: {  	v3 =	vadd.f32 v3, v7;
	v4 =	vld [tilespmem:s25+$0xC0]  }
0x22c: {  	v7 =	vld [tilespmem:s9+$0xFFFFFF40]  }
0x22d: {  	[tilespmem:s9+$0xFFFFFFB0] =	vst v3;
	v2 =	vadd.f32 v2, v5;
	v3 =	vld [tilespmem:s9+$0xFFFFFFC0]  }
0x22e: {  	v5 =	vld [tilespmem:s25+$0xFFFFFFC0];
	v1 =	vadd.f32 v6, v1  }
0x22f: {  	[tilespmem:s9+$0x30] =	vst v2;
	v2 =	vld [tilespmem:s9+$0x40]  }
0x230: {  	v6 =	vld [tilespmem:s25+$0x40];
	[tilespmem:s9+$0xFFFFFF30] =	vst v1;
	v0 =	vadd.f32 v0, v4  }
0x231: {  	v1 =	vld [tilespmem:s25+$0xFFFFFF40]  }
0x232: {  	[tilespmem:s9+$0xC0] =	vst v0;
	v0 =	vld [tilespmem:s9+$0xD0]  }
0x233: {  	v3 =	vadd.f32 v3, v5;
	v4 =	vld [tilespmem:s25+$0xD0]  }
0x234: {  	v5 =	vld [tilespmem:s9+$0xFFFFFF50]  }
0x235: {  	[tilespmem:s9+$0xFFFFFFC0] =	vst v3;
	v2 =	vadd.f32 v2, v6;
	v3 =	vld [tilespmem:s9+$0xFFFFFFD0]  }
0x236: {  	v6 =	vld [tilespmem:s25+$0xFFFFFFD0];
	v1 =	vadd.f32 v7, v1  }
0x237: {  	[tilespmem:s9+$0x40] =	vst v2;
	v2 =	vld [tilespmem:s9+$0x50]  }
0x238: {  	v7 =	vld [tilespmem:s25+$0x50];
	[tilespmem:s9+$0xFFFFFF40] =	vst v1;
	v0 =	vadd.f32 v0, v4  }
0x239: {  	v1 =	vld [tilespmem:s25+$0xFFFFFF50]  }
0x23a: {  	[tilespmem:s9+$0xD0] =	vst v0;
	v0 =	vld [tilespmem:s9+$0xE0]  }
0x23b: {  	v3 =	vadd.f32 v3, v6;
	v4 =	vld [tilespmem:s25+$0xE0]  }
0x23c: {  	v6 =	vld [tilespmem:s9+$0xFFFFFF60]  }
0x23d: {  	[tilespmem:s9+$0xFFFFFFD0] =	vst v3;
	v2 =	vadd.f32 v2, v7;
	v3 =	vld [tilespmem:s9+$0xFFFFFFE0]  }
0x23e: {  	v7 =	vld [tilespmem:s25+$0xFFFFFFE0];
	v1 =	vadd.f32 v5, v1  }
0x23f: {  	[tilespmem:s9+$0x50] =	vst v2;
	v2 =	vld [tilespmem:s9+$0x60]  }
0x240: {  	v5 =	vld [tilespmem:s25+$0x60];
	[tilespmem:s9+$0xFFFFFF50] =	vst v1;
	v0 =	vadd.f32 v0, v4  }
0x241: {  	v4 =	vld [tilespmem:s25+$0xFFFFFF60]  }
0x242: {  	v8 =	vld [tilespmem:s9+$0xF0];
	[tilespmem:s9+$0xE0] =	vst v0  }
0x243: {  	v1 =	vadd.f32 v3, v7;
	v7 =	vld [tilespmem:s25+$0xF0]  }
0x244: {  	v0 =	vld [tilespmem:s9+$0xFFFFFF70]  }
0x245: {  	[tilespmem:s9+$0xFFFFFFE0] =	vst v1;
	v2 =	vadd.f32 v2, v5;
	v1 =	vld [tilespmem:s9+$0xFFFFFFF0]  }
0x246: {  	v3 =	vld [tilespmem:s25+$0xFFFFFFF0];
	v4 =	vadd.f32 v6, v4  }
0x247: {  	[tilespmem:s9+$0x60] =	vst v2;
	v2 =	vld [tilespmem:s9+$0x70]  }
0x248: {  	[tilespmem:s9+$0xFFFFFF60] =	vst v4;
	v4 =	vld [tilespmem:s25+$0x70];
	v6 =	vadd.f32 v8, v7  }
0x249: {  	s13 =	simm.s32 $0x1D720;
	s10 =	simm.s32 $0x0;
	s12 =	simm.s32 $0x1D120;
	v5 =	vld [tilespmem:s25+$0xFFFFFF70]  }
.LBB2_11:
0x24a: {  	v7 =	vld [tilespmem:s12+$0x80];
	[tilespmem:s9+$0xF0] =	vst v6;
	s13 =	sadd.s32 $0x200, s13  }
0x24b: {  	s10 =	sadd.s32 $0x4, s10;
	v6 =	vld [tilespmem:s13+$0x80];
	v1 =	vadd.f32 v1, v3  }
0x24c: {  	p0 =	slt.u32 s10, $0xC;
	v3 =	vld [tilespmem:s13+$0xFFFFFF00]  }
0x24d: {  	v8 =	vld [tilespmem:s12+$0xFFFFFF80];
	[tilespmem:s9+$0xFFFFFFF0] =	vst v1;
	v1 =	vadd.f32 v2, v4  }
0x24e: {  	v2 =	vld [tilespmem:s13+$0xFFFFFF80];
	v0 =	vadd.f32 v0, v5  }
0x24f: {  	v4 =	vld [tilespmem:s12+$0x0];
	[tilespmem:s9+$0x70] =	vst v1  }
0x250: {  	v1 =	vld [tilespmem:s13+$0x0];
	v5 =	vadd.f32 v6, v7;
	[tilespmem:s9+$0xFFFFFF70] =	vst v0;
	s9 =	smov.u32 s13  }
0x251: {  	v0 =	vld [tilespmem:s12+$0xFFFFFF00]  }
0x252: {  	[tilespmem:s13+$0x80] =	vst v5;
	v5 =	vld [tilespmem:s13+$0x90]  }
0x253: {  	v2 =	vadd.f32 v2, v8;
	v6 =	vld [tilespmem:s12+$0x90]  }
0x254: {  	v7 =	vld [tilespmem:s13+$0xFFFFFF10]  }
0x255: {  	[tilespmem:s13+$0xFFFFFF80] =	vst v2;
	v2 =	vld [tilespmem:s13+$0xFFFFFF90];
	v1 =	vadd.f32 v1, v4  }
0x256: {  	v0 =	vadd.f32 v3, v0;
	v3 =	vld [tilespmem:s12+$0xFFFFFF90]  }
0x257: {  	[tilespmem:s13+$0x0] =	vst v1;
	v1 =	vld [tilespmem:s13+$0x10]  }
0x258: {  	[tilespmem:s13+$0xFFFFFF00] =	vst v0;
	v0 =	vld [tilespmem:s12+$0x10];
	v4 =	vadd.f32 v5, v6  }
0x259: {  	v5 =	vld [tilespmem:s12+$0xFFFFFF10]  }
0x25a: {  	[tilespmem:s13+$0x90] =	vst v4;
	v4 =	vld [tilespmem:s13+$0xA0]  }
0x25b: {  	v2 =	vadd.f32 v2, v3;
	v3 =	vld [tilespmem:s12+$0xA0]  }
0x25c: {  	v6 =	vld [tilespmem:s13+$0xFFFFFF20]  }
0x25d: {  	[tilespmem:s13+$0xFFFFFF90] =	vst v2;
	v2 =	vld [tilespmem:s13+$0xFFFFFFA0];
	v0 =	vadd.f32 v1, v0  }
0x25e: {  	v1 =	vadd.f32 v7, v5;
	v5 =	vld [tilespmem:s12+$0xFFFFFFA0]  }
0x25f: {  	[tilespmem:s13+$0x10] =	vst v0;
	v0 =	vld [tilespmem:s13+$0x20]  }
0x260: {  	[tilespmem:s13+$0xFFFFFF10] =	vst v1;
	v1 =	vld [tilespmem:s12+$0x20];
	v3 =	vadd.f32 v4, v3  }
0x261: {  	v4 =	vld [tilespmem:s12+$0xFFFFFF20]  }
0x262: {  	[tilespmem:s13+$0xA0] =	vst v3;
	v3 =	vld [tilespmem:s13+$0xB0]  }
0x263: {  	v2 =	vadd.f32 v2, v5;
	v5 =	vld [tilespmem:s12+$0xB0]  }
0x264: {  	v7 =	vld [tilespmem:s13+$0xFFFFFF30]  }
0x265: {  	[tilespmem:s13+$0xFFFFFFA0] =	vst v2;
	v2 =	vld [tilespmem:s13+$0xFFFFFFB0];
	v0 =	vadd.f32 v0, v1  }
0x266: {  	v1 =	vadd.f32 v6, v4;
	v4 =	vld [tilespmem:s12+$0xFFFFFFB0]  }
0x267: {  	[tilespmem:s13+$0x20] =	vst v0;
	v0 =	vld [tilespmem:s13+$0x30]  }
0x268: {  	[tilespmem:s13+$0xFFFFFF20] =	vst v1;
	v1 =	vld [tilespmem:s12+$0x30];
	v3 =	vadd.f32 v3, v5  }
0x269: {  	v5 =	vld [tilespmem:s12+$0xFFFFFF30]  }
0x26a: {  	[tilespmem:s13+$0xB0] =	vst v3;
	v3 =	vld [tilespmem:s13+$0xC0]  }
0x26b: {  	v2 =	vadd.f32 v2, v4;
	v4 =	vld [tilespmem:s12+$0xC0]  }
0x26c: {  	v6 =	vld [tilespmem:s13+$0xFFFFFF40]  }
0x26d: {  	[tilespmem:s13+$0xFFFFFFB0] =	vst v2;
	v2 =	vld [tilespmem:s13+$0xFFFFFFC0];
	v0 =	vadd.f32 v0, v1  }
0x26e: {  	v1 =	vadd.f32 v7, v5;
	v5 =	vld [tilespmem:s12+$0xFFFFFFC0]  }
0x26f: {  	[tilespmem:s13+$0x30] =	vst v0;
	v0 =	vld [tilespmem:s13+$0x40]  }
0x270: {  	[tilespmem:s13+$0xFFFFFF30] =	vst v1;
	v1 =	vld [tilespmem:s12+$0x40];
	v3 =	vadd.f32 v3, v4  }
0x271: {  	v4 =	vld [tilespmem:s12+$0xFFFFFF40]  }
0x272: {  	[tilespmem:s13+$0xC0] =	vst v3;
	v3 =	vld [tilespmem:s13+$0xD0]  }
0x273: {  	v2 =	vadd.f32 v2, v5;
	v5 =	vld [tilespmem:s12+$0xD0]  }
0x274: {  	v7 =	vld [tilespmem:s13+$0xFFFFFF50]  }
0x275: {  	[tilespmem:s13+$0xFFFFFFC0] =	vst v2;
	v2 =	vld [tilespmem:s13+$0xFFFFFFD0];
	v0 =	vadd.f32 v0, v1  }
0x276: {  	v1 =	vadd.f32 v6, v4;
	v4 =	vld [tilespmem:s12+$0xFFFFFFD0]  }
0x277: {  	[tilespmem:s13+$0x40] =	vst v0;
	v0 =	vld [tilespmem:s13+$0x50]  }
0x278: {  	[tilespmem:s13+$0xFFFFFF40] =	vst v1;
	v1 =	vld [tilespmem:s12+$0x50];
	v3 =	vadd.f32 v3, v5  }
0x279: {  	v5 =	vld [tilespmem:s12+$0xFFFFFF50]  }
0x27a: {  	[tilespmem:s13+$0xD0] =	vst v3;
	v3 =	vld [tilespmem:s13+$0xE0]  }
0x27b: {  	v2 =	vadd.f32 v2, v4;
	v4 =	vld [tilespmem:s12+$0xE0]  }
0x27c: {  	v6 =	vld [tilespmem:s13+$0xFFFFFF60]  }
0x27d: {  	[tilespmem:s13+$0xFFFFFFD0] =	vst v2;
	v2 =	vld [tilespmem:s13+$0xFFFFFFE0];
	v0 =	vadd.f32 v0, v1  }
0x27e: {  	v1 =	vadd.f32 v7, v5;
	v5 =	vld [tilespmem:s12+$0xFFFFFFE0]  }
0x27f: {  	[tilespmem:s13+$0x50] =	vst v0;
	v7 =	vld [tilespmem:s13+$0x60]  }
0x280: {  	[tilespmem:s13+$0xFFFFFF50] =	vst v1;
	v8 =	vld [tilespmem:s12+$0x60];
	v0 =	vadd.f32 v3, v4  }
0x281: {  	v3 =	vld [tilespmem:s12+$0xFFFFFF60]  }
0x282: {  	[tilespmem:s13+$0xE0] =	vst v0;
	v9 =	vld [tilespmem:s13+$0xF0]  }
0x283: {  	v1 =	vadd.f32 v2, v5;
	v5 =	vld [tilespmem:s12+$0xF0]  }
0x284: {  	v0 =	vld [tilespmem:s13+$0xFFFFFF70]  }
.Ltmp5:
0x285: {  	[tilespmem:s13+$0xFFFFFFE0] =	vst v1;
	v1 =	vld [tilespmem:s13+$0xFFFFFFF0];
	v2 =	vadd.f32 v7, v8;
	(pc) =	sbr.rel @p0 .LBB2_11-.Ltmp5, $4  }
0x286: {  	v4 =	vadd.f32 v6, v3;
	v3 =	vld [tilespmem:s12+$0xFFFFFFF0]  }
0x287: {  	[tilespmem:s13+$0x60] =	vst v2;
	v2 =	vld [tilespmem:s13+$0x70]  }
0x288: {  	[tilespmem:s13+$0xFFFFFF60] =	vst v4;
	v4 =	vld [tilespmem:s12+$0x70];
	v6 =	vadd.f32 v9, v5  }
0x289: {  	v5 =	vld [tilespmem:s12+$0xFFFFFF70];
	s12 =	sadd.s32 $0x200, s12  }
0x28a: {  	_ =	sdelay $0x1  }
0x28b: {  	v1 =	vadd.f32 v1, v3  }
0x28c: {  	[tilespmem:s9+$0xF0] =	vst v6;
	v2 =	vadd.f32 v2, v4  }
0x28d: {  	[tilespmem:s9+$0xFFFFFFF0] =	vst v1;
	v0 =	vadd.f32 v0, v5  }
0x28e: {  	[tilespmem:s9+$0x70] =	vst v2  }
0x28f: {  	[tilespmem:s9+$0xFFFFFF70] =	vst v0  }
0x290: {  	s9 =	rddreg [dreg:$0x5]  }
0x291: {  	[hbm4b:s9+s3] =	stream.linear.scatter [tilespmem:s21], [sflag:$0x7], $0x800, $0x38;
	[tilespmem:$0x1DE20] =	vst v63  }
0x292: {  	s16 =	sadd.s32 $0x1, s16;
	_ =	swait.ge [sflag:s15], $0x800  }
0x293: {  	s10 =	simm.s32 $0x1D620;
	p0 =	sne.s32 s16, s14;
	[sflag:s15] =	ssyncset.done $0x0  }
.Ltmp6:
0x294: {  	s25 =	rddreg [dreg:$0x6];
	[sflag:s15] =	ssyncadd.s32 $0xFFFFF800;
	(pc) =	sbr.rel @p0 .LBB2_1-.Ltmp6, $4  }
0x295: {  	[hbm4b:s25+s3] =	stream.linear.scatter [tilespmem:s10], [sflag:$0x7], $0x800, $0x38;
	[tilespmem:$0x1DE20] =	vst v63  }
0x296: {  	_ =	swait.ge [sflag:s15], $0x800  }
0x297: {  	[sflag:s15] =	ssyncset.done $0x0  }
0x298: {  	[sflag:s15] =	ssyncadd.s32 $0xFFFFF800  }
0x299: {  	_ =	sfence.sel $0x180000  }
0x29a: {  	[bflag:$0x0] =	sbarrier.arrive $0xFFFF  }
0x29b: {  	_ =	strace $0x90000047  }
0x29c: {  	s0 =	stileid.u32;
	[bflag:$0x2] =	sbarrier.arrive $0xFFFF  }
0x29d: {  	p0 =	sne.s32 s0, $0x0;
	s0 =	rddreg [dreg:$0x2]  }
0x29e: {  	s0 =	sadd.s32 @!p0 $0x100000, s0  }
0x29f: {  	[sflag:s0] =	ssyncadd.tile.s32 @!p0 $0x1;
	_ =	shalt  }
.Lfunc_end2:
_tile_overlayer_lowered:
.L_overlay_start_2:
0x2a0: {  	(tag) =	ssettag $0x2  }
0x2a1: {  	s0 =	rddreg [dreg:$0x0];
	s2 =	stileid.u32  }
0x2a2: {  	s1 =	rddreg [dreg:$0x1];
	p0 =	sne.s32 s2, $0x0  }
0x2a3: {  	s3 =	rddreg [dreg:$0x2];
	[bflag:$0x3] =	sbarrier.arrive $0xFFFF;
	s2 =	simm.s32 @!p0 $0x1C07  }
0x2a4: {  	[timem:s3], [sflag:s2] =	dma.local @!p0 [hbm:s0], s1  }
0x2a5: {  	s0 =	simm.s32 @!p0 $0x7  }
0x2a6: {  	_ =	swait.ge @!p0 [sflag:s0], s1  }
0x2a7: {  	s1 =	ssub.s32 @!p0 $0x0, s1;
	[sflag:s0] =	ssyncset.done @!p0 $0x0  }
0x2a8: {  	[sflag:s0] =	ssyncadd.s32 @!p0 s1  }
0x2a9: {  	[bflag:$0x3] =	sbarrier.arrive $0xFFFF  }
0x2aa: {  	_ =	shalt  }

</sc_bundles>
